<compile_context>
chip_gen: v7x
topology: tpu7x:2x2x1
jax: 0.10.2.dev20260603
libtpu: 0.0.44.dev20260713+nightly
codegen_flags: <defaults>
</compile_context>

<pallas_src>
import functools

import jax
import jax.numpy as jnp
from jax import lax
from jax.experimental import pallas as pl
from jax.experimental.pallas import tpu as pltpu
from jax.experimental.pallas import tpu_sc as plsc

N_NODES = 10000
N_EDGES = 160000
N_CH = 128
N_MAX = 8
CUTOFF = 5.0
NORM_FACTOR = 16.0

NC = 2
NS = 16
CH = 16
NCHUNK = N_CH // CH
CPC = NCHUNK // NC

_MESH = dict(core_axis_name="c", subcore_axis_name="s")
_SC_PARAMS = pltpu.CompilerParams(use_tc_tiling_on_sc=False)


_E_T1 = N_EDGES // (NC * NS)
_B1 = 40


_NB1 = _E_T1 // _B1


@functools.partial(
    pl.kernel,
    out_type=jax.ShapeDtypeStruct((N_EDGES, 16), jnp.float32),
    mesh=plsc.VectorSubcoreMesh(**_MESH),
    scratch_types=[
        pltpu.VMEM((_E_T1,), jnp.int32),
        pltpu.VMEM((_E_T1,), jnp.int32),
        pltpu.VMEM((_B1, 16), jnp.float32),
        pltpu.VMEM((_B1, 16), jnp.float32),
        pltpu.VMEM((_B1, 16), jnp.float32),
        pltpu.VMEM((_B1, 16), jnp.float32),
        pltpu.VMEM((_B1, 16), jnp.float32),
        pltpu.VMEM((_B1, 16), jnp.float32),
        pltpu.SemaphoreType.DMA,
        pltpu.SemaphoreType.DMA,
        pltpu.SemaphoreType.DMA,
        pltpu.SemaphoreType.DMA,
    ],
    compiler_params=_SC_PARAMS,
)
def _gather_coords(coordp, idxi_h, idxj_h, rij_h,
                   idxi_t, idxj_t, ci0, ci1, cj0, cj1, rb0, rb1,
                   g0, g1, w0, w1):
    cib = [ci0, ci1]
    cjb = [cj0, cj1]
    rijb = [rb0, rb1]
    gsem = [g0, g1]
    wsem = [w0, w1]
    cid = lax.axis_index("c")
    sid = lax.axis_index("s")
    base0 = (sid * NC + cid) * _E_T1
    pltpu.sync_copy(idxi_h.at[pl.ds(base0, _E_T1)], idxi_t)
    pltpu.sync_copy(idxj_h.at[pl.ds(base0, _E_T1)], idxj_t)

    def gdescs(p, n):
        lo = n * _B1
        return [
            pltpu.make_async_copy(coordp.at[idxi_t.at[pl.ds(lo, _B1)]],
                                  cib[p], gsem[p]),
            pltpu.make_async_copy(coordp.at[idxj_t.at[pl.ds(lo, _B1)]],
                                  cjb[p], gsem[p]),
        ]

    def wdesc(p, n):
        return pltpu.make_async_copy(rijb[p], rij_h.at[pl.ds(base0 + n * _B1, _B1)],
                                     wsem[p])

    def step(b, p):
        q = 1 - p
        for dsc in gdescs(p, b):
            dsc.wait()

        @pl.when(b <= _NB1 - 2)
        def _():
            for dsc in gdescs(q, b + 1):
                dsc.start()

        @pl.when(b >= 2)
        def _():
            wdesc(p, b - 2).wait()

        @plsc.parallel_loop(0, _B1, 1, unroll=4)
        def _sub(e):
            rijb[p][e, :] = cjb[p][e, :] - cib[p][e, :]
        wdesc(p, b).start()

    for dsc in gdescs(0, 0):
        dsc.start()

    def pair(g, carry):
        step(2 * g, 0)
        step(2 * g + 1, 1)
        return carry

    lax.fori_loop(0, _NB1 // 2, pair, 0)
    step(_NB1 - 1, (_NB1 - 1) % 2)
    wdesc((_NB1 - 2) % 2, _NB1 - 2).wait()
    wdesc((_NB1 - 1) % 2, _NB1 - 1).wait()


_BE = 2000


def _tc_filter_body(rij_ref, w01_ref, fn_ref, u_ref):
    rT = rij_ref[...].T
    rx = rT[0:1, :]
    ry = rT[1:2, :]
    rz = rT[2:3, :]
    d = jnp.sqrt(rx * rx + ry * ry + rz * rz + 1e-12)
    inv = 1.0 / d
    nvec = (jnp.arange(1, N_MAX + 1, dtype=jnp.int32)).astype(jnp.float32)
    arg = nvec[:, None] * ((jnp.pi / CUTOFF) * d)
    cut = 0.5 * (jnp.cos(jnp.pi / CUTOFF * d) + 1.0) * (d < CUTOFF).astype(jnp.float32)
    scale = jnp.sqrt(2.0 / CUTOFF) * inv * cut * (1.0 / NORM_FACTOR)
    rbf = jnp.sin(arg) * scale
    fn_ref[...] = lax.dot_general(
        rbf, w01_ref[...], (((0,), (0,)), ((), ())),
        preferred_element_type=jnp.float32)
    u3 = jnp.concatenate([rx * inv, ry * inv, rz * inv], axis=0)
    sel = (lax.broadcasted_iota(jnp.int32, (3, 16), 1)
           == lax.broadcasted_iota(jnp.int32, (3, 16), 0)).astype(jnp.float32)
    u_ref[...] = lax.dot_general(
        u3, sel, (((0,), (0,)), ((), ())), preferred_element_type=jnp.float32)


def _tc_filters(rij, w01):
    grid = (N_EDGES // _BE,)
    return pl.pallas_call(
        _tc_filter_body,
        grid=grid,
        in_specs=[
            pl.BlockSpec((_BE, 16), lambda i: (i, 0)),
            pl.BlockSpec((N_MAX, 2 * N_CH), lambda i: (0, 0)),
        ],
        out_specs=[
            pl.BlockSpec((_BE, 2 * N_CH), lambda i: (i, 0)),
            pl.BlockSpec((_BE, 16), lambda i: (i, 0)),
        ],
        out_shape=[
            jax.ShapeDtypeStruct((N_EDGES, 2 * N_CH), jnp.float32),
            jax.ShapeDtypeStruct((N_EDGES, 16), jnp.float32),
        ],
    )(rij, w01)


_BN = 400


def _tt_body(t0_ref, t1_ref, tt_ref):
    r = lax.broadcasted_iota(jnp.int32, (3 * CH, 3 * CH), 0)
    q = lax.broadcasted_iota(jnp.int32, (3 * CH, 3 * CH), 1)
    perm = ((r // 3 == q % CH) & (r % 3 == q // CH)).astype(jnp.float32)
    for ck in range(NCHUNK):
        tt_ref[ck, :, :CH] = t0_ref[:, ck * CH:(ck + 1) * CH]
        tt_ref[ck, :, CH:] = lax.dot_general(
            t1_ref[:, ck, :], perm, (((1,), (0,)), ((), ())),
            preferred_element_type=jnp.float32)


def _tt_build(t0, t1v):
    return pl.pallas_call(
        _tt_body,
        grid=(N_NODES // _BN,),
        in_specs=[
            pl.BlockSpec((_BN, N_CH), lambda i: (i, 0)),
            pl.BlockSpec((_BN, NCHUNK, 3 * CH), lambda i: (i, 0, 0)),
        ],
        out_specs=pl.BlockSpec((NCHUNK, _BN, 4 * CH), lambda i: (0, i, 0)),
        out_shape=jax.ShapeDtypeStruct((NCHUNK, N_NODES, 4 * CH), jnp.float32),
    )(t0, t1v)


def _out_body(acc_ref, out0_ref, out1_ref):
    r = lax.broadcasted_iota(jnp.int32, (3 * CH, 3 * CH), 0)
    q = lax.broadcasted_iota(jnp.int32, (3 * CH, 3 * CH), 1)
    iperm = ((r // CH == q % 3) & (r % CH == q // 3)).astype(jnp.float32)
    for ck in range(NCHUNK):
        out0_ref[:, ck * CH:(ck + 1) * CH] = acc_ref[ck, :, :CH]
        out1_ref[:, ck * 3 * CH:(ck + 1) * 3 * CH] = lax.dot_general(
            acc_ref[ck, :, CH:], iperm, (((1,), (0,)), ((), ())),
            preferred_element_type=jnp.float32)


def _out_build(acc):
    return pl.pallas_call(
        _out_body,
        grid=(N_NODES // _BN,),
        in_specs=[pl.BlockSpec((NCHUNK, _BN, 4 * CH), lambda i: (0, i, 0))],
        out_specs=[
            pl.BlockSpec((_BN, N_CH), lambda i: (i, 0)),
            pl.BlockSpec((_BN, 3 * N_CH), lambda i: (i, 0)),
        ],
        out_shape=[
            jax.ShapeDtypeStruct((N_NODES, N_CH), jnp.float32),
            jax.ShapeDtypeStruct((N_NODES, 3 * N_CH), jnp.float32),
        ],
    )(acc)


_EPT = N_EDGES // NS
_B3 = 80
_NBLK = _EPT // _B3
_STRIPE = N_NODES // NS
_ZROWS = 125


@functools.partial(
    pl.kernel,
    out_type=jax.ShapeDtypeStruct((NCHUNK, N_NODES, 4 * CH), jnp.float32),
    mesh=plsc.VectorSubcoreMesh(**_MESH),
    scratch_types=[
        pltpu.VMEM_SHARED((N_NODES, 4 * CH), jnp.float32),
        pltpu.VMEM((_NBLK, _B3), jnp.int32),
        pltpu.VMEM((_EPT,), jnp.int32),
        pltpu.VMEM((_B3,), jnp.int32),
        pltpu.VMEM((_B3,), jnp.int32),
        pltpu.VMEM((_B3, 4 * CH), jnp.float32),
        pltpu.VMEM((_B3, 4 * CH), jnp.float32),
        pltpu.VMEM((_B3, 2 * CH), jnp.float32),
        pltpu.VMEM((_B3, 2 * CH), jnp.float32),
        pltpu.VMEM((_B3, 16), jnp.float32),
        pltpu.VMEM((_B3, 16), jnp.float32),
        pltpu.VMEM((_B3, 4 * CH), jnp.float32),
        pltpu.VMEM((_B3, 4 * CH), jnp.float32),
        pltpu.VMEM((_B3, 4 * CH), jnp.float32),
        pltpu.VMEM((_B3, 4 * CH), jnp.float32),
        pltpu.VMEM((_ZROWS, 4 * CH), jnp.float32),
        pltpu.SemaphoreType.DMA,
        pltpu.SemaphoreType.DMA,
        pltpu.SemaphoreType.DMA,
        pltpu.SemaphoreType.DMA,
        pltpu.SemaphoreType.DMA,
        pltpu.SemaphoreType.DMA,
    ],
    compiler_params=_SC_PARAMS,
)
def _sc_aggregate(tt_h, fn_h, u_h, idxi2_h, idxj_h, acc_h,
                  acc_sh, idxi_v2, idxj_full, ij0, ij1, tb0_, tb1_,
                  fb0_, fb1_, ub0, ub1, m0, m1, m2, m3,
                  zbuf, gs0, gs1, ss0, ss1, ss2, ss3):
    idxj2 = [ij0, ij1]
    tb = [tb0_, tb1_]
    f01b = [fb0_, fb1_]
    ub = [ub0, ub1]
    msgb = [m0, m1, m2, m3]
    gsem = [gs0, gs1]
    ssem = [ss0, ss1, ss2, ss3]
    cid = lax.axis_index("c")
    sid = lax.axis_index("s")

    pltpu.sync_copy(idxi2_h.at[pl.ds(sid * _NBLK, _NBLK)], idxi_v2)
    pltpu.sync_copy(idxj_h.at[pl.ds(sid * _EPT, _EPT)], idxj_full)

    zero16 = jnp.zeros((16,), jnp.float32)

    def zrow(i, carry):
        for g in range(4 * CH // 16):
            zbuf[i, pl.ds(g * 16, 16)] = zero16
        return carry

    lax.fori_loop(0, _ZROWS, zrow, 0)

    def zero_stripe():
        for q in range(_STRIPE // _ZROWS):
            pltpu.sync_copy(zbuf, acc_sh.at[pl.ds(sid * _STRIPE + q * _ZROWS, _ZROWS)])

    zero_stripe()
    plsc.subcore_barrier()

    def chunk_body(k, carry):
        ck = cid * CPC + k
        coff = ck * CH
        joff = ck * N_NODES

        def gdescs(q, n):
            base = sid * _EPT + n * _B3
            return [
                pltpu.make_async_copy(tt_h.at[idxj2[q]], tb[q], gsem[q]),
                pltpu.make_async_copy(
                    fn_h.at[pl.ds(base, _B3), pl.ds(2 * coff, 2 * CH)],
                    f01b[q], gsem[q]),
                pltpu.make_async_copy(u_h.at[pl.ds(base, _B3)], ub[q], gsem[q]),
            ]

        def sdesc(r, n):
            return pltpu.make_async_copy(msgb[r], acc_sh.at[idxi_v2.at[n]],
                                         ssem[r])

        def prep_issue(n, q):
            lo = n * _B3
            for i in range(_B3 // 16):
                idxj2[q][pl.ds(i * 16, 16)] = (
                    idxj_full[pl.ds(lo + i * 16, 16)] + joff)
            for dsc in gdescs(q, n):
                dsc.start()

        def compute(p, r):
            tbp, fbp, uu, mm = tb[p], f01b[p], ub[p], msgb[r]
            lane0 = jnp.zeros((16, 1), jnp.int32)
            lane1 = lane0 + 1
            lane2 = lane0 + 2
            gdn = lax.GatherDimensionNumbers(
                offset_dims=(), collapsed_slice_dims=(0,),
                start_index_map=(0,))

            def bcast(uv, lanes):
                return lax.gather(
                    uv, lanes, gdn, (1,),
                    mode=lax.GatherScatterMode.PROMISE_IN_BOUNDS)

            @plsc.parallel_loop(0, _B3, 1, unroll=4)
            def _edge(e):
                uv = uu[e, :]
                u0 = bcast(uv, lane0)
                u1 = bcast(uv, lane1)
                u2 = bcast(uv, lane2)
                for g in range(CH // 16):
                    sl = pl.ds(g * 16, 16)
                    t0v = tbp[e, sl]
                    f0 = fbp[e, sl]
                    f1 = fbp[e, pl.ds(CH + g * 16, 16)]
                    t1x = tbp[e, pl.ds(CH + g * 16, 16)]
                    t1y = tbp[e, pl.ds(2 * CH + g * 16, 16)]
                    t1z = tbp[e, pl.ds(3 * CH + g * 16, 16)]
                    s_ = t1x * u0 + t1y * u1 + t1z * u2
                    a = t0v * f1
                    mm[e, sl] = t0v * f0 + s_ * f1
                    mm[e, pl.ds(CH + g * 16, 16)] = a * u0 + t1x * f0
                    mm[e, pl.ds(2 * CH + g * 16, 16)] = a * u1 + t1y * f0
                    mm[e, pl.ds(3 * CH + g * 16, 16)] = a * u2 + t1z * f0

        def step(b, r):
            p = r & 1
            q = (r + 1) & 1

            @pl.when(b >= 3)
            def _():
                sdesc((r + 1) % 4, b - 3).wait()

            for dsc in gdescs(p, b):
                dsc.wait()

            @pl.when(b <= _NBLK - 2)
            def _():
                prep_issue(b + 1, q)

            compute(p, r)
            sdesc(r, b).start(add=True)

        prep_issue(0, 0)

        def group(g, c2):
            for rr in range(4):
                step(4 * g + rr, rr)
            return c2

        lax.fori_loop(0, (_NBLK - 1) // 4, group, 0)
        step(_NBLK - 1, (_NBLK - 1) % 4)
        sdesc((_NBLK - 3) % 4, _NBLK - 3).wait()
        sdesc((_NBLK - 2) % 4, _NBLK - 2).wait()
        sdesc((_NBLK - 1) % 4, _NBLK - 1).wait()

        plsc.subcore_barrier()
        for q in range(_STRIPE // _ZROWS):
            row = sid * _STRIPE + q * _ZROWS
            pltpu.sync_copy(acc_sh.at[pl.ds(row, _ZROWS)],
                            acc_h.at[ck, pl.ds(row, _ZROWS)])
        plsc.subcore_barrier()
        zero_stripe()
        plsc.subcore_barrier()
        return carry

    lax.fori_loop(0, CPC, chunk_body, 0)


def kernel(input_tensor_0, input_tensor_1, W0, W1, coordinate, edge_index,
           atomic_number):
    del atomic_number
    idx_i = edge_index[0].astype(jnp.int32)
    idx_j = edge_index[1].astype(jnp.int32)
    coordp = jnp.pad(coordinate, ((0, 0), (0, 13)))
    rij = _gather_coords(coordp, idx_i, idx_j)
    w01 = jnp.stack(
        [W0.T.reshape(N_MAX, NCHUNK, CH), W1.T.reshape(N_MAX, NCHUNK, CH)],
        axis=2).reshape(N_MAX, 2 * N_CH)
    fn, uij = _tc_filters(rij, w01)
    t1v = input_tensor_1.reshape(N_NODES, NCHUNK, 3 * CH)
    tt = _tt_build(input_tensor_0, t1v).reshape(NCHUNK * N_NODES, 4 * CH)
    acc = _sc_aggregate(tt, fn, uij,
                        idx_i.reshape(N_EDGES // _B3, _B3), idx_j)
    out0, out1f = _out_build(acc)
    return out0, out1f.reshape(N_NODES, N_CH, 3)

# --- scband reference (transcript-rebuilt; emitter-appended) ---
"""Pipeline reference for scband-tensor-aggregate-layer-83459804496132 (READ-ONLY COPY).

The authoritative reference and input builder live on the scoring server;
editing this copy changes nothing except your own understanding.
"""

import jax, jax.numpy as jnp
import numpy as np

N_NODES = 10000
N_EDGES = 160000
N_CHANNEL = 128
N_MAX = 8
CUTOFF = 5.0
MAX_OUT_WAY = 1
MAX_R_WAY = 1
NORM_FACTOR = 16.0


def way_combination(out_ways, in_ways, r_ways):
    for o in out_ways:
        for i in in_ways:
            for r in r_ways:
                if (o + i + r) % 2 == 0 and abs(i - r) <= o <= i + r:
                    yield (o, i, r)


def expand_to(t, n_dim, dim=-1):
    while t.ndim < n_dim:
        t = jnp.expand_dims(t, dim)
    return t


def multi_outer_product(u, n):
    out = jnp.ones((u.shape[0],), dtype=u.dtype)
    for _ in range(n):
        extra = out.ndim - 1
        out = out[..., None] * u.reshape((u.shape[0],) + (1,) * extra + (3,))
    return out


def radial_fn(d):
    n = jnp.arange(1, N_MAX + 1, dtype=jnp.float32)
    return jnp.sqrt(2.0 / CUTOFF) * jnp.sin(n[None, :] * jnp.pi * d[:, None] / CUTOFF) / d[:, None]


def cutoff_fn(d):
    return 0.5 * (jnp.cos(jnp.pi * d / CUTOFF) + 1.0) * (d < CUTOFF).astype(d.dtype)


def find_distances(coordinate, edge_index):
    idx_i = edge_index[0]
    idx_j = edge_index[1]
    rij = coordinate[idx_j] - coordinate[idx_i]
    dij = jnp.sqrt(jnp.sum(rij * rij, axis=-1) + 1e-12)
    uij = rij / dij[:, None]
    return rij, dij, uij


def _forward(input_tensor_0, input_tensor_1, W0, W1, coordinate, edge_index, atomic_number):
    input_tensors = {0: input_tensor_0, 1: input_tensor_1}
    W = [W0, W1]
    idx_i = edge_index[0]
    idx_j = edge_index[1]
    n_atoms = atomic_number.shape[0]
    _, dij, uij = find_distances(coordinate, edge_index)
    rbf_ij = radial_fn(dij) * cutoff_fn(dij)[..., None]
    output_tensors = {w: None for w in range(MAX_OUT_WAY + 1)}
    filter_tensor_dict = {}
    for out_way, in_way, r_way in way_combination(range(MAX_OUT_WAY + 1), sorted(input_tensors.keys()), range(MAX_R_WAY + 1)):
        if r_way not in filter_tensor_dict:
            fn = rbf_ij @ W[r_way].T
            moment = multi_outer_product(uij, r_way)
            filter_tensor_dict[r_way] = jnp.expand_dims(moment, 1) * expand_to(fn, r_way + 2, dim=-1)
        filt = filter_tensor_dict[r_way]
        inp = input_tensors[in_way][idx_j]
        coupling_way = (in_way + r_way - out_way) // 2
        n_way = in_way + r_way - coupling_way + 2
        inp = expand_to(inp, n_way, dim=-1)
        filt = expand_to(filt, n_way, dim=2)
        out = inp * filt
        if coupling_way > 0:
            sum_axis = tuple(range(in_way - coupling_way + 2, in_way + 2))
            out = jnp.sum(out, axis=sum_axis)
        out = jax.ops.segment_sum(out, idx_i, num_segments=n_atoms) / NORM_FACTOR
        if output_tensors[out_way] is None:
            output_tensors[out_way] = out
        else:
            output_tensors[out_way] = output_tensors[out_way] + out
    return (output_tensors[0], output_tensors[1])


def setup_inputs(seed: int = 0):
    key = jax.random.key(seed)
    ks = jax.random.split(key, 8)
    input_tensor_0 = jax.random.normal(ks[0], (N_NODES, N_CHANNEL), dtype=jnp.float32)
    input_tensor_1 = 0.1 * jax.random.normal(ks[1], (N_NODES, N_CHANNEL, 3), dtype=jnp.float32)
    W0 = jax.random.normal(ks[2], (N_CHANNEL, N_MAX), dtype=jnp.float32) / np.sqrt(N_MAX)
    W1 = jax.random.normal(ks[3], (N_CHANNEL, N_MAX), dtype=jnp.float32) / np.sqrt(N_MAX)
    coordinate = 1.5 * jax.random.normal(ks[4], (N_NODES, 3), dtype=jnp.float32)
    idx_i = jax.random.randint(ks[5], (N_EDGES,), 0, N_NODES)
    offs = jax.random.randint(ks[6], (N_EDGES,), 1, N_NODES)
    idx_j = (idx_i + offs) % N_NODES
    edge_index = jnp.stack([idx_i, idx_j], axis=0)
    atomic_number = jax.random.randint(ks[7], (N_NODES,), 1, 100)
    return {"input_tensor_0": input_tensor_0, "input_tensor_1": input_tensor_1, "W0": W0, "W1": W1, "coordinate": coordinate, "edge_index": edge_index, "atomic_number": atomic_number}


def reference(input_tensor_0, input_tensor_1, W0, W1, coordinate, edge_index, atomic_number):
    return _forward(input_tensor_0, input_tensor_1, W0, W1, coordinate, edge_index, atomic_number)

if __name__ == "__main__":
    import jax
    _d = setup_inputs()
    print(jax.jit(kernel)(*tuple(_d.values())))

</pallas_src>

<mosaic_0001>
#map = affine_map<(d0, d1) -> (0, 0)>
#map1 = affine_map<(d0, d1) -> (0)>
#map2 = affine_map<(d0, d1) -> (0, 0, 0)>
module attributes {stable_mosaic.version = 14 : i64} {
  func.func @_sc_aggregate(%arg0: i32, %arg1: i32, %arg2: memref<80000x64xf32, #tpu.memory_space<hbm>>, %arg3: memref<160000x256xf32, #tpu.memory_space<hbm>>, %arg4: memref<160000x16xf32, #tpu.memory_space<hbm>>, %arg5: memref<2000x80xi32, #tpu.memory_space<hbm>>, %arg6: memref<160000xi32, #tpu.memory_space<hbm>>, %arg7: memref<8x10000x64xf32, #tpu.memory_space<hbm>>, %arg8: memref<10000x64xf32, #tpu.memory_space<vmem_shared>>, %arg9: memref<125x80xi32, #tpu.memory_space<vmem>>, %arg10: memref<10000xi32, #tpu.memory_space<vmem>>, %arg11: memref<80xi32, #tpu.memory_space<vmem>>, %arg12: memref<80xi32, #tpu.memory_space<vmem>>, %arg13: memref<80x64xf32, #tpu.memory_space<vmem>>, %arg14: memref<80x64xf32, #tpu.memory_space<vmem>>, %arg15: memref<80x32xf32, #tpu.memory_space<vmem>>, %arg16: memref<80x32xf32, #tpu.memory_space<vmem>>, %arg17: memref<80x16xf32, #tpu.memory_space<vmem>>, %arg18: memref<80x16xf32, #tpu.memory_space<vmem>>, %arg19: memref<80x64xf32, #tpu.memory_space<vmem>>, %arg20: memref<80x64xf32, #tpu.memory_space<vmem>>, %arg21: memref<80x64xf32, #tpu.memory_space<vmem>>, %arg22: memref<80x64xf32, #tpu.memory_space<vmem>>, %arg23: memref<125x64xf32, #tpu.memory_space<vmem>>, %arg24: memref<!tpu.dma_semaphore, #tpu.memory_space<semaphore_mem>>, %arg25: memref<!tpu.dma_semaphore, #tpu.memory_space<semaphore_mem>>, %arg26: memref<!tpu.dma_semaphore, #tpu.memory_space<semaphore_mem>>, %arg27: memref<!tpu.dma_semaphore, #tpu.memory_space<semaphore_mem>>, %arg28: memref<!tpu.dma_semaphore, #tpu.memory_space<semaphore_mem>>, %arg29: memref<!tpu.dma_semaphore, #tpu.memory_space<semaphore_mem>>) attributes {dimension_semantics = [#tpu.dimension_semantics<core_parallel>, #tpu.dimension_semantics<subcore_parallel>], iteration_bounds = array<i64: 2, 16>, scalar_prefetch = 0 : i64, scratch_operands = 22 : i64, tpu.core_type = #tpu.core_type<sc_vector_subcore>, window_params = [{transform_indices = #map}, {transform_indices = #map}, {transform_indices = #map}, {transform_indices = #map}, {transform_indices = #map1}, {transform_indices = #map2}]} {
    %mul3A = arith.constant 125 : i32
    %mul3A_0 = arith.muli %arg1, %mul3A : i32
    "tpu.region"() ({
      %run_scoped3A = tpu.sem_alloc : memref<!tpu.dma_semaphore, #tpu.memory_space<semaphore_mem>>
      %dma_start3A = arith.constant 0 : i32
      %dma_start3A_34 = tpu.memref_slice %arg5[%mul3A_0, %dma_start3A] : memref<2000x80xi32, #tpu.memory_space<hbm>> -> memref<125x80xi32, #tpu.memory_space<hbm>>
      %dma_start3A_35 = arith.constant 0 : i32
      %dma_start3A_36 = tpu.memref_slice %arg5[%mul3A_0, %dma_start3A_35] : memref<2000x80xi32, #tpu.memory_space<hbm>> -> memref<125x80xi32, #tpu.memory_space<hbm>>
      tpu.enqueue_dma source(%dma_start3A_36 : memref<125x80xi32, #tpu.memory_space<hbm>>) target(%arg9 : memref<125x80xi32, #tpu.memory_space<vmem>>) target_semaphore(%run_scoped3A : memref<!tpu.dma_semaphore, #tpu.memory_space<semaphore_mem>>)
      %dma_wait3A = arith.constant 0 : i32
      %dma_wait3A_37 = tpu.memref_slice %arg5[%mul3A_0, %dma_wait3A] : memref<2000x80xi32, #tpu.memory_space<hbm>> -> memref<125x80xi32, #tpu.memory_space<hbm>>
      %dma_wait3A_38 = arith.constant 0 : i32
      %dma_wait3A_39 = tpu.memref_slice %arg5[%mul3A_0, %dma_wait3A_38] : memref<2000x80xi32, #tpu.memory_space<hbm>> -> memref<125x80xi32, #tpu.memory_space<hbm>>
      tpu.wait_dma2 semaphore(%run_scoped3A : memref<!tpu.dma_semaphore, #tpu.memory_space<semaphore_mem>>) src(%dma_wait3A_39 : memref<125x80xi32, #tpu.memory_space<hbm>>) dst(%arg9 : memref<125x80xi32, #tpu.memory_space<vmem>>)
      tpu.yield
    }) : () -> ()
    %mul3A_1 = arith.constant 10000 : i32
    %mul3A_2 = arith.muli %arg1, %mul3A_1 : i32
    "tpu.region"() ({
      %run_scoped3A = tpu.sem_alloc : memref<!tpu.dma_semaphore, #tpu.memory_space<semaphore_mem>>
      %dma_start3A = tpu.memref_slice %arg6[%mul3A_2] : memref<160000xi32, #tpu.memory_space<hbm>> -> memref<10000xi32, #tpu.memory_space<hbm>>
      %dma_start3A_34 = tpu.memref_slice %arg6[%mul3A_2] : memref<160000xi32, #tpu.memory_space<hbm>> -> memref<10000xi32, #tpu.memory_space<hbm>>
      tpu.enqueue_dma source(%dma_start3A_34 : memref<10000xi32, #tpu.memory_space<hbm>>) target(%arg10 : memref<10000xi32, #tpu.memory_space<vmem>>) target_semaphore(%run_scoped3A : memref<!tpu.dma_semaphore, #tpu.memory_space<semaphore_mem>>)
      %dma_wait3A = tpu.memref_slice %arg6[%mul3A_2] : memref<160000xi32, #tpu.memory_space<hbm>> -> memref<10000xi32, #tpu.memory_space<hbm>>
      %dma_wait3A_35 = tpu.memref_slice %arg6[%mul3A_2] : memref<160000xi32, #tpu.memory_space<hbm>> -> memref<10000xi32, #tpu.memory_space<hbm>>
      tpu.wait_dma2 semaphore(%run_scoped3A : memref<!tpu.dma_semaphore, #tpu.memory_space<semaphore_mem>>) src(%dma_wait3A_35 : memref<10000xi32, #tpu.memory_space<hbm>>) dst(%arg10 : memref<10000xi32, #tpu.memory_space<vmem>>)
      tpu.yield
    }) : () -> ()
    %broadcast_in_dim3A = arith.constant 0.000000e+00 : f32
    %broadcast_in_dim3A_3 = vector.broadcast %broadcast_in_dim3A : f32 to vector<16xf32>
    %scan3A = arith.constant 0 : i32
    %scan3A_4 = arith.constant 0 : i32
    %scan3A_5 = arith.constant 125 : i32
    %scan3A_6 = arith.addi %scan3A_4, %scan3A_5 : i32
    %scan3A_7 = arith.constant 1 : i32
    scf.for %scan3A_34 = %scan3A_4 to %scan3A_6 step %scan3A_7  : i32 {
      %swap3A = arith.index_cast %scan3A_34 : i32 to index
      %swap3A_35 = arith.constant 0 : index
      %swap3A_36 = tpu.vector_load %arg23[%swap3A, %swap3A_35] {strides = array<i32>} : memref<125x64xf32, #tpu.memory_space<vmem>>, vector<1x16xf32>,
      %swap3A_37 = vector.shape_cast %swap3A_36 : vector<1x16xf32> to vector<16xf32>
      %swap3A_38 = vector.shape_cast %broadcast_in_dim3A_3 : vector<16xf32> to vector<1x16xf32>
      tpu.vector_store %arg23[%swap3A, %swap3A_35], %swap3A_38 {strides = array<i32>} : memref<125x64xf32, #tpu.memory_space<vmem>>, vector<1x16xf32>,
      %swap3A_39 = arith.index_cast %scan3A_34 : i32 to index
      %swap3A_40 = arith.constant 16 : index
      %swap3A_41 = tpu.vector_load %arg23[%swap3A_39, %swap3A_40] {strides = array<i32>} : memref<125x64xf32, #tpu.memory_space<vmem>>, vector<1x16xf32>,
      %swap3A_42 = vector.shape_cast %swap3A_41 : vector<1x16xf32> to vector<16xf32>
      %swap3A_43 = vector.shape_cast %broadcast_in_dim3A_3 : vector<16xf32> to vector<1x16xf32>
      tpu.vector_store %arg23[%swap3A_39, %swap3A_40], %swap3A_43 {strides = array<i32>} : memref<125x64xf32, #tpu.memory_space<vmem>>, vector<1x16xf32>,
      %swap3A_44 = arith.index_cast %scan3A_34 : i32 to index
      %swap3A_45 = arith.constant 32 : index
      %swap3A_46 = tpu.vector_load %arg23[%swap3A_44, %swap3A_45] {strides = array<i32>} : memref<125x64xf32, #tpu.memory_space<vmem>>, vector<1x16xf32>,
      %swap3A_47 = vector.shape_cast %swap3A_46 : vector<1x16xf32> to vector<16xf32>
      %swap3A_48 = vector.shape_cast %broadcast_in_dim3A_3 : vector<16xf32> to vector<1x16xf32>
      tpu.vector_store %arg23[%swap3A_44, %swap3A_45], %swap3A_48 {strides = array<i32>} : memref<125x64xf32, #tpu.memory_space<vmem>>, vector<1x16xf32>,
      %swap3A_49 = arith.index_cast %scan3A_34 : i32 to index
      %swap3A_50 = arith.constant 48 : index
      %swap3A_51 = tpu.vector_load %arg23[%swap3A_49, %swap3A_50] {strides = array<i32>} : memref<125x64xf32, #tpu.memory_space<vmem>>, vector<1x16xf32>,
      %swap3A_52 = vector.shape_cast %swap3A_51 : vector<1x16xf32> to vector<16xf32>
      %swap3A_53 = vector.shape_cast %broadcast_in_dim3A_3 : vector<16xf32> to vector<1x16xf32>
      tpu.vector_store %arg23[%swap3A_49, %swap3A_50], %swap3A_53 {strides = array<i32>} : memref<125x64xf32, #tpu.memory_space<vmem>>, vector<1x16xf32>,
    }
    %scan3A_8 = arith.constant 125 : i32
    %mul3A_9 = arith.constant 625 : i32
    %mul3A_10 = arith.muli %arg1, %mul3A_9 : i32
    %add3A = arith.constant 0 : i32
    %add3A_11 = arith.addi %mul3A_10, %add3A : i32
    "tpu.region"() ({
      %run_scoped3A = tpu.sem_alloc : memref<!tpu.dma_semaphore, #tpu.memory_space<semaphore_mem>>
      %dma_start3A = arith.constant 0 : i32
      %dma_start3A_34 = tpu.memref_slice %arg8[%add3A_11, %dma_start3A] : memref<10000x64xf32, #tpu.memory_space<vmem_shared>> -> memref<125x64xf32, #tpu.memory_space<vmem_shared>>
      %dma_start3A_35 = arith.constant 0 : i32
      %dma_start3A_36 = tpu.memref_slice %arg8[%add3A_11, %dma_start3A_35] : memref<10000x64xf32, #tpu.memory_space<vmem_shared>> -> memref<125x64xf32, #tpu.memory_space<vmem_shared>>
      tpu.enqueue_dma source(%arg23 : memref<125x64xf32, #tpu.memory_space<vmem>>) target(%dma_start3A_36 : memref<125x64xf32, #tpu.memory_space<vmem_shared>>) target_semaphore(%run_scoped3A : memref<!tpu.dma_semaphore, #tpu.memory_space<semaphore_mem>>)
      %dma_wait3A = arith.constant 0 : i32
      %dma_wait3A_37 = tpu.memref_slice %arg8[%add3A_11, %dma_wait3A] : memref<10000x64xf32, #tpu.memory_space<vmem_shared>> -> memref<125x64xf32, #tpu.memory_space<vmem_shared>>
      %dma_wait3A_38 = arith.constant 0 : i32
      %dma_wait3A_39 = tpu.memref_slice %arg8[%add3A_11, %dma_wait3A_38] : memref<10000x64xf32, #tpu.memory_space<vmem_shared>> -> memref<125x64xf32, #tpu.memory_space<vmem_shared>>
      tpu.wait_dma2 semaphore(%run_scoped3A : memref<!tpu.dma_semaphore, #tpu.memory_space<semaphore_mem>>) src(%arg23 : memref<125x64xf32, #tpu.memory_space<vmem>>) dst(%dma_wait3A_39 : memref<125x64xf32, #tpu.memory_space<vmem_shared>>)
      tpu.yield
    }) : () -> ()
    %mul3A_12 = arith.constant 625 : i32
    %mul3A_13 = arith.muli %arg1, %mul3A_12 : i32
    %add3A_14 = arith.constant 125 : i32
    %add3A_15 = arith.addi %mul3A_13, %add3A_14 : i32
    "tpu.region"() ({
      %run_scoped3A = tpu.sem_alloc : memref<!tpu.dma_semaphore, #tpu.memory_space<semaphore_mem>>
      %dma_start3A = arith.constant 0 : i32
      %dma_start3A_34 = tpu.memref_slice %arg8[%add3A_15, %dma_start3A] : memref<10000x64xf32, #tpu.memory_space<vmem_shared>> -> memref<125x64xf32, #tpu.memory_space<vmem_shared>>
      %dma_start3A_35 = arith.constant 0 : i32
      %dma_start3A_36 = tpu.memref_slice %arg8[%add3A_15, %dma_start3A_35] : memref<10000x64xf32, #tpu.memory_space<vmem_shared>> -> memref<125x64xf32, #tpu.memory_space<vmem_shared>>
      tpu.enqueue_dma source(%arg23 : memref<125x64xf32, #tpu.memory_space<vmem>>) target(%dma_start3A_36 : memref<125x64xf32, #tpu.memory_space<vmem_shared>>) target_semaphore(%run_scoped3A : memref<!tpu.dma_semaphore, #tpu.memory_space<semaphore_mem>>)
      %dma_wait3A = arith.constant 0 : i32
      %dma_wait3A_37 = tpu.memref_slice %arg8[%add3A_15, %dma_wait3A] : memref<10000x64xf32, #tpu.memory_space<vmem_shared>> -> memref<125x64xf32, #tpu.memory_space<vmem_shared>>
      %dma_wait3A_38 = arith.constant 0 : i32
      %dma_wait3A_39 = tpu.memref_slice %arg8[%add3A_15, %dma_wait3A_38] : memref<10000x64xf32, #tpu.memory_space<vmem_shared>> -> memref<125x64xf32, #tpu.memory_space<vmem_shared>>
      tpu.wait_dma2 semaphore(%run_scoped3A : memref<!tpu.dma_semaphore, #tpu.memory_space<semaphore_mem>>) src(%arg23 : memref<125x64xf32, #tpu.memory_space<vmem>>) dst(%dma_wait3A_39 : memref<125x64xf32, #tpu.memory_space<vmem_shared>>)
      tpu.yield
    }) : () -> ()
    %mul3A_16 = arith.constant 625 : i32
    %mul3A_17 = arith.muli %arg1, %mul3A_16 : i32
    %add3A_18 = arith.constant 250 : i32
    %add3A_19 = arith.addi %mul3A_17, %add3A_18 : i32
    "tpu.region"() ({
      %run_scoped3A = tpu.sem_alloc : memref<!tpu.dma_semaphore, #tpu.memory_space<semaphore_mem>>
      %dma_start3A = arith.constant 0 : i32
      %dma_start3A_34 = tpu.memref_slice %arg8[%add3A_19, %dma_start3A] : memref<10000x64xf32, #tpu.memory_space<vmem_shared>> -> memref<125x64xf32, #tpu.memory_space<vmem_shared>>
      %dma_start3A_35 = arith.constant 0 : i32
      %dma_start3A_36 = tpu.memref_slice %arg8[%add3A_19, %dma_start3A_35] : memref<10000x64xf32, #tpu.memory_space<vmem_shared>> -> memref<125x64xf32, #tpu.memory_space<vmem_shared>>
      tpu.enqueue_dma source(%arg23 : memref<125x64xf32, #tpu.memory_space<vmem>>) target(%dma_start3A_36 : memref<125x64xf32, #tpu.memory_space<vmem_shared>>) target_semaphore(%run_scoped3A : memref<!tpu.dma_semaphore, #tpu.memory_space<semaphore_mem>>)
      %dma_wait3A = arith.constant 0 : i32
      %dma_wait3A_37 = tpu.memref_slice %arg8[%add3A_19, %dma_wait3A] : memref<10000x64xf32, #tpu.memory_space<vmem_shared>> -> memref<125x64xf32, #tpu.memory_space<vmem_shared>>
      %dma_wait3A_38 = arith.constant 0 : i32
      %dma_wait3A_39 = tpu.memref_slice %arg8[%add3A_19, %dma_wait3A_38] : memref<10000x64xf32, #tpu.memory_space<vmem_shared>> -> memref<125x64xf32, #tpu.memory_space<vmem_shared>>
      tpu.wait_dma2 semaphore(%run_scoped3A : memref<!tpu.dma_semaphore, #tpu.memory_space<semaphore_mem>>) src(%arg23 : memref<125x64xf32, #tpu.memory_space<vmem>>) dst(%dma_wait3A_39 : memref<125x64xf32, #tpu.memory_space<vmem_shared>>)
      tpu.yield
    }) : () -> ()
    %mul3A_20 = arith.constant 625 : i32
    %mul3A_21 = arith.muli %arg1, %mul3A_20 : i32
    %add3A_22 = arith.constant 375 : i32
    %add3A_23 = arith.addi %mul3A_21, %add3A_22 : i32
    "tpu.region"() ({
      %run_scoped3A = tpu.sem_alloc : memref<!tpu.dma_semaphore, #tpu.memory_space<semaphore_mem>>
      %dma_start3A = arith.constant 0 : i32
      %dma_start3A_34 = tpu.memref_slice %arg8[%add3A_23, %dma_start3A] : memref<10000x64xf32, #tpu.memory_space<vmem_shared>> -> memref<125x64xf32, #tpu.memory_space<vmem_shared>>
      %dma_start3A_35 = arith.constant 0 : i32
      %dma_start3A_36 = tpu.memref_slice %arg8[%add3A_23, %dma_start3A_35] : memref<10000x64xf32, #tpu.memory_space<vmem_shared>> -> memref<125x64xf32, #tpu.memory_space<vmem_shared>>
      tpu.enqueue_dma source(%arg23 : memref<125x64xf32, #tpu.memory_space<vmem>>) target(%dma_start3A_36 : memref<125x64xf32, #tpu.memory_space<vmem_shared>>) target_semaphore(%run_scoped3A : memref<!tpu.dma_semaphore, #tpu.memory_space<semaphore_mem>>)
      %dma_wait3A = arith.constant 0 : i32
      %dma_wait3A_37 = tpu.memref_slice %arg8[%add3A_23, %dma_wait3A] : memref<10000x64xf32, #tpu.memory_space<vmem_shared>> -> memref<125x64xf32, #tpu.memory_space<vmem_shared>>
      %dma_wait3A_38 = arith.constant 0 : i32
      %dma_wait3A_39 = tpu.memref_slice %arg8[%add3A_23, %dma_wait3A_38] : memref<10000x64xf32, #tpu.memory_space<vmem_shared>> -> memref<125x64xf32, #tpu.memory_space<vmem_shared>>
      tpu.wait_dma2 semaphore(%run_scoped3A : memref<!tpu.dma_semaphore, #tpu.memory_space<semaphore_mem>>) src(%arg23 : memref<125x64xf32, #tpu.memory_space<vmem>>) dst(%dma_wait3A_39 : memref<125x64xf32, #tpu.memory_space<vmem_shared>>)
      tpu.yield
    }) : () -> ()
    %mul3A_24 = arith.constant 625 : i32
    %mul3A_25 = arith.muli %arg1, %mul3A_24 : i32
    %add3A_26 = arith.constant 500 : i32
    %add3A_27 = arith.addi %mul3A_25, %add3A_26 : i32
    "tpu.region"() ({
      %run_scoped3A = tpu.sem_alloc : memref<!tpu.dma_semaphore, #tpu.memory_space<semaphore_mem>>
      %dma_start3A = arith.constant 0 : i32
      %dma_start3A_34 = tpu.memref_slice %arg8[%add3A_27, %dma_start3A] : memref<10000x64xf32, #tpu.memory_space<vmem_shared>> -> memref<125x64xf32, #tpu.memory_space<vmem_shared>>
      %dma_start3A_35 = arith.constant 0 : i32
      %dma_start3A_36 = tpu.memref_slice %arg8[%add3A_27, %dma_start3A_35] : memref<10000x64xf32, #tpu.memory_space<vmem_shared>> -> memref<125x64xf32, #tpu.memory_space<vmem_shared>>
      tpu.enqueue_dma source(%arg23 : memref<125x64xf32, #tpu.memory_space<vmem>>) target(%dma_start3A_36 : memref<125x64xf32, #tpu.memory_space<vmem_shared>>) target_semaphore(%run_scoped3A : memref<!tpu.dma_semaphore, #tpu.memory_space<semaphore_mem>>)
      %dma_wait3A = arith.constant 0 : i32
      %dma_wait3A_37 = tpu.memref_slice %arg8[%add3A_27, %dma_wait3A] : memref<10000x64xf32, #tpu.memory_space<vmem_shared>> -> memref<125x64xf32, #tpu.memory_space<vmem_shared>>
      %dma_wait3A_38 = arith.constant 0 : i32
      %dma_wait3A_39 = tpu.memref_slice %arg8[%add3A_27, %dma_wait3A_38] : memref<10000x64xf32, #tpu.memory_space<vmem_shared>> -> memref<125x64xf32, #tpu.memory_space<vmem_shared>>
      tpu.wait_dma2 semaphore(%run_scoped3A : memref<!tpu.dma_semaphore, #tpu.memory_space<semaphore_mem>>) src(%arg23 : memref<125x64xf32, #tpu.memory_space<vmem>>) dst(%dma_wait3A_39 : memref<125x64xf32, #tpu.memory_space<vmem_shared>>)
      tpu.yield
    }) : () -> ()
    %barrier3A = arith.constant 0 : index
    tpu.barrier barrier_id(%barrier3A)
    %scan3A_28 = arith.constant 0 : i32
    %scan3A_29 = arith.constant 0 : i32
    %scan3A_30 = arith.constant 4 : i32
    %scan3A_31 = arith.addi %scan3A_29, %scan3A_30 : i32
    %scan3A_32 = arith.constant 1 : i32
    scf.for %scan3A_34 = %scan3A_29 to %scan3A_31 step %scan3A_32  : i32 {
      %mul3A_35 = arith.constant 4 : i32
      %mul3A_36 = arith.muli %arg0, %mul3A_35 : i32
      %add3A_37 = arith.addi %mul3A_36, %scan3A_34 : i32
      %mul3A_38 = arith.constant 16 : i32
      %mul3A_39 = arith.muli %add3A_37, %mul3A_38 : i32
      %mul3A_40 = arith.constant 10000 : i32
      %mul3A_41 = arith.muli %add3A_37, %mul3A_40 : i32
      %get3A = arith.constant 0 : index
      %get3A_42 = tpu.vector_load %arg10[%get3A] {strides = array<i32>} : memref<10000xi32, #tpu.memory_space<vmem>>, vector<16xi32>,
      %get3A_43 = vector.shape_cast %get3A_42 : vector<16xi32> to vector<16xi32>
      %add3A_44 = vector.broadcast %mul3A_41 : i32 to vector<16xi32>
      %add3A_45 = arith.addi %get3A_43, %add3A_44 : vector<16xi32>
      %swap3A = arith.constant 0 : index
      %swap3A_46 = tpu.vector_load %arg11[%swap3A] {strides = array<i32>} : memref<80xi32, #tpu.memory_space<vmem>>, vector<16xi32>,
      %swap3A_47 = vector.shape_cast %swap3A_46 : vector<16xi32> to vector<16xi32>
      %swap3A_48 = vector.shape_cast %add3A_45 : vector<16xi32> to vector<16xi32>
      tpu.vector_store %arg11[%swap3A], %swap3A_48 {strides = array<i32>} : memref<80xi32, #tpu.memory_space<vmem>>, vector<16xi32>,
      %get3A_49 = arith.constant 16 : index
      %get3A_50 = tpu.vector_load %arg10[%get3A_49] {strides = array<i32>} : memref<10000xi32, #tpu.memory_space<vmem>>, vector<16xi32>,
      %get3A_51 = vector.shape_cast %get3A_50 : vector<16xi32> to vector<16xi32>
      %add3A_52 = vector.broadcast %mul3A_41 : i32 to vector<16xi32>
      %add3A_53 = arith.addi %get3A_51, %add3A_52 : vector<16xi32>
      %swap3A_54 = arith.constant 16 : index
      %swap3A_55 = tpu.vector_load %arg11[%swap3A_54] {strides = array<i32>} : memref<80xi32, #tpu.memory_space<vmem>>, vector<16xi32>,
      %swap3A_56 = vector.shape_cast %swap3A_55 : vector<16xi32> to vector<16xi32>
      %swap3A_57 = vector.shape_cast %add3A_53 : vector<16xi32> to vector<16xi32>
      tpu.vector_store %arg11[%swap3A_54], %swap3A_57 {strides = array<i32>} : memref<80xi32, #tpu.memory_space<vmem>>, vector<16xi32>,
      %get3A_58 = arith.constant 32 : index
      %get3A_59 = tpu.vector_load %arg10[%get3A_58] {strides = array<i32>} : memref<10000xi32, #tpu.memory_space<vmem>>, vector<16xi32>,
      %get3A_60 = vector.shape_cast %get3A_59 : vector<16xi32> to vector<16xi32>
      %add3A_61 = vector.broadcast %mul3A_41 : i32 to vector<16xi32>
      %add3A_62 = arith.addi %get3A_60, %add3A_61 : vector<16xi32>
      %swap3A_63 = arith.constant 32 : index
      %swap3A_64 = tpu.vector_load %arg11[%swap3A_63] {strides = array<i32>} : memref<80xi32, #tpu.memory_space<vmem>>, vector<16xi32>,
      %swap3A_65 = vector.shape_cast %swap3A_64 : vector<16xi32> to vector<16xi32>
      %swap3A_66 = vector.shape_cast %add3A_62 : vector<16xi32> to vector<16xi32>
      tpu.vector_store %arg11[%swap3A_63], %swap3A_66 {strides = array<i32>} : memref<80xi32, #tpu.memory_space<vmem>>, vector<16xi32>,
      %get3A_67 = arith.constant 48 : index
      %get3A_68 = tpu.vector_load %arg10[%get3A_67] {strides = array<i32>} : memref<10000xi32, #tpu.memory_space<vmem>>, vector<16xi32>,
      %get3A_69 = vector.shape_cast %get3A_68 : vector<16xi32> to vector<16xi32>
      %add3A_70 = vector.broadcast %mul3A_41 : i32 to vector<16xi32>
      %add3A_71 = arith.addi %get3A_69, %add3A_70 : vector<16xi32>
      %swap3A_72 = arith.constant 48 : index
      %swap3A_73 = tpu.vector_load %arg11[%swap3A_72] {strides = array<i32>} : memref<80xi32, #tpu.memory_space<vmem>>, vector<16xi32>,
      %swap3A_74 = vector.shape_cast %swap3A_73 : vector<16xi32> to vector<16xi32>
      %swap3A_75 = vector.shape_cast %add3A_71 : vector<16xi32> to vector<16xi32>
      tpu.vector_store %arg11[%swap3A_72], %swap3A_75 {strides = array<i32>} : memref<80xi32, #tpu.memory_space<vmem>>, vector<16xi32>,
      %get3A_76 = arith.constant 64 : index
      %get3A_77 = tpu.vector_load %arg10[%get3A_76] {strides = array<i32>} : memref<10000xi32, #tpu.memory_space<vmem>>, vector<16xi32>,
      %get3A_78 = vector.shape_cast %get3A_77 : vector<16xi32> to vector<16xi32>
      %add3A_79 = vector.broadcast %mul3A_41 : i32 to vector<16xi32>
      %add3A_80 = arith.addi %get3A_78, %add3A_79 : vector<16xi32>
      %swap3A_81 = arith.constant 64 : index
      %swap3A_82 = tpu.vector_load %arg11[%swap3A_81] {strides = array<i32>} : memref<80xi32, #tpu.memory_space<vmem>>, vector<16xi32>,
      %swap3A_83 = vector.shape_cast %swap3A_82 : vector<16xi32> to vector<16xi32>
      %swap3A_84 = vector.shape_cast %add3A_80 : vector<16xi32> to vector<16xi32>
      tpu.vector_store %arg11[%swap3A_81], %swap3A_84 {strides = array<i32>} : memref<80xi32, #tpu.memory_space<vmem>>, vector<16xi32>,
      %mul3A_85 = arith.constant 10000 : i32
      %mul3A_86 = arith.muli %arg1, %mul3A_85 : i32
      %add3A_87 = arith.constant 0 : i32
      %add3A_88 = arith.addi %mul3A_86, %add3A_87 : i32
      %mul3A_89 = arith.constant 2 : i32
      %mul3A_90 = arith.muli %mul3A_89, %mul3A_39 : i32
      %dma_start3A = arith.constant 0 : i32
      %dma_start3A_91 = arith.constant 0 : i32
      %dma_start3A_92 = tpu.memref_slice %arg2[%dma_start3A, %dma_start3A_91] : memref<80000x64xf32, #tpu.memory_space<hbm>> -> memref<80000x64xf32, #tpu.memory_space<hbm>>
      tpu.enqueue_indirect_dma source(%dma_start3A_92 : memref<80000x64xf32, #tpu.memory_space<hbm>>) target(%arg13 : memref<80x64xf32, #tpu.memory_space<vmem>>) offsets(%arg11 : memref<80xi32, #tpu.memory_space<vmem>>) semaphore(%arg24 : memref<!tpu.dma_semaphore, #tpu.memory_space<semaphore_mem>>)
      %dma_start3A_93 = tpu.memref_slice %arg3[%add3A_88, %mul3A_90] : memref<160000x256xf32, #tpu.memory_space<hbm>> -> memref<80x32xf32, #tpu.memory_space<hbm>>
      %dma_start3A_94 = tpu.memref_slice %arg3[%add3A_88, %mul3A_90] : memref<160000x256xf32, #tpu.memory_space<hbm>> -> memref<80x32xf32, #tpu.memory_space<hbm>>
      tpu.enqueue_dma source(%dma_start3A_94 : memref<80x32xf32, #tpu.memory_space<hbm>>) target(%arg15 : memref<80x32xf32, #tpu.memory_space<vmem>>) target_semaphore(%arg24 : memref<!tpu.dma_semaphore, #tpu.memory_space<semaphore_mem>>)
      %dma_start3A_95 = arith.constant 0 : i32
      %dma_start3A_96 = tpu.memref_slice %arg4[%add3A_88, %dma_start3A_95] : memref<160000x16xf32, #tpu.memory_space<hbm>> -> memref<80x16xf32, #tpu.memory_space<hbm>>
      %dma_start3A_97 = arith.constant 0 : i32
      %dma_start3A_98 = tpu.memref_slice %arg4[%add3A_88, %dma_start3A_97] : memref<160000x16xf32, #tpu.memory_space<hbm>> -> memref<80x16xf32, #tpu.memory_space<hbm>>
      tpu.enqueue_dma source(%dma_start3A_98 : memref<80x16xf32, #tpu.memory_space<hbm>>) target(%arg17 : memref<80x16xf32, #tpu.memory_space<vmem>>) target_semaphore(%arg24 : memref<!tpu.dma_semaphore, #tpu.memory_space<semaphore_mem>>)
      %scan3A_99 = arith.constant 0 : i32
      %scan3A_100 = arith.constant 0 : i32
      %scan3A_101 = arith.constant 31 : i32
      %scan3A_102 = arith.addi %scan3A_100, %scan3A_101 : i32
      %scan3A_103 = arith.constant 1 : i32
      scf.for %scan3A_207 = %scan3A_100 to %scan3A_102 step %scan3A_103  : i32 {
        %mul3A_208 = arith.constant 4 : i32
        %mul3A_209 = arith.muli %mul3A_208, %scan3A_207 : i32
        %add3A_210 = arith.constant 0 : i32
        %add3A_211 = arith.addi %mul3A_209, %add3A_210 : i32
        %ge3A = arith.constant 3 : i32
        %ge3A_212 = arith.cmpi sge, %add3A_211, %ge3A : i32
        %convert_element_type3A = arith.extui %ge3A_212 : i1 to i32
        %cond3A = arith.constant 0 : i32
        %cond3A_213 = arith.cmpi ne, %convert_element_type3A, %cond3A : i32
        scf.if %cond3A_213 {
          %sub3A = arith.constant 3 : i32
          %sub3A_392 = arith.subi %add3A_211, %sub3A : i32
          %dma_wait3A_393 = arith.constant 0 : i32
          %dma_wait3A_394 = tpu.memref_slice %arg9[%sub3A_392, %dma_wait3A_393] : memref<125x80xi32, #tpu.memory_space<vmem>> -> memref<1x80xi32, #tpu.memory_space<vmem>>
          %dma_wait3A_395 = tpu.memref_squeeze %dma_wait3A_394 : memref<1x80xi32, #tpu.memory_space<vmem>> -> memref<80xi32, #tpu.memory_space<vmem>>
          %dma_wait3A_396 = arith.constant 0 : i32
          %dma_wait3A_397 = arith.constant 0 : i32
          %dma_wait3A_398 = tpu.memref_slice %arg8[%dma_wait3A_396, %dma_wait3A_397] : memref<10000x64xf32, #tpu.memory_space<vmem_shared>> -> memref<10000x64xf32, #tpu.memory_space<vmem_shared>>
          tpu.wait_indirect_dma semaphore(%arg27 : memref<!tpu.dma_semaphore, #tpu.memory_space<semaphore_mem>>) src(%arg20 : memref<80x64xf32, #tpu.memory_space<vmem>>) dst(%dma_wait3A_398 : memref<10000x64xf32, #tpu.memory_space<vmem_shared>>)
        } else {
        }
        %mul3A_214 = arith.constant 10000 : i32
        %mul3A_215 = arith.muli %arg1, %mul3A_214 : i32
        %mul3A_216 = arith.constant 80 : i32
        %mul3A_217 = arith.muli %add3A_211, %mul3A_216 : i32
        %add3A_218 = arith.addi %mul3A_215, %mul3A_217 : i32
        %mul3A_219 = arith.constant 2 : i32
        %mul3A_220 = arith.muli %mul3A_219, %mul3A_39 : i32
        %dma_wait3A_221 = arith.constant 0 : i32
        %dma_wait3A_222 = arith.constant 0 : i32
        %dma_wait3A_223 = tpu.memref_slice %arg2[%dma_wait3A_221, %dma_wait3A_222] : memref<80000x64xf32, #tpu.memory_space<hbm>> -> memref<80000x64xf32, #tpu.memory_space<hbm>>
        tpu.wait_indirect_dma semaphore(%arg24 : memref<!tpu.dma_semaphore, #tpu.memory_space<semaphore_mem>>) src(%dma_wait3A_223 : memref<80000x64xf32, #tpu.memory_space<hbm>>) dst(%arg13 : memref<80x64xf32, #tpu.memory_space<vmem>>)
        %dma_wait3A_224 = tpu.memref_slice %arg3[%add3A_218, %mul3A_220] : memref<160000x256xf32, #tpu.memory_space<hbm>> -> memref<80x32xf32, #tpu.memory_space<hbm>>
        %dma_wait3A_225 = tpu.memref_slice %arg3[%add3A_218, %mul3A_220] : memref<160000x256xf32, #tpu.memory_space<hbm>> -> memref<80x32xf32, #tpu.memory_space<hbm>>
        tpu.wait_dma2 semaphore(%arg24 : memref<!tpu.dma_semaphore, #tpu.memory_space<semaphore_mem>>) src(%dma_wait3A_225 : memref<80x32xf32, #tpu.memory_space<hbm>>) dst(%arg15 : memref<80x32xf32, #tpu.memory_space<vmem>>)
        %dma_wait3A_226 = arith.constant 0 : i32
        %dma_wait3A_227 = tpu.memref_slice %arg4[%add3A_218, %dma_wait3A_226] : memref<160000x16xf32, #tpu.memory_space<hbm>> -> memref<80x16xf32, #tpu.memory_space<hbm>>
        %dma_wait3A_228 = arith.constant 0 : i32
        %dma_wait3A_229 = tpu.memref_slice %arg4[%add3A_218, %dma_wait3A_228] : memref<160000x16xf32, #tpu.memory_space<hbm>> -> memref<80x16xf32, #tpu.memory_space<hbm>>
        tpu.wait_dma2 semaphore(%arg24 : memref<!tpu.dma_semaphore, #tpu.memory_space<semaphore_mem>>) src(%dma_wait3A_229 : memref<80x16xf32, #tpu.memory_space<hbm>>) dst(%arg17 : memref<80x16xf32, #tpu.memory_space<vmem>>)
        %le3A = arith.constant 123 : i32
        %le3A_230 = arith.cmpi sle, %add3A_211, %le3A : i32
        %convert_element_type3A_231 = arith.extui %le3A_230 : i1 to i32
        %cond3A_232 = arith.constant 0 : i32
        %cond3A_233 = arith.cmpi ne, %convert_element_type3A_231, %cond3A_232 : i32
        scf.if %cond3A_233 {
          %add3A_392 = arith.constant 1 : i32
          %add3A_393 = arith.addi %add3A_211, %add3A_392 : i32
          %mul3A_394 = arith.constant 80 : i32
          %mul3A_395 = arith.muli %add3A_393, %mul3A_394 : i32
          %add3A_396 = arith.constant 0 : i32
          %add3A_397 = arith.addi %mul3A_395, %add3A_396 : i32
          %get3A_398 = arith.index_cast %add3A_397 : i32 to index
          %get3A_399 = tpu.vector_load %arg10[%get3A_398] {strides = array<i32>} : memref<10000xi32, #tpu.memory_space<vmem>>, vector<16xi32>,
          %get3A_400 = vector.shape_cast %get3A_399 : vector<16xi32> to vector<16xi32>
          %add3A_401 = vector.broadcast %mul3A_41 : i32 to vector<16xi32>
          %add3A_402 = arith.addi %get3A_400, %add3A_401 : vector<16xi32>
          %swap3A_403 = arith.constant 0 : index
          %swap3A_404 = tpu.vector_load %arg12[%swap3A_403] {strides = array<i32>} : memref<80xi32, #tpu.memory_space<vmem>>, vector<16xi32>,
          %swap3A_405 = vector.shape_cast %swap3A_404 : vector<16xi32> to vector<16xi32>
          %swap3A_406 = vector.shape_cast %add3A_402 : vector<16xi32> to vector<16xi32>
          tpu.vector_store %arg12[%swap3A_403], %swap3A_406 {strides = array<i32>} : memref<80xi32, #tpu.memory_space<vmem>>, vector<16xi32>,
          %add3A_407 = arith.constant 16 : i32
          %add3A_408 = arith.addi %mul3A_395, %add3A_407 : i32
          %get3A_409 = arith.index_cast %add3A_408 : i32 to index
          %get3A_410 = tpu.vector_load %arg10[%get3A_409] {strides = array<i32>} : memref<10000xi32, #tpu.memory_space<vmem>>, vector<16xi32>,
          %get3A_411 = vector.shape_cast %get3A_410 : vector<16xi32> to vector<16xi32>
          %add3A_412 = vector.broadcast %mul3A_41 : i32 to vector<16xi32>
          %add3A_413 = arith.addi %get3A_411, %add3A_412 : vector<16xi32>
          %swap3A_414 = arith.constant 16 : index
          %swap3A_415 = tpu.vector_load %arg12[%swap3A_414] {strides = array<i32>} : memref<80xi32, #tpu.memory_space<vmem>>, vector<16xi32>,
          %swap3A_416 = vector.shape_cast %swap3A_415 : vector<16xi32> to vector<16xi32>
          %swap3A_417 = vector.shape_cast %add3A_413 : vector<16xi32> to vector<16xi32>
          tpu.vector_store %arg12[%swap3A_414], %swap3A_417 {strides = array<i32>} : memref<80xi32, #tpu.memory_space<vmem>>, vector<16xi32>,
          %add3A_418 = arith.constant 32 : i32
          %add3A_419 = arith.addi %mul3A_395, %add3A_418 : i32
          %get3A_420 = arith.index_cast %add3A_419 : i32 to index
          %get3A_421 = tpu.vector_load %arg10[%get3A_420] {strides = array<i32>} : memref<10000xi32, #tpu.memory_space<vmem>>, vector<16xi32>,
          %get3A_422 = vector.shape_cast %get3A_421 : vector<16xi32> to vector<16xi32>
          %add3A_423 = vector.broadcast %mul3A_41 : i32 to vector<16xi32>
          %add3A_424 = arith.addi %get3A_422, %add3A_423 : vector<16xi32>
          %swap3A_425 = arith.constant 32 : index
          %swap3A_426 = tpu.vector_load %arg12[%swap3A_425] {strides = array<i32>} : memref<80xi32, #tpu.memory_space<vmem>>, vector<16xi32>,
          %swap3A_427 = vector.shape_cast %swap3A_426 : vector<16xi32> to vector<16xi32>
          %swap3A_428 = vector.shape_cast %add3A_424 : vector<16xi32> to vector<16xi32>
          tpu.vector_store %arg12[%swap3A_425], %swap3A_428 {strides = array<i32>} : memref<80xi32, #tpu.memory_space<vmem>>, vector<16xi32>,
          %add3A_429 = arith.constant 48 : i32
          %add3A_430 = arith.addi %mul3A_395, %add3A_429 : i32
          %get3A_431 = arith.index_cast %add3A_430 : i32 to index
          %get3A_432 = tpu.vector_load %arg10[%get3A_431] {strides = array<i32>} : memref<10000xi32, #tpu.memory_space<vmem>>, vector<16xi32>,
          %get3A_433 = vector.shape_cast %get3A_432 : vector<16xi32> to vector<16xi32>
          %add3A_434 = vector.broadcast %mul3A_41 : i32 to vector<16xi32>
          %add3A_435 = arith.addi %get3A_433, %add3A_434 : vector<16xi32>
          %swap3A_436 = arith.constant 48 : index
          %swap3A_437 = tpu.vector_load %arg12[%swap3A_436] {strides = array<i32>} : memref<80xi32, #tpu.memory_space<vmem>>, vector<16xi32>,
          %swap3A_438 = vector.shape_cast %swap3A_437 : vector<16xi32> to vector<16xi32>
          %swap3A_439 = vector.shape_cast %add3A_435 : vector<16xi32> to vector<16xi32>
          tpu.vector_store %arg12[%swap3A_436], %swap3A_439 {strides = array<i32>} : memref<80xi32, #tpu.memory_space<vmem>>, vector<16xi32>,
          %add3A_440 = arith.constant 64 : i32
          %add3A_441 = arith.addi %mul3A_395, %add3A_440 : i32
          %get3A_442 = arith.index_cast %add3A_441 : i32 to index
          %get3A_443 = tpu.vector_load %arg10[%get3A_442] {strides = array<i32>} : memref<10000xi32, #tpu.memory_space<vmem>>, vector<16xi32>,
          %get3A_444 = vector.shape_cast %get3A_443 : vector<16xi32> to vector<16xi32>
          %add3A_445 = vector.broadcast %mul3A_41 : i32 to vector<16xi32>
          %add3A_446 = arith.addi %get3A_444, %add3A_445 : vector<16xi32>
          %swap3A_447 = arith.constant 64 : index
          %swap3A_448 = tpu.vector_load %arg12[%swap3A_447] {strides = array<i32>} : memref<80xi32, #tpu.memory_space<vmem>>, vector<16xi32>,
          %swap3A_449 = vector.shape_cast %swap3A_448 : vector<16xi32> to vector<16xi32>
          %swap3A_450 = vector.shape_cast %add3A_446 : vector<16xi32> to vector<16xi32>
          tpu.vector_store %arg12[%swap3A_447], %swap3A_450 {strides = array<i32>} : memref<80xi32, #tpu.memory_space<vmem>>, vector<16xi32>,
          %mul3A_451 = arith.constant 10000 : i32
          %mul3A_452 = arith.muli %arg1, %mul3A_451 : i32
          %mul3A_453 = arith.constant 80 : i32
          %mul3A_454 = arith.muli %add3A_393, %mul3A_453 : i32
          %add3A_455 = arith.addi %mul3A_452, %mul3A_454 : i32
          %mul3A_456 = arith.constant 2 : i32
          %mul3A_457 = arith.muli %mul3A_456, %mul3A_39 : i32
          %dma_start3A_458 = arith.constant 0 : i32
          %dma_start3A_459 = arith.constant 0 : i32
          %dma_start3A_460 = tpu.memref_slice %arg2[%dma_start3A_458, %dma_start3A_459] : memref<80000x64xf32, #tpu.memory_space<hbm>> -> memref<80000x64xf32, #tpu.memory_space<hbm>>
          tpu.enqueue_indirect_dma source(%dma_start3A_460 : memref<80000x64xf32, #tpu.memory_space<hbm>>) target(%arg14 : memref<80x64xf32, #tpu.memory_space<vmem>>) offsets(%arg12 : memref<80xi32, #tpu.memory_space<vmem>>) semaphore(%arg25 : memref<!tpu.dma_semaphore, #tpu.memory_space<semaphore_mem>>)
          %dma_start3A_461 = tpu.memref_slice %arg3[%add3A_455, %mul3A_457] : memref<160000x256xf32, #tpu.memory_space<hbm>> -> memref<80x32xf32, #tpu.memory_space<hbm>>
          %dma_start3A_462 = tpu.memref_slice %arg3[%add3A_455, %mul3A_457] : memref<160000x256xf32, #tpu.memory_space<hbm>> -> memref<80x32xf32, #tpu.memory_space<hbm>>
          tpu.enqueue_dma source(%dma_start3A_462 : memref<80x32xf32, #tpu.memory_space<hbm>>) target(%arg16 : memref<80x32xf32, #tpu.memory_space<vmem>>) target_semaphore(%arg25 : memref<!tpu.dma_semaphore, #tpu.memory_space<semaphore_mem>>)
          %dma_start3A_463 = arith.constant 0 : i32
          %dma_start3A_464 = tpu.memref_slice %arg4[%add3A_455, %dma_start3A_463] : memref<160000x16xf32, #tpu.memory_space<hbm>> -> memref<80x16xf32, #tpu.memory_space<hbm>>
          %dma_start3A_465 = arith.constant 0 : i32
          %dma_start3A_466 = tpu.memref_slice %arg4[%add3A_455, %dma_start3A_465] : memref<160000x16xf32, #tpu.memory_space<hbm>> -> memref<80x16xf32, #tpu.memory_space<hbm>>
          tpu.enqueue_dma source(%dma_start3A_466 : memref<80x16xf32, #tpu.memory_space<hbm>>) target(%arg18 : memref<80x16xf32, #tpu.memory_space<vmem>>) target_semaphore(%arg25 : memref<!tpu.dma_semaphore, #tpu.memory_space<semaphore_mem>>)
        } else {
        }
        %broadcast_in_dim3A_234 = arith.constant 0 : i32
        %broadcast_in_dim3A_235 = vector.broadcast %broadcast_in_dim3A_234 : i32 to vector<16x1xi32>
        %add3A_236 = arith.constant 1 : i32
        %add3A_237 = vector.broadcast %add3A_236 : i32 to vector<16x1xi32>
        %add3A_238 = arith.addi %broadcast_in_dim3A_235, %add3A_237 : vector<16x1xi32>
        %add3A_239 = arith.constant 2 : i32
        %add3A_240 = vector.broadcast %add3A_239 : i32 to vector<16x1xi32>
        %add3A_241 = arith.addi %broadcast_in_dim3A_235, %add3A_240 : vector<16x1xi32>
        %parallel_loop3A_242 = arith.constant 0 : i32
        %parallel_loop3A_243 = arith.constant 80 : i32
        %parallel_loop3A_244 = arith.constant 1 : i32
        scf.for %parallel_loop3A_392 = %parallel_loop3A_242 to %parallel_loop3A_243 step %parallel_loop3A_244  : i32 {
          %parallel_loop3A_393 = arith.index_cast %parallel_loop3A_392 : i32 to index
          %parallel_loop3A_394 = arith.constant 0 : index
          %parallel_loop3A_395 = tpu.vector_load %arg17[%parallel_loop3A_393, %parallel_loop3A_394] {strides = array<i32>} : memref<80x16xf32, #tpu.memory_space<vmem>>, vector<1x16xf32>,
          %parallel_loop3A_396 = vector.shape_cast %parallel_loop3A_395 : vector<1x16xf32> to vector<16xf32>
          %parallel_loop3A_397 = vector.shape_cast %broadcast_in_dim3A_235 : vector<16x1xi32> to vector<16xi32>
          %parallel_loop3A_398 = tpu.dynamic_gather %parallel_loop3A_396[%parallel_loop3A_397] in [0] : vector<16xf32>, vector<16xi32> -> vector<16xf32>
          %parallel_loop3A_399 = vector.shape_cast %add3A_238 : vector<16x1xi32> to vector<16xi32>
          %parallel_loop3A_400 = tpu.dynamic_gather %parallel_loop3A_396[%parallel_loop3A_399] in [0] : vector<16xf32>, vector<16xi32> -> vector<16xf32>
          %parallel_loop3A_401 = vector.shape_cast %add3A_241 : vector<16x1xi32> to vector<16xi32>
          %parallel_loop3A_402 = tpu.dynamic_gather %parallel_loop3A_396[%parallel_loop3A_401] in [0] : vector<16xf32>, vector<16xi32> -> vector<16xf32>
          %parallel_loop3A_403 = arith.index_cast %parallel_loop3A_392 : i32 to index
          %parallel_loop3A_404 = arith.constant 0 : index
          %parallel_loop3A_405 = tpu.vector_load %arg13[%parallel_loop3A_403, %parallel_loop3A_404] {strides = array<i32>} : memref<80x64xf32, #tpu.memory_space<vmem>>, vector<1x16xf32>,
          %parallel_loop3A_406 = vector.shape_cast %parallel_loop3A_405 : vector<1x16xf32> to vector<16xf32>
          %parallel_loop3A_407 = arith.index_cast %parallel_loop3A_392 : i32 to index
          %parallel_loop3A_408 = arith.constant 0 : index
          %parallel_loop3A_409 = tpu.vector_load %arg15[%parallel_loop3A_407, %parallel_loop3A_408] {strides = array<i32>} : memref<80x32xf32, #tpu.memory_space<vmem>>, vector<1x16xf32>,
          %parallel_loop3A_410 = vector.shape_cast %parallel_loop3A_409 : vector<1x16xf32> to vector<16xf32>
          %parallel_loop3A_411 = arith.index_cast %parallel_loop3A_392 : i32 to index
          %parallel_loop3A_412 = arith.constant 16 : index
          %parallel_loop3A_413 = tpu.vector_load %arg15[%parallel_loop3A_411, %parallel_loop3A_412] {strides = array<i32>} : memref<80x32xf32, #tpu.memory_space<vmem>>, vector<1x16xf32>,
          %parallel_loop3A_414 = vector.shape_cast %parallel_loop3A_413 : vector<1x16xf32> to vector<16xf32>
          %parallel_loop3A_415 = arith.index_cast %parallel_loop3A_392 : i32 to index
          %parallel_loop3A_416 = arith.constant 16 : index
          %parallel_loop3A_417 = tpu.vector_load %arg13[%parallel_loop3A_415, %parallel_loop3A_416] {strides = array<i32>} : memref<80x64xf32, #tpu.memory_space<vmem>>, vector<1x16xf32>,
          %parallel_loop3A_418 = vector.shape_cast %parallel_loop3A_417 : vector<1x16xf32> to vector<16xf32>
          %parallel_loop3A_419 = arith.index_cast %parallel_loop3A_392 : i32 to index
          %parallel_loop3A_420 = arith.constant 32 : index
          %parallel_loop3A_421 = tpu.vector_load %arg13[%parallel_loop3A_419, %parallel_loop3A_420] {strides = array<i32>} : memref<80x64xf32, #tpu.memory_space<vmem>>, vector<1x16xf32>,
          %parallel_loop3A_422 = vector.shape_cast %parallel_loop3A_421 : vector<1x16xf32> to vector<16xf32>
          %parallel_loop3A_423 = arith.index_cast %parallel_loop3A_392 : i32 to index
          %parallel_loop3A_424 = arith.constant 48 : index
          %parallel_loop3A_425 = tpu.vector_load %arg13[%parallel_loop3A_423, %parallel_loop3A_424] {strides = array<i32>} : memref<80x64xf32, #tpu.memory_space<vmem>>, vector<1x16xf32>,
          %parallel_loop3A_426 = vector.shape_cast %parallel_loop3A_425 : vector<1x16xf32> to vector<16xf32>
          %parallel_loop3A_427 = arith.mulf %parallel_loop3A_418, %parallel_loop3A_398 : vector<16xf32>
          %parallel_loop3A_428 = arith.mulf %parallel_loop3A_422, %parallel_loop3A_400 : vector<16xf32>
          %parallel_loop3A_429 = arith.addf %parallel_loop3A_427, %parallel_loop3A_428 : vector<16xf32>
          %parallel_loop3A_430 = arith.mulf %parallel_loop3A_426, %parallel_loop3A_402 : vector<16xf32>
          %parallel_loop3A_431 = arith.addf %parallel_loop3A_429, %parallel_loop3A_430 : vector<16xf32>
          %parallel_loop3A_432 = arith.mulf %parallel_loop3A_406, %parallel_loop3A_414 : vector<16xf32>
          %parallel_loop3A_433 = arith.mulf %parallel_loop3A_406, %parallel_loop3A_410 : vector<16xf32>
          %parallel_loop3A_434 = arith.mulf %parallel_loop3A_431, %parallel_loop3A_414 : vector<16xf32>
          %parallel_loop3A_435 = arith.addf %parallel_loop3A_433, %parallel_loop3A_434 : vector<16xf32>
          %parallel_loop3A_436 = arith.index_cast %parallel_loop3A_392 : i32 to index
          %parallel_loop3A_437 = arith.constant 0 : index
          %parallel_loop3A_438 = tpu.vector_load %arg19[%parallel_loop3A_436, %parallel_loop3A_437] {strides = array<i32>} : memref<80x64xf32, #tpu.memory_space<vmem>>, vector<1x16xf32>,
          %parallel_loop3A_439 = vector.shape_cast %parallel_loop3A_438 : vector<1x16xf32> to vector<16xf32>
          %parallel_loop3A_440 = vector.shape_cast %parallel_loop3A_435 : vector<16xf32> to vector<1x16xf32>
          tpu.vector_store %arg19[%parallel_loop3A_436, %parallel_loop3A_437], %parallel_loop3A_440 {strides = array<i32>} : memref<80x64xf32, #tpu.memory_space<vmem>>, vector<1x16xf32>,
          %parallel_loop3A_441 = arith.mulf %parallel_loop3A_432, %parallel_loop3A_398 : vector<16xf32>
          %parallel_loop3A_442 = arith.mulf %parallel_loop3A_418, %parallel_loop3A_410 : vector<16xf32>
          %parallel_loop3A_443 = arith.addf %parallel_loop3A_441, %parallel_loop3A_442 : vector<16xf32>
          %parallel_loop3A_444 = arith.index_cast %parallel_loop3A_392 : i32 to index
          %parallel_loop3A_445 = arith.constant 16 : index
          %parallel_loop3A_446 = tpu.vector_load %arg19[%parallel_loop3A_444, %parallel_loop3A_445] {strides = array<i32>} : memref<80x64xf32, #tpu.memory_space<vmem>>, vector<1x16xf32>,
          %parallel_loop3A_447 = vector.shape_cast %parallel_loop3A_446 : vector<1x16xf32> to vector<16xf32>
          %parallel_loop3A_448 = vector.shape_cast %parallel_loop3A_443 : vector<16xf32> to vector<1x16xf32>
          tpu.vector_store %arg19[%parallel_loop3A_444, %parallel_loop3A_445], %parallel_loop3A_448 {strides = array<i32>} : memref<80x64xf32, #tpu.memory_space<vmem>>, vector<1x16xf32>,
          %parallel_loop3A_449 = arith.mulf %parallel_loop3A_432, %parallel_loop3A_400 : vector<16xf32>
          %parallel_loop3A_450 = arith.mulf %parallel_loop3A_422, %parallel_loop3A_410 : vector<16xf32>
          %parallel_loop3A_451 = arith.addf %parallel_loop3A_449, %parallel_loop3A_450 : vector<16xf32>
          %parallel_loop3A_452 = arith.index_cast %parallel_loop3A_392 : i32 to index
          %parallel_loop3A_453 = arith.constant 32 : index
          %parallel_loop3A_454 = tpu.vector_load %arg19[%parallel_loop3A_452, %parallel_loop3A_453] {strides = array<i32>} : memref<80x64xf32, #tpu.memory_space<vmem>>, vector<1x16xf32>,
          %parallel_loop3A_455 = vector.shape_cast %parallel_loop3A_454 : vector<1x16xf32> to vector<16xf32>
          %parallel_loop3A_456 = vector.shape_cast %parallel_loop3A_451 : vector<16xf32> to vector<1x16xf32>
          tpu.vector_store %arg19[%parallel_loop3A_452, %parallel_loop3A_453], %parallel_loop3A_456 {strides = array<i32>} : memref<80x64xf32, #tpu.memory_space<vmem>>, vector<1x16xf32>,
          %parallel_loop3A_457 = arith.mulf %parallel_loop3A_432, %parallel_loop3A_402 : vector<16xf32>
          %parallel_loop3A_458 = arith.mulf %parallel_loop3A_426, %parallel_loop3A_410 : vector<16xf32>
          %parallel_loop3A_459 = arith.addf %parallel_loop3A_457, %parallel_loop3A_458 : vector<16xf32>
          %parallel_loop3A_460 = arith.index_cast %parallel_loop3A_392 : i32 to index
          %parallel_loop3A_461 = arith.constant 48 : index
          %parallel_loop3A_462 = tpu.vector_load %arg19[%parallel_loop3A_460, %parallel_loop3A_461] {strides = array<i32>} : memref<80x64xf32, #tpu.memory_space<vmem>>, vector<1x16xf32>,
          %parallel_loop3A_463 = vector.shape_cast %parallel_loop3A_462 : vector<1x16xf32> to vector<16xf32>
          %parallel_loop3A_464 = vector.shape_cast %parallel_loop3A_459 : vector<16xf32> to vector<1x16xf32>
          tpu.vector_store %arg19[%parallel_loop3A_460, %parallel_loop3A_461], %parallel_loop3A_464 {strides = array<i32>} : memref<80x64xf32, #tpu.memory_space<vmem>>, vector<1x16xf32>,
        } {sc.loop_unroll_factor = 4 : i64, sc.parallel_access}
        %dma_start3A_245 = arith.constant 0 : i32
        %dma_start3A_246 = tpu.memref_slice %arg9[%add3A_211, %dma_start3A_245] : memref<125x80xi32, #tpu.memory_space<vmem>> -> memref<1x80xi32, #tpu.memory_space<vmem>>
        %dma_start3A_247 = tpu.memref_squeeze %dma_start3A_246 : memref<1x80xi32, #tpu.memory_space<vmem>> -> memref<80xi32, #tpu.memory_space<vmem>>
        %dma_start3A_248 = arith.constant 0 : i32
        %dma_start3A_249 = arith.constant 0 : i32
        %dma_start3A_250 = tpu.memref_slice %arg8[%dma_start3A_248, %dma_start3A_249] : memref<10000x64xf32, #tpu.memory_space<vmem_shared>> -> memref<10000x64xf32, #tpu.memory_space<vmem_shared>>
        tpu.enqueue_indirect_dma source(%arg19 : memref<80x64xf32, #tpu.memory_space<vmem>>) target(%dma_start3A_250 : memref<10000x64xf32, #tpu.memory_space<vmem_shared>>) offsets(%dma_start3A_247 : memref<80xi32, #tpu.memory_space<vmem>>) semaphore(%arg26 : memref<!tpu.dma_semaphore, #tpu.memory_space<semaphore_mem>>) {add = true}
        %mul3A_251 = arith.constant 4 : i32
        %mul3A_252 = arith.muli %mul3A_251, %scan3A_207 : i32
        %add3A_253 = arith.constant 1 : i32
        %add3A_254 = arith.addi %mul3A_252, %add3A_253 : i32
        %ge3A_255 = arith.constant 3 : i32
        %ge3A_256 = arith.cmpi sge, %add3A_254, %ge3A_255 : i32
        %convert_element_type3A_257 = arith.extui %ge3A_256 : i1 to i32
        %cond3A_258 = arith.constant 0 : i32
        %cond3A_259 = arith.cmpi ne, %convert_element_type3A_257, %cond3A_258 : i32
        scf.if %cond3A_259 {
          %sub3A = arith.constant 3 : i32
          %sub3A_392 = arith.subi %add3A_254, %sub3A : i32
          %dma_wait3A_393 = arith.constant 0 : i32
          %dma_wait3A_394 = tpu.memref_slice %arg9[%sub3A_392, %dma_wait3A_393] : memref<125x80xi32, #tpu.memory_space<vmem>> -> memref<1x80xi32, #tpu.memory_space<vmem>>
          %dma_wait3A_395 = tpu.memref_squeeze %dma_wait3A_394 : memref<1x80xi32, #tpu.memory_space<vmem>> -> memref<80xi32, #tpu.memory_space<vmem>>
          %dma_wait3A_396 = arith.constant 0 : i32
          %dma_wait3A_397 = arith.constant 0 : i32
          %dma_wait3A_398 = tpu.memref_slice %arg8[%dma_wait3A_396, %dma_wait3A_397] : memref<10000x64xf32, #tpu.memory_space<vmem_shared>> -> memref<10000x64xf32, #tpu.memory_space<vmem_shared>>
          tpu.wait_indirect_dma semaphore(%arg28 : memref<!tpu.dma_semaphore, #tpu.memory_space<semaphore_mem>>) src(%arg21 : memref<80x64xf32, #tpu.memory_space<vmem>>) dst(%dma_wait3A_398 : memref<10000x64xf32, #tpu.memory_space<vmem_shared>>)
        } else {
        }
        %mul3A_260 = arith.constant 10000 : i32
        %mul3A_261 = arith.muli %arg1, %mul3A_260 : i32
        %mul3A_262 = arith.constant 80 : i32
        %mul3A_263 = arith.muli %add3A_254, %mul3A_262 : i32
        %add3A_264 = arith.addi %mul3A_261, %mul3A_263 : i32
        %mul3A_265 = arith.constant 2 : i32
        %mul3A_266 = arith.muli %mul3A_265, %mul3A_39 : i32
        %dma_wait3A_267 = arith.constant 0 : i32
        %dma_wait3A_268 = arith.constant 0 : i32
        %dma_wait3A_269 = tpu.memref_slice %arg2[%dma_wait3A_267, %dma_wait3A_268] : memref<80000x64xf32, #tpu.memory_space<hbm>> -> memref<80000x64xf32, #tpu.memory_space<hbm>>
        tpu.wait_indirect_dma semaphore(%arg25 : memref<!tpu.dma_semaphore, #tpu.memory_space<semaphore_mem>>) src(%dma_wait3A_269 : memref<80000x64xf32, #tpu.memory_space<hbm>>) dst(%arg14 : memref<80x64xf32, #tpu.memory_space<vmem>>)
        %dma_wait3A_270 = tpu.memref_slice %arg3[%add3A_264, %mul3A_266] : memref<160000x256xf32, #tpu.memory_space<hbm>> -> memref<80x32xf32, #tpu.memory_space<hbm>>
        %dma_wait3A_271 = tpu.memref_slice %arg3[%add3A_264, %mul3A_266] : memref<160000x256xf32, #tpu.memory_space<hbm>> -> memref<80x32xf32, #tpu.memory_space<hbm>>
        tpu.wait_dma2 semaphore(%arg25 : memref<!tpu.dma_semaphore, #tpu.memory_space<semaphore_mem>>) src(%dma_wait3A_271 : memref<80x32xf32, #tpu.memory_space<hbm>>) dst(%arg16 : memref<80x32xf32, #tpu.memory_space<vmem>>)
        %dma_wait3A_272 = arith.constant 0 : i32
        %dma_wait3A_273 = tpu.memref_slice %arg4[%add3A_264, %dma_wait3A_272] : memref<160000x16xf32, #tpu.memory_space<hbm>> -> memref<80x16xf32, #tpu.memory_space<hbm>>
        %dma_wait3A_274 = arith.constant 0 : i32
        %dma_wait3A_275 = tpu.memref_slice %arg4[%add3A_264, %dma_wait3A_274] : memref<160000x16xf32, #tpu.memory_space<hbm>> -> memref<80x16xf32, #tpu.memory_space<hbm>>
        tpu.wait_dma2 semaphore(%arg25 : memref<!tpu.dma_semaphore, #tpu.memory_space<semaphore_mem>>) src(%dma_wait3A_275 : memref<80x16xf32, #tpu.memory_space<hbm>>) dst(%arg18 : memref<80x16xf32, #tpu.memory_space<vmem>>)
        %le3A_276 = arith.constant 123 : i32
        %le3A_277 = arith.cmpi sle, %add3A_254, %le3A_276 : i32
        %convert_element_type3A_278 = arith.extui %le3A_277 : i1 to i32
        %cond3A_279 = arith.constant 0 : i32
        %cond3A_280 = arith.cmpi ne, %convert_element_type3A_278, %cond3A_279 : i32
        scf.if %cond3A_280 {
          %add3A_392 = arith.constant 1 : i32
          %add3A_393 = arith.addi %add3A_254, %add3A_392 : i32
          %mul3A_394 = arith.constant 80 : i32
          %mul3A_395 = arith.muli %add3A_393, %mul3A_394 : i32
          %add3A_396 = arith.constant 0 : i32
          %add3A_397 = arith.addi %mul3A_395, %add3A_396 : i32
          %get3A_398 = arith.index_cast %add3A_397 : i32 to index
          %get3A_399 = tpu.vector_load %arg10[%get3A_398] {strides = array<i32>} : memref<10000xi32, #tpu.memory_space<vmem>>, vector<16xi32>,
          %get3A_400 = vector.shape_cast %get3A_399 : vector<16xi32> to vector<16xi32>
          %add3A_401 = vector.broadcast %mul3A_41 : i32 to vector<16xi32>
          %add3A_402 = arith.addi %get3A_400, %add3A_401 : vector<16xi32>
          %swap3A_403 = arith.constant 0 : index
          %swap3A_404 = tpu.vector_load %arg11[%swap3A_403] {strides = array<i32>} : memref<80xi32, #tpu.memory_space<vmem>>, vector<16xi32>,
          %swap3A_405 = vector.shape_cast %swap3A_404 : vector<16xi32> to vector<16xi32>
          %swap3A_406 = vector.shape_cast %add3A_402 : vector<16xi32> to vector<16xi32>
          tpu.vector_store %arg11[%swap3A_403], %swap3A_406 {strides = array<i32>} : memref<80xi32, #tpu.memory_space<vmem>>, vector<16xi32>,
          %add3A_407 = arith.constant 16 : i32
          %add3A_408 = arith.addi %mul3A_395, %add3A_407 : i32
          %get3A_409 = arith.index_cast %add3A_408 : i32 to index
          %get3A_410 = tpu.vector_load %arg10[%get3A_409] {strides = array<i32>} : memref<10000xi32, #tpu.memory_space<vmem>>, vector<16xi32>,
          %get3A_411 = vector.shape_cast %get3A_410 : vector<16xi32> to vector<16xi32>
          %add3A_412 = vector.broadcast %mul3A_41 : i32 to vector<16xi32>
          %add3A_413 = arith.addi %get3A_411, %add3A_412 : vector<16xi32>
          %swap3A_414 = arith.constant 16 : index
          %swap3A_415 = tpu.vector_load %arg11[%swap3A_414] {strides = array<i32>} : memref<80xi32, #tpu.memory_space<vmem>>, vector<16xi32>,
          %swap3A_416 = vector.shape_cast %swap3A_415 : vector<16xi32> to vector<16xi32>
          %swap3A_417 = vector.shape_cast %add3A_413 : vector<16xi32> to vector<16xi32>
          tpu.vector_store %arg11[%swap3A_414], %swap3A_417 {strides = array<i32>} : memref<80xi32, #tpu.memory_space<vmem>>, vector<16xi32>,
          %add3A_418 = arith.constant 32 : i32
          %add3A_419 = arith.addi %mul3A_395, %add3A_418 : i32
          %get3A_420 = arith.index_cast %add3A_419 : i32 to index
          %get3A_421 = tpu.vector_load %arg10[%get3A_420] {strides = array<i32>} : memref<10000xi32, #tpu.memory_space<vmem>>, vector<16xi32>,
          %get3A_422 = vector.shape_cast %get3A_421 : vector<16xi32> to vector<16xi32>
          %add3A_423 = vector.broadcast %mul3A_41 : i32 to vector<16xi32>
          %add3A_424 = arith.addi %get3A_422, %add3A_423 : vector<16xi32>
          %swap3A_425 = arith.constant 32 : index
          %swap3A_426 = tpu.vector_load %arg11[%swap3A_425] {strides = array<i32>} : memref<80xi32, #tpu.memory_space<vmem>>, vector<16xi32>,
          %swap3A_427 = vector.shape_cast %swap3A_426 : vector<16xi32> to vector<16xi32>
          %swap3A_428 = vector.shape_cast %add3A_424 : vector<16xi32> to vector<16xi32>
          tpu.vector_store %arg11[%swap3A_425], %swap3A_428 {strides = array<i32>} : memref<80xi32, #tpu.memory_space<vmem>>, vector<16xi32>,
          %add3A_429 = arith.constant 48 : i32
          %add3A_430 = arith.addi %mul3A_395, %add3A_429 : i32
          %get3A_431 = arith.index_cast %add3A_430 : i32 to index
          %get3A_432 = tpu.vector_load %arg10[%get3A_431] {strides = array<i32>} : memref<10000xi32, #tpu.memory_space<vmem>>, vector<16xi32>,
          %get3A_433 = vector.shape_cast %get3A_432 : vector<16xi32> to vector<16xi32>
          %add3A_434 = vector.broadcast %mul3A_41 : i32 to vector<16xi32>
          %add3A_435 = arith.addi %get3A_433, %add3A_434 : vector<16xi32>
          %swap3A_436 = arith.constant 48 : index
          %swap3A_437 = tpu.vector_load %arg11[%swap3A_436] {strides = array<i32>} : memref<80xi32, #tpu.memory_space<vmem>>, vector<16xi32>,
          %swap3A_438 = vector.shape_cast %swap3A_437 : vector<16xi32> to vector<16xi32>
          %swap3A_439 = vector.shape_cast %add3A_435 : vector<16xi32> to vector<16xi32>
          tpu.vector_store %arg11[%swap3A_436], %swap3A_439 {strides = array<i32>} : memref<80xi32, #tpu.memory_space<vmem>>, vector<16xi32>,
          %add3A_440 = arith.constant 64 : i32
          %add3A_441 = arith.addi %mul3A_395, %add3A_440 : i32
          %get3A_442 = arith.index_cast %add3A_441 : i32 to index
          %get3A_443 = tpu.vector_load %arg10[%get3A_442] {strides = array<i32>} : memref<10000xi32, #tpu.memory_space<vmem>>, vector<16xi32>,
          %get3A_444 = vector.shape_cast %get3A_443 : vector<16xi32> to vector<16xi32>
          %add3A_445 = vector.broadcast %mul3A_41 : i32 to vector<16xi32>
          %add3A_446 = arith.addi %get3A_444, %add3A_445 : vector<16xi32>
          %swap3A_447 = arith.constant 64 : index
          %swap3A_448 = tpu.vector_load %arg11[%swap3A_447] {strides = array<i32>} : memref<80xi32, #tpu.memory_space<vmem>>, vector<16xi32>,
          %swap3A_449 = vector.shape_cast %swap3A_448 : vector<16xi32> to vector<16xi32>
          %swap3A_450 = vector.shape_cast %add3A_446 : vector<16xi32> to vector<16xi32>
          tpu.vector_store %arg11[%swap3A_447], %swap3A_450 {strides = array<i32>} : memref<80xi32, #tpu.memory_space<vmem>>, vector<16xi32>,
          %mul3A_451 = arith.constant 10000 : i32
          %mul3A_452 = arith.muli %arg1, %mul3A_451 : i32
          %mul3A_453 = arith.constant 80 : i32
          %mul3A_454 = arith.muli %add3A_393, %mul3A_453 : i32
          %add3A_455 = arith.addi %mul3A_452, %mul3A_454 : i32
          %mul3A_456 = arith.constant 2 : i32
          %mul3A_457 = arith.muli %mul3A_456, %mul3A_39 : i32
          %dma_start3A_458 = arith.constant 0 : i32
          %dma_start3A_459 = arith.constant 0 : i32
          %dma_start3A_460 = tpu.memref_slice %arg2[%dma_start3A_458, %dma_start3A_459] : memref<80000x64xf32, #tpu.memory_space<hbm>> -> memref<80000x64xf32, #tpu.memory_space<hbm>>
          tpu.enqueue_indirect_dma source(%dma_start3A_460 : memref<80000x64xf32, #tpu.memory_space<hbm>>) target(%arg13 : memref<80x64xf32, #tpu.memory_space<vmem>>) offsets(%arg11 : memref<80xi32, #tpu.memory_space<vmem>>) semaphore(%arg24 : memref<!tpu.dma_semaphore, #tpu.memory_space<semaphore_mem>>)
          %dma_start3A_461 = tpu.memref_slice %arg3[%add3A_455, %mul3A_457] : memref<160000x256xf32, #tpu.memory_space<hbm>> -> memref<80x32xf32, #tpu.memory_space<hbm>>
          %dma_start3A_462 = tpu.memref_slice %arg3[%add3A_455, %mul3A_457] : memref<160000x256xf32, #tpu.memory_space<hbm>> -> memref<80x32xf32, #tpu.memory_space<hbm>>
          tpu.enqueue_dma source(%dma_start3A_462 : memref<80x32xf32, #tpu.memory_space<hbm>>) target(%arg15 : memref<80x32xf32, #tpu.memory_space<vmem>>) target_semaphore(%arg24 : memref<!tpu.dma_semaphore, #tpu.memory_space<semaphore_mem>>)
          %dma_start3A_463 = arith.constant 0 : i32
          %dma_start3A_464 = tpu.memref_slice %arg4[%add3A_455, %dma_start3A_463] : memref<160000x16xf32, #tpu.memory_space<hbm>> -> memref<80x16xf32, #tpu.memory_space<hbm>>
          %dma_start3A_465 = arith.constant 0 : i32
          %dma_start3A_466 = tpu.memref_slice %arg4[%add3A_455, %dma_start3A_465] : memref<160000x16xf32, #tpu.memory_space<hbm>> -> memref<80x16xf32, #tpu.memory_space<hbm>>
          tpu.enqueue_dma source(%dma_start3A_466 : memref<80x16xf32, #tpu.memory_space<hbm>>) target(%arg17 : memref<80x16xf32, #tpu.memory_space<vmem>>) target_semaphore(%arg24 : memref<!tpu.dma_semaphore, #tpu.memory_space<semaphore_mem>>)
        } else {
        }
        %broadcast_in_dim3A_281 = arith.constant 0 : i32
        %broadcast_in_dim3A_282 = vector.broadcast %broadcast_in_dim3A_281 : i32 to vector<16x1xi32>
        %add3A_283 = arith.constant 1 : i32
        %add3A_284 = vector.broadcast %add3A_283 : i32 to vector<16x1xi32>
        %add3A_285 = arith.addi %broadcast_in_dim3A_282, %add3A_284 : vector<16x1xi32>
        %add3A_286 = arith.constant 2 : i32
        %add3A_287 = vector.broadcast %add3A_286 : i32 to vector<16x1xi32>
        %add3A_288 = arith.addi %broadcast_in_dim3A_282, %add3A_287 : vector<16x1xi32>
        %parallel_loop3A_289 = arith.constant 0 : i32
        %parallel_loop3A_290 = arith.constant 80 : i32
        %parallel_loop3A_291 = arith.constant 1 : i32
        scf.for %parallel_loop3A_392 = %parallel_loop3A_289 to %parallel_loop3A_290 step %parallel_loop3A_291  : i32 {
          %parallel_loop3A_393 = arith.index_cast %parallel_loop3A_392 : i32 to index
          %parallel_loop3A_394 = arith.constant 0 : index
          %parallel_loop3A_395 = tpu.vector_load %arg18[%parallel_loop3A_393, %parallel_loop3A_394] {strides = array<i32>} : memref<80x16xf32, #tpu.memory_space<vmem>>, vector<1x16xf32>,
          %parallel_loop3A_396 = vector.shape_cast %parallel_loop3A_395 : vector<1x16xf32> to vector<16xf32>
          %parallel_loop3A_397 = vector.shape_cast %broadcast_in_dim3A_282 : vector<16x1xi32> to vector<16xi32>
          %parallel_loop3A_398 = tpu.dynamic_gather %parallel_loop3A_396[%parallel_loop3A_397] in [0] : vector<16xf32>, vector<16xi32> -> vector<16xf32>
          %parallel_loop3A_399 = vector.shape_cast %add3A_285 : vector<16x1xi32> to vector<16xi32>
          %parallel_loop3A_400 = tpu.dynamic_gather %parallel_loop3A_396[%parallel_loop3A_399] in [0] : vector<16xf32>, vector<16xi32> -> vector<16xf32>
          %parallel_loop3A_401 = vector.shape_cast %add3A_288 : vector<16x1xi32> to vector<16xi32>
          %parallel_loop3A_402 = tpu.dynamic_gather %parallel_loop3A_396[%parallel_loop3A_401] in [0] : vector<16xf32>, vector<16xi32> -> vector<16xf32>
          %parallel_loop3A_403 = arith.index_cast %parallel_loop3A_392 : i32 to index
          %parallel_loop3A_404 = arith.constant 0 : index
          %parallel_loop3A_405 = tpu.vector_load %arg14[%parallel_loop3A_403, %parallel_loop3A_404] {strides = array<i32>} : memref<80x64xf32, #tpu.memory_space<vmem>>, vector<1x16xf32>,
          %parallel_loop3A_406 = vector.shape_cast %parallel_loop3A_405 : vector<1x16xf32> to vector<16xf32>
          %parallel_loop3A_407 = arith.index_cast %parallel_loop3A_392 : i32 to index
          %parallel_loop3A_408 = arith.constant 0 : index
          %parallel_loop3A_409 = tpu.vector_load %arg16[%parallel_loop3A_407, %parallel_loop3A_408] {strides = array<i32>} : memref<80x32xf32, #tpu.memory_space<vmem>>, vector<1x16xf32>,
          %parallel_loop3A_410 = vector.shape_cast %parallel_loop3A_409 : vector<1x16xf32> to vector<16xf32>
          %parallel_loop3A_411 = arith.index_cast %parallel_loop3A_392 : i32 to index
          %parallel_loop3A_412 = arith.constant 16 : index
          %parallel_loop3A_413 = tpu.vector_load %arg16[%parallel_loop3A_411, %parallel_loop3A_412] {strides = array<i32>} : memref<80x32xf32, #tpu.memory_space<vmem>>, vector<1x16xf32>,
          %parallel_loop3A_414 = vector.shape_cast %parallel_loop3A_413 : vector<1x16xf32> to vector<16xf32>
          %parallel_loop3A_415 = arith.index_cast %parallel_loop3A_392 : i32 to index
          %parallel_loop3A_416 = arith.constant 16 : index
          %parallel_loop3A_417 = tpu.vector_load %arg14[%parallel_loop3A_415, %parallel_loop3A_416] {strides = array<i32>} : memref<80x64xf32, #tpu.memory_space<vmem>>, vector<1x16xf32>,
          %parallel_loop3A_418 = vector.shape_cast %parallel_loop3A_417 : vector<1x16xf32> to vector<16xf32>
          %parallel_loop3A_419 = arith.index_cast %parallel_loop3A_392 : i32 to index
          %parallel_loop3A_420 = arith.constant 32 : index
          %parallel_loop3A_421 = tpu.vector_load %arg14[%parallel_loop3A_419, %parallel_loop3A_420] {strides = array<i32>} : memref<80x64xf32, #tpu.memory_space<vmem>>, vector<1x16xf32>,
          %parallel_loop3A_422 = vector.shape_cast %parallel_loop3A_421 : vector<1x16xf32> to vector<16xf32>
          %parallel_loop3A_423 = arith.index_cast %parallel_loop3A_392 : i32 to index
          %parallel_loop3A_424 = arith.constant 48 : index
          %parallel_loop3A_425 = tpu.vector_load %arg14[%parallel_loop3A_423, %parallel_loop3A_424] {strides = array<i32>} : memref<80x64xf32, #tpu.memory_space<vmem>>, vector<1x16xf32>,
          %parallel_loop3A_426 = vector.shape_cast %parallel_loop3A_425 : vector<1x16xf32> to vector<16xf32>
          %parallel_loop3A_427 = arith.mulf %parallel_loop3A_418, %parallel_loop3A_398 : vector<16xf32>
          %parallel_loop3A_428 = arith.mulf %parallel_loop3A_422, %parallel_loop3A_400 : vector<16xf32>
          %parallel_loop3A_429 = arith.addf %parallel_loop3A_427, %parallel_loop3A_428 : vector<16xf32>
          %parallel_loop3A_430 = arith.mulf %parallel_loop3A_426, %parallel_loop3A_402 : vector<16xf32>
          %parallel_loop3A_431 = arith.addf %parallel_loop3A_429, %parallel_loop3A_430 : vector<16xf32>
          %parallel_loop3A_432 = arith.mulf %parallel_loop3A_406, %parallel_loop3A_414 : vector<16xf32>
          %parallel_loop3A_433 = arith.mulf %parallel_loop3A_406, %parallel_loop3A_410 : vector<16xf32>
          %parallel_loop3A_434 = arith.mulf %parallel_loop3A_431, %parallel_loop3A_414 : vector<16xf32>
          %parallel_loop3A_435 = arith.addf %parallel_loop3A_433, %parallel_loop3A_434 : vector<16xf32>
          %parallel_loop3A_436 = arith.index_cast %parallel_loop3A_392 : i32 to index
          %parallel_loop3A_437 = arith.constant 0 : index
          %parallel_loop3A_438 = tpu.vector_load %arg20[%parallel_loop3A_436, %parallel_loop3A_437] {strides = array<i32>} : memref<80x64xf32, #tpu.memory_space<vmem>>, vector<1x16xf32>,
          %parallel_loop3A_439 = vector.shape_cast %parallel_loop3A_438 : vector<1x16xf32> to vector<16xf32>
          %parallel_loop3A_440 = vector.shape_cast %parallel_loop3A_435 : vector<16xf32> to vector<1x16xf32>
          tpu.vector_store %arg20[%parallel_loop3A_436, %parallel_loop3A_437], %parallel_loop3A_440 {strides = array<i32>} : memref<80x64xf32, #tpu.memory_space<vmem>>, vector<1x16xf32>,
          %parallel_loop3A_441 = arith.mulf %parallel_loop3A_432, %parallel_loop3A_398 : vector<16xf32>
          %parallel_loop3A_442 = arith.mulf %parallel_loop3A_418, %parallel_loop3A_410 : vector<16xf32>
          %parallel_loop3A_443 = arith.addf %parallel_loop3A_441, %parallel_loop3A_442 : vector<16xf32>
          %parallel_loop3A_444 = arith.index_cast %parallel_loop3A_392 : i32 to index
          %parallel_loop3A_445 = arith.constant 16 : index
          %parallel_loop3A_446 = tpu.vector_load %arg20[%parallel_loop3A_444, %parallel_loop3A_445] {strides = array<i32>} : memref<80x64xf32, #tpu.memory_space<vmem>>, vector<1x16xf32>,
          %parallel_loop3A_447 = vector.shape_cast %parallel_loop3A_446 : vector<1x16xf32> to vector<16xf32>
          %parallel_loop3A_448 = vector.shape_cast %parallel_loop3A_443 : vector<16xf32> to vector<1x16xf32>
          tpu.vector_store %arg20[%parallel_loop3A_444, %parallel_loop3A_445], %parallel_loop3A_448 {strides = array<i32>} : memref<80x64xf32, #tpu.memory_space<vmem>>, vector<1x16xf32>,
          %parallel_loop3A_449 = arith.mulf %parallel_loop3A_432, %parallel_loop3A_400 : vector<16xf32>
          %parallel_loop3A_450 = arith.mulf %parallel_loop3A_422, %parallel_loop3A_410 : vector<16xf32>
          %parallel_loop3A_451 = arith.addf %parallel_loop3A_449, %parallel_loop3A_450 : vector<16xf32>
          %parallel_loop3A_452 = arith.index_cast %parallel_loop3A_392 : i32 to index
          %parallel_loop3A_453 = arith.constant 32 : index
          %parallel_loop3A_454 = tpu.vector_load %arg20[%parallel_loop3A_452, %parallel_loop3A_453] {strides = array<i32>} : memref<80x64xf32, #tpu.memory_space<vmem>>, vector<1x16xf32>,
          %parallel_loop3A_455 = vector.shape_cast %parallel_loop3A_454 : vector<1x16xf32> to vector<16xf32>
          %parallel_loop3A_456 = vector.shape_cast %parallel_loop3A_451 : vector<16xf32> to vector<1x16xf32>
          tpu.vector_store %arg20[%parallel_loop3A_452, %parallel_loop3A_453], %parallel_loop3A_456 {strides = array<i32>} : memref<80x64xf32, #tpu.memory_space<vmem>>, vector<1x16xf32>,
          %parallel_loop3A_457 = arith.mulf %parallel_loop3A_432, %parallel_loop3A_402 : vector<16xf32>
          %parallel_loop3A_458 = arith.mulf %parallel_loop3A_426, %parallel_loop3A_410 : vector<16xf32>
          %parallel_loop3A_459 = arith.addf %parallel_loop3A_457, %parallel_loop3A_458 : vector<16xf32>
          %parallel_loop3A_460 = arith.index_cast %parallel_loop3A_392 : i32 to index
          %parallel_loop3A_461 = arith.constant 48 : index
          %parallel_loop3A_462 = tpu.vector_load %arg20[%parallel_loop3A_460, %parallel_loop3A_461] {strides = array<i32>} : memref<80x64xf32, #tpu.memory_space<vmem>>, vector<1x16xf32>,
          %parallel_loop3A_463 = vector.shape_cast %parallel_loop3A_462 : vector<1x16xf32> to vector<16xf32>
          %parallel_loop3A_464 = vector.shape_cast %parallel_loop3A_459 : vector<16xf32> to vector<1x16xf32>
          tpu.vector_store %arg20[%parallel_loop3A_460, %parallel_loop3A_461], %parallel_loop3A_464 {strides = array<i32>} : memref<80x64xf32, #tpu.memory_space<vmem>>, vector<1x16xf32>,
        } {sc.loop_unroll_factor = 4 : i64, sc.parallel_access}
        %dma_start3A_292 = arith.constant 0 : i32
        %dma_start3A_293 = tpu.memref_slice %arg9[%add3A_254, %dma_start3A_292] : memref<125x80xi32, #tpu.memory_space<vmem>> -> memref<1x80xi32, #tpu.memory_space<vmem>>
        %dma_start3A_294 = tpu.memref_squeeze %dma_start3A_293 : memref<1x80xi32, #tpu.memory_space<vmem>> -> memref<80xi32, #tpu.memory_space<vmem>>
        %dma_start3A_295 = arith.constant 0 : i32
        %dma_start3A_296 = arith.constant 0 : i32
        %dma_start3A_297 = tpu.memref_slice %arg8[%dma_start3A_295, %dma_start3A_296] : memref<10000x64xf32, #tpu.memory_space<vmem_shared>> -> memref<10000x64xf32, #tpu.memory_space<vmem_shared>>
        tpu.enqueue_indirect_dma source(%arg20 : memref<80x64xf32, #tpu.memory_space<vmem>>) target(%dma_start3A_297 : memref<10000x64xf32, #tpu.memory_space<vmem_shared>>) offsets(%dma_start3A_294 : memref<80xi32, #tpu.memory_space<vmem>>) semaphore(%arg27 : memref<!tpu.dma_semaphore, #tpu.memory_space<semaphore_mem>>) {add = true}
        %mul3A_298 = arith.constant 4 : i32
        %mul3A_299 = arith.muli %mul3A_298, %scan3A_207 : i32
        %add3A_300 = arith.constant 2 : i32
        %add3A_301 = arith.addi %mul3A_299, %add3A_300 : i32
        %ge3A_302 = arith.constant 3 : i32
        %ge3A_303 = arith.cmpi sge, %add3A_301, %ge3A_302 : i32
        %convert_element_type3A_304 = arith.extui %ge3A_303 : i1 to i32
        %cond3A_305 = arith.constant 0 : i32
        %cond3A_306 = arith.cmpi ne, %convert_element_type3A_304, %cond3A_305 : i32
        scf.if %cond3A_306 {
          %sub3A = arith.constant 3 : i32
          %sub3A_392 = arith.subi %add3A_301, %sub3A : i32
          %dma_wait3A_393 = arith.constant 0 : i32
          %dma_wait3A_394 = tpu.memref_slice %arg9[%sub3A_392, %dma_wait3A_393] : memref<125x80xi32, #tpu.memory_space<vmem>> -> memref<1x80xi32, #tpu.memory_space<vmem>>
          %dma_wait3A_395 = tpu.memref_squeeze %dma_wait3A_394 : memref<1x80xi32, #tpu.memory_space<vmem>> -> memref<80xi32, #tpu.memory_space<vmem>>
          %dma_wait3A_396 = arith.constant 0 : i32
          %dma_wait3A_397 = arith.constant 0 : i32
          %dma_wait3A_398 = tpu.memref_slice %arg8[%dma_wait3A_396, %dma_wait3A_397] : memref<10000x64xf32, #tpu.memory_space<vmem_shared>> -> memref<10000x64xf32, #tpu.memory_space<vmem_shared>>
          tpu.wait_indirect_dma semaphore(%arg29 : memref<!tpu.dma_semaphore, #tpu.memory_space<semaphore_mem>>) src(%arg22 : memref<80x64xf32, #tpu.memory_space<vmem>>) dst(%dma_wait3A_398 : memref<10000x64xf32, #tpu.memory_space<vmem_shared>>)
        } else {
        }
        %mul3A_307 = arith.constant 10000 : i32
        %mul3A_308 = arith.muli %arg1, %mul3A_307 : i32
        %mul3A_309 = arith.constant 80 : i32
        %mul3A_310 = arith.muli %add3A_301, %mul3A_309 : i32
        %add3A_311 = arith.addi %mul3A_308, %mul3A_310 : i32
        %mul3A_312 = arith.constant 2 : i32
        %mul3A_313 = arith.muli %mul3A_312, %mul3A_39 : i32
        %dma_wait3A_314 = arith.constant 0 : i32
        %dma_wait3A_315 = arith.constant 0 : i32
        %dma_wait3A_316 = tpu.memref_slice %arg2[%dma_wait3A_314, %dma_wait3A_315] : memref<80000x64xf32, #tpu.memory_space<hbm>> -> memref<80000x64xf32, #tpu.memory_space<hbm>>
        tpu.wait_indirect_dma semaphore(%arg24 : memref<!tpu.dma_semaphore, #tpu.memory_space<semaphore_mem>>) src(%dma_wait3A_316 : memref<80000x64xf32, #tpu.memory_space<hbm>>) dst(%arg13 : memref<80x64xf32, #tpu.memory_space<vmem>>)
        %dma_wait3A_317 = tpu.memref_slice %arg3[%add3A_311, %mul3A_313] : memref<160000x256xf32, #tpu.memory_space<hbm>> -> memref<80x32xf32, #tpu.memory_space<hbm>>
        %dma_wait3A_318 = tpu.memref_slice %arg3[%add3A_311, %mul3A_313] : memref<160000x256xf32, #tpu.memory_space<hbm>> -> memref<80x32xf32, #tpu.memory_space<hbm>>
        tpu.wait_dma2 semaphore(%arg24 : memref<!tpu.dma_semaphore, #tpu.memory_space<semaphore_mem>>) src(%dma_wait3A_318 : memref<80x32xf32, #tpu.memory_space<hbm>>) dst(%arg15 : memref<80x32xf32, #tpu.memory_space<vmem>>)
        %dma_wait3A_319 = arith.constant 0 : i32
        %dma_wait3A_320 = tpu.memref_slice %arg4[%add3A_311, %dma_wait3A_319] : memref<160000x16xf32, #tpu.memory_space<hbm>> -> memref<80x16xf32, #tpu.memory_space<hbm>>
        %dma_wait3A_321 = arith.constant 0 : i32
        %dma_wait3A_322 = tpu.memref_slice %arg4[%add3A_311, %dma_wait3A_321] : memref<160000x16xf32, #tpu.memory_space<hbm>> -> memref<80x16xf32, #tpu.memory_space<hbm>>
        tpu.wait_dma2 semaphore(%arg24 : memref<!tpu.dma_semaphore, #tpu.memory_space<semaphore_mem>>) src(%dma_wait3A_322 : memref<80x16xf32, #tpu.memory_space<hbm>>) dst(%arg17 : memref<80x16xf32, #tpu.memory_space<vmem>>)
        %le3A_323 = arith.constant 123 : i32
        %le3A_324 = arith.cmpi sle, %add3A_301, %le3A_323 : i32
        %convert_element_type3A_325 = arith.extui %le3A_324 : i1 to i32
        %cond3A_326 = arith.constant 0 : i32
        %cond3A_327 = arith.cmpi ne, %convert_element_type3A_325, %cond3A_326 : i32
        scf.if %cond3A_327 {
          %add3A_392 = arith.constant 1 : i32
          %add3A_393 = arith.addi %add3A_301, %add3A_392 : i32
          %mul3A_394 = arith.constant 80 : i32
          %mul3A_395 = arith.muli %add3A_393, %mul3A_394 : i32
          %add3A_396 = arith.constant 0 : i32
          %add3A_397 = arith.addi %mul3A_395, %add3A_396 : i32
          %get3A_398 = arith.index_cast %add3A_397 : i32 to index
          %get3A_399 = tpu.vector_load %arg10[%get3A_398] {strides = array<i32>} : memref<10000xi32, #tpu.memory_space<vmem>>, vector<16xi32>,
          %get3A_400 = vector.shape_cast %get3A_399 : vector<16xi32> to vector<16xi32>
          %add3A_401 = vector.broadcast %mul3A_41 : i32 to vector<16xi32>
          %add3A_402 = arith.addi %get3A_400, %add3A_401 : vector<16xi32>
          %swap3A_403 = arith.constant 0 : index
          %swap3A_404 = tpu.vector_load %arg12[%swap3A_403] {strides = array<i32>} : memref<80xi32, #tpu.memory_space<vmem>>, vector<16xi32>,
          %swap3A_405 = vector.shape_cast %swap3A_404 : vector<16xi32> to vector<16xi32>
          %swap3A_406 = vector.shape_cast %add3A_402 : vector<16xi32> to vector<16xi32>
          tpu.vector_store %arg12[%swap3A_403], %swap3A_406 {strides = array<i32>} : memref<80xi32, #tpu.memory_space<vmem>>, vector<16xi32>,
          %add3A_407 = arith.constant 16 : i32
          %add3A_408 = arith.addi %mul3A_395, %add3A_407 : i32
          %get3A_409 = arith.index_cast %add3A_408 : i32 to index
          %get3A_410 = tpu.vector_load %arg10[%get3A_409] {strides = array<i32>} : memref<10000xi32, #tpu.memory_space<vmem>>, vector<16xi32>,
          %get3A_411 = vector.shape_cast %get3A_410 : vector<16xi32> to vector<16xi32>
          %add3A_412 = vector.broadcast %mul3A_41 : i32 to vector<16xi32>
          %add3A_413 = arith.addi %get3A_411, %add3A_412 : vector<16xi32>
          %swap3A_414 = arith.constant 16 : index
          %swap3A_415 = tpu.vector_load %arg12[%swap3A_414] {strides = array<i32>} : memref<80xi32, #tpu.memory_space<vmem>>, vector<16xi32>,
          %swap3A_416 = vector.shape_cast %swap3A_415 : vector<16xi32> to vector<16xi32>
          %swap3A_417 = vector.shape_cast %add3A_413 : vector<16xi32> to vector<16xi32>
          tpu.vector_store %arg12[%swap3A_414], %swap3A_417 {strides = array<i32>} : memref<80xi32, #tpu.memory_space<vmem>>, vector<16xi32>,
          %add3A_418 = arith.constant 32 : i32
          %add3A_419 = arith.addi %mul3A_395, %add3A_418 : i32
          %get3A_420 = arith.index_cast %add3A_419 : i32 to index
          %get3A_421 = tpu.vector_load %arg10[%get3A_420] {strides = array<i32>} : memref<10000xi32, #tpu.memory_space<vmem>>, vector<16xi32>,
          %get3A_422 = vector.shape_cast %get3A_421 : vector<16xi32> to vector<16xi32>
          %add3A_423 = vector.broadcast %mul3A_41 : i32 to vector<16xi32>
          %add3A_424 = arith.addi %get3A_422, %add3A_423 : vector<16xi32>
          %swap3A_425 = arith.constant 32 : index
          %swap3A_426 = tpu.vector_load %arg12[%swap3A_425] {strides = array<i32>} : memref<80xi32, #tpu.memory_space<vmem>>, vector<16xi32>,
          %swap3A_427 = vector.shape_cast %swap3A_426 : vector<16xi32> to vector<16xi32>
          %swap3A_428 = vector.shape_cast %add3A_424 : vector<16xi32> to vector<16xi32>
          tpu.vector_store %arg12[%swap3A_425], %swap3A_428 {strides = array<i32>} : memref<80xi32, #tpu.memory_space<vmem>>, vector<16xi32>,
          %add3A_429 = arith.constant 48 : i32
          %add3A_430 = arith.addi %mul3A_395, %add3A_429 : i32
          %get3A_431 = arith.index_cast %add3A_430 : i32 to index
          %get3A_432 = tpu.vector_load %arg10[%get3A_431] {strides = array<i32>} : memref<10000xi32, #tpu.memory_space<vmem>>, vector<16xi32>,
          %get3A_433 = vector.shape_cast %get3A_432 : vector<16xi32> to vector<16xi32>
          %add3A_434 = vector.broadcast %mul3A_41 : i32 to vector<16xi32>
          %add3A_435 = arith.addi %get3A_433, %add3A_434 : vector<16xi32>
          %swap3A_436 = arith.constant 48 : index
          %swap3A_437 = tpu.vector_load %arg12[%swap3A_436] {strides = array<i32>} : memref<80xi32, #tpu.memory_space<vmem>>, vector<16xi32>,
          %swap3A_438 = vector.shape_cast %swap3A_437 : vector<16xi32> to vector<16xi32>
          %swap3A_439 = vector.shape_cast %add3A_435 : vector<16xi32> to vector<16xi32>
          tpu.vector_store %arg12[%swap3A_436], %swap3A_439 {strides = array<i32>} : memref<80xi32, #tpu.memory_space<vmem>>, vector<16xi32>,
          %add3A_440 = arith.constant 64 : i32
          %add3A_441 = arith.addi %mul3A_395, %add3A_440 : i32
          %get3A_442 = arith.index_cast %add3A_441 : i32 to index
          %get3A_443 = tpu.vector_load %arg10[%get3A_442] {strides = array<i32>} : memref<10000xi32, #tpu.memory_space<vmem>>, vector<16xi32>,
          %get3A_444 = vector.shape_cast %get3A_443 : vector<16xi32> to vector<16xi32>
          %add3A_445 = vector.broadcast %mul3A_41 : i32 to vector<16xi32>
          %add3A_446 = arith.addi %get3A_444, %add3A_445 : vector<16xi32>
          %swap3A_447 = arith.constant 64 : index
          %swap3A_448 = tpu.vector_load %arg12[%swap3A_447] {strides = array<i32>} : memref<80xi32, #tpu.memory_space<vmem>>, vector<16xi32>,
          %swap3A_449 = vector.shape_cast %swap3A_448 : vector<16xi32> to vector<16xi32>
          %swap3A_450 = vector.shape_cast %add3A_446 : vector<16xi32> to vector<16xi32>
          tpu.vector_store %arg12[%swap3A_447], %swap3A_450 {strides = array<i32>} : memref<80xi32, #tpu.memory_space<vmem>>, vector<16xi32>,
          %mul3A_451 = arith.constant 10000 : i32
          %mul3A_452 = arith.muli %arg1, %mul3A_451 : i32
          %mul3A_453 = arith.constant 80 : i32
          %mul3A_454 = arith.muli %add3A_393, %mul3A_453 : i32
          %add3A_455 = arith.addi %mul3A_452, %mul3A_454 : i32
          %mul3A_456 = arith.constant 2 : i32
          %mul3A_457 = arith.muli %mul3A_456, %mul3A_39 : i32
          %dma_start3A_458 = arith.constant 0 : i32
          %dma_start3A_459 = arith.constant 0 : i32
          %dma_start3A_460 = tpu.memref_slice %arg2[%dma_start3A_458, %dma_start3A_459] : memref<80000x64xf32, #tpu.memory_space<hbm>> -> memref<80000x64xf32, #tpu.memory_space<hbm>>
          tpu.enqueue_indirect_dma source(%dma_start3A_460 : memref<80000x64xf32, #tpu.memory_space<hbm>>) target(%arg14 : memref<80x64xf32, #tpu.memory_space<vmem>>) offsets(%arg12 : memref<80xi32, #tpu.memory_space<vmem>>) semaphore(%arg25 : memref<!tpu.dma_semaphore, #tpu.memory_space<semaphore_mem>>)
          %dma_start3A_461 = tpu.memref_slice %arg3[%add3A_455, %mul3A_457] : memref<160000x256xf32, #tpu.memory_space<hbm>> -> memref<80x32xf32, #tpu.memory_space<hbm>>
          %dma_start3A_462 = tpu.memref_slice %arg3[%add3A_455, %mul3A_457] : memref<160000x256xf32, #tpu.memory_space<hbm>> -> memref<80x32xf32, #tpu.memory_space<hbm>>
          tpu.enqueue_dma source(%dma_start3A_462 : memref<80x32xf32, #tpu.memory_space<hbm>>) target(%arg16 : memref<80x32xf32, #tpu.memory_space<vmem>>) target_semaphore(%arg25 : memref<!tpu.dma_semaphore, #tpu.memory_space<semaphore_mem>>)
          %dma_start3A_463 = arith.constant 0 : i32
          %dma_start3A_464 = tpu.memref_slice %arg4[%add3A_455, %dma_start3A_463] : memref<160000x16xf32, #tpu.memory_space<hbm>> -> memref<80x16xf32, #tpu.memory_space<hbm>>
          %dma_start3A_465 = arith.constant 0 : i32
          %dma_start3A_466 = tpu.memref_slice %arg4[%add3A_455, %dma_start3A_465] : memref<160000x16xf32, #tpu.memory_space<hbm>> -> memref<80x16xf32, #tpu.memory_space<hbm>>
          tpu.enqueue_dma source(%dma_start3A_466 : memref<80x16xf32, #tpu.memory_space<hbm>>) target(%arg18 : memref<80x16xf32, #tpu.memory_space<vmem>>) target_semaphore(%arg25 : memref<!tpu.dma_semaphore, #tpu.memory_space<semaphore_mem>>)
        } else {
        }
        %broadcast_in_dim3A_328 = arith.constant 0 : i32
        %broadcast_in_dim3A_329 = vector.broadcast %broadcast_in_dim3A_328 : i32 to vector<16x1xi32>
        %add3A_330 = arith.constant 1 : i32
        %add3A_331 = vector.broadcast %add3A_330 : i32 to vector<16x1xi32>
        %add3A_332 = arith.addi %broadcast_in_dim3A_329, %add3A_331 : vector<16x1xi32>
        %add3A_333 = arith.constant 2 : i32
        %add3A_334 = vector.broadcast %add3A_333 : i32 to vector<16x1xi32>
        %add3A_335 = arith.addi %broadcast_in_dim3A_329, %add3A_334 : vector<16x1xi32>
        %parallel_loop3A_336 = arith.constant 0 : i32
        %parallel_loop3A_337 = arith.constant 80 : i32
        %parallel_loop3A_338 = arith.constant 1 : i32
        scf.for %parallel_loop3A_392 = %parallel_loop3A_336 to %parallel_loop3A_337 step %parallel_loop3A_338  : i32 {
          %parallel_loop3A_393 = arith.index_cast %parallel_loop3A_392 : i32 to index
          %parallel_loop3A_394 = arith.constant 0 : index
          %parallel_loop3A_395 = tpu.vector_load %arg17[%parallel_loop3A_393, %parallel_loop3A_394] {strides = array<i32>} : memref<80x16xf32, #tpu.memory_space<vmem>>, vector<1x16xf32>,
          %parallel_loop3A_396 = vector.shape_cast %parallel_loop3A_395 : vector<1x16xf32> to vector<16xf32>
          %parallel_loop3A_397 = vector.shape_cast %broadcast_in_dim3A_329 : vector<16x1xi32> to vector<16xi32>
          %parallel_loop3A_398 = tpu.dynamic_gather %parallel_loop3A_396[%parallel_loop3A_397] in [0] : vector<16xf32>, vector<16xi32> -> vector<16xf32>
          %parallel_loop3A_399 = vector.shape_cast %add3A_332 : vector<16x1xi32> to vector<16xi32>
          %parallel_loop3A_400 = tpu.dynamic_gather %parallel_loop3A_396[%parallel_loop3A_399] in [0] : vector<16xf32>, vector<16xi32> -> vector<16xf32>
          %parallel_loop3A_401 = vector.shape_cast %add3A_335 : vector<16x1xi32> to vector<16xi32>
          %parallel_loop3A_402 = tpu.dynamic_gather %parallel_loop3A_396[%parallel_loop3A_401] in [0] : vector<16xf32>, vector<16xi32> -> vector<16xf32>
          %parallel_loop3A_403 = arith.index_cast %parallel_loop3A_392 : i32 to index
          %parallel_loop3A_404 = arith.constant 0 : index
          %parallel_loop3A_405 = tpu.vector_load %arg13[%parallel_loop3A_403, %parallel_loop3A_404] {strides = array<i32>} : memref<80x64xf32, #tpu.memory_space<vmem>>, vector<1x16xf32>,
          %parallel_loop3A_406 = vector.shape_cast %parallel_loop3A_405 : vector<1x16xf32> to vector<16xf32>
          %parallel_loop3A_407 = arith.index_cast %parallel_loop3A_392 : i32 to index
          %parallel_loop3A_408 = arith.constant 0 : index
          %parallel_loop3A_409 = tpu.vector_load %arg15[%parallel_loop3A_407, %parallel_loop3A_408] {strides = array<i32>} : memref<80x32xf32, #tpu.memory_space<vmem>>, vector<1x16xf32>,
          %parallel_loop3A_410 = vector.shape_cast %parallel_loop3A_409 : vector<1x16xf32> to vector<16xf32>
          %parallel_loop3A_411 = arith.index_cast %parallel_loop3A_392 : i32 to index
          %parallel_loop3A_412 = arith.constant 16 : index
          %parallel_loop3A_413 = tpu.vector_load %arg15[%parallel_loop3A_411, %parallel_loop3A_412] {strides = array<i32>} : memref<80x32xf32, #tpu.memory_space<vmem>>, vector<1x16xf32>,
          %parallel_loop3A_414 = vector.shape_cast %parallel_loop3A_413 : vector<1x16xf32> to vector<16xf32>
          %parallel_loop3A_415 = arith.index_cast %parallel_loop3A_392 : i32 to index
          %parallel_loop3A_416 = arith.constant 16 : index
          %parallel_loop3A_417 = tpu.vector_load %arg13[%parallel_loop3A_415, %parallel_loop3A_416] {strides = array<i32>} : memref<80x64xf32, #tpu.memory_space<vmem>>, vector<1x16xf32>,
          %parallel_loop3A_418 = vector.shape_cast %parallel_loop3A_417 : vector<1x16xf32> to vector<16xf32>
          %parallel_loop3A_419 = arith.index_cast %parallel_loop3A_392 : i32 to index
          %parallel_loop3A_420 = arith.constant 32 : index
          %parallel_loop3A_421 = tpu.vector_load %arg13[%parallel_loop3A_419, %parallel_loop3A_420] {strides = array<i32>} : memref<80x64xf32, #tpu.memory_space<vmem>>, vector<1x16xf32>,
          %parallel_loop3A_422 = vector.shape_cast %parallel_loop3A_421 : vector<1x16xf32> to vector<16xf32>
          %parallel_loop3A_423 = arith.index_cast %parallel_loop3A_392 : i32 to index
          %parallel_loop3A_424 = arith.constant 48 : index
          %parallel_loop3A_425 = tpu.vector_load %arg13[%parallel_loop3A_423, %parallel_loop3A_424] {strides = array<i32>} : memref<80x64xf32, #tpu.memory_space<vmem>>, vector<1x16xf32>,
          %parallel_loop3A_426 = vector.shape_cast %parallel_loop3A_425 : vector<1x16xf32> to vector<16xf32>
          %parallel_loop3A_427 = arith.mulf %parallel_loop3A_418, %parallel_loop3A_398 : vector<16xf32>
          %parallel_loop3A_428 = arith.mulf %parallel_loop3A_422, %parallel_loop3A_400 : vector<16xf32>
          %parallel_loop3A_429 = arith.addf %parallel_loop3A_427, %parallel_loop3A_428 : vector<16xf32>
          %parallel_loop3A_430 = arith.mulf %parallel_loop3A_426, %parallel_loop3A_402 : vector<16xf32>
          %parallel_loop3A_431 = arith.addf %parallel_loop3A_429, %parallel_loop3A_430 : vector<16xf32>
          %parallel_loop3A_432 = arith.mulf %parallel_loop3A_406, %parallel_loop3A_414 : vector<16xf32>
          %parallel_loop3A_433 = arith.mulf %parallel_loop3A_406, %parallel_loop3A_410 : vector<16xf32>
          %parallel_loop3A_434 = arith.mulf %parallel_loop3A_431, %parallel_loop3A_414 : vector<16xf32>
          %parallel_loop3A_435 = arith.addf %parallel_loop3A_433, %parallel_loop3A_434 : vector<16xf32>
          %parallel_loop3A_436 = arith.index_cast %parallel_loop3A_392 : i32 to index
          %parallel_loop3A_437 = arith.constant 0 : index
          %parallel_loop3A_438 = tpu.vector_load %arg21[%parallel_loop3A_436, %parallel_loop3A_437] {strides = array<i32>} : memref<80x64xf32, #tpu.memory_space<vmem>>, vector<1x16xf32>,
          %parallel_loop3A_439 = vector.shape_cast %parallel_loop3A_438 : vector<1x16xf32> to vector<16xf32>
          %parallel_loop3A_440 = vector.shape_cast %parallel_loop3A_435 : vector<16xf32> to vector<1x16xf32>
          tpu.vector_store %arg21[%parallel_loop3A_436, %parallel_loop3A_437], %parallel_loop3A_440 {strides = array<i32>} : memref<80x64xf32, #tpu.memory_space<vmem>>, vector<1x16xf32>,
          %parallel_loop3A_441 = arith.mulf %parallel_loop3A_432, %parallel_loop3A_398 : vector<16xf32>
          %parallel_loop3A_442 = arith.mulf %parallel_loop3A_418, %parallel_loop3A_410 : vector<16xf32>
          %parallel_loop3A_443 = arith.addf %parallel_loop3A_441, %parallel_loop3A_442 : vector<16xf32>
          %parallel_loop3A_444 = arith.index_cast %parallel_loop3A_392 : i32 to index
          %parallel_loop3A_445 = arith.constant 16 : index
          %parallel_loop3A_446 = tpu.vector_load %arg21[%parallel_loop3A_444, %parallel_loop3A_445] {strides = array<i32>} : memref<80x64xf32, #tpu.memory_space<vmem>>, vector<1x16xf32>,
          %parallel_loop3A_447 = vector.shape_cast %parallel_loop3A_446 : vector<1x16xf32> to vector<16xf32>
          %parallel_loop3A_448 = vector.shape_cast %parallel_loop3A_443 : vector<16xf32> to vector<1x16xf32>
          tpu.vector_store %arg21[%parallel_loop3A_444, %parallel_loop3A_445], %parallel_loop3A_448 {strides = array<i32>} : memref<80x64xf32, #tpu.memory_space<vmem>>, vector<1x16xf32>,
          %parallel_loop3A_449 = arith.mulf %parallel_loop3A_432, %parallel_loop3A_400 : vector<16xf32>
          %parallel_loop3A_450 = arith.mulf %parallel_loop3A_422, %parallel_loop3A_410 : vector<16xf32>
          %parallel_loop3A_451 = arith.addf %parallel_loop3A_449, %parallel_loop3A_450 : vector<16xf32>
          %parallel_loop3A_452 = arith.index_cast %parallel_loop3A_392 : i32 to index
          %parallel_loop3A_453 = arith.constant 32 : index
          %parallel_loop3A_454 = tpu.vector_load %arg21[%parallel_loop3A_452, %parallel_loop3A_453] {strides = array<i32>} : memref<80x64xf32, #tpu.memory_space<vmem>>, vector<1x16xf32>,
          %parallel_loop3A_455 = vector.shape_cast %parallel_loop3A_454 : vector<1x16xf32> to vector<16xf32>
          %parallel_loop3A_456 = vector.shape_cast %parallel_loop3A_451 : vector<16xf32> to vector<1x16xf32>
          tpu.vector_store %arg21[%parallel_loop3A_452, %parallel_loop3A_453], %parallel_loop3A_456 {strides = array<i32>} : memref<80x64xf32, #tpu.memory_space<vmem>>, vector<1x16xf32>,
          %parallel_loop3A_457 = arith.mulf %parallel_loop3A_432, %parallel_loop3A_402 : vector<16xf32>
          %parallel_loop3A_458 = arith.mulf %parallel_loop3A_426, %parallel_loop3A_410 : vector<16xf32>
          %parallel_loop3A_459 = arith.addf %parallel_loop3A_457, %parallel_loop3A_458 : vector<16xf32>
          %parallel_loop3A_460 = arith.index_cast %parallel_loop3A_392 : i32 to index
          %parallel_loop3A_461 = arith.constant 48 : index
          %parallel_loop3A_462 = tpu.vector_load %arg21[%parallel_loop3A_460, %parallel_loop3A_461] {strides = array<i32>} : memref<80x64xf32, #tpu.memory_space<vmem>>, vector<1x16xf32>,
          %parallel_loop3A_463 = vector.shape_cast %parallel_loop3A_462 : vector<1x16xf32> to vector<16xf32>
          %parallel_loop3A_464 = vector.shape_cast %parallel_loop3A_459 : vector<16xf32> to vector<1x16xf32>
          tpu.vector_store %arg21[%parallel_loop3A_460, %parallel_loop3A_461], %parallel_loop3A_464 {strides = array<i32>} : memref<80x64xf32, #tpu.memory_space<vmem>>, vector<1x16xf32>,
        } {sc.loop_unroll_factor = 4 : i64, sc.parallel_access}
        %dma_start3A_339 = arith.constant 0 : i32
        %dma_start3A_340 = tpu.memref_slice %arg9[%add3A_301, %dma_start3A_339] : memref<125x80xi32, #tpu.memory_space<vmem>> -> memref<1x80xi32, #tpu.memory_space<vmem>>
        %dma_start3A_341 = tpu.memref_squeeze %dma_start3A_340 : memref<1x80xi32, #tpu.memory_space<vmem>> -> memref<80xi32, #tpu.memory_space<vmem>>
        %dma_start3A_342 = arith.constant 0 : i32
        %dma_start3A_343 = arith.constant 0 : i32
        %dma_start3A_344 = tpu.memref_slice %arg8[%dma_start3A_342, %dma_start3A_343] : memref<10000x64xf32, #tpu.memory_space<vmem_shared>> -> memref<10000x64xf32, #tpu.memory_space<vmem_shared>>
        tpu.enqueue_indirect_dma source(%arg21 : memref<80x64xf32, #tpu.memory_space<vmem>>) target(%dma_start3A_344 : memref<10000x64xf32, #tpu.memory_space<vmem_shared>>) offsets(%dma_start3A_341 : memref<80xi32, #tpu.memory_space<vmem>>) semaphore(%arg28 : memref<!tpu.dma_semaphore, #tpu.memory_space<semaphore_mem>>) {add = true}
        %mul3A_345 = arith.constant 4 : i32
        %mul3A_346 = arith.muli %mul3A_345, %scan3A_207 : i32
        %add3A_347 = arith.constant 3 : i32
        %add3A_348 = arith.addi %mul3A_346, %add3A_347 : i32
        %ge3A_349 = arith.constant 3 : i32
        %ge3A_350 = arith.cmpi sge, %add3A_348, %ge3A_349 : i32
        %convert_element_type3A_351 = arith.extui %ge3A_350 : i1 to i32
        %cond3A_352 = arith.constant 0 : i32
        %cond3A_353 = arith.cmpi ne, %convert_element_type3A_351, %cond3A_352 : i32
        scf.if %cond3A_353 {
          %sub3A = arith.constant 3 : i32
          %sub3A_392 = arith.subi %add3A_348, %sub3A : i32
          %dma_wait3A_393 = arith.constant 0 : i32
          %dma_wait3A_394 = tpu.memref_slice %arg9[%sub3A_392, %dma_wait3A_393] : memref<125x80xi32, #tpu.memory_space<vmem>> -> memref<1x80xi32, #tpu.memory_space<vmem>>
          %dma_wait3A_395 = tpu.memref_squeeze %dma_wait3A_394 : memref<1x80xi32, #tpu.memory_space<vmem>> -> memref<80xi32, #tpu.memory_space<vmem>>
          %dma_wait3A_396 = arith.constant 0 : i32
          %dma_wait3A_397 = arith.constant 0 : i32
          %dma_wait3A_398 = tpu.memref_slice %arg8[%dma_wait3A_396, %dma_wait3A_397] : memref<10000x64xf32, #tpu.memory_space<vmem_shared>> -> memref<10000x64xf32, #tpu.memory_space<vmem_shared>>
          tpu.wait_indirect_dma semaphore(%arg26 : memref<!tpu.dma_semaphore, #tpu.memory_space<semaphore_mem>>) src(%arg19 : memref<80x64xf32, #tpu.memory_space<vmem>>) dst(%dma_wait3A_398 : memref<10000x64xf32, #tpu.memory_space<vmem_shared>>)
        } else {
        }
        %mul3A_354 = arith.constant 10000 : i32
        %mul3A_355 = arith.muli %arg1, %mul3A_354 : i32
        %mul3A_356 = arith.constant 80 : i32
        %mul3A_357 = arith.muli %add3A_348, %mul3A_356 : i32
        %add3A_358 = arith.addi %mul3A_355, %mul3A_357 : i32
        %mul3A_359 = arith.constant 2 : i32
        %mul3A_360 = arith.muli %mul3A_359, %mul3A_39 : i32
        %dma_wait3A_361 = arith.constant 0 : i32
        %dma_wait3A_362 = arith.constant 0 : i32
        %dma_wait3A_363 = tpu.memref_slice %arg2[%dma_wait3A_361, %dma_wait3A_362] : memref<80000x64xf32, #tpu.memory_space<hbm>> -> memref<80000x64xf32, #tpu.memory_space<hbm>>
        tpu.wait_indirect_dma semaphore(%arg25 : memref<!tpu.dma_semaphore, #tpu.memory_space<semaphore_mem>>) src(%dma_wait3A_363 : memref<80000x64xf32, #tpu.memory_space<hbm>>) dst(%arg14 : memref<80x64xf32, #tpu.memory_space<vmem>>)
        %dma_wait3A_364 = tpu.memref_slice %arg3[%add3A_358, %mul3A_360] : memref<160000x256xf32, #tpu.memory_space<hbm>> -> memref<80x32xf32, #tpu.memory_space<hbm>>
        %dma_wait3A_365 = tpu.memref_slice %arg3[%add3A_358, %mul3A_360] : memref<160000x256xf32, #tpu.memory_space<hbm>> -> memref<80x32xf32, #tpu.memory_space<hbm>>
        tpu.wait_dma2 semaphore(%arg25 : memref<!tpu.dma_semaphore, #tpu.memory_space<semaphore_mem>>) src(%dma_wait3A_365 : memref<80x32xf32, #tpu.memory_space<hbm>>) dst(%arg16 : memref<80x32xf32, #tpu.memory_space<vmem>>)
        %dma_wait3A_366 = arith.constant 0 : i32
        %dma_wait3A_367 = tpu.memref_slice %arg4[%add3A_358, %dma_wait3A_366] : memref<160000x16xf32, #tpu.memory_space<hbm>> -> memref<80x16xf32, #tpu.memory_space<hbm>>
        %dma_wait3A_368 = arith.constant 0 : i32
        %dma_wait3A_369 = tpu.memref_slice %arg4[%add3A_358, %dma_wait3A_368] : memref<160000x16xf32, #tpu.memory_space<hbm>> -> memref<80x16xf32, #tpu.memory_space<hbm>>
        tpu.wait_dma2 semaphore(%arg25 : memref<!tpu.dma_semaphore, #tpu.memory_space<semaphore_mem>>) src(%dma_wait3A_369 : memref<80x16xf32, #tpu.memory_space<hbm>>) dst(%arg18 : memref<80x16xf32, #tpu.memory_space<vmem>>)
        %le3A_370 = arith.constant 123 : i32
        %le3A_371 = arith.cmpi sle, %add3A_348, %le3A_370 : i32
        %convert_element_type3A_372 = arith.extui %le3A_371 : i1 to i32
        %cond3A_373 = arith.constant 0 : i32
        %cond3A_374 = arith.cmpi ne, %convert_element_type3A_372, %cond3A_373 : i32
        scf.if %cond3A_374 {
          %add3A_392 = arith.constant 1 : i32
          %add3A_393 = arith.addi %add3A_348, %add3A_392 : i32
          %mul3A_394 = arith.constant 80 : i32
          %mul3A_395 = arith.muli %add3A_393, %mul3A_394 : i32
          %add3A_396 = arith.constant 0 : i32
          %add3A_397 = arith.addi %mul3A_395, %add3A_396 : i32
          %get3A_398 = arith.index_cast %add3A_397 : i32 to index
          %get3A_399 = tpu.vector_load %arg10[%get3A_398] {strides = array<i32>} : memref<10000xi32, #tpu.memory_space<vmem>>, vector<16xi32>,
          %get3A_400 = vector.shape_cast %get3A_399 : vector<16xi32> to vector<16xi32>
          %add3A_401 = vector.broadcast %mul3A_41 : i32 to vector<16xi32>
          %add3A_402 = arith.addi %get3A_400, %add3A_401 : vector<16xi32>
          %swap3A_403 = arith.constant 0 : index
          %swap3A_404 = tpu.vector_load %arg11[%swap3A_403] {strides = array<i32>} : memref<80xi32, #tpu.memory_space<vmem>>, vector<16xi32>,
          %swap3A_405 = vector.shape_cast %swap3A_404 : vector<16xi32> to vector<16xi32>
          %swap3A_406 = vector.shape_cast %add3A_402 : vector<16xi32> to vector<16xi32>
          tpu.vector_store %arg11[%swap3A_403], %swap3A_406 {strides = array<i32>} : memref<80xi32, #tpu.memory_space<vmem>>, vector<16xi32>,
          %add3A_407 = arith.constant 16 : i32
          %add3A_408 = arith.addi %mul3A_395, %add3A_407 : i32
          %get3A_409 = arith.index_cast %add3A_408 : i32 to index
          %get3A_410 = tpu.vector_load %arg10[%get3A_409] {strides = array<i32>} : memref<10000xi32, #tpu.memory_space<vmem>>, vector<16xi32>,
          %get3A_411 = vector.shape_cast %get3A_410 : vector<16xi32> to vector<16xi32>
          %add3A_412 = vector.broadcast %mul3A_41 : i32 to vector<16xi32>
          %add3A_413 = arith.addi %get3A_411, %add3A_412 : vector<16xi32>
          %swap3A_414 = arith.constant 16 : index
          %swap3A_415 = tpu.vector_load %arg11[%swap3A_414] {strides = array<i32>} : memref<80xi32, #tpu.memory_space<vmem>>, vector<16xi32>,
          %swap3A_416 = vector.shape_cast %swap3A_415 : vector<16xi32> to vector<16xi32>
          %swap3A_417 = vector.shape_cast %add3A_413 : vector<16xi32> to vector<16xi32>
          tpu.vector_store %arg11[%swap3A_414], %swap3A_417 {strides = array<i32>} : memref<80xi32, #tpu.memory_space<vmem>>, vector<16xi32>,
          %add3A_418 = arith.constant 32 : i32
          %add3A_419 = arith.addi %mul3A_395, %add3A_418 : i32
          %get3A_420 = arith.index_cast %add3A_419 : i32 to index
          %get3A_421 = tpu.vector_load %arg10[%get3A_420] {strides = array<i32>} : memref<10000xi32, #tpu.memory_space<vmem>>, vector<16xi32>,
          %get3A_422 = vector.shape_cast %get3A_421 : vector<16xi32> to vector<16xi32>
          %add3A_423 = vector.broadcast %mul3A_41 : i32 to vector<16xi32>
          %add3A_424 = arith.addi %get3A_422, %add3A_423 : vector<16xi32>
          %swap3A_425 = arith.constant 32 : index
          %swap3A_426 = tpu.vector_load %arg11[%swap3A_425] {strides = array<i32>} : memref<80xi32, #tpu.memory_space<vmem>>, vector<16xi32>,
          %swap3A_427 = vector.shape_cast %swap3A_426 : vector<16xi32> to vector<16xi32>
          %swap3A_428 = vector.shape_cast %add3A_424 : vector<16xi32> to vector<16xi32>
          tpu.vector_store %arg11[%swap3A_425], %swap3A_428 {strides = array<i32>} : memref<80xi32, #tpu.memory_space<vmem>>, vector<16xi32>,
          %add3A_429 = arith.constant 48 : i32
          %add3A_430 = arith.addi %mul3A_395, %add3A_429 : i32
          %get3A_431 = arith.index_cast %add3A_430 : i32 to index
          %get3A_432 = tpu.vector_load %arg10[%get3A_431] {strides = array<i32>} : memref<10000xi32, #tpu.memory_space<vmem>>, vector<16xi32>,
          %get3A_433 = vector.shape_cast %get3A_432 : vector<16xi32> to vector<16xi32>
          %add3A_434 = vector.broadcast %mul3A_41 : i32 to vector<16xi32>
          %add3A_435 = arith.addi %get3A_433, %add3A_434 : vector<16xi32>
          %swap3A_436 = arith.constant 48 : index
          %swap3A_437 = tpu.vector_load %arg11[%swap3A_436] {strides = array<i32>} : memref<80xi32, #tpu.memory_space<vmem>>, vector<16xi32>,
          %swap3A_438 = vector.shape_cast %swap3A_437 : vector<16xi32> to vector<16xi32>
          %swap3A_439 = vector.shape_cast %add3A_435 : vector<16xi32> to vector<16xi32>
          tpu.vector_store %arg11[%swap3A_436], %swap3A_439 {strides = array<i32>} : memref<80xi32, #tpu.memory_space<vmem>>, vector<16xi32>,
          %add3A_440 = arith.constant 64 : i32
          %add3A_441 = arith.addi %mul3A_395, %add3A_440 : i32
          %get3A_442 = arith.index_cast %add3A_441 : i32 to index
          %get3A_443 = tpu.vector_load %arg10[%get3A_442] {strides = array<i32>} : memref<10000xi32, #tpu.memory_space<vmem>>, vector<16xi32>,
          %get3A_444 = vector.shape_cast %get3A_443 : vector<16xi32> to vector<16xi32>
          %add3A_445 = vector.broadcast %mul3A_41 : i32 to vector<16xi32>
          %add3A_446 = arith.addi %get3A_444, %add3A_445 : vector<16xi32>
          %swap3A_447 = arith.constant 64 : index
          %swap3A_448 = tpu.vector_load %arg11[%swap3A_447] {strides = array<i32>} : memref<80xi32, #tpu.memory_space<vmem>>, vector<16xi32>,
          %swap3A_449 = vector.shape_cast %swap3A_448 : vector<16xi32> to vector<16xi32>
          %swap3A_450 = vector.shape_cast %add3A_446 : vector<16xi32> to vector<16xi32>
          tpu.vector_store %arg11[%swap3A_447], %swap3A_450 {strides = array<i32>} : memref<80xi32, #tpu.memory_space<vmem>>, vector<16xi32>,
          %mul3A_451 = arith.constant 10000 : i32
          %mul3A_452 = arith.muli %arg1, %mul3A_451 : i32
          %mul3A_453 = arith.constant 80 : i32
          %mul3A_454 = arith.muli %add3A_393, %mul3A_453 : i32
          %add3A_455 = arith.addi %mul3A_452, %mul3A_454 : i32
          %mul3A_456 = arith.constant 2 : i32
          %mul3A_457 = arith.muli %mul3A_456, %mul3A_39 : i32
          %dma_start3A_458 = arith.constant 0 : i32
          %dma_start3A_459 = arith.constant 0 : i32
          %dma_start3A_460 = tpu.memref_slice %arg2[%dma_start3A_458, %dma_start3A_459] : memref<80000x64xf32, #tpu.memory_space<hbm>> -> memref<80000x64xf32, #tpu.memory_space<hbm>>
          tpu.enqueue_indirect_dma source(%dma_start3A_460 : memref<80000x64xf32, #tpu.memory_space<hbm>>) target(%arg13 : memref<80x64xf32, #tpu.memory_space<vmem>>) offsets(%arg11 : memref<80xi32, #tpu.memory_space<vmem>>) semaphore(%arg24 : memref<!tpu.dma_semaphore, #tpu.memory_space<semaphore_mem>>)
          %dma_start3A_461 = tpu.memref_slice %arg3[%add3A_455, %mul3A_457] : memref<160000x256xf32, #tpu.memory_space<hbm>> -> memref<80x32xf32, #tpu.memory_space<hbm>>
          %dma_start3A_462 = tpu.memref_slice %arg3[%add3A_455, %mul3A_457] : memref<160000x256xf32, #tpu.memory_space<hbm>> -> memref<80x32xf32, #tpu.memory_space<hbm>>
          tpu.enqueue_dma source(%dma_start3A_462 : memref<80x32xf32, #tpu.memory_space<hbm>>) target(%arg15 : memref<80x32xf32, #tpu.memory_space<vmem>>) target_semaphore(%arg24 : memref<!tpu.dma_semaphore, #tpu.memory_space<semaphore_mem>>)
          %dma_start3A_463 = arith.constant 0 : i32
          %dma_start3A_464 = tpu.memref_slice %arg4[%add3A_455, %dma_start3A_463] : memref<160000x16xf32, #tpu.memory_space<hbm>> -> memref<80x16xf32, #tpu.memory_space<hbm>>
          %dma_start3A_465 = arith.constant 0 : i32
          %dma_start3A_466 = tpu.memref_slice %arg4[%add3A_455, %dma_start3A_465] : memref<160000x16xf32, #tpu.memory_space<hbm>> -> memref<80x16xf32, #tpu.memory_space<hbm>>
          tpu.enqueue_dma source(%dma_start3A_466 : memref<80x16xf32, #tpu.memory_space<hbm>>) target(%arg17 : memref<80x16xf32, #tpu.memory_space<vmem>>) target_semaphore(%arg24 : memref<!tpu.dma_semaphore, #tpu.memory_space<semaphore_mem>>)
        } else {
        }
        %broadcast_in_dim3A_375 = arith.constant 0 : i32
        %broadcast_in_dim3A_376 = vector.broadcast %broadcast_in_dim3A_375 : i32 to vector<16x1xi32>
        %add3A_377 = arith.constant 1 : i32
        %add3A_378 = vector.broadcast %add3A_377 : i32 to vector<16x1xi32>
        %add3A_379 = arith.addi %broadcast_in_dim3A_376, %add3A_378 : vector<16x1xi32>
        %add3A_380 = arith.constant 2 : i32
        %add3A_381 = vector.broadcast %add3A_380 : i32 to vector<16x1xi32>
        %add3A_382 = arith.addi %broadcast_in_dim3A_376, %add3A_381 : vector<16x1xi32>
        %parallel_loop3A_383 = arith.constant 0 : i32
        %parallel_loop3A_384 = arith.constant 80 : i32
        %parallel_loop3A_385 = arith.constant 1 : i32
        scf.for %parallel_loop3A_392 = %parallel_loop3A_383 to %parallel_loop3A_384 step %parallel_loop3A_385  : i32 {
          %parallel_loop3A_393 = arith.index_cast %parallel_loop3A_392 : i32 to index
          %parallel_loop3A_394 = arith.constant 0 : index
          %parallel_loop3A_395 = tpu.vector_load %arg18[%parallel_loop3A_393, %parallel_loop3A_394] {strides = array<i32>} : memref<80x16xf32, #tpu.memory_space<vmem>>, vector<1x16xf32>,
          %parallel_loop3A_396 = vector.shape_cast %parallel_loop3A_395 : vector<1x16xf32> to vector<16xf32>
          %parallel_loop3A_397 = vector.shape_cast %broadcast_in_dim3A_376 : vector<16x1xi32> to vector<16xi32>
          %parallel_loop3A_398 = tpu.dynamic_gather %parallel_loop3A_396[%parallel_loop3A_397] in [0] : vector<16xf32>, vector<16xi32> -> vector<16xf32>
          %parallel_loop3A_399 = vector.shape_cast %add3A_379 : vector<16x1xi32> to vector<16xi32>
          %parallel_loop3A_400 = tpu.dynamic_gather %parallel_loop3A_396[%parallel_loop3A_399] in [0] : vector<16xf32>, vector<16xi32> -> vector<16xf32>
          %parallel_loop3A_401 = vector.shape_cast %add3A_382 : vector<16x1xi32> to vector<16xi32>
          %parallel_loop3A_402 = tpu.dynamic_gather %parallel_loop3A_396[%parallel_loop3A_401] in [0] : vector<16xf32>, vector<16xi32> -> vector<16xf32>
          %parallel_loop3A_403 = arith.index_cast %parallel_loop3A_392 : i32 to index
          %parallel_loop3A_404 = arith.constant 0 : index
          %parallel_loop3A_405 = tpu.vector_load %arg14[%parallel_loop3A_403, %parallel_loop3A_404] {strides = array<i32>} : memref<80x64xf32, #tpu.memory_space<vmem>>, vector<1x16xf32>,
          %parallel_loop3A_406 = vector.shape_cast %parallel_loop3A_405 : vector<1x16xf32> to vector<16xf32>
          %parallel_loop3A_407 = arith.index_cast %parallel_loop3A_392 : i32 to index
          %parallel_loop3A_408 = arith.constant 0 : index
          %parallel_loop3A_409 = tpu.vector_load %arg16[%parallel_loop3A_407, %parallel_loop3A_408] {strides = array<i32>} : memref<80x32xf32, #tpu.memory_space<vmem>>, vector<1x16xf32>,
          %parallel_loop3A_410 = vector.shape_cast %parallel_loop3A_409 : vector<1x16xf32> to vector<16xf32>
          %parallel_loop3A_411 = arith.index_cast %parallel_loop3A_392 : i32 to index
          %parallel_loop3A_412 = arith.constant 16 : index
          %parallel_loop3A_413 = tpu.vector_load %arg16[%parallel_loop3A_411, %parallel_loop3A_412] {strides = array<i32>} : memref<80x32xf32, #tpu.memory_space<vmem>>, vector<1x16xf32>,
          %parallel_loop3A_414 = vector.shape_cast %parallel_loop3A_413 : vector<1x16xf32> to vector<16xf32>
          %parallel_loop3A_415 = arith.index_cast %parallel_loop3A_392 : i32 to index
          %parallel_loop3A_416 = arith.constant 16 : index
          %parallel_loop3A_417 = tpu.vector_load %arg14[%parallel_loop3A_415, %parallel_loop3A_416] {strides = array<i32>} : memref<80x64xf32, #tpu.memory_space<vmem>>, vector<1x16xf32>,
          %parallel_loop3A_418 = vector.shape_cast %parallel_loop3A_417 : vector<1x16xf32> to vector<16xf32>
          %parallel_loop3A_419 = arith.index_cast %parallel_loop3A_392 : i32 to index
          %parallel_loop3A_420 = arith.constant 32 : index
          %parallel_loop3A_421 = tpu.vector_load %arg14[%parallel_loop3A_419, %parallel_loop3A_420] {strides = array<i32>} : memref<80x64xf32, #tpu.memory_space<vmem>>, vector<1x16xf32>,
          %parallel_loop3A_422 = vector.shape_cast %parallel_loop3A_421 : vector<1x16xf32> to vector<16xf32>
          %parallel_loop3A_423 = arith.index_cast %parallel_loop3A_392 : i32 to index
          %parallel_loop3A_424 = arith.constant 48 : index
          %parallel_loop3A_425 = tpu.vector_load %arg14[%parallel_loop3A_423, %parallel_loop3A_424] {strides = array<i32>} : memref<80x64xf32, #tpu.memory_space<vmem>>, vector<1x16xf32>,
          %parallel_loop3A_426 = vector.shape_cast %parallel_loop3A_425 : vector<1x16xf32> to vector<16xf32>
          %parallel_loop3A_427 = arith.mulf %parallel_loop3A_418, %parallel_loop3A_398 : vector<16xf32>
          %parallel_loop3A_428 = arith.mulf %parallel_loop3A_422, %parallel_loop3A_400 : vector<16xf32>
          %parallel_loop3A_429 = arith.addf %parallel_loop3A_427, %parallel_loop3A_428 : vector<16xf32>
          %parallel_loop3A_430 = arith.mulf %parallel_loop3A_426, %parallel_loop3A_402 : vector<16xf32>
          %parallel_loop3A_431 = arith.addf %parallel_loop3A_429, %parallel_loop3A_430 : vector<16xf32>
          %parallel_loop3A_432 = arith.mulf %parallel_loop3A_406, %parallel_loop3A_414 : vector<16xf32>
          %parallel_loop3A_433 = arith.mulf %parallel_loop3A_406, %parallel_loop3A_410 : vector<16xf32>
          %parallel_loop3A_434 = arith.mulf %parallel_loop3A_431, %parallel_loop3A_414 : vector<16xf32>
          %parallel_loop3A_435 = arith.addf %parallel_loop3A_433, %parallel_loop3A_434 : vector<16xf32>
          %parallel_loop3A_436 = arith.index_cast %parallel_loop3A_392 : i32 to index
          %parallel_loop3A_437 = arith.constant 0 : index
          %parallel_loop3A_438 = tpu.vector_load %arg22[%parallel_loop3A_436, %parallel_loop3A_437] {strides = array<i32>} : memref<80x64xf32, #tpu.memory_space<vmem>>, vector<1x16xf32>,
          %parallel_loop3A_439 = vector.shape_cast %parallel_loop3A_438 : vector<1x16xf32> to vector<16xf32>
          %parallel_loop3A_440 = vector.shape_cast %parallel_loop3A_435 : vector<16xf32> to vector<1x16xf32>
          tpu.vector_store %arg22[%parallel_loop3A_436, %parallel_loop3A_437], %parallel_loop3A_440 {strides = array<i32>} : memref<80x64xf32, #tpu.memory_space<vmem>>, vector<1x16xf32>,
          %parallel_loop3A_441 = arith.mulf %parallel_loop3A_432, %parallel_loop3A_398 : vector<16xf32>
          %parallel_loop3A_442 = arith.mulf %parallel_loop3A_418, %parallel_loop3A_410 : vector<16xf32>
          %parallel_loop3A_443 = arith.addf %parallel_loop3A_441, %parallel_loop3A_442 : vector<16xf32>
          %parallel_loop3A_444 = arith.index_cast %parallel_loop3A_392 : i32 to index
          %parallel_loop3A_445 = arith.constant 16 : index
          %parallel_loop3A_446 = tpu.vector_load %arg22[%parallel_loop3A_444, %parallel_loop3A_445] {strides = array<i32>} : memref<80x64xf32, #tpu.memory_space<vmem>>, vector<1x16xf32>,
          %parallel_loop3A_447 = vector.shape_cast %parallel_loop3A_446 : vector<1x16xf32> to vector<16xf32>
          %parallel_loop3A_448 = vector.shape_cast %parallel_loop3A_443 : vector<16xf32> to vector<1x16xf32>
          tpu.vector_store %arg22[%parallel_loop3A_444, %parallel_loop3A_445], %parallel_loop3A_448 {strides = array<i32>} : memref<80x64xf32, #tpu.memory_space<vmem>>, vector<1x16xf32>,
          %parallel_loop3A_449 = arith.mulf %parallel_loop3A_432, %parallel_loop3A_400 : vector<16xf32>
          %parallel_loop3A_450 = arith.mulf %parallel_loop3A_422, %parallel_loop3A_410 : vector<16xf32>
          %parallel_loop3A_451 = arith.addf %parallel_loop3A_449, %parallel_loop3A_450 : vector<16xf32>
          %parallel_loop3A_452 = arith.index_cast %parallel_loop3A_392 : i32 to index
          %parallel_loop3A_453 = arith.constant 32 : index
          %parallel_loop3A_454 = tpu.vector_load %arg22[%parallel_loop3A_452, %parallel_loop3A_453] {strides = array<i32>} : memref<80x64xf32, #tpu.memory_space<vmem>>, vector<1x16xf32>,
          %parallel_loop3A_455 = vector.shape_cast %parallel_loop3A_454 : vector<1x16xf32> to vector<16xf32>
          %parallel_loop3A_456 = vector.shape_cast %parallel_loop3A_451 : vector<16xf32> to vector<1x16xf32>
          tpu.vector_store %arg22[%parallel_loop3A_452, %parallel_loop3A_453], %parallel_loop3A_456 {strides = array<i32>} : memref<80x64xf32, #tpu.memory_space<vmem>>, vector<1x16xf32>,
          %parallel_loop3A_457 = arith.mulf %parallel_loop3A_432, %parallel_loop3A_402 : vector<16xf32>
          %parallel_loop3A_458 = arith.mulf %parallel_loop3A_426, %parallel_loop3A_410 : vector<16xf32>
          %parallel_loop3A_459 = arith.addf %parallel_loop3A_457, %parallel_loop3A_458 : vector<16xf32>
          %parallel_loop3A_460 = arith.index_cast %parallel_loop3A_392 : i32 to index
          %parallel_loop3A_461 = arith.constant 48 : index
          %parallel_loop3A_462 = tpu.vector_load %arg22[%parallel_loop3A_460, %parallel_loop3A_461] {strides = array<i32>} : memref<80x64xf32, #tpu.memory_space<vmem>>, vector<1x16xf32>,
          %parallel_loop3A_463 = vector.shape_cast %parallel_loop3A_462 : vector<1x16xf32> to vector<16xf32>
          %parallel_loop3A_464 = vector.shape_cast %parallel_loop3A_459 : vector<16xf32> to vector<1x16xf32>
          tpu.vector_store %arg22[%parallel_loop3A_460, %parallel_loop3A_461], %parallel_loop3A_464 {strides = array<i32>} : memref<80x64xf32, #tpu.memory_space<vmem>>, vector<1x16xf32>,
        } {sc.loop_unroll_factor = 4 : i64, sc.parallel_access}
        %dma_start3A_386 = arith.constant 0 : i32
        %dma_start3A_387 = tpu.memref_slice %arg9[%add3A_348, %dma_start3A_386] : memref<125x80xi32, #tpu.memory_space<vmem>> -> memref<1x80xi32, #tpu.memory_space<vmem>>
        %dma_start3A_388 = tpu.memref_squeeze %dma_start3A_387 : memref<1x80xi32, #tpu.memory_space<vmem>> -> memref<80xi32, #tpu.memory_space<vmem>>
        %dma_start3A_389 = arith.constant 0 : i32
        %dma_start3A_390 = arith.constant 0 : i32
        %dma_start3A_391 = tpu.memref_slice %arg8[%dma_start3A_389, %dma_start3A_390] : memref<10000x64xf32, #tpu.memory_space<vmem_shared>> -> memref<10000x64xf32, #tpu.memory_space<vmem_shared>>
        tpu.enqueue_indirect_dma source(%arg22 : memref<80x64xf32, #tpu.memory_space<vmem>>) target(%dma_start3A_391 : memref<10000x64xf32, #tpu.memory_space<vmem_shared>>) offsets(%dma_start3A_388 : memref<80xi32, #tpu.memory_space<vmem>>) semaphore(%arg29 : memref<!tpu.dma_semaphore, #tpu.memory_space<semaphore_mem>>) {add = true}
      }
      %scan3A_104 = arith.constant 31 : i32
      %dma_wait3A = arith.constant 121 : i32
      %dma_wait3A_105 = arith.constant 0 : i32
      %dma_wait3A_106 = tpu.memref_slice %arg9[%dma_wait3A, %dma_wait3A_105] : memref<125x80xi32, #tpu.memory_space<vmem>> -> memref<1x80xi32, #tpu.memory_space<vmem>>
      %dma_wait3A_107 = tpu.memref_squeeze %dma_wait3A_106 : memref<1x80xi32, #tpu.memory_space<vmem>> -> memref<80xi32, #tpu.memory_space<vmem>>
      %dma_wait3A_108 = arith.constant 0 : i32
      %dma_wait3A_109 = arith.constant 0 : i32
      %dma_wait3A_110 = tpu.memref_slice %arg8[%dma_wait3A_108, %dma_wait3A_109] : memref<10000x64xf32, #tpu.memory_space<vmem_shared>> -> memref<10000x64xf32, #tpu.memory_space<vmem_shared>>
      tpu.wait_indirect_dma semaphore(%arg27 : memref<!tpu.dma_semaphore, #tpu.memory_space<semaphore_mem>>) src(%arg20 : memref<80x64xf32, #tpu.memory_space<vmem>>) dst(%dma_wait3A_110 : memref<10000x64xf32, #tpu.memory_space<vmem_shared>>)
      %mul3A_111 = arith.constant 10000 : i32
      %mul3A_112 = arith.muli %arg1, %mul3A_111 : i32
      %add3A_113 = arith.constant 9920 : i32
      %add3A_114 = arith.addi %mul3A_112, %add3A_113 : i32
      %mul3A_115 = arith.constant 2 : i32
      %mul3A_116 = arith.muli %mul3A_115, %mul3A_39 : i32
      %dma_wait3A_117 = arith.constant 0 : i32
      %dma_wait3A_118 = arith.constant 0 : i32
      %dma_wait3A_119 = tpu.memref_slice %arg2[%dma_wait3A_117, %dma_wait3A_118] : memref<80000x64xf32, #tpu.memory_space<hbm>> -> memref<80000x64xf32, #tpu.memory_space<hbm>>
      tpu.wait_indirect_dma semaphore(%arg24 : memref<!tpu.dma_semaphore, #tpu.memory_space<semaphore_mem>>) src(%dma_wait3A_119 : memref<80000x64xf32, #tpu.memory_space<hbm>>) dst(%arg13 : memref<80x64xf32, #tpu.memory_space<vmem>>)
      %dma_wait3A_120 = tpu.memref_slice %arg3[%add3A_114, %mul3A_116] : memref<160000x256xf32, #tpu.memory_space<hbm>> -> memref<80x32xf32, #tpu.memory_space<hbm>>
      %dma_wait3A_121 = tpu.memref_slice %arg3[%add3A_114, %mul3A_116] : memref<160000x256xf32, #tpu.memory_space<hbm>> -> memref<80x32xf32, #tpu.memory_space<hbm>>
      tpu.wait_dma2 semaphore(%arg24 : memref<!tpu.dma_semaphore, #tpu.memory_space<semaphore_mem>>) src(%dma_wait3A_121 : memref<80x32xf32, #tpu.memory_space<hbm>>) dst(%arg15 : memref<80x32xf32, #tpu.memory_space<vmem>>)
      %dma_wait3A_122 = arith.constant 0 : i32
      %dma_wait3A_123 = tpu.memref_slice %arg4[%add3A_114, %dma_wait3A_122] : memref<160000x16xf32, #tpu.memory_space<hbm>> -> memref<80x16xf32, #tpu.memory_space<hbm>>
      %dma_wait3A_124 = arith.constant 0 : i32
      %dma_wait3A_125 = tpu.memref_slice %arg4[%add3A_114, %dma_wait3A_124] : memref<160000x16xf32, #tpu.memory_space<hbm>> -> memref<80x16xf32, #tpu.memory_space<hbm>>
      tpu.wait_dma2 semaphore(%arg24 : memref<!tpu.dma_semaphore, #tpu.memory_space<semaphore_mem>>) src(%dma_wait3A_125 : memref<80x16xf32, #tpu.memory_space<hbm>>) dst(%arg17 : memref<80x16xf32, #tpu.memory_space<vmem>>)
      %broadcast_in_dim3A_126 = arith.constant 0 : i32
      %broadcast_in_dim3A_127 = vector.broadcast %broadcast_in_dim3A_126 : i32 to vector<16x1xi32>
      %add3A_128 = arith.constant 1 : i32
      %add3A_129 = vector.broadcast %add3A_128 : i32 to vector<16x1xi32>
      %add3A_130 = arith.addi %broadcast_in_dim3A_127, %add3A_129 : vector<16x1xi32>
      %add3A_131 = arith.constant 2 : i32
      %add3A_132 = vector.broadcast %add3A_131 : i32 to vector<16x1xi32>
      %add3A_133 = arith.addi %broadcast_in_dim3A_127, %add3A_132 : vector<16x1xi32>
      %parallel_loop3A = arith.constant 0 : i32
      %parallel_loop3A_134 = arith.constant 80 : i32
      %parallel_loop3A_135 = arith.constant 1 : i32
      scf.for %parallel_loop3A_207 = %parallel_loop3A to %parallel_loop3A_134 step %parallel_loop3A_135  : i32 {
        %parallel_loop3A_208 = arith.index_cast %parallel_loop3A_207 : i32 to index
        %parallel_loop3A_209 = arith.constant 0 : index
        %parallel_loop3A_210 = tpu.vector_load %arg17[%parallel_loop3A_208, %parallel_loop3A_209] {strides = array<i32>} : memref<80x16xf32, #tpu.memory_space<vmem>>, vector<1x16xf32>,
        %parallel_loop3A_211 = vector.shape_cast %parallel_loop3A_210 : vector<1x16xf32> to vector<16xf32>
        %parallel_loop3A_212 = vector.shape_cast %broadcast_in_dim3A_127 : vector<16x1xi32> to vector<16xi32>
        %parallel_loop3A_213 = tpu.dynamic_gather %parallel_loop3A_211[%parallel_loop3A_212] in [0] : vector<16xf32>, vector<16xi32> -> vector<16xf32>
        %parallel_loop3A_214 = vector.shape_cast %add3A_130 : vector<16x1xi32> to vector<16xi32>
        %parallel_loop3A_215 = tpu.dynamic_gather %parallel_loop3A_211[%parallel_loop3A_214] in [0] : vector<16xf32>, vector<16xi32> -> vector<16xf32>
        %parallel_loop3A_216 = vector.shape_cast %add3A_133 : vector<16x1xi32> to vector<16xi32>
        %parallel_loop3A_217 = tpu.dynamic_gather %parallel_loop3A_211[%parallel_loop3A_216] in [0] : vector<16xf32>, vector<16xi32> -> vector<16xf32>
        %parallel_loop3A_218 = arith.index_cast %parallel_loop3A_207 : i32 to index
        %parallel_loop3A_219 = arith.constant 0 : index
        %parallel_loop3A_220 = tpu.vector_load %arg13[%parallel_loop3A_218, %parallel_loop3A_219] {strides = array<i32>} : memref<80x64xf32, #tpu.memory_space<vmem>>, vector<1x16xf32>,
        %parallel_loop3A_221 = vector.shape_cast %parallel_loop3A_220 : vector<1x16xf32> to vector<16xf32>
        %parallel_loop3A_222 = arith.index_cast %parallel_loop3A_207 : i32 to index
        %parallel_loop3A_223 = arith.constant 0 : index
        %parallel_loop3A_224 = tpu.vector_load %arg15[%parallel_loop3A_222, %parallel_loop3A_223] {strides = array<i32>} : memref<80x32xf32, #tpu.memory_space<vmem>>, vector<1x16xf32>,
        %parallel_loop3A_225 = vector.shape_cast %parallel_loop3A_224 : vector<1x16xf32> to vector<16xf32>
        %parallel_loop3A_226 = arith.index_cast %parallel_loop3A_207 : i32 to index
        %parallel_loop3A_227 = arith.constant 16 : index
        %parallel_loop3A_228 = tpu.vector_load %arg15[%parallel_loop3A_226, %parallel_loop3A_227] {strides = array<i32>} : memref<80x32xf32, #tpu.memory_space<vmem>>, vector<1x16xf32>,
        %parallel_loop3A_229 = vector.shape_cast %parallel_loop3A_228 : vector<1x16xf32> to vector<16xf32>
        %parallel_loop3A_230 = arith.index_cast %parallel_loop3A_207 : i32 to index
        %parallel_loop3A_231 = arith.constant 16 : index
        %parallel_loop3A_232 = tpu.vector_load %arg13[%parallel_loop3A_230, %parallel_loop3A_231] {strides = array<i32>} : memref<80x64xf32, #tpu.memory_space<vmem>>, vector<1x16xf32>,
        %parallel_loop3A_233 = vector.shape_cast %parallel_loop3A_232 : vector<1x16xf32> to vector<16xf32>
        %parallel_loop3A_234 = arith.index_cast %parallel_loop3A_207 : i32 to index
        %parallel_loop3A_235 = arith.constant 32 : index
        %parallel_loop3A_236 = tpu.vector_load %arg13[%parallel_loop3A_234, %parallel_loop3A_235] {strides = array<i32>} : memref<80x64xf32, #tpu.memory_space<vmem>>, vector<1x16xf32>,
        %parallel_loop3A_237 = vector.shape_cast %parallel_loop3A_236 : vector<1x16xf32> to vector<16xf32>
        %parallel_loop3A_238 = arith.index_cast %parallel_loop3A_207 : i32 to index
        %parallel_loop3A_239 = arith.constant 48 : index
        %parallel_loop3A_240 = tpu.vector_load %arg13[%parallel_loop3A_238, %parallel_loop3A_239] {strides = array<i32>} : memref<80x64xf32, #tpu.memory_space<vmem>>, vector<1x16xf32>,
        %parallel_loop3A_241 = vector.shape_cast %parallel_loop3A_240 : vector<1x16xf32> to vector<16xf32>
        %parallel_loop3A_242 = arith.mulf %parallel_loop3A_233, %parallel_loop3A_213 : vector<16xf32>
        %parallel_loop3A_243 = arith.mulf %parallel_loop3A_237, %parallel_loop3A_215 : vector<16xf32>
        %parallel_loop3A_244 = arith.addf %parallel_loop3A_242, %parallel_loop3A_243 : vector<16xf32>
        %parallel_loop3A_245 = arith.mulf %parallel_loop3A_241, %parallel_loop3A_217 : vector<16xf32>
        %parallel_loop3A_246 = arith.addf %parallel_loop3A_244, %parallel_loop3A_245 : vector<16xf32>
        %parallel_loop3A_247 = arith.mulf %parallel_loop3A_221, %parallel_loop3A_229 : vector<16xf32>
        %parallel_loop3A_248 = arith.mulf %parallel_loop3A_221, %parallel_loop3A_225 : vector<16xf32>
        %parallel_loop3A_249 = arith.mulf %parallel_loop3A_246, %parallel_loop3A_229 : vector<16xf32>
        %parallel_loop3A_250 = arith.addf %parallel_loop3A_248, %parallel_loop3A_249 : vector<16xf32>
        %parallel_loop3A_251 = arith.index_cast %parallel_loop3A_207 : i32 to index
        %parallel_loop3A_252 = arith.constant 0 : index
        %parallel_loop3A_253 = tpu.vector_load %arg19[%parallel_loop3A_251, %parallel_loop3A_252] {strides = array<i32>} : memref<80x64xf32, #tpu.memory_space<vmem>>, vector<1x16xf32>,
        %parallel_loop3A_254 = vector.shape_cast %parallel_loop3A_253 : vector<1x16xf32> to vector<16xf32>
        %parallel_loop3A_255 = vector.shape_cast %parallel_loop3A_250 : vector<16xf32> to vector<1x16xf32>
        tpu.vector_store %arg19[%parallel_loop3A_251, %parallel_loop3A_252], %parallel_loop3A_255 {strides = array<i32>} : memref<80x64xf32, #tpu.memory_space<vmem>>, vector<1x16xf32>,
        %parallel_loop3A_256 = arith.mulf %parallel_loop3A_247, %parallel_loop3A_213 : vector<16xf32>
        %parallel_loop3A_257 = arith.mulf %parallel_loop3A_233, %parallel_loop3A_225 : vector<16xf32>
        %parallel_loop3A_258 = arith.addf %parallel_loop3A_256, %parallel_loop3A_257 : vector<16xf32>
        %parallel_loop3A_259 = arith.index_cast %parallel_loop3A_207 : i32 to index
        %parallel_loop3A_260 = arith.constant 16 : index
        %parallel_loop3A_261 = tpu.vector_load %arg19[%parallel_loop3A_259, %parallel_loop3A_260] {strides = array<i32>} : memref<80x64xf32, #tpu.memory_space<vmem>>, vector<1x16xf32>,
        %parallel_loop3A_262 = vector.shape_cast %parallel_loop3A_261 : vector<1x16xf32> to vector<16xf32>
        %parallel_loop3A_263 = vector.shape_cast %parallel_loop3A_258 : vector<16xf32> to vector<1x16xf32>
        tpu.vector_store %arg19[%parallel_loop3A_259, %parallel_loop3A_260], %parallel_loop3A_263 {strides = array<i32>} : memref<80x64xf32, #tpu.memory_space<vmem>>, vector<1x16xf32>,
        %parallel_loop3A_264 = arith.mulf %parallel_loop3A_247, %parallel_loop3A_215 : vector<16xf32>
        %parallel_loop3A_265 = arith.mulf %parallel_loop3A_237, %parallel_loop3A_225 : vector<16xf32>
        %parallel_loop3A_266 = arith.addf %parallel_loop3A_264, %parallel_loop3A_265 : vector<16xf32>
        %parallel_loop3A_267 = arith.index_cast %parallel_loop3A_207 : i32 to index
        %parallel_loop3A_268 = arith.constant 32 : index
        %parallel_loop3A_269 = tpu.vector_load %arg19[%parallel_loop3A_267, %parallel_loop3A_268] {strides = array<i32>} : memref<80x64xf32, #tpu.memory_space<vmem>>, vector<1x16xf32>,
        %parallel_loop3A_270 = vector.shape_cast %parallel_loop3A_269 : vector<1x16xf32> to vector<16xf32>
        %parallel_loop3A_271 = vector.shape_cast %parallel_loop3A_266 : vector<16xf32> to vector<1x16xf32>
        tpu.vector_store %arg19[%parallel_loop3A_267, %parallel_loop3A_268], %parallel_loop3A_271 {strides = array<i32>} : memref<80x64xf32, #tpu.memory_space<vmem>>, vector<1x16xf32>,
        %parallel_loop3A_272 = arith.mulf %parallel_loop3A_247, %parallel_loop3A_217 : vector<16xf32>
        %parallel_loop3A_273 = arith.mulf %parallel_loop3A_241, %parallel_loop3A_225 : vector<16xf32>
        %parallel_loop3A_274 = arith.addf %parallel_loop3A_272, %parallel_loop3A_273 : vector<16xf32>
        %parallel_loop3A_275 = arith.index_cast %parallel_loop3A_207 : i32 to index
        %parallel_loop3A_276 = arith.constant 48 : index
        %parallel_loop3A_277 = tpu.vector_load %arg19[%parallel_loop3A_275, %parallel_loop3A_276] {strides = array<i32>} : memref<80x64xf32, #tpu.memory_space<vmem>>, vector<1x16xf32>,
        %parallel_loop3A_278 = vector.shape_cast %parallel_loop3A_277 : vector<1x16xf32> to vector<16xf32>
        %parallel_loop3A_279 = vector.shape_cast %parallel_loop3A_274 : vector<16xf32> to vector<1x16xf32>
        tpu.vector_store %arg19[%parallel_loop3A_275, %parallel_loop3A_276], %parallel_loop3A_279 {strides = array<i32>} : memref<80x64xf32, #tpu.memory_space<vmem>>, vector<1x16xf32>,
      } {sc.loop_unroll_factor = 4 : i64, sc.parallel_access}
      %dma_start3A_136 = arith.constant 124 : i32
      %dma_start3A_137 = arith.constant 0 : i32
      %dma_start3A_138 = tpu.memref_slice %arg9[%dma_start3A_136, %dma_start3A_137] : memref<125x80xi32, #tpu.memory_space<vmem>> -> memref<1x80xi32, #tpu.memory_space<vmem>>
      %dma_start3A_139 = tpu.memref_squeeze %dma_start3A_138 : memref<1x80xi32, #tpu.memory_space<vmem>> -> memref<80xi32, #tpu.memory_space<vmem>>
      %dma_start3A_140 = arith.constant 0 : i32
      %dma_start3A_141 = arith.constant 0 : i32
      %dma_start3A_142 = tpu.memref_slice %arg8[%dma_start3A_140, %dma_start3A_141] : memref<10000x64xf32, #tpu.memory_space<vmem_shared>> -> memref<10000x64xf32, #tpu.memory_space<vmem_shared>>
      tpu.enqueue_indirect_dma source(%arg19 : memref<80x64xf32, #tpu.memory_space<vmem>>) target(%dma_start3A_142 : memref<10000x64xf32, #tpu.memory_space<vmem_shared>>) offsets(%dma_start3A_139 : memref<80xi32, #tpu.memory_space<vmem>>) semaphore(%arg26 : memref<!tpu.dma_semaphore, #tpu.memory_space<semaphore_mem>>) {add = true}
      %dma_wait3A_143 = arith.constant 122 : i32
      %dma_wait3A_144 = arith.constant 0 : i32
      %dma_wait3A_145 = tpu.memref_slice %arg9[%dma_wait3A_143, %dma_wait3A_144] : memref<125x80xi32, #tpu.memory_space<vmem>> -> memref<1x80xi32, #tpu.memory_space<vmem>>
      %dma_wait3A_146 = tpu.memref_squeeze %dma_wait3A_145 : memref<1x80xi32, #tpu.memory_space<vmem>> -> memref<80xi32, #tpu.memory_space<vmem>>
      %dma_wait3A_147 = arith.constant 0 : i32
      %dma_wait3A_148 = arith.constant 0 : i32
      %dma_wait3A_149 = tpu.memref_slice %arg8[%dma_wait3A_147, %dma_wait3A_148] : memref<10000x64xf32, #tpu.memory_space<vmem_shared>> -> memref<10000x64xf32, #tpu.memory_space<vmem_shared>>
      tpu.wait_indirect_dma semaphore(%arg28 : memref<!tpu.dma_semaphore, #tpu.memory_space<semaphore_mem>>) src(%arg21 : memref<80x64xf32, #tpu.memory_space<vmem>>) dst(%dma_wait3A_149 : memref<10000x64xf32, #tpu.memory_space<vmem_shared>>)
      %dma_wait3A_150 = arith.constant 123 : i32
      %dma_wait3A_151 = arith.constant 0 : i32
      %dma_wait3A_152 = tpu.memref_slice %arg9[%dma_wait3A_150, %dma_wait3A_151] : memref<125x80xi32, #tpu.memory_space<vmem>> -> memref<1x80xi32, #tpu.memory_space<vmem>>
      %dma_wait3A_153 = tpu.memref_squeeze %dma_wait3A_152 : memref<1x80xi32, #tpu.memory_space<vmem>> -> memref<80xi32, #tpu.memory_space<vmem>>
      %dma_wait3A_154 = arith.constant 0 : i32
      %dma_wait3A_155 = arith.constant 0 : i32
      %dma_wait3A_156 = tpu.memref_slice %arg8[%dma_wait3A_154, %dma_wait3A_155] : memref<10000x64xf32, #tpu.memory_space<vmem_shared>> -> memref<10000x64xf32, #tpu.memory_space<vmem_shared>>
      tpu.wait_indirect_dma semaphore(%arg29 : memref<!tpu.dma_semaphore, #tpu.memory_space<semaphore_mem>>) src(%arg22 : memref<80x64xf32, #tpu.memory_space<vmem>>) dst(%dma_wait3A_156 : memref<10000x64xf32, #tpu.memory_space<vmem_shared>>)
      %dma_wait3A_157 = arith.constant 124 : i32
      %dma_wait3A_158 = arith.constant 0 : i32
      %dma_wait3A_159 = tpu.memref_slice %arg9[%dma_wait3A_157, %dma_wait3A_158] : memref<125x80xi32, #tpu.memory_space<vmem>> -> memref<1x80xi32, #tpu.memory_space<vmem>>
      %dma_wait3A_160 = tpu.memref_squeeze %dma_wait3A_159 : memref<1x80xi32, #tpu.memory_space<vmem>> -> memref<80xi32, #tpu.memory_space<vmem>>
      %dma_wait3A_161 = arith.constant 0 : i32
      %dma_wait3A_162 = arith.constant 0 : i32
      %dma_wait3A_163 = tpu.memref_slice %arg8[%dma_wait3A_161, %dma_wait3A_162] : memref<10000x64xf32, #tpu.memory_space<vmem_shared>> -> memref<10000x64xf32, #tpu.memory_space<vmem_shared>>
      tpu.wait_indirect_dma semaphore(%arg26 : memref<!tpu.dma_semaphore, #tpu.memory_space<semaphore_mem>>) src(%arg19 : memref<80x64xf32, #tpu.memory_space<vmem>>) dst(%dma_wait3A_163 : memref<10000x64xf32, #tpu.memory_space<vmem_shared>>)
      %barrier3A_164 = arith.constant 0 : index
      tpu.barrier barrier_id(%barrier3A_164)
      %mul3A_165 = arith.constant 625 : i32
      %mul3A_166 = arith.muli %arg1, %mul3A_165 : i32
      %add3A_167 = arith.constant 0 : i32
      %add3A_168 = arith.addi %mul3A_166, %add3A_167 : i32
      "tpu.region"() ({
        %run_scoped3A = tpu.sem_alloc : memref<!tpu.dma_semaphore, #tpu.memory_space<semaphore_mem>>
        %dma_start3A_207 = arith.constant 0 : i32
        %dma_start3A_208 = tpu.memref_slice %arg7[%add3A_37, %add3A_168, %dma_start3A_207] : memref<8x10000x64xf32, #tpu.memory_space<hbm>> -> memref<1x125x64xf32, #tpu.memory_space<hbm>>
        %dma_start3A_209 = tpu.memref_squeeze %dma_start3A_208 : memref<1x125x64xf32, #tpu.memory_space<hbm>> -> memref<125x64xf32, #tpu.memory_space<hbm>>
        %dma_start3A_210 = arith.constant 0 : i32
        %dma_start3A_211 = tpu.memref_slice %arg8[%add3A_168, %dma_start3A_210] : memref<10000x64xf32, #tpu.memory_space<vmem_shared>> -> memref<125x64xf32, #tpu.memory_space<vmem_shared>>
        tpu.enqueue_dma source(%dma_start3A_211 : memref<125x64xf32, #tpu.memory_space<vmem_shared>>) target(%dma_start3A_209 : memref<125x64xf32, #tpu.memory_space<hbm>>) target_semaphore(%run_scoped3A : memref<!tpu.dma_semaphore, #tpu.memory_space<semaphore_mem>>)
        %dma_wait3A_212 = arith.constant 0 : i32
        %dma_wait3A_213 = tpu.memref_slice %arg7[%add3A_37, %add3A_168, %dma_wait3A_212] : memref<8x10000x64xf32, #tpu.memory_space<hbm>> -> memref<1x125x64xf32, #tpu.memory_space<hbm>>
        %dma_wait3A_214 = tpu.memref_squeeze %dma_wait3A_213 : memref<1x125x64xf32, #tpu.memory_space<hbm>> -> memref<125x64xf32, #tpu.memory_space<hbm>>
        %dma_wait3A_215 = arith.constant 0 : i32
        %dma_wait3A_216 = tpu.memref_slice %arg8[%add3A_168, %dma_wait3A_215] : memref<10000x64xf32, #tpu.memory_space<vmem_shared>> -> memref<125x64xf32, #tpu.memory_space<vmem_shared>>
        tpu.wait_dma2 semaphore(%run_scoped3A : memref<!tpu.dma_semaphore, #tpu.memory_space<semaphore_mem>>) src(%dma_wait3A_216 : memref<125x64xf32, #tpu.memory_space<vmem_shared>>) dst(%dma_wait3A_214 : memref<125x64xf32, #tpu.memory_space<hbm>>)
        tpu.yield
      }) : () -> ()
      %mul3A_169 = arith.constant 625 : i32
      %mul3A_170 = arith.muli %arg1, %mul3A_169 : i32
      %add3A_171 = arith.constant 125 : i32
      %add3A_172 = arith.addi %mul3A_170, %add3A_171 : i32
      "tpu.region"() ({
        %run_scoped3A = tpu.sem_alloc : memref<!tpu.dma_semaphore, #tpu.memory_space<semaphore_mem>>
        %dma_start3A_207 = arith.constant 0 : i32
        %dma_start3A_208 = tpu.memref_slice %arg7[%add3A_37, %add3A_172, %dma_start3A_207] : memref<8x10000x64xf32, #tpu.memory_space<hbm>> -> memref<1x125x64xf32, #tpu.memory_space<hbm>>
        %dma_start3A_209 = tpu.memref_squeeze %dma_start3A_208 : memref<1x125x64xf32, #tpu.memory_space<hbm>> -> memref<125x64xf32, #tpu.memory_space<hbm>>
        %dma_start3A_210 = arith.constant 0 : i32
        %dma_start3A_211 = tpu.memref_slice %arg8[%add3A_172, %dma_start3A_210] : memref<10000x64xf32, #tpu.memory_space<vmem_shared>> -> memref<125x64xf32, #tpu.memory_space<vmem_shared>>
        tpu.enqueue_dma source(%dma_start3A_211 : memref<125x64xf32, #tpu.memory_space<vmem_shared>>) target(%dma_start3A_209 : memref<125x64xf32, #tpu.memory_space<hbm>>) target_semaphore(%run_scoped3A : memref<!tpu.dma_semaphore, #tpu.memory_space<semaphore_mem>>)
        %dma_wait3A_212 = arith.constant 0 : i32
        %dma_wait3A_213 = tpu.memref_slice %arg7[%add3A_37, %add3A_172, %dma_wait3A_212] : memref<8x10000x64xf32, #tpu.memory_space<hbm>> -> memref<1x125x64xf32, #tpu.memory_space<hbm>>
        %dma_wait3A_214 = tpu.memref_squeeze %dma_wait3A_213 : memref<1x125x64xf32, #tpu.memory_space<hbm>> -> memref<125x64xf32, #tpu.memory_space<hbm>>
        %dma_wait3A_215 = arith.constant 0 : i32
        %dma_wait3A_216 = tpu.memref_slice %arg8[%add3A_172, %dma_wait3A_215] : memref<10000x64xf32, #tpu.memory_space<vmem_shared>> -> memref<125x64xf32, #tpu.memory_space<vmem_shared>>
        tpu.wait_dma2 semaphore(%run_scoped3A : memref<!tpu.dma_semaphore, #tpu.memory_space<semaphore_mem>>) src(%dma_wait3A_216 : memref<125x64xf32, #tpu.memory_space<vmem_shared>>) dst(%dma_wait3A_214 : memref<125x64xf32, #tpu.memory_space<hbm>>)
        tpu.yield
      }) : () -> ()
      %mul3A_173 = arith.constant 625 : i32
      %mul3A_174 = arith.muli %arg1, %mul3A_173 : i32
      %add3A_175 = arith.constant 250 : i32
      %add3A_176 = arith.addi %mul3A_174, %add3A_175 : i32
      "tpu.region"() ({
        %run_scoped3A = tpu.sem_alloc : memref<!tpu.dma_semaphore, #tpu.memory_space<semaphore_mem>>
        %dma_start3A_207 = arith.constant 0 : i32
        %dma_start3A_208 = tpu.memref_slice %arg7[%add3A_37, %add3A_176, %dma_start3A_207] : memref<8x10000x64xf32, #tpu.memory_space<hbm>> -> memref<1x125x64xf32, #tpu.memory_space<hbm>>
        %dma_start3A_209 = tpu.memref_squeeze %dma_start3A_208 : memref<1x125x64xf32, #tpu.memory_space<hbm>> -> memref<125x64xf32, #tpu.memory_space<hbm>>
        %dma_start3A_210 = arith.constant 0 : i32
        %dma_start3A_211 = tpu.memref_slice %arg8[%add3A_176, %dma_start3A_210] : memref<10000x64xf32, #tpu.memory_space<vmem_shared>> -> memref<125x64xf32, #tpu.memory_space<vmem_shared>>
        tpu.enqueue_dma source(%dma_start3A_211 : memref<125x64xf32, #tpu.memory_space<vmem_shared>>) target(%dma_start3A_209 : memref<125x64xf32, #tpu.memory_space<hbm>>) target_semaphore(%run_scoped3A : memref<!tpu.dma_semaphore, #tpu.memory_space<semaphore_mem>>)
        %dma_wait3A_212 = arith.constant 0 : i32
        %dma_wait3A_213 = tpu.memref_slice %arg7[%add3A_37, %add3A_176, %dma_wait3A_212] : memref<8x10000x64xf32, #tpu.memory_space<hbm>> -> memref<1x125x64xf32, #tpu.memory_space<hbm>>
        %dma_wait3A_214 = tpu.memref_squeeze %dma_wait3A_213 : memref<1x125x64xf32, #tpu.memory_space<hbm>> -> memref<125x64xf32, #tpu.memory_space<hbm>>
        %dma_wait3A_215 = arith.constant 0 : i32
        %dma_wait3A_216 = tpu.memref_slice %arg8[%add3A_176, %dma_wait3A_215] : memref<10000x64xf32, #tpu.memory_space<vmem_shared>> -> memref<125x64xf32, #tpu.memory_space<vmem_shared>>
        tpu.wait_dma2 semaphore(%run_scoped3A : memref<!tpu.dma_semaphore, #tpu.memory_space<semaphore_mem>>) src(%dma_wait3A_216 : memref<125x64xf32, #tpu.memory_space<vmem_shared>>) dst(%dma_wait3A_214 : memref<125x64xf32, #tpu.memory_space<hbm>>)
        tpu.yield
      }) : () -> ()
      %mul3A_177 = arith.constant 625 : i32
      %mul3A_178 = arith.muli %arg1, %mul3A_177 : i32
      %add3A_179 = arith.constant 375 : i32
      %add3A_180 = arith.addi %mul3A_178, %add3A_179 : i32
      "tpu.region"() ({
        %run_scoped3A = tpu.sem_alloc : memref<!tpu.dma_semaphore, #tpu.memory_space<semaphore_mem>>
        %dma_start3A_207 = arith.constant 0 : i32
        %dma_start3A_208 = tpu.memref_slice %arg7[%add3A_37, %add3A_180, %dma_start3A_207] : memref<8x10000x64xf32, #tpu.memory_space<hbm>> -> memref<1x125x64xf32, #tpu.memory_space<hbm>>
        %dma_start3A_209 = tpu.memref_squeeze %dma_start3A_208 : memref<1x125x64xf32, #tpu.memory_space<hbm>> -> memref<125x64xf32, #tpu.memory_space<hbm>>
        %dma_start3A_210 = arith.constant 0 : i32
        %dma_start3A_211 = tpu.memref_slice %arg8[%add3A_180, %dma_start3A_210] : memref<10000x64xf32, #tpu.memory_space<vmem_shared>> -> memref<125x64xf32, #tpu.memory_space<vmem_shared>>
        tpu.enqueue_dma source(%dma_start3A_211 : memref<125x64xf32, #tpu.memory_space<vmem_shared>>) target(%dma_start3A_209 : memref<125x64xf32, #tpu.memory_space<hbm>>) target_semaphore(%run_scoped3A : memref<!tpu.dma_semaphore, #tpu.memory_space<semaphore_mem>>)
        %dma_wait3A_212 = arith.constant 0 : i32
        %dma_wait3A_213 = tpu.memref_slice %arg7[%add3A_37, %add3A_180, %dma_wait3A_212] : memref<8x10000x64xf32, #tpu.memory_space<hbm>> -> memref<1x125x64xf32, #tpu.memory_space<hbm>>
        %dma_wait3A_214 = tpu.memref_squeeze %dma_wait3A_213 : memref<1x125x64xf32, #tpu.memory_space<hbm>> -> memref<125x64xf32, #tpu.memory_space<hbm>>
        %dma_wait3A_215 = arith.constant 0 : i32
        %dma_wait3A_216 = tpu.memref_slice %arg8[%add3A_180, %dma_wait3A_215] : memref<10000x64xf32, #tpu.memory_space<vmem_shared>> -> memref<125x64xf32, #tpu.memory_space<vmem_shared>>
        tpu.wait_dma2 semaphore(%run_scoped3A : memref<!tpu.dma_semaphore, #tpu.memory_space<semaphore_mem>>) src(%dma_wait3A_216 : memref<125x64xf32, #tpu.memory_space<vmem_shared>>) dst(%dma_wait3A_214 : memref<125x64xf32, #tpu.memory_space<hbm>>)
        tpu.yield
      }) : () -> ()
      %mul3A_181 = arith.constant 625 : i32
      %mul3A_182 = arith.muli %arg1, %mul3A_181 : i32
      %add3A_183 = arith.constant 500 : i32
      %add3A_184 = arith.addi %mul3A_182, %add3A_183 : i32
      "tpu.region"() ({
        %run_scoped3A = tpu.sem_alloc : memref<!tpu.dma_semaphore, #tpu.memory_space<semaphore_mem>>
        %dma_start3A_207 = arith.constant 0 : i32
        %dma_start3A_208 = tpu.memref_slice %arg7[%add3A_37, %add3A_184, %dma_start3A_207] : memref<8x10000x64xf32, #tpu.memory_space<hbm>> -> memref<1x125x64xf32, #tpu.memory_space<hbm>>
        %dma_start3A_209 = tpu.memref_squeeze %dma_start3A_208 : memref<1x125x64xf32, #tpu.memory_space<hbm>> -> memref<125x64xf32, #tpu.memory_space<hbm>>
        %dma_start3A_210 = arith.constant 0 : i32
        %dma_start3A_211 = tpu.memref_slice %arg8[%add3A_184, %dma_start3A_210] : memref<10000x64xf32, #tpu.memory_space<vmem_shared>> -> memref<125x64xf32, #tpu.memory_space<vmem_shared>>
        tpu.enqueue_dma source(%dma_start3A_211 : memref<125x64xf32, #tpu.memory_space<vmem_shared>>) target(%dma_start3A_209 : memref<125x64xf32, #tpu.memory_space<hbm>>) target_semaphore(%run_scoped3A : memref<!tpu.dma_semaphore, #tpu.memory_space<semaphore_mem>>)
        %dma_wait3A_212 = arith.constant 0 : i32
        %dma_wait3A_213 = tpu.memref_slice %arg7[%add3A_37, %add3A_184, %dma_wait3A_212] : memref<8x10000x64xf32, #tpu.memory_space<hbm>> -> memref<1x125x64xf32, #tpu.memory_space<hbm>>
        %dma_wait3A_214 = tpu.memref_squeeze %dma_wait3A_213 : memref<1x125x64xf32, #tpu.memory_space<hbm>> -> memref<125x64xf32, #tpu.memory_space<hbm>>
        %dma_wait3A_215 = arith.constant 0 : i32
        %dma_wait3A_216 = tpu.memref_slice %arg8[%add3A_184, %dma_wait3A_215] : memref<10000x64xf32, #tpu.memory_space<vmem_shared>> -> memref<125x64xf32, #tpu.memory_space<vmem_shared>>
        tpu.wait_dma2 semaphore(%run_scoped3A : memref<!tpu.dma_semaphore, #tpu.memory_space<semaphore_mem>>) src(%dma_wait3A_216 : memref<125x64xf32, #tpu.memory_space<vmem_shared>>) dst(%dma_wait3A_214 : memref<125x64xf32, #tpu.memory_space<hbm>>)
        tpu.yield
      }) : () -> ()
      %barrier3A_185 = arith.constant 0 : index
      tpu.barrier barrier_id(%barrier3A_185)
      %mul3A_186 = arith.constant 625 : i32
      %mul3A_187 = arith.muli %arg1, %mul3A_186 : i32
      %add3A_188 = arith.constant 0 : i32
      %add3A_189 = arith.addi %mul3A_187, %add3A_188 : i32
      "tpu.region"() ({
        %run_scoped3A = tpu.sem_alloc : memref<!tpu.dma_semaphore, #tpu.memory_space<semaphore_mem>>
        %dma_start3A_207 = arith.constant 0 : i32
        %dma_start3A_208 = tpu.memref_slice %arg8[%add3A_189, %dma_start3A_207] : memref<10000x64xf32, #tpu.memory_space<vmem_shared>> -> memref<125x64xf32, #tpu.memory_space<vmem_shared>>
        %dma_start3A_209 = arith.constant 0 : i32
        %dma_start3A_210 = tpu.memref_slice %arg8[%add3A_189, %dma_start3A_209] : memref<10000x64xf32, #tpu.memory_space<vmem_shared>> -> memref<125x64xf32, #tpu.memory_space<vmem_shared>>
        tpu.enqueue_dma source(%arg23 : memref<125x64xf32, #tpu.memory_space<vmem>>) target(%dma_start3A_210 : memref<125x64xf32, #tpu.memory_space<vmem_shared>>) target_semaphore(%run_scoped3A : memref<!tpu.dma_semaphore, #tpu.memory_space<semaphore_mem>>)
        %dma_wait3A_211 = arith.constant 0 : i32
        %dma_wait3A_212 = tpu.memref_slice %arg8[%add3A_189, %dma_wait3A_211] : memref<10000x64xf32, #tpu.memory_space<vmem_shared>> -> memref<125x64xf32, #tpu.memory_space<vmem_shared>>
        %dma_wait3A_213 = arith.constant 0 : i32
        %dma_wait3A_214 = tpu.memref_slice %arg8[%add3A_189, %dma_wait3A_213] : memref<10000x64xf32, #tpu.memory_space<vmem_shared>> -> memref<125x64xf32, #tpu.memory_space<vmem_shared>>
        tpu.wait_dma2 semaphore(%run_scoped3A : memref<!tpu.dma_semaphore, #tpu.memory_space<semaphore_mem>>) src(%arg23 : memref<125x64xf32, #tpu.memory_space<vmem>>) dst(%dma_wait3A_214 : memref<125x64xf32, #tpu.memory_space<vmem_shared>>)
        tpu.yield
      }) : () -> ()
      %mul3A_190 = arith.constant 625 : i32
      %mul3A_191 = arith.muli %arg1, %mul3A_190 : i32
      %add3A_192 = arith.constant 125 : i32
      %add3A_193 = arith.addi %mul3A_191, %add3A_192 : i32
      "tpu.region"() ({
        %run_scoped3A = tpu.sem_alloc : memref<!tpu.dma_semaphore, #tpu.memory_space<semaphore_mem>>
        %dma_start3A_207 = arith.constant 0 : i32
        %dma_start3A_208 = tpu.memref_slice %arg8[%add3A_193, %dma_start3A_207] : memref<10000x64xf32, #tpu.memory_space<vmem_shared>> -> memref<125x64xf32, #tpu.memory_space<vmem_shared>>
        %dma_start3A_209 = arith.constant 0 : i32
        %dma_start3A_210 = tpu.memref_slice %arg8[%add3A_193, %dma_start3A_209] : memref<10000x64xf32, #tpu.memory_space<vmem_shared>> -> memref<125x64xf32, #tpu.memory_space<vmem_shared>>
        tpu.enqueue_dma source(%arg23 : memref<125x64xf32, #tpu.memory_space<vmem>>) target(%dma_start3A_210 : memref<125x64xf32, #tpu.memory_space<vmem_shared>>) target_semaphore(%run_scoped3A : memref<!tpu.dma_semaphore, #tpu.memory_space<semaphore_mem>>)
        %dma_wait3A_211 = arith.constant 0 : i32
        %dma_wait3A_212 = tpu.memref_slice %arg8[%add3A_193, %dma_wait3A_211] : memref<10000x64xf32, #tpu.memory_space<vmem_shared>> -> memref<125x64xf32, #tpu.memory_space<vmem_shared>>
        %dma_wait3A_213 = arith.constant 0 : i32
        %dma_wait3A_214 = tpu.memref_slice %arg8[%add3A_193, %dma_wait3A_213] : memref<10000x64xf32, #tpu.memory_space<vmem_shared>> -> memref<125x64xf32, #tpu.memory_space<vmem_shared>>
        tpu.wait_dma2 semaphore(%run_scoped3A : memref<!tpu.dma_semaphore, #tpu.memory_space<semaphore_mem>>) src(%arg23 : memref<125x64xf32, #tpu.memory_space<vmem>>) dst(%dma_wait3A_214 : memref<125x64xf32, #tpu.memory_space<vmem_shared>>)
        tpu.yield
      }) : () -> ()
      %mul3A_194 = arith.constant 625 : i32
      %mul3A_195 = arith.muli %arg1, %mul3A_194 : i32
      %add3A_196 = arith.constant 250 : i32
      %add3A_197 = arith.addi %mul3A_195, %add3A_196 : i32
      "tpu.region"() ({
        %run_scoped3A = tpu.sem_alloc : memref<!tpu.dma_semaphore, #tpu.memory_space<semaphore_mem>>
        %dma_start3A_207 = arith.constant 0 : i32
        %dma_start3A_208 = tpu.memref_slice %arg8[%add3A_197, %dma_start3A_207] : memref<10000x64xf32, #tpu.memory_space<vmem_shared>> -> memref<125x64xf32, #tpu.memory_space<vmem_shared>>
        %dma_start3A_209 = arith.constant 0 : i32
        %dma_start3A_210 = tpu.memref_slice %arg8[%add3A_197, %dma_start3A_209] : memref<10000x64xf32, #tpu.memory_space<vmem_shared>> -> memref<125x64xf32, #tpu.memory_space<vmem_shared>>
        tpu.enqueue_dma source(%arg23 : memref<125x64xf32, #tpu.memory_space<vmem>>) target(%dma_start3A_210 : memref<125x64xf32, #tpu.memory_space<vmem_shared>>) target_semaphore(%run_scoped3A : memref<!tpu.dma_semaphore, #tpu.memory_space<semaphore_mem>>)
        %dma_wait3A_211 = arith.constant 0 : i32
        %dma_wait3A_212 = tpu.memref_slice %arg8[%add3A_197, %dma_wait3A_211] : memref<10000x64xf32, #tpu.memory_space<vmem_shared>> -> memref<125x64xf32, #tpu.memory_space<vmem_shared>>
        %dma_wait3A_213 = arith.constant 0 : i32
        %dma_wait3A_214 = tpu.memref_slice %arg8[%add3A_197, %dma_wait3A_213] : memref<10000x64xf32, #tpu.memory_space<vmem_shared>> -> memref<125x64xf32, #tpu.memory_space<vmem_shared>>
        tpu.wait_dma2 semaphore(%run_scoped3A : memref<!tpu.dma_semaphore, #tpu.memory_space<semaphore_mem>>) src(%arg23 : memref<125x64xf32, #tpu.memory_space<vmem>>) dst(%dma_wait3A_214 : memref<125x64xf32, #tpu.memory_space<vmem_shared>>)
        tpu.yield
      }) : () -> ()
      %mul3A_198 = arith.constant 625 : i32
      %mul3A_199 = arith.muli %arg1, %mul3A_198 : i32
      %add3A_200 = arith.constant 375 : i32
      %add3A_201 = arith.addi %mul3A_199, %add3A_200 : i32
      "tpu.region"() ({
        %run_scoped3A = tpu.sem_alloc : memref<!tpu.dma_semaphore, #tpu.memory_space<semaphore_mem>>
        %dma_start3A_207 = arith.constant 0 : i32
        %dma_start3A_208 = tpu.memref_slice %arg8[%add3A_201, %dma_start3A_207] : memref<10000x64xf32, #tpu.memory_space<vmem_shared>> -> memref<125x64xf32, #tpu.memory_space<vmem_shared>>
        %dma_start3A_209 = arith.constant 0 : i32
        %dma_start3A_210 = tpu.memref_slice %arg8[%add3A_201, %dma_start3A_209] : memref<10000x64xf32, #tpu.memory_space<vmem_shared>> -> memref<125x64xf32, #tpu.memory_space<vmem_shared>>
        tpu.enqueue_dma source(%arg23 : memref<125x64xf32, #tpu.memory_space<vmem>>) target(%dma_start3A_210 : memref<125x64xf32, #tpu.memory_space<vmem_shared>>) target_semaphore(%run_scoped3A : memref<!tpu.dma_semaphore, #tpu.memory_space<semaphore_mem>>)
        %dma_wait3A_211 = arith.constant 0 : i32
        %dma_wait3A_212 = tpu.memref_slice %arg8[%add3A_201, %dma_wait3A_211] : memref<10000x64xf32, #tpu.memory_space<vmem_shared>> -> memref<125x64xf32, #tpu.memory_space<vmem_shared>>
        %dma_wait3A_213 = arith.constant 0 : i32
        %dma_wait3A_214 = tpu.memref_slice %arg8[%add3A_201, %dma_wait3A_213] : memref<10000x64xf32, #tpu.memory_space<vmem_shared>> -> memref<125x64xf32, #tpu.memory_space<vmem_shared>>
        tpu.wait_dma2 semaphore(%run_scoped3A : memref<!tpu.dma_semaphore, #tpu.memory_space<semaphore_mem>>) src(%arg23 : memref<125x64xf32, #tpu.memory_space<vmem>>) dst(%dma_wait3A_214 : memref<125x64xf32, #tpu.memory_space<vmem_shared>>)
        tpu.yield
      }) : () -> ()
      %mul3A_202 = arith.constant 625 : i32
      %mul3A_203 = arith.muli %arg1, %mul3A_202 : i32
      %add3A_204 = arith.constant 500 : i32
      %add3A_205 = arith.addi %mul3A_203, %add3A_204 : i32
      "tpu.region"() ({
        %run_scoped3A = tpu.sem_alloc : memref<!tpu.dma_semaphore, #tpu.memory_space<semaphore_mem>>
        %dma_start3A_207 = arith.constant 0 : i32
        %dma_start3A_208 = tpu.memref_slice %arg8[%add3A_205, %dma_start3A_207] : memref<10000x64xf32, #tpu.memory_space<vmem_shared>> -> memref<125x64xf32, #tpu.memory_space<vmem_shared>>
        %dma_start3A_209 = arith.constant 0 : i32
        %dma_start3A_210 = tpu.memref_slice %arg8[%add3A_205, %dma_start3A_209] : memref<10000x64xf32, #tpu.memory_space<vmem_shared>> -> memref<125x64xf32, #tpu.memory_space<vmem_shared>>
        tpu.enqueue_dma source(%arg23 : memref<125x64xf32, #tpu.memory_space<vmem>>) target(%dma_start3A_210 : memref<125x64xf32, #tpu.memory_space<vmem_shared>>) target_semaphore(%run_scoped3A : memref<!tpu.dma_semaphore, #tpu.memory_space<semaphore_mem>>)
        %dma_wait3A_211 = arith.constant 0 : i32
        %dma_wait3A_212 = tpu.memref_slice %arg8[%add3A_205, %dma_wait3A_211] : memref<10000x64xf32, #tpu.memory_space<vmem_shared>> -> memref<125x64xf32, #tpu.memory_space<vmem_shared>>
        %dma_wait3A_213 = arith.constant 0 : i32
        %dma_wait3A_214 = tpu.memref_slice %arg8[%add3A_205, %dma_wait3A_213] : memref<10000x64xf32, #tpu.memory_space<vmem_shared>> -> memref<125x64xf32, #tpu.memory_space<vmem_shared>>
        tpu.wait_dma2 semaphore(%run_scoped3A : memref<!tpu.dma_semaphore, #tpu.memory_space<semaphore_mem>>) src(%arg23 : memref<125x64xf32, #tpu.memory_space<vmem>>) dst(%dma_wait3A_214 : memref<125x64xf32, #tpu.memory_space<vmem_shared>>)
        tpu.yield
      }) : () -> ()
      %barrier3A_206 = arith.constant 0 : index
      tpu.barrier barrier_id(%barrier3A_206)
    }
    %scan3A_33 = arith.constant 4 : i32
    return
  }
}

#map = affine_map<(d0, d1) -> (0, 0)>
#map1 = affine_map<(d0, d1) -> (0)>
module attributes {stable_mosaic.version = 14 : i64} {
  func.func @_gather_coords(%arg0: i32, %arg1: i32, %arg2: memref<10000x16xf32, #tpu.memory_space<hbm>>, %arg3: memref<160000xi32, #tpu.memory_space<hbm>>, %arg4: memref<160000xi32, #tpu.memory_space<hbm>>, %arg5: memref<160000x16xf32, #tpu.memory_space<hbm>>, %arg6: memref<5000xi32, #tpu.memory_space<vmem>>, %arg7: memref<5000xi32, #tpu.memory_space<vmem>>, %arg8: memref<40x16xf32, #tpu.memory_space<vmem>>, %arg9: memref<40x16xf32, #tpu.memory_space<vmem>>, %arg10: memref<40x16xf32, #tpu.memory_space<vmem>>, %arg11: memref<40x16xf32, #tpu.memory_space<vmem>>, %arg12: memref<40x16xf32, #tpu.memory_space<vmem>>, %arg13: memref<40x16xf32, #tpu.memory_space<vmem>>, %arg14: memref<!tpu.dma_semaphore, #tpu.memory_space<semaphore_mem>>, %arg15: memref<!tpu.dma_semaphore, #tpu.memory_space<semaphore_mem>>, %arg16: memref<!tpu.dma_semaphore, #tpu.memory_space<semaphore_mem>>, %arg17: memref<!tpu.dma_semaphore, #tpu.memory_space<semaphore_mem>>) attributes {dimension_semantics = [#tpu.dimension_semantics<core_parallel>, #tpu.dimension_semantics<subcore_parallel>], iteration_bounds = array<i64: 2, 16>, scalar_prefetch = 0 : i64, scratch_operands = 12 : i64, tpu.core_type = #tpu.core_type<sc_vector_subcore>, window_params = [{transform_indices = #map}, {transform_indices = #map1}, {transform_indices = #map1}, {transform_indices = #map}]} {
    %mul3A = arith.constant 2 : i32
    %mul3A_0 = arith.muli %arg1, %mul3A : i32
    %add3A = arith.addi %mul3A_0, %arg0 : i32
    %mul3A_1 = arith.constant 5000 : i32
    %mul3A_2 = arith.muli %add3A, %mul3A_1 : i32
    "tpu.region"() ({
      %run_scoped3A = tpu.sem_alloc : memref<!tpu.dma_semaphore, #tpu.memory_space<semaphore_mem>>
      %dma_start3A_52 = tpu.memref_slice %arg3[%mul3A_2] : memref<160000xi32, #tpu.memory_space<hbm>> -> memref<5000xi32, #tpu.memory_space<hbm>>
      %dma_start3A_53 = tpu.memref_slice %arg3[%mul3A_2] : memref<160000xi32, #tpu.memory_space<hbm>> -> memref<5000xi32, #tpu.memory_space<hbm>>
      tpu.enqueue_dma source(%dma_start3A_53 : memref<5000xi32, #tpu.memory_space<hbm>>) target(%arg6 : memref<5000xi32, #tpu.memory_space<vmem>>) target_semaphore(%run_scoped3A : memref<!tpu.dma_semaphore, #tpu.memory_space<semaphore_mem>>)
      %dma_wait3A_54 = tpu.memref_slice %arg3[%mul3A_2] : memref<160000xi32, #tpu.memory_space<hbm>> -> memref<5000xi32, #tpu.memory_space<hbm>>
      %dma_wait3A_55 = tpu.memref_slice %arg3[%mul3A_2] : memref<160000xi32, #tpu.memory_space<hbm>> -> memref<5000xi32, #tpu.memory_space<hbm>>
      tpu.wait_dma2 semaphore(%run_scoped3A : memref<!tpu.dma_semaphore, #tpu.memory_space<semaphore_mem>>) src(%dma_wait3A_55 : memref<5000xi32, #tpu.memory_space<hbm>>) dst(%arg6 : memref<5000xi32, #tpu.memory_space<vmem>>)
      tpu.yield
    }) : () -> ()
    "tpu.region"() ({
      %run_scoped3A = tpu.sem_alloc : memref<!tpu.dma_semaphore, #tpu.memory_space<semaphore_mem>>
      %dma_start3A_52 = tpu.memref_slice %arg4[%mul3A_2] : memref<160000xi32, #tpu.memory_space<hbm>> -> memref<5000xi32, #tpu.memory_space<hbm>>
      %dma_start3A_53 = tpu.memref_slice %arg4[%mul3A_2] : memref<160000xi32, #tpu.memory_space<hbm>> -> memref<5000xi32, #tpu.memory_space<hbm>>
      tpu.enqueue_dma source(%dma_start3A_53 : memref<5000xi32, #tpu.memory_space<hbm>>) target(%arg7 : memref<5000xi32, #tpu.memory_space<vmem>>) target_semaphore(%run_scoped3A : memref<!tpu.dma_semaphore, #tpu.memory_space<semaphore_mem>>)
      %dma_wait3A_54 = tpu.memref_slice %arg4[%mul3A_2] : memref<160000xi32, #tpu.memory_space<hbm>> -> memref<5000xi32, #tpu.memory_space<hbm>>
      %dma_wait3A_55 = tpu.memref_slice %arg4[%mul3A_2] : memref<160000xi32, #tpu.memory_space<hbm>> -> memref<5000xi32, #tpu.memory_space<hbm>>
      tpu.wait_dma2 semaphore(%run_scoped3A : memref<!tpu.dma_semaphore, #tpu.memory_space<semaphore_mem>>) src(%dma_wait3A_55 : memref<5000xi32, #tpu.memory_space<hbm>>) dst(%arg7 : memref<5000xi32, #tpu.memory_space<vmem>>)
      tpu.yield
    }) : () -> ()
    %dma_start3A = arith.constant 0 : i32
    %dma_start3A_3 = tpu.memref_slice %arg6[%dma_start3A] : memref<5000xi32, #tpu.memory_space<vmem>> -> memref<40xi32, #tpu.memory_space<vmem>>
    %dma_start3A_4 = arith.constant 0 : i32
    %dma_start3A_5 = arith.constant 0 : i32
    %dma_start3A_6 = tpu.memref_slice %arg2[%dma_start3A_4, %dma_start3A_5] : memref<10000x16xf32, #tpu.memory_space<hbm>> -> memref<10000x16xf32, #tpu.memory_space<hbm>>
    tpu.enqueue_indirect_dma source(%dma_start3A_6 : memref<10000x16xf32, #tpu.memory_space<hbm>>) target(%arg8 : memref<40x16xf32, #tpu.memory_space<vmem>>) offsets(%dma_start3A_3 : memref<40xi32, #tpu.memory_space<vmem>>) semaphore(%arg14 : memref<!tpu.dma_semaphore, #tpu.memory_space<semaphore_mem>>)
    %dma_start3A_7 = arith.constant 0 : i32
    %dma_start3A_8 = tpu.memref_slice %arg7[%dma_start3A_7] : memref<5000xi32, #tpu.memory_space<vmem>> -> memref<40xi32, #tpu.memory_space<vmem>>
    %dma_start3A_9 = arith.constant 0 : i32
    %dma_start3A_10 = arith.constant 0 : i32
    %dma_start3A_11 = tpu.memref_slice %arg2[%dma_start3A_9, %dma_start3A_10] : memref<10000x16xf32, #tpu.memory_space<hbm>> -> memref<10000x16xf32, #tpu.memory_space<hbm>>
    tpu.enqueue_indirect_dma source(%dma_start3A_11 : memref<10000x16xf32, #tpu.memory_space<hbm>>) target(%arg10 : memref<40x16xf32, #tpu.memory_space<vmem>>) offsets(%dma_start3A_8 : memref<40xi32, #tpu.memory_space<vmem>>) semaphore(%arg14 : memref<!tpu.dma_semaphore, #tpu.memory_space<semaphore_mem>>)
    %scan3A = arith.constant 0 : i32
    %scan3A_12 = arith.constant 0 : i32
    %scan3A_13 = arith.constant 62 : i32
    %scan3A_14 = arith.addi %scan3A_12, %scan3A_13 : i32
    %scan3A_15 = arith.constant 1 : i32
    scf.for %scan3A_52 = %scan3A_12 to %scan3A_14 step %scan3A_15  : i32 {
      %mul3A_53 = arith.constant 2 : i32
      %mul3A_54 = arith.muli %mul3A_53, %scan3A_52 : i32
      %mul3A_55 = arith.constant 40 : i32
      %mul3A_56 = arith.muli %mul3A_54, %mul3A_55 : i32
      %dma_wait3A_57 = tpu.memref_slice %arg6[%mul3A_56] : memref<5000xi32, #tpu.memory_space<vmem>> -> memref<40xi32, #tpu.memory_space<vmem>>
      %dma_wait3A_58 = arith.constant 0 : i32
      %dma_wait3A_59 = arith.constant 0 : i32
      %dma_wait3A_60 = tpu.memref_slice %arg2[%dma_wait3A_58, %dma_wait3A_59] : memref<10000x16xf32, #tpu.memory_space<hbm>> -> memref<10000x16xf32, #tpu.memory_space<hbm>>
      tpu.wait_indirect_dma semaphore(%arg14 : memref<!tpu.dma_semaphore, #tpu.memory_space<semaphore_mem>>) src(%dma_wait3A_60 : memref<10000x16xf32, #tpu.memory_space<hbm>>) dst(%arg8 : memref<40x16xf32, #tpu.memory_space<vmem>>)
      %dma_wait3A_61 = tpu.memref_slice %arg7[%mul3A_56] : memref<5000xi32, #tpu.memory_space<vmem>> -> memref<40xi32, #tpu.memory_space<vmem>>
      %dma_wait3A_62 = arith.constant 0 : i32
      %dma_wait3A_63 = arith.constant 0 : i32
      %dma_wait3A_64 = tpu.memref_slice %arg2[%dma_wait3A_62, %dma_wait3A_63] : memref<10000x16xf32, #tpu.memory_space<hbm>> -> memref<10000x16xf32, #tpu.memory_space<hbm>>
      tpu.wait_indirect_dma semaphore(%arg14 : memref<!tpu.dma_semaphore, #tpu.memory_space<semaphore_mem>>) src(%dma_wait3A_64 : memref<10000x16xf32, #tpu.memory_space<hbm>>) dst(%arg10 : memref<40x16xf32, #tpu.memory_space<vmem>>)
      %le3A = arith.constant 123 : i32
      %le3A_65 = arith.cmpi sle, %mul3A_54, %le3A : i32
      %convert_element_type3A = arith.extui %le3A_65 : i1 to i32
      %cond3A = arith.constant 0 : i32
      %cond3A_66 = arith.cmpi ne, %convert_element_type3A, %cond3A : i32
      scf.if %cond3A_66 {
        %add3A_115 = arith.constant 1 : i32
        %add3A_116 = arith.addi %mul3A_54, %add3A_115 : i32
        %mul3A_117 = arith.constant 40 : i32
        %mul3A_118 = arith.muli %add3A_116, %mul3A_117 : i32
        %dma_start3A_119 = tpu.memref_slice %arg6[%mul3A_118] : memref<5000xi32, #tpu.memory_space<vmem>> -> memref<40xi32, #tpu.memory_space<vmem>>
        %dma_start3A_120 = arith.constant 0 : i32
        %dma_start3A_121 = arith.constant 0 : i32
        %dma_start3A_122 = tpu.memref_slice %arg2[%dma_start3A_120, %dma_start3A_121] : memref<10000x16xf32, #tpu.memory_space<hbm>> -> memref<10000x16xf32, #tpu.memory_space<hbm>>
        tpu.enqueue_indirect_dma source(%dma_start3A_122 : memref<10000x16xf32, #tpu.memory_space<hbm>>) target(%arg9 : memref<40x16xf32, #tpu.memory_space<vmem>>) offsets(%dma_start3A_119 : memref<40xi32, #tpu.memory_space<vmem>>) semaphore(%arg15 : memref<!tpu.dma_semaphore, #tpu.memory_space<semaphore_mem>>)
        %dma_start3A_123 = tpu.memref_slice %arg7[%mul3A_118] : memref<5000xi32, #tpu.memory_space<vmem>> -> memref<40xi32, #tpu.memory_space<vmem>>
        %dma_start3A_124 = arith.constant 0 : i32
        %dma_start3A_125 = arith.constant 0 : i32
        %dma_start3A_126 = tpu.memref_slice %arg2[%dma_start3A_124, %dma_start3A_125] : memref<10000x16xf32, #tpu.memory_space<hbm>> -> memref<10000x16xf32, #tpu.memory_space<hbm>>
        tpu.enqueue_indirect_dma source(%dma_start3A_126 : memref<10000x16xf32, #tpu.memory_space<hbm>>) target(%arg11 : memref<40x16xf32, #tpu.memory_space<vmem>>) offsets(%dma_start3A_123 : memref<40xi32, #tpu.memory_space<vmem>>) semaphore(%arg15 : memref<!tpu.dma_semaphore, #tpu.memory_space<semaphore_mem>>)
      } else {
      }
      %ge3A = arith.constant 2 : i32
      %ge3A_67 = arith.cmpi sge, %mul3A_54, %ge3A : i32
      %convert_element_type3A_68 = arith.extui %ge3A_67 : i1 to i32
      %cond3A_69 = arith.constant 0 : i32
      %cond3A_70 = arith.cmpi ne, %convert_element_type3A_68, %cond3A_69 : i32
      scf.if %cond3A_70 {
        %sub3A = arith.constant 2 : i32
        %sub3A_115 = arith.subi %mul3A_54, %sub3A : i32
        %mul3A_116 = arith.constant 40 : i32
        %mul3A_117 = arith.muli %sub3A_115, %mul3A_116 : i32
        %add3A_118 = arith.addi %mul3A_2, %mul3A_117 : i32
        %dma_wait3A_119 = arith.constant 0 : i32
        %dma_wait3A_120 = tpu.memref_slice %arg5[%add3A_118, %dma_wait3A_119] : memref<160000x16xf32, #tpu.memory_space<hbm>> -> memref<40x16xf32, #tpu.memory_space<hbm>>
        %dma_wait3A_121 = arith.constant 0 : i32
        %dma_wait3A_122 = tpu.memref_slice %arg5[%add3A_118, %dma_wait3A_121] : memref<160000x16xf32, #tpu.memory_space<hbm>> -> memref<40x16xf32, #tpu.memory_space<hbm>>
        tpu.wait_dma2 semaphore(%arg16 : memref<!tpu.dma_semaphore, #tpu.memory_space<semaphore_mem>>) src(%arg12 : memref<40x16xf32, #tpu.memory_space<vmem>>) dst(%dma_wait3A_122 : memref<40x16xf32, #tpu.memory_space<hbm>>)
      } else {
      }
      %parallel_loop3A_71 = arith.constant 0 : i32
      %parallel_loop3A_72 = arith.constant 40 : i32
      %parallel_loop3A_73 = arith.constant 1 : i32
      scf.for %parallel_loop3A_115 = %parallel_loop3A_71 to %parallel_loop3A_72 step %parallel_loop3A_73  : i32 {
        %parallel_loop3A_116 = arith.index_cast %parallel_loop3A_115 : i32 to index
        %parallel_loop3A_117 = arith.constant 0 : index
        %parallel_loop3A_118 = tpu.vector_load %arg10[%parallel_loop3A_116, %parallel_loop3A_117] {strides = array<i32>} : memref<40x16xf32, #tpu.memory_space<vmem>>, vector<1x16xf32>,
        %parallel_loop3A_119 = vector.shape_cast %parallel_loop3A_118 : vector<1x16xf32> to vector<16xf32>
        %parallel_loop3A_120 = arith.index_cast %parallel_loop3A_115 : i32 to index
        %parallel_loop3A_121 = arith.constant 0 : index
        %parallel_loop3A_122 = tpu.vector_load %arg8[%parallel_loop3A_120, %parallel_loop3A_121] {strides = array<i32>} : memref<40x16xf32, #tpu.memory_space<vmem>>, vector<1x16xf32>,
        %parallel_loop3A_123 = vector.shape_cast %parallel_loop3A_122 : vector<1x16xf32> to vector<16xf32>
        %parallel_loop3A_124 = arith.subf %parallel_loop3A_119, %parallel_loop3A_123 : vector<16xf32>
        %parallel_loop3A_125 = arith.index_cast %parallel_loop3A_115 : i32 to index
        %parallel_loop3A_126 = arith.constant 0 : index
        %parallel_loop3A_127 = tpu.vector_load %arg12[%parallel_loop3A_125, %parallel_loop3A_126] {strides = array<i32>} : memref<40x16xf32, #tpu.memory_space<vmem>>, vector<1x16xf32>,
        %parallel_loop3A_128 = vector.shape_cast %parallel_loop3A_127 : vector<1x16xf32> to vector<16xf32>
        %parallel_loop3A_129 = vector.shape_cast %parallel_loop3A_124 : vector<16xf32> to vector<1x16xf32>
        tpu.vector_store %arg12[%parallel_loop3A_125, %parallel_loop3A_126], %parallel_loop3A_129 {strides = array<i32>} : memref<40x16xf32, #tpu.memory_space<vmem>>, vector<1x16xf32>,
      } {sc.loop_unroll_factor = 4 : i64, sc.parallel_access}
      %mul3A_74 = arith.constant 40 : i32
      %mul3A_75 = arith.muli %mul3A_54, %mul3A_74 : i32
      %add3A_76 = arith.addi %mul3A_2, %mul3A_75 : i32
      %dma_start3A_77 = arith.constant 0 : i32
      %dma_start3A_78 = tpu.memref_slice %arg5[%add3A_76, %dma_start3A_77] : memref<160000x16xf32, #tpu.memory_space<hbm>> -> memref<40x16xf32, #tpu.memory_space<hbm>>
      %dma_start3A_79 = arith.constant 0 : i32
      %dma_start3A_80 = tpu.memref_slice %arg5[%add3A_76, %dma_start3A_79] : memref<160000x16xf32, #tpu.memory_space<hbm>> -> memref<40x16xf32, #tpu.memory_space<hbm>>
      tpu.enqueue_dma source(%arg12 : memref<40x16xf32, #tpu.memory_space<vmem>>) target(%dma_start3A_80 : memref<40x16xf32, #tpu.memory_space<hbm>>) target_semaphore(%arg16 : memref<!tpu.dma_semaphore, #tpu.memory_space<semaphore_mem>>)
      %mul3A_81 = arith.constant 2 : i32
      %mul3A_82 = arith.muli %mul3A_81, %scan3A_52 : i32
      %add3A_83 = arith.constant 1 : i32
      %add3A_84 = arith.addi %mul3A_82, %add3A_83 : i32
      %mul3A_85 = arith.constant 40 : i32
      %mul3A_86 = arith.muli %add3A_84, %mul3A_85 : i32
      %dma_wait3A_87 = tpu.memref_slice %arg6[%mul3A_86] : memref<5000xi32, #tpu.memory_space<vmem>> -> memref<40xi32, #tpu.memory_space<vmem>>
      %dma_wait3A_88 = arith.constant 0 : i32
      %dma_wait3A_89 = arith.constant 0 : i32
      %dma_wait3A_90 = tpu.memref_slice %arg2[%dma_wait3A_88, %dma_wait3A_89] : memref<10000x16xf32, #tpu.memory_space<hbm>> -> memref<10000x16xf32, #tpu.memory_space<hbm>>
      tpu.wait_indirect_dma semaphore(%arg15 : memref<!tpu.dma_semaphore, #tpu.memory_space<semaphore_mem>>) src(%dma_wait3A_90 : memref<10000x16xf32, #tpu.memory_space<hbm>>) dst(%arg9 : memref<40x16xf32, #tpu.memory_space<vmem>>)
      %dma_wait3A_91 = tpu.memref_slice %arg7[%mul3A_86] : memref<5000xi32, #tpu.memory_space<vmem>> -> memref<40xi32, #tpu.memory_space<vmem>>
      %dma_wait3A_92 = arith.constant 0 : i32
      %dma_wait3A_93 = arith.constant 0 : i32
      %dma_wait3A_94 = tpu.memref_slice %arg2[%dma_wait3A_92, %dma_wait3A_93] : memref<10000x16xf32, #tpu.memory_space<hbm>> -> memref<10000x16xf32, #tpu.memory_space<hbm>>
      tpu.wait_indirect_dma semaphore(%arg15 : memref<!tpu.dma_semaphore, #tpu.memory_space<semaphore_mem>>) src(%dma_wait3A_94 : memref<10000x16xf32, #tpu.memory_space<hbm>>) dst(%arg11 : memref<40x16xf32, #tpu.memory_space<vmem>>)
      %le3A_95 = arith.constant 123 : i32
      %le3A_96 = arith.cmpi sle, %add3A_84, %le3A_95 : i32
      %convert_element_type3A_97 = arith.extui %le3A_96 : i1 to i32
      %cond3A_98 = arith.constant 0 : i32
      %cond3A_99 = arith.cmpi ne, %convert_element_type3A_97, %cond3A_98 : i32
      scf.if %cond3A_99 {
        %add3A_115 = arith.constant 1 : i32
        %add3A_116 = arith.addi %add3A_84, %add3A_115 : i32
        %mul3A_117 = arith.constant 40 : i32
        %mul3A_118 = arith.muli %add3A_116, %mul3A_117 : i32
        %dma_start3A_119 = tpu.memref_slice %arg6[%mul3A_118] : memref<5000xi32, #tpu.memory_space<vmem>> -> memref<40xi32, #tpu.memory_space<vmem>>
        %dma_start3A_120 = arith.constant 0 : i32
        %dma_start3A_121 = arith.constant 0 : i32
        %dma_start3A_122 = tpu.memref_slice %arg2[%dma_start3A_120, %dma_start3A_121] : memref<10000x16xf32, #tpu.memory_space<hbm>> -> memref<10000x16xf32, #tpu.memory_space<hbm>>
        tpu.enqueue_indirect_dma source(%dma_start3A_122 : memref<10000x16xf32, #tpu.memory_space<hbm>>) target(%arg8 : memref<40x16xf32, #tpu.memory_space<vmem>>) offsets(%dma_start3A_119 : memref<40xi32, #tpu.memory_space<vmem>>) semaphore(%arg14 : memref<!tpu.dma_semaphore, #tpu.memory_space<semaphore_mem>>)
        %dma_start3A_123 = tpu.memref_slice %arg7[%mul3A_118] : memref<5000xi32, #tpu.memory_space<vmem>> -> memref<40xi32, #tpu.memory_space<vmem>>
        %dma_start3A_124 = arith.constant 0 : i32
        %dma_start3A_125 = arith.constant 0 : i32
        %dma_start3A_126 = tpu.memref_slice %arg2[%dma_start3A_124, %dma_start3A_125] : memref<10000x16xf32, #tpu.memory_space<hbm>> -> memref<10000x16xf32, #tpu.memory_space<hbm>>
        tpu.enqueue_indirect_dma source(%dma_start3A_126 : memref<10000x16xf32, #tpu.memory_space<hbm>>) target(%arg10 : memref<40x16xf32, #tpu.memory_space<vmem>>) offsets(%dma_start3A_123 : memref<40xi32, #tpu.memory_space<vmem>>) semaphore(%arg14 : memref<!tpu.dma_semaphore, #tpu.memory_space<semaphore_mem>>)
      } else {
      }
      %ge3A_100 = arith.constant 2 : i32
      %ge3A_101 = arith.cmpi sge, %add3A_84, %ge3A_100 : i32
      %convert_element_type3A_102 = arith.extui %ge3A_101 : i1 to i32
      %cond3A_103 = arith.constant 0 : i32
      %cond3A_104 = arith.cmpi ne, %convert_element_type3A_102, %cond3A_103 : i32
      scf.if %cond3A_104 {
        %sub3A = arith.constant 2 : i32
        %sub3A_115 = arith.subi %add3A_84, %sub3A : i32
        %mul3A_116 = arith.constant 40 : i32
        %mul3A_117 = arith.muli %sub3A_115, %mul3A_116 : i32
        %add3A_118 = arith.addi %mul3A_2, %mul3A_117 : i32
        %dma_wait3A_119 = arith.constant 0 : i32
        %dma_wait3A_120 = tpu.memref_slice %arg5[%add3A_118, %dma_wait3A_119] : memref<160000x16xf32, #tpu.memory_space<hbm>> -> memref<40x16xf32, #tpu.memory_space<hbm>>
        %dma_wait3A_121 = arith.constant 0 : i32
        %dma_wait3A_122 = tpu.memref_slice %arg5[%add3A_118, %dma_wait3A_121] : memref<160000x16xf32, #tpu.memory_space<hbm>> -> memref<40x16xf32, #tpu.memory_space<hbm>>
        tpu.wait_dma2 semaphore(%arg17 : memref<!tpu.dma_semaphore, #tpu.memory_space<semaphore_mem>>) src(%arg13 : memref<40x16xf32, #tpu.memory_space<vmem>>) dst(%dma_wait3A_122 : memref<40x16xf32, #tpu.memory_space<hbm>>)
      } else {
      }
      %parallel_loop3A_105 = arith.constant 0 : i32
      %parallel_loop3A_106 = arith.constant 40 : i32
      %parallel_loop3A_107 = arith.constant 1 : i32
      scf.for %parallel_loop3A_115 = %parallel_loop3A_105 to %parallel_loop3A_106 step %parallel_loop3A_107  : i32 {
        %parallel_loop3A_116 = arith.index_cast %parallel_loop3A_115 : i32 to index
        %parallel_loop3A_117 = arith.constant 0 : index
        %parallel_loop3A_118 = tpu.vector_load %arg11[%parallel_loop3A_116, %parallel_loop3A_117] {strides = array<i32>} : memref<40x16xf32, #tpu.memory_space<vmem>>, vector<1x16xf32>,
        %parallel_loop3A_119 = vector.shape_cast %parallel_loop3A_118 : vector<1x16xf32> to vector<16xf32>
        %parallel_loop3A_120 = arith.index_cast %parallel_loop3A_115 : i32 to index
        %parallel_loop3A_121 = arith.constant 0 : index
        %parallel_loop3A_122 = tpu.vector_load %arg9[%parallel_loop3A_120, %parallel_loop3A_121] {strides = array<i32>} : memref<40x16xf32, #tpu.memory_space<vmem>>, vector<1x16xf32>,
        %parallel_loop3A_123 = vector.shape_cast %parallel_loop3A_122 : vector<1x16xf32> to vector<16xf32>
        %parallel_loop3A_124 = arith.subf %parallel_loop3A_119, %parallel_loop3A_123 : vector<16xf32>
        %parallel_loop3A_125 = arith.index_cast %parallel_loop3A_115 : i32 to index
        %parallel_loop3A_126 = arith.constant 0 : index
        %parallel_loop3A_127 = tpu.vector_load %arg13[%parallel_loop3A_125, %parallel_loop3A_126] {strides = array<i32>} : memref<40x16xf32, #tpu.memory_space<vmem>>, vector<1x16xf32>,
        %parallel_loop3A_128 = vector.shape_cast %parallel_loop3A_127 : vector<1x16xf32> to vector<16xf32>
        %parallel_loop3A_129 = vector.shape_cast %parallel_loop3A_124 : vector<16xf32> to vector<1x16xf32>
        tpu.vector_store %arg13[%parallel_loop3A_125, %parallel_loop3A_126], %parallel_loop3A_129 {strides = array<i32>} : memref<40x16xf32, #tpu.memory_space<vmem>>, vector<1x16xf32>,
      } {sc.loop_unroll_factor = 4 : i64, sc.parallel_access}
      %mul3A_108 = arith.constant 40 : i32
      %mul3A_109 = arith.muli %add3A_84, %mul3A_108 : i32
      %add3A_110 = arith.addi %mul3A_2, %mul3A_109 : i32
      %dma_start3A_111 = arith.constant 0 : i32
      %dma_start3A_112 = tpu.memref_slice %arg5[%add3A_110, %dma_start3A_111] : memref<160000x16xf32, #tpu.memory_space<hbm>> -> memref<40x16xf32, #tpu.memory_space<hbm>>
      %dma_start3A_113 = arith.constant 0 : i32
      %dma_start3A_114 = tpu.memref_slice %arg5[%add3A_110, %dma_start3A_113] : memref<160000x16xf32, #tpu.memory_space<hbm>> -> memref<40x16xf32, #tpu.memory_space<hbm>>
      tpu.enqueue_dma source(%arg13 : memref<40x16xf32, #tpu.memory_space<vmem>>) target(%dma_start3A_114 : memref<40x16xf32, #tpu.memory_space<hbm>>) target_semaphore(%arg17 : memref<!tpu.dma_semaphore, #tpu.memory_space<semaphore_mem>>)
    }
    %scan3A_16 = arith.constant 62 : i32
    %dma_wait3A = arith.constant 4960 : i32
    %dma_wait3A_17 = tpu.memref_slice %arg6[%dma_wait3A] : memref<5000xi32, #tpu.memory_space<vmem>> -> memref<40xi32, #tpu.memory_space<vmem>>
    %dma_wait3A_18 = arith.constant 0 : i32
    %dma_wait3A_19 = arith.constant 0 : i32
    %dma_wait3A_20 = tpu.memref_slice %arg2[%dma_wait3A_18, %dma_wait3A_19] : memref<10000x16xf32, #tpu.memory_space<hbm>> -> memref<10000x16xf32, #tpu.memory_space<hbm>>
    tpu.wait_indirect_dma semaphore(%arg14 : memref<!tpu.dma_semaphore, #tpu.memory_space<semaphore_mem>>) src(%dma_wait3A_20 : memref<10000x16xf32, #tpu.memory_space<hbm>>) dst(%arg8 : memref<40x16xf32, #tpu.memory_space<vmem>>)
    %dma_wait3A_21 = arith.constant 4960 : i32
    %dma_wait3A_22 = tpu.memref_slice %arg7[%dma_wait3A_21] : memref<5000xi32, #tpu.memory_space<vmem>> -> memref<40xi32, #tpu.memory_space<vmem>>
    %dma_wait3A_23 = arith.constant 0 : i32
    %dma_wait3A_24 = arith.constant 0 : i32
    %dma_wait3A_25 = tpu.memref_slice %arg2[%dma_wait3A_23, %dma_wait3A_24] : memref<10000x16xf32, #tpu.memory_space<hbm>> -> memref<10000x16xf32, #tpu.memory_space<hbm>>
    tpu.wait_indirect_dma semaphore(%arg14 : memref<!tpu.dma_semaphore, #tpu.memory_space<semaphore_mem>>) src(%dma_wait3A_25 : memref<10000x16xf32, #tpu.memory_space<hbm>>) dst(%arg10 : memref<40x16xf32, #tpu.memory_space<vmem>>)
    %add3A_26 = arith.constant 4880 : i32
    %add3A_27 = arith.addi %mul3A_2, %add3A_26 : i32
    %dma_wait3A_28 = arith.constant 0 : i32
    %dma_wait3A_29 = tpu.memref_slice %arg5[%add3A_27, %dma_wait3A_28] : memref<160000x16xf32, #tpu.memory_space<hbm>> -> memref<40x16xf32, #tpu.memory_space<hbm>>
    %dma_wait3A_30 = arith.constant 0 : i32
    %dma_wait3A_31 = tpu.memref_slice %arg5[%add3A_27, %dma_wait3A_30] : memref<160000x16xf32, #tpu.memory_space<hbm>> -> memref<40x16xf32, #tpu.memory_space<hbm>>
    tpu.wait_dma2 semaphore(%arg16 : memref<!tpu.dma_semaphore, #tpu.memory_space<semaphore_mem>>) src(%arg12 : memref<40x16xf32, #tpu.memory_space<vmem>>) dst(%dma_wait3A_31 : memref<40x16xf32, #tpu.memory_space<hbm>>)
    %parallel_loop3A = arith.constant 0 : i32
    %parallel_loop3A_32 = arith.constant 40 : i32
    %parallel_loop3A_33 = arith.constant 1 : i32
    scf.for %parallel_loop3A_52 = %parallel_loop3A to %parallel_loop3A_32 step %parallel_loop3A_33  : i32 {
      %parallel_loop3A_53 = arith.index_cast %parallel_loop3A_52 : i32 to index
      %parallel_loop3A_54 = arith.constant 0 : index
      %parallel_loop3A_55 = tpu.vector_load %arg10[%parallel_loop3A_53, %parallel_loop3A_54] {strides = array<i32>} : memref<40x16xf32, #tpu.memory_space<vmem>>, vector<1x16xf32>,
      %parallel_loop3A_56 = vector.shape_cast %parallel_loop3A_55 : vector<1x16xf32> to vector<16xf32>
      %parallel_loop3A_57 = arith.index_cast %parallel_loop3A_52 : i32 to index
      %parallel_loop3A_58 = arith.constant 0 : index
      %parallel_loop3A_59 = tpu.vector_load %arg8[%parallel_loop3A_57, %parallel_loop3A_58] {strides = array<i32>} : memref<40x16xf32, #tpu.memory_space<vmem>>, vector<1x16xf32>,
      %parallel_loop3A_60 = vector.shape_cast %parallel_loop3A_59 : vector<1x16xf32> to vector<16xf32>
      %parallel_loop3A_61 = arith.subf %parallel_loop3A_56, %parallel_loop3A_60 : vector<16xf32>
      %parallel_loop3A_62 = arith.index_cast %parallel_loop3A_52 : i32 to index
      %parallel_loop3A_63 = arith.constant 0 : index
      %parallel_loop3A_64 = tpu.vector_load %arg12[%parallel_loop3A_62, %parallel_loop3A_63] {strides = array<i32>} : memref<40x16xf32, #tpu.memory_space<vmem>>, vector<1x16xf32>,
      %parallel_loop3A_65 = vector.shape_cast %parallel_loop3A_64 : vector<1x16xf32> to vector<16xf32>
      %parallel_loop3A_66 = vector.shape_cast %parallel_loop3A_61 : vector<16xf32> to vector<1x16xf32>
      tpu.vector_store %arg12[%parallel_loop3A_62, %parallel_loop3A_63], %parallel_loop3A_66 {strides = array<i32>} : memref<40x16xf32, #tpu.memory_space<vmem>>, vector<1x16xf32>,
    } {sc.loop_unroll_factor = 4 : i64, sc.parallel_access}
    %add3A_34 = arith.constant 4960 : i32
    %add3A_35 = arith.addi %mul3A_2, %add3A_34 : i32
    %dma_start3A_36 = arith.constant 0 : i32
    %dma_start3A_37 = tpu.memref_slice %arg5[%add3A_35, %dma_start3A_36] : memref<160000x16xf32, #tpu.memory_space<hbm>> -> memref<40x16xf32, #tpu.memory_space<hbm>>
    %dma_start3A_38 = arith.constant 0 : i32
    %dma_start3A_39 = tpu.memref_slice %arg5[%add3A_35, %dma_start3A_38] : memref<160000x16xf32, #tpu.memory_space<hbm>> -> memref<40x16xf32, #tpu.memory_space<hbm>>
    tpu.enqueue_dma source(%arg12 : memref<40x16xf32, #tpu.memory_space<vmem>>) target(%dma_start3A_39 : memref<40x16xf32, #tpu.memory_space<hbm>>) target_semaphore(%arg16 : memref<!tpu.dma_semaphore, #tpu.memory_space<semaphore_mem>>)
    %add3A_40 = arith.constant 4920 : i32
    %add3A_41 = arith.addi %mul3A_2, %add3A_40 : i32
    %dma_wait3A_42 = arith.constant 0 : i32
    %dma_wait3A_43 = tpu.memref_slice %arg5[%add3A_41, %dma_wait3A_42] : memref<160000x16xf32, #tpu.memory_space<hbm>> -> memref<40x16xf32, #tpu.memory_space<hbm>>
    %dma_wait3A_44 = arith.constant 0 : i32
    %dma_wait3A_45 = tpu.memref_slice %arg5[%add3A_41, %dma_wait3A_44] : memref<160000x16xf32, #tpu.memory_space<hbm>> -> memref<40x16xf32, #tpu.memory_space<hbm>>
    tpu.wait_dma2 semaphore(%arg17 : memref<!tpu.dma_semaphore, #tpu.memory_space<semaphore_mem>>) src(%arg13 : memref<40x16xf32, #tpu.memory_space<vmem>>) dst(%dma_wait3A_45 : memref<40x16xf32, #tpu.memory_space<hbm>>)
    %add3A_46 = arith.constant 4960 : i32
    %add3A_47 = arith.addi %mul3A_2, %add3A_46 : i32
    %dma_wait3A_48 = arith.constant 0 : i32
    %dma_wait3A_49 = tpu.memref_slice %arg5[%add3A_47, %dma_wait3A_48] : memref<160000x16xf32, #tpu.memory_space<hbm>> -> memref<40x16xf32, #tpu.memory_space<hbm>>
    %dma_wait3A_50 = arith.constant 0 : i32
    %dma_wait3A_51 = tpu.memref_slice %arg5[%add3A_47, %dma_wait3A_50] : memref<160000x16xf32, #tpu.memory_space<hbm>> -> memref<40x16xf32, #tpu.memory_space<hbm>>
    tpu.wait_dma2 semaphore(%arg16 : memref<!tpu.dma_semaphore, #tpu.memory_space<semaphore_mem>>) src(%arg12 : memref<40x16xf32, #tpu.memory_space<vmem>>) dst(%dma_wait3A_51 : memref<40x16xf32, #tpu.memory_space<hbm>>)
    return
  }
}

module attributes {stable_mosaic.version = 14 : i64} {
  func.func @_tc_filter_body(%arg0: i32, %arg1: memref<2000x16xf32, #tpu.memory_space<vmem>>, %arg2: memref<8x256xf32, #tpu.memory_space<vmem>>, %arg3: memref<2000x256xf32, #tpu.memory_space<vmem>>, %arg4: memref<2000x16xf32, #tpu.memory_space<vmem>>) attributes {dimension_semantics = [#tpu.dimension_semantics<arbitrary>], iteration_bounds = array<i64: 80>, scalar_prefetch = 0 : i64, scratch_operands = 0 : i64, tpu.core_type = #tpu.core_type<tc>, window_params = [{transform_indices = @transform_0, window_bounds = array<i64: 2000, 16>}, {pipeline_mode = #tpu.pipeline_mode<synchronous>, transform_indices = @transform_1, window_bounds = array<i64: 8, 256>}, {transform_indices = @transform_2, window_bounds = array<i64: 2000, 256>}, {transform_indices = @transform_3, window_bounds = array<i64: 2000, 16>}]} {
    %get3A = arith.constant 0 : index
    %get3A_0 = arith.constant 0 : index
    %get3A_1 = vector.load %arg1[%get3A, %get3A_0] : memref<2000x16xf32, #tpu.memory_space<vmem>>, vector<2000x16xf32>
    %transpose3A = tpu.transpose %get3A_1, [1, 0] : vector<2000x16xf32> -> vector<16x2000xf32>
    %slice3A = vector.extract_strided_slice %transpose3A {offsets = [0, 0], sizes = [1, 2000], strides = [1, 1]} : vector<16x2000xf32> to vector<1x2000xf32>
    %slice3A_2 = vector.extract_strided_slice %transpose3A {offsets = [1, 0], sizes = [1, 2000], strides = [1, 1]} : vector<16x2000xf32> to vector<1x2000xf32>
    %slice3A_3 = vector.extract_strided_slice %transpose3A {offsets = [2, 0], sizes = [1, 2000], strides = [1, 1]} : vector<16x2000xf32> to vector<1x2000xf32>
    %mul3A = arith.mulf %slice3A, %slice3A : vector<1x2000xf32>
    %mul3A_4 = arith.mulf %slice3A_2, %slice3A_2 : vector<1x2000xf32>
    %add3A = arith.addf %mul3A, %mul3A_4 : vector<1x2000xf32>
    %mul3A_5 = arith.mulf %slice3A_3, %slice3A_3 : vector<1x2000xf32>
    %add3A_6 = arith.addf %add3A, %mul3A_5 : vector<1x2000xf32>
    %add3A_7 = arith.constant 9.99999996E-13 : f32
    %add3A_8 = vector.broadcast %add3A_7 : f32 to vector<1x2000xf32>
    %add3A_9 = arith.addf %add3A_6, %add3A_8 : vector<1x2000xf32>
    %sqrt3A = math.sqrt %add3A_9 : vector<1x2000xf32>
    %div3A = arith.constant 1.000000e+00 : f32
    %div3A_10 = vector.broadcast %div3A : f32 to vector<1x2000xf32>
    %div3A_11 = arith.divf %div3A_10, %sqrt3A : vector<1x2000xf32>
    %iota3A = tpu.iota {dimensions = array<i32: 1>} : vector<1x8xi32>
    %iota3A_12 = vector.shape_cast %iota3A : vector<1x8xi32> to vector<8xi32>
    %add3A_13 = arith.constant 1 : i32
    %add3A_14 = vector.broadcast %add3A_13 : i32 to vector<8xi32>
    %add3A_15 = arith.addi %add3A_14, %iota3A_12 : vector<8xi32>
    %convert_element_type3A = arith.sitofp %add3A_15 : vector<8xi32> to vector<8xf32>
    %broadcast_in_dim3A = vector.shape_cast %convert_element_type3A : vector<8xf32> to vector<8x1xf32>
    %mul3A_16 = arith.constant 0.628318548 : f32
    %mul3A_17 = vector.broadcast %mul3A_16 : f32 to vector<1x2000xf32>
    %mul3A_18 = arith.mulf %mul3A_17, %sqrt3A : vector<1x2000xf32>
    %mul3A_19 = vector.broadcast %broadcast_in_dim3A : vector<8x1xf32> to vector<8x2000xf32>
    %mul3A_20 = vector.broadcast %mul3A_18 : vector<1x2000xf32> to vector<8x2000xf32>
    %mul3A_21 = arith.mulf %mul3A_19, %mul3A_20 : vector<8x2000xf32>
    %mul3A_22 = arith.constant 0.628318548 : f32
    %mul3A_23 = vector.broadcast %mul3A_22 : f32 to vector<1x2000xf32>
    %mul3A_24 = arith.mulf %mul3A_23, %sqrt3A : vector<1x2000xf32>
    %cos3A = math.cos %mul3A_24 : vector<1x2000xf32>
    %add3A_25 = arith.constant 1.000000e+00 : f32
    %add3A_26 = vector.broadcast %add3A_25 : f32 to vector<1x2000xf32>
    %add3A_27 = arith.addf %cos3A, %add3A_26 : vector<1x2000xf32>
    %mul3A_28 = arith.constant 5.000000e-01 : f32
    %mul3A_29 = vector.broadcast %mul3A_28 : f32 to vector<1x2000xf32>
    %mul3A_30 = arith.mulf %mul3A_29, %add3A_27 : vector<1x2000xf32>
    %lt3A = arith.constant 5.000000e+00 : f32
    %lt3A_31 = vector.broadcast %lt3A : f32 to vector<1x2000xf32>
    %lt3A_32 = arith.cmpf olt, %sqrt3A, %lt3A_31 : vector<1x2000xf32>
    %convert_element_type3A_33 = arith.extui %lt3A_32 : vector<1x2000xi1> to vector<1x2000xi32>
    %convert_element_type3A_34 = arith.sitofp %convert_element_type3A_33 : vector<1x2000xi32> to vector<1x2000xf32>
    %mul3A_35 = arith.mulf %mul3A_30, %convert_element_type3A_34 : vector<1x2000xf32>
    %sqrt3A_36 = arith.constant 4.000000e-01 : f32
    %sqrt3A_37 = math.sqrt %sqrt3A_36 : f32
    %mul3A_38 = vector.broadcast %sqrt3A_37 : f32 to vector<1x2000xf32>
    %mul3A_39 = arith.mulf %mul3A_38, %div3A_11 : vector<1x2000xf32>
    %mul3A_40 = arith.mulf %mul3A_39, %mul3A_35 : vector<1x2000xf32>
    %mul3A_41 = arith.constant 6.250000e-02 : f32
    %mul3A_42 = vector.broadcast %mul3A_41 : f32 to vector<1x2000xf32>
    %mul3A_43 = arith.mulf %mul3A_40, %mul3A_42 : vector<1x2000xf32>
    %sin3A = math.sin %mul3A_21 : vector<8x2000xf32>
    %mul3A_44 = vector.broadcast %mul3A_43 : vector<1x2000xf32> to vector<8x2000xf32>
    %mul3A_45 = arith.mulf %sin3A, %mul3A_44 : vector<8x2000xf32>
    %get3A_46 = arith.constant 0 : index
    %get3A_47 = arith.constant 0 : index
    %get3A_48 = vector.load %arg2[%get3A_46, %get3A_47] : memref<8x256xf32, #tpu.memory_space<vmem>>, vector<8x256xf32>
    %dot_general3A = arith.constant dense<0.000000e+00> : vector<2000x256xf32>
    %dot_general3A_49 = tpu.matmul %mul3A_45, %get3A_48, %dot_general3A {dimension_numbers = #tpu.dot_dimension_numbers<[0], [0], [1], [1], [0, 1, 1, 1], [], []>, transpose_lhs_hint = false} : vector<8x2000xf32>, vector<8x256xf32>, vector<2000x256xf32> -> vector<2000x256xf32>
    %swap3A = arith.constant 0 : index
    %swap3A_50 = arith.constant 0 : index
    %swap3A_51 = vector.load %arg3[%swap3A, %swap3A_50] : memref<2000x256xf32, #tpu.memory_space<vmem>>, vector<2000x256xf32>
    tpu.vector_store %arg3[%swap3A, %swap3A_50], %dot_general3A_49 {strides = array<i32>} : memref<2000x256xf32, #tpu.memory_space<vmem>>, vector<2000x256xf32>,
    %mul3A_52 = arith.mulf %slice3A, %div3A_11 : vector<1x2000xf32>
    %mul3A_53 = arith.mulf %slice3A_2, %div3A_11 : vector<1x2000xf32>
    %mul3A_54 = arith.mulf %slice3A_3, %div3A_11 : vector<1x2000xf32>
    %concatenate3A = tpu.concatenate %mul3A_52, %mul3A_53, %mul3A_54 in 0 : vector<1x2000xf32>, vector<1x2000xf32>, vector<1x2000xf32> -> vector<3x2000xf32>
    %iota3A_55 = tpu.iota {dimensions = array<i32: 1>} : vector<3x16xi32>
    %iota3A_56 = tpu.iota {dimensions = array<i32: 0>} : vector<3x16xi32>
    %eq3A = arith.cmpi eq, %iota3A_55, %iota3A_56 : vector<3x16xi32>
    %convert_element_type3A_57 = arith.extui %eq3A : vector<3x16xi1> to vector<3x16xi32>
    %convert_element_type3A_58 = arith.sitofp %convert_element_type3A_57 : vector<3x16xi32> to vector<3x16xf32>
    %dot_general3A_59 = arith.constant dense<0.000000e+00> : vector<2000x16xf32>
    %dot_general3A_60 = tpu.matmul %concatenate3A, %convert_element_type3A_58, %dot_general3A_59 {dimension_numbers = #tpu.dot_dimension_numbers<[0], [0], [1], [1], [0, 1, 1, 1], [], []>, transpose_lhs_hint = false} : vector<3x2000xf32>, vector<3x16xf32>, vector<2000x16xf32> -> vector<2000x16xf32>
    %swap3A_61 = arith.constant 0 : index
    %swap3A_62 = arith.constant 0 : index
    %swap3A_63 = vector.load %arg4[%swap3A_61, %swap3A_62] : memref<2000x16xf32, #tpu.memory_space<vmem>>, vector<2000x16xf32>
    tpu.vector_store %arg4[%swap3A_61, %swap3A_62], %dot_general3A_60 {strides = array<i32>} : memref<2000x16xf32, #tpu.memory_space<vmem>>, vector<2000x16xf32>,
    return
  }
  func.func @transform_0(%arg0: i32) -> (i32, i32) {
    %c0_i32 = arith.constant 0 : i32
    %c0_i32_0 = arith.constant 0 : i32
    return %arg0, %c0_i32 : i32, i32
  }
  func.func @transform_1(%arg0: i32) -> (i32, i32) {
    %c0_i32 = arith.constant 0 : i32
    %c0_i32_0 = arith.constant 0 : i32
    %c0_i32_1 = arith.constant 0 : i32
    return %c0_i32, %c0_i32_0 : i32, i32
  }
  func.func @transform_2(%arg0: i32) -> (i32, i32) {
    %c0_i32 = arith.constant 0 : i32
    %c0_i32_0 = arith.constant 0 : i32
    return %arg0, %c0_i32 : i32, i32
  }
  func.func @transform_3(%arg0: i32) -> (i32, i32) {
    %c0_i32 = arith.constant 0 : i32
    %c0_i32_0 = arith.constant 0 : i32
    return %arg0, %c0_i32 : i32, i32
  }
}

module attributes {stable_mosaic.version = 14 : i64} {
  func.func @_tt_body(%arg0: i32, %arg1: memref<400x128xf32, #tpu.memory_space<vmem>>, %arg2: memref<400x8x48xf32, #tpu.memory_space<vmem>>, %arg3: memref<8x400x64xf32, #tpu.memory_space<vmem>>) attributes {dimension_semantics = [#tpu.dimension_semantics<arbitrary>], iteration_bounds = array<i64: 25>, scalar_prefetch = 0 : i64, scratch_operands = 0 : i64, tpu.core_type = #tpu.core_type<tc>, window_params = [{transform_indices = @transform_0, window_bounds = array<i64: 400, 128>}, {transform_indices = @transform_1, window_bounds = array<i64: 400, 8, 48>}, {transform_indices = @transform_2, window_bounds = array<i64: 8, 400, 64>}]} {
    %iota3A = tpu.iota {dimensions = array<i32: 0>} : vector<48x48xi32>
    %iota3A_0 = tpu.iota {dimensions = array<i32: 1>} : vector<48x48xi32>
    %jit3A = arith.constant 3 : i32
    %div3A = vector.broadcast %jit3A : i32 to vector<48x48xi32>
    %div3A_1 = arith.divsi %iota3A, %div3A : vector<48x48xi32>
    %sign3A = arith.constant 0 : i32
    %sign3A_2 = vector.broadcast %sign3A : i32 to vector<48x48xi32>
    %sign3A_3 = arith.cmpi sgt, %iota3A, %sign3A_2 : vector<48x48xi32>
    %sign3A_4 = arith.extui %sign3A_3 : vector<48x48xi1> to vector<48x48xi32>
    %sign3A_5 = arith.constant 0 : i32
    %sign3A_6 = vector.broadcast %sign3A_5 : i32 to vector<48x48xi32>
    %sign3A_7 = arith.cmpi slt, %iota3A, %sign3A_6 : vector<48x48xi32>
    %sign3A_8 = arith.extui %sign3A_7 : vector<48x48xi1> to vector<48x48xi32>
    %sign3A_9 = arith.subi %sign3A_4, %sign3A_8 : vector<48x48xi32>
    %sign3A_10 = arith.constant 0 : i32
    %sign3A_11 = arith.cmpi sgt, %jit3A, %sign3A_10 : i32
    %sign3A_12 = arith.extui %sign3A_11 : i1 to i32
    %sign3A_13 = arith.constant 0 : i32
    %sign3A_14 = arith.cmpi slt, %jit3A, %sign3A_13 : i32
    %sign3A_15 = arith.extui %sign3A_14 : i1 to i32
    %sign3A_16 = arith.subi %sign3A_12, %sign3A_15 : i32
    %ne3A = vector.broadcast %sign3A_16 : i32 to vector<48x48xi32>
    %ne3A_17 = arith.cmpi ne, %sign3A_9, %ne3A : vector<48x48xi32>
    %rem3A = vector.broadcast %jit3A : i32 to vector<48x48xi32>
    %rem3A_18 = arith.remsi %iota3A, %rem3A : vector<48x48xi32>
    %ne3A_19 = arith.constant 0 : i32
    %ne3A_20 = vector.broadcast %ne3A_19 : i32 to vector<48x48xi32>
    %ne3A_21 = arith.cmpi ne, %rem3A_18, %ne3A_20 : vector<48x48xi32>
    %and3A = arith.andi %ne3A_17, %ne3A_21 : vector<48x48xi1>
    %sub3A = arith.constant 1 : i32
    %sub3A_22 = vector.broadcast %sub3A : i32 to vector<48x48xi32>
    %sub3A_23 = arith.subi %div3A_1, %sub3A_22 : vector<48x48xi32>
    %select_n3A = arith.select %and3A, %sub3A_23, %div3A_1 : vector<48x48xi1>, vector<48x48xi32>
    %jit3A_24 = arith.constant 16 : i32
    %eq3A = arith.constant 0 : i32
    %eq3A_25 = arith.cmpi eq, %jit3A_24, %eq3A : i32
    %jit3A_26 = arith.constant 1 : i32
    %select_n3A_27 = arith.select %eq3A_25, %jit3A_26, %jit3A_24 : i32
    %rem3A_28 = vector.broadcast %select_n3A_27 : i32 to vector<48x48xi32>
    %rem3A_29 = arith.remsi %iota3A_0, %rem3A_28 : vector<48x48xi32>
    %ne3A_30 = arith.constant 0 : i32
    %ne3A_31 = vector.broadcast %ne3A_30 : i32 to vector<48x48xi32>
    %ne3A_32 = arith.cmpi ne, %rem3A_29, %ne3A_31 : vector<48x48xi32>
    %lt3A = arith.constant 0 : i32
    %lt3A_33 = vector.broadcast %lt3A : i32 to vector<48x48xi32>
    %lt3A_34 = arith.cmpi slt, %rem3A_29, %lt3A_33 : vector<48x48xi32>
    %lt3A_35 = arith.constant 0 : i32
    %lt3A_36 = arith.cmpi slt, %select_n3A_27, %lt3A_35 : i32
    %ne3A_37 = vector.broadcast %lt3A_36 : i1 to vector<48x48xi1>
    %ne3A_38 = vector.broadcast %ne3A_37 : vector<48x48xi1> to vector<48x48xi1>
    %ne3A_39 = arith.xori %lt3A_34, %ne3A_38 : vector<48x48xi1>
    %and3A_40 = arith.andi %ne3A_39, %ne3A_32 : vector<48x48xi1>
    %add3A = vector.broadcast %select_n3A_27 : i32 to vector<48x48xi32>
    %add3A_41 = arith.addi %rem3A_29, %add3A : vector<48x48xi32>
    %select_n3A_42 = arith.select %and3A_40, %add3A_41, %rem3A_29 : vector<48x48xi1>, vector<48x48xi32>
    %eq3A_43 = arith.cmpi eq, %select_n3A, %select_n3A_42 : vector<48x48xi32>
    %jit3A_44 = arith.constant 3 : i32
    %eq3A_45 = arith.constant 0 : i32
    %eq3A_46 = arith.cmpi eq, %jit3A_44, %eq3A_45 : i32
    %jit3A_47 = arith.constant 1 : i32
    %select_n3A_48 = arith.select %eq3A_46, %jit3A_47, %jit3A_44 : i32
    %rem3A_49 = vector.broadcast %select_n3A_48 : i32 to vector<48x48xi32>
    %rem3A_50 = arith.remsi %iota3A, %rem3A_49 : vector<48x48xi32>
    %ne3A_51 = arith.constant 0 : i32
    %ne3A_52 = vector.broadcast %ne3A_51 : i32 to vector<48x48xi32>
    %ne3A_53 = arith.cmpi ne, %rem3A_50, %ne3A_52 : vector<48x48xi32>
    %lt3A_54 = arith.constant 0 : i32
    %lt3A_55 = vector.broadcast %lt3A_54 : i32 to vector<48x48xi32>
    %lt3A_56 = arith.cmpi slt, %rem3A_50, %lt3A_55 : vector<48x48xi32>
    %lt3A_57 = arith.constant 0 : i32
    %lt3A_58 = arith.cmpi slt, %select_n3A_48, %lt3A_57 : i32
    %ne3A_59 = vector.broadcast %lt3A_58 : i1 to vector<48x48xi1>
    %ne3A_60 = vector.broadcast %ne3A_59 : vector<48x48xi1> to vector<48x48xi1>
    %ne3A_61 = arith.xori %lt3A_56, %ne3A_60 : vector<48x48xi1>
    %and3A_62 = arith.andi %ne3A_61, %ne3A_53 : vector<48x48xi1>
    %add3A_63 = vector.broadcast %select_n3A_48 : i32 to vector<48x48xi32>
    %add3A_64 = arith.addi %rem3A_50, %add3A_63 : vector<48x48xi32>
    %select_n3A_65 = arith.select %and3A_62, %add3A_64, %rem3A_50 : vector<48x48xi1>, vector<48x48xi32>
    %jit3A_66 = arith.constant 16 : i32
    %div3A_67 = vector.broadcast %jit3A_66 : i32 to vector<48x48xi32>
    %div3A_68 = arith.divsi %iota3A_0, %div3A_67 : vector<48x48xi32>
    %sign3A_69 = arith.constant 0 : i32
    %sign3A_70 = vector.broadcast %sign3A_69 : i32 to vector<48x48xi32>
    %sign3A_71 = arith.cmpi sgt, %iota3A_0, %sign3A_70 : vector<48x48xi32>
    %sign3A_72 = arith.extui %sign3A_71 : vector<48x48xi1> to vector<48x48xi32>
    %sign3A_73 = arith.constant 0 : i32
    %sign3A_74 = vector.broadcast %sign3A_73 : i32 to vector<48x48xi32>
    %sign3A_75 = arith.cmpi slt, %iota3A_0, %sign3A_74 : vector<48x48xi32>
    %sign3A_76 = arith.extui %sign3A_75 : vector<48x48xi1> to vector<48x48xi32>
    %sign3A_77 = arith.subi %sign3A_72, %sign3A_76 : vector<48x48xi32>
    %sign3A_78 = arith.constant 0 : i32
    %sign3A_79 = arith.cmpi sgt, %jit3A_66, %sign3A_78 : i32
    %sign3A_80 = arith.extui %sign3A_79 : i1 to i32
    %sign3A_81 = arith.constant 0 : i32
    %sign3A_82 = arith.cmpi slt, %jit3A_66, %sign3A_81 : i32
    %sign3A_83 = arith.extui %sign3A_82 : i1 to i32
    %sign3A_84 = arith.subi %sign3A_80, %sign3A_83 : i32
    %ne3A_85 = vector.broadcast %sign3A_84 : i32 to vector<48x48xi32>
    %ne3A_86 = arith.cmpi ne, %sign3A_77, %ne3A_85 : vector<48x48xi32>
    %rem3A_87 = vector.broadcast %jit3A_66 : i32 to vector<48x48xi32>
    %rem3A_88 = arith.remsi %iota3A_0, %rem3A_87 : vector<48x48xi32>
    %ne3A_89 = arith.constant 0 : i32
    %ne3A_90 = vector.broadcast %ne3A_89 : i32 to vector<48x48xi32>
    %ne3A_91 = arith.cmpi ne, %rem3A_88, %ne3A_90 : vector<48x48xi32>
    %and3A_92 = arith.andi %ne3A_86, %ne3A_91 : vector<48x48xi1>
    %sub3A_93 = arith.constant 1 : i32
    %sub3A_94 = vector.broadcast %sub3A_93 : i32 to vector<48x48xi32>
    %sub3A_95 = arith.subi %div3A_68, %sub3A_94 : vector<48x48xi32>
    %select_n3A_96 = arith.select %and3A_92, %sub3A_95, %div3A_68 : vector<48x48xi1>, vector<48x48xi32>
    %eq3A_97 = arith.cmpi eq, %select_n3A_65, %select_n3A_96 : vector<48x48xi32>
    %and3A_98 = arith.andi %eq3A_43, %eq3A_97 : vector<48x48xi1>
    %convert_element_type3A = arith.extui %and3A_98 : vector<48x48xi1> to vector<48x48xi32>
    %convert_element_type3A_99 = arith.sitofp %convert_element_type3A : vector<48x48xi32> to vector<48x48xf32>
    %get3A = arith.constant 0 : index
    %get3A_100 = arith.constant 0 : index
    %get3A_101 = vector.load %arg1[%get3A, %get3A_100] : memref<400x128xf32, #tpu.memory_space<vmem>>, vector<400x16xf32>
    %swap3A = arith.constant 0 : index
    %swap3A_102 = arith.constant 0 : index
    %swap3A_103 = arith.constant 0 : index
    %swap3A_104 = vector.load %arg3[%swap3A, %swap3A_102, %swap3A_103] : memref<8x400x64xf32, #tpu.memory_space<vmem>>, vector<1x400x16xf32>
    %swap3A_105 = vector.shape_cast %swap3A_104 : vector<1x400x16xf32> to vector<400x16xf32>
    %swap3A_106 = vector.shape_cast %get3A_101 : vector<400x16xf32> to vector<1x400x16xf32>
    tpu.vector_store %arg3[%swap3A, %swap3A_102, %swap3A_103], %swap3A_106 {strides = array<i32>} : memref<8x400x64xf32, #tpu.memory_space<vmem>>, vector<1x400x16xf32>,
    %get3A_107 = arith.constant 0 : index
    %get3A_108 = arith.constant 0 : index
    %get3A_109 = arith.constant 0 : index
    %get3A_110 = vector.load %arg2[%get3A_107, %get3A_108, %get3A_109] : memref<400x8x48xf32, #tpu.memory_space<vmem>>, vector<400x1x48xf32>
    %get3A_111 = vector.shape_cast %get3A_110 : vector<400x1x48xf32> to vector<400x48xf32>
    %dot_general3A = arith.constant dense<0.000000e+00> : vector<400x48xf32>
    %dot_general3A_112 = tpu.matmul %get3A_111, %convert_element_type3A_99, %dot_general3A {dimension_numbers = #tpu.dot_dimension_numbers<[1], [0], [0], [1], [0, 0, 1, 1], [], []>, transpose_lhs_hint = false} : vector<400x48xf32>, vector<48x48xf32>, vector<400x48xf32> -> vector<400x48xf32>
    %swap3A_113 = arith.constant 0 : index
    %swap3A_114 = arith.constant 0 : index
    %swap3A_115 = arith.constant 16 : index
    %swap3A_116 = vector.load %arg3[%swap3A_113, %swap3A_114, %swap3A_115] : memref<8x400x64xf32, #tpu.memory_space<vmem>>, vector<1x400x48xf32>
    %swap3A_117 = vector.shape_cast %swap3A_116 : vector<1x400x48xf32> to vector<400x48xf32>
    %swap3A_118 = vector.shape_cast %dot_general3A_112 : vector<400x48xf32> to vector<1x400x48xf32>
    tpu.vector_store %arg3[%swap3A_113, %swap3A_114, %swap3A_115], %swap3A_118 {strides = array<i32>} : memref<8x400x64xf32, #tpu.memory_space<vmem>>, vector<1x400x48xf32>,
    %get3A_119 = arith.constant 0 : index
    %get3A_120 = arith.constant 16 : index
    %get3A_121 = vector.load %arg1[%get3A_119, %get3A_120] : memref<400x128xf32, #tpu.memory_space<vmem>>, vector<400x16xf32>
    %swap3A_122 = arith.constant 1 : index
    %swap3A_123 = arith.constant 0 : index
    %swap3A_124 = arith.constant 0 : index
    %swap3A_125 = vector.load %arg3[%swap3A_122, %swap3A_123, %swap3A_124] : memref<8x400x64xf32, #tpu.memory_space<vmem>>, vector<1x400x16xf32>
    %swap3A_126 = vector.shape_cast %swap3A_125 : vector<1x400x16xf32> to vector<400x16xf32>
    %swap3A_127 = vector.shape_cast %get3A_121 : vector<400x16xf32> to vector<1x400x16xf32>
    tpu.vector_store %arg3[%swap3A_122, %swap3A_123, %swap3A_124], %swap3A_127 {strides = array<i32>} : memref<8x400x64xf32, #tpu.memory_space<vmem>>, vector<1x400x16xf32>,
    %get3A_128 = arith.constant 0 : index
    %get3A_129 = arith.constant 1 : index
    %get3A_130 = arith.constant 0 : index
    %get3A_131 = vector.load %arg2[%get3A_128, %get3A_129, %get3A_130] : memref<400x8x48xf32, #tpu.memory_space<vmem>>, vector<400x1x48xf32>
    %get3A_132 = vector.shape_cast %get3A_131 : vector<400x1x48xf32> to vector<400x48xf32>
    %dot_general3A_133 = arith.constant dense<0.000000e+00> : vector<400x48xf32>
    %dot_general3A_134 = tpu.matmul %get3A_132, %convert_element_type3A_99, %dot_general3A_133 {dimension_numbers = #tpu.dot_dimension_numbers<[1], [0], [0], [1], [0, 0, 1, 1], [], []>, transpose_lhs_hint = false} : vector<400x48xf32>, vector<48x48xf32>, vector<400x48xf32> -> vector<400x48xf32>
    %swap3A_135 = arith.constant 1 : index
    %swap3A_136 = arith.constant 0 : index
    %swap3A_137 = arith.constant 16 : index
    %swap3A_138 = vector.load %arg3[%swap3A_135, %swap3A_136, %swap3A_137] : memref<8x400x64xf32, #tpu.memory_space<vmem>>, vector<1x400x48xf32>
    %swap3A_139 = vector.shape_cast %swap3A_138 : vector<1x400x48xf32> to vector<400x48xf32>
    %swap3A_140 = vector.shape_cast %dot_general3A_134 : vector<400x48xf32> to vector<1x400x48xf32>
    tpu.vector_store %arg3[%swap3A_135, %swap3A_136, %swap3A_137], %swap3A_140 {strides = array<i32>} : memref<8x400x64xf32, #tpu.memory_space<vmem>>, vector<1x400x48xf32>,
    %get3A_141 = arith.constant 0 : index
    %get3A_142 = arith.constant 32 : index
    %get3A_143 = vector.load %arg1[%get3A_141, %get3A_142] : memref<400x128xf32, #tpu.memory_space<vmem>>, vector<400x16xf32>
    %swap3A_144 = arith.constant 2 : index
    %swap3A_145 = arith.constant 0 : index
    %swap3A_146 = arith.constant 0 : index
    %swap3A_147 = vector.load %arg3[%swap3A_144, %swap3A_145, %swap3A_146] : memref<8x400x64xf32, #tpu.memory_space<vmem>>, vector<1x400x16xf32>
    %swap3A_148 = vector.shape_cast %swap3A_147 : vector<1x400x16xf32> to vector<400x16xf32>
    %swap3A_149 = vector.shape_cast %get3A_143 : vector<400x16xf32> to vector<1x400x16xf32>
    tpu.vector_store %arg3[%swap3A_144, %swap3A_145, %swap3A_146], %swap3A_149 {strides = array<i32>} : memref<8x400x64xf32, #tpu.memory_space<vmem>>, vector<1x400x16xf32>,
    %get3A_150 = arith.constant 0 : index
    %get3A_151 = arith.constant 2 : index
    %get3A_152 = arith.constant 0 : index
    %get3A_153 = vector.load %arg2[%get3A_150, %get3A_151, %get3A_152] : memref<400x8x48xf32, #tpu.memory_space<vmem>>, vector<400x1x48xf32>
    %get3A_154 = vector.shape_cast %get3A_153 : vector<400x1x48xf32> to vector<400x48xf32>
    %dot_general3A_155 = arith.constant dense<0.000000e+00> : vector<400x48xf32>
    %dot_general3A_156 = tpu.matmul %get3A_154, %convert_element_type3A_99, %dot_general3A_155 {dimension_numbers = #tpu.dot_dimension_numbers<[1], [0], [0], [1], [0, 0, 1, 1], [], []>, transpose_lhs_hint = false} : vector<400x48xf32>, vector<48x48xf32>, vector<400x48xf32> -> vector<400x48xf32>
    %swap3A_157 = arith.constant 2 : index
    %swap3A_158 = arith.constant 0 : index
    %swap3A_159 = arith.constant 16 : index
    %swap3A_160 = vector.load %arg3[%swap3A_157, %swap3A_158, %swap3A_159] : memref<8x400x64xf32, #tpu.memory_space<vmem>>, vector<1x400x48xf32>
    %swap3A_161 = vector.shape_cast %swap3A_160 : vector<1x400x48xf32> to vector<400x48xf32>
    %swap3A_162 = vector.shape_cast %dot_general3A_156 : vector<400x48xf32> to vector<1x400x48xf32>
    tpu.vector_store %arg3[%swap3A_157, %swap3A_158, %swap3A_159], %swap3A_162 {strides = array<i32>} : memref<8x400x64xf32, #tpu.memory_space<vmem>>, vector<1x400x48xf32>,
    %get3A_163 = arith.constant 0 : index
    %get3A_164 = arith.constant 48 : index
    %get3A_165 = vector.load %arg1[%get3A_163, %get3A_164] : memref<400x128xf32, #tpu.memory_space<vmem>>, vector<400x16xf32>
    %swap3A_166 = arith.constant 3 : index
    %swap3A_167 = arith.constant 0 : index
    %swap3A_168 = arith.constant 0 : index
    %swap3A_169 = vector.load %arg3[%swap3A_166, %swap3A_167, %swap3A_168] : memref<8x400x64xf32, #tpu.memory_space<vmem>>, vector<1x400x16xf32>
    %swap3A_170 = vector.shape_cast %swap3A_169 : vector<1x400x16xf32> to vector<400x16xf32>
    %swap3A_171 = vector.shape_cast %get3A_165 : vector<400x16xf32> to vector<1x400x16xf32>
    tpu.vector_store %arg3[%swap3A_166, %swap3A_167, %swap3A_168], %swap3A_171 {strides = array<i32>} : memref<8x400x64xf32, #tpu.memory_space<vmem>>, vector<1x400x16xf32>,
    %get3A_172 = arith.constant 0 : index
    %get3A_173 = arith.constant 3 : index
    %get3A_174 = arith.constant 0 : index
    %get3A_175 = vector.load %arg2[%get3A_172, %get3A_173, %get3A_174] : memref<400x8x48xf32, #tpu.memory_space<vmem>>, vector<400x1x48xf32>
    %get3A_176 = vector.shape_cast %get3A_175 : vector<400x1x48xf32> to vector<400x48xf32>
    %dot_general3A_177 = arith.constant dense<0.000000e+00> : vector<400x48xf32>
    %dot_general3A_178 = tpu.matmul %get3A_176, %convert_element_type3A_99, %dot_general3A_177 {dimension_numbers = #tpu.dot_dimension_numbers<[1], [0], [0], [1], [0, 0, 1, 1], [], []>, transpose_lhs_hint = false} : vector<400x48xf32>, vector<48x48xf32>, vector<400x48xf32> -> vector<400x48xf32>
    %swap3A_179 = arith.constant 3 : index
    %swap3A_180 = arith.constant 0 : index
    %swap3A_181 = arith.constant 16 : index
    %swap3A_182 = vector.load %arg3[%swap3A_179, %swap3A_180, %swap3A_181] : memref<8x400x64xf32, #tpu.memory_space<vmem>>, vector<1x400x48xf32>
    %swap3A_183 = vector.shape_cast %swap3A_182 : vector<1x400x48xf32> to vector<400x48xf32>
    %swap3A_184 = vector.shape_cast %dot_general3A_178 : vector<400x48xf32> to vector<1x400x48xf32>
    tpu.vector_store %arg3[%swap3A_179, %swap3A_180, %swap3A_181], %swap3A_184 {strides = array<i32>} : memref<8x400x64xf32, #tpu.memory_space<vmem>>, vector<1x400x48xf32>,
    %get3A_185 = arith.constant 0 : index
    %get3A_186 = arith.constant 64 : index
    %get3A_187 = vector.load %arg1[%get3A_185, %get3A_186] : memref<400x128xf32, #tpu.memory_space<vmem>>, vector<400x16xf32>
    %swap3A_188 = arith.constant 4 : index
    %swap3A_189 = arith.constant 0 : index
    %swap3A_190 = arith.constant 0 : index
    %swap3A_191 = vector.load %arg3[%swap3A_188, %swap3A_189, %swap3A_190] : memref<8x400x64xf32, #tpu.memory_space<vmem>>, vector<1x400x16xf32>
    %swap3A_192 = vector.shape_cast %swap3A_191 : vector<1x400x16xf32> to vector<400x16xf32>
    %swap3A_193 = vector.shape_cast %get3A_187 : vector<400x16xf32> to vector<1x400x16xf32>
    tpu.vector_store %arg3[%swap3A_188, %swap3A_189, %swap3A_190], %swap3A_193 {strides = array<i32>} : memref<8x400x64xf32, #tpu.memory_space<vmem>>, vector<1x400x16xf32>,
    %get3A_194 = arith.constant 0 : index
    %get3A_195 = arith.constant 4 : index
    %get3A_196 = arith.constant 0 : index
    %get3A_197 = vector.load %arg2[%get3A_194, %get3A_195, %get3A_196] : memref<400x8x48xf32, #tpu.memory_space<vmem>>, vector<400x1x48xf32>
    %get3A_198 = vector.shape_cast %get3A_197 : vector<400x1x48xf32> to vector<400x48xf32>
    %dot_general3A_199 = arith.constant dense<0.000000e+00> : vector<400x48xf32>
    %dot_general3A_200 = tpu.matmul %get3A_198, %convert_element_type3A_99, %dot_general3A_199 {dimension_numbers = #tpu.dot_dimension_numbers<[1], [0], [0], [1], [0, 0, 1, 1], [], []>, transpose_lhs_hint = false} : vector<400x48xf32>, vector<48x48xf32>, vector<400x48xf32> -> vector<400x48xf32>
    %swap3A_201 = arith.constant 4 : index
    %swap3A_202 = arith.constant 0 : index
    %swap3A_203 = arith.constant 16 : index
    %swap3A_204 = vector.load %arg3[%swap3A_201, %swap3A_202, %swap3A_203] : memref<8x400x64xf32, #tpu.memory_space<vmem>>, vector<1x400x48xf32>
    %swap3A_205 = vector.shape_cast %swap3A_204 : vector<1x400x48xf32> to vector<400x48xf32>
    %swap3A_206 = vector.shape_cast %dot_general3A_200 : vector<400x48xf32> to vector<1x400x48xf32>
    tpu.vector_store %arg3[%swap3A_201, %swap3A_202, %swap3A_203], %swap3A_206 {strides = array<i32>} : memref<8x400x64xf32, #tpu.memory_space<vmem>>, vector<1x400x48xf32>,
    %get3A_207 = arith.constant 0 : index
    %get3A_208 = arith.constant 80 : index
    %get3A_209 = vector.load %arg1[%get3A_207, %get3A_208] : memref<400x128xf32, #tpu.memory_space<vmem>>, vector<400x16xf32>
    %swap3A_210 = arith.constant 5 : index
    %swap3A_211 = arith.constant 0 : index
    %swap3A_212 = arith.constant 0 : index
    %swap3A_213 = vector.load %arg3[%swap3A_210, %swap3A_211, %swap3A_212] : memref<8x400x64xf32, #tpu.memory_space<vmem>>, vector<1x400x16xf32>
    %swap3A_214 = vector.shape_cast %swap3A_213 : vector<1x400x16xf32> to vector<400x16xf32>
    %swap3A_215 = vector.shape_cast %get3A_209 : vector<400x16xf32> to vector<1x400x16xf32>
    tpu.vector_store %arg3[%swap3A_210, %swap3A_211, %swap3A_212], %swap3A_215 {strides = array<i32>} : memref<8x400x64xf32, #tpu.memory_space<vmem>>, vector<1x400x16xf32>,
    %get3A_216 = arith.constant 0 : index
    %get3A_217 = arith.constant 5 : index
    %get3A_218 = arith.constant 0 : index
    %get3A_219 = vector.load %arg2[%get3A_216, %get3A_217, %get3A_218] : memref<400x8x48xf32, #tpu.memory_space<vmem>>, vector<400x1x48xf32>
    %get3A_220 = vector.shape_cast %get3A_219 : vector<400x1x48xf32> to vector<400x48xf32>
    %dot_general3A_221 = arith.constant dense<0.000000e+00> : vector<400x48xf32>
    %dot_general3A_222 = tpu.matmul %get3A_220, %convert_element_type3A_99, %dot_general3A_221 {dimension_numbers = #tpu.dot_dimension_numbers<[1], [0], [0], [1], [0, 0, 1, 1], [], []>, transpose_lhs_hint = false} : vector<400x48xf32>, vector<48x48xf32>, vector<400x48xf32> -> vector<400x48xf32>
    %swap3A_223 = arith.constant 5 : index
    %swap3A_224 = arith.constant 0 : index
    %swap3A_225 = arith.constant 16 : index
    %swap3A_226 = vector.load %arg3[%swap3A_223, %swap3A_224, %swap3A_225] : memref<8x400x64xf32, #tpu.memory_space<vmem>>, vector<1x400x48xf32>
    %swap3A_227 = vector.shape_cast %swap3A_226 : vector<1x400x48xf32> to vector<400x48xf32>
    %swap3A_228 = vector.shape_cast %dot_general3A_222 : vector<400x48xf32> to vector<1x400x48xf32>
    tpu.vector_store %arg3[%swap3A_223, %swap3A_224, %swap3A_225], %swap3A_228 {strides = array<i32>} : memref<8x400x64xf32, #tpu.memory_space<vmem>>, vector<1x400x48xf32>,
    %get3A_229 = arith.constant 0 : index
    %get3A_230 = arith.constant 96 : index
    %get3A_231 = vector.load %arg1[%get3A_229, %get3A_230] : memref<400x128xf32, #tpu.memory_space<vmem>>, vector<400x16xf32>
    %swap3A_232 = arith.constant 6 : index
    %swap3A_233 = arith.constant 0 : index
    %swap3A_234 = arith.constant 0 : index
    %swap3A_235 = vector.load %arg3[%swap3A_232, %swap3A_233, %swap3A_234] : memref<8x400x64xf32, #tpu.memory_space<vmem>>, vector<1x400x16xf32>
    %swap3A_236 = vector.shape_cast %swap3A_235 : vector<1x400x16xf32> to vector<400x16xf32>
    %swap3A_237 = vector.shape_cast %get3A_231 : vector<400x16xf32> to vector<1x400x16xf32>
    tpu.vector_store %arg3[%swap3A_232, %swap3A_233, %swap3A_234], %swap3A_237 {strides = array<i32>} : memref<8x400x64xf32, #tpu.memory_space<vmem>>, vector<1x400x16xf32>,
    %get3A_238 = arith.constant 0 : index
    %get3A_239 = arith.constant 6 : index
    %get3A_240 = arith.constant 0 : index
    %get3A_241 = vector.load %arg2[%get3A_238, %get3A_239, %get3A_240] : memref<400x8x48xf32, #tpu.memory_space<vmem>>, vector<400x1x48xf32>
    %get3A_242 = vector.shape_cast %get3A_241 : vector<400x1x48xf32> to vector<400x48xf32>
    %dot_general3A_243 = arith.constant dense<0.000000e+00> : vector<400x48xf32>
    %dot_general3A_244 = tpu.matmul %get3A_242, %convert_element_type3A_99, %dot_general3A_243 {dimension_numbers = #tpu.dot_dimension_numbers<[1], [0], [0], [1], [0, 0, 1, 1], [], []>, transpose_lhs_hint = false} : vector<400x48xf32>, vector<48x48xf32>, vector<400x48xf32> -> vector<400x48xf32>
    %swap3A_245 = arith.constant 6 : index
    %swap3A_246 = arith.constant 0 : index
    %swap3A_247 = arith.constant 16 : index
    %swap3A_248 = vector.load %arg3[%swap3A_245, %swap3A_246, %swap3A_247] : memref<8x400x64xf32, #tpu.memory_space<vmem>>, vector<1x400x48xf32>
    %swap3A_249 = vector.shape_cast %swap3A_248 : vector<1x400x48xf32> to vector<400x48xf32>
    %swap3A_250 = vector.shape_cast %dot_general3A_244 : vector<400x48xf32> to vector<1x400x48xf32>
    tpu.vector_store %arg3[%swap3A_245, %swap3A_246, %swap3A_247], %swap3A_250 {strides = array<i32>} : memref<8x400x64xf32, #tpu.memory_space<vmem>>, vector<1x400x48xf32>,
    %get3A_251 = arith.constant 0 : index
    %get3A_252 = arith.constant 112 : index
    %get3A_253 = vector.load %arg1[%get3A_251, %get3A_252] : memref<400x128xf32, #tpu.memory_space<vmem>>, vector<400x16xf32>
    %swap3A_254 = arith.constant 7 : index
    %swap3A_255 = arith.constant 0 : index
    %swap3A_256 = arith.constant 0 : index
    %swap3A_257 = vector.load %arg3[%swap3A_254, %swap3A_255, %swap3A_256] : memref<8x400x64xf32, #tpu.memory_space<vmem>>, vector<1x400x16xf32>
    %swap3A_258 = vector.shape_cast %swap3A_257 : vector<1x400x16xf32> to vector<400x16xf32>
    %swap3A_259 = vector.shape_cast %get3A_253 : vector<400x16xf32> to vector<1x400x16xf32>
    tpu.vector_store %arg3[%swap3A_254, %swap3A_255, %swap3A_256], %swap3A_259 {strides = array<i32>} : memref<8x400x64xf32, #tpu.memory_space<vmem>>, vector<1x400x16xf32>,
    %get3A_260 = arith.constant 0 : index
    %get3A_261 = arith.constant 7 : index
    %get3A_262 = arith.constant 0 : index
    %get3A_263 = vector.load %arg2[%get3A_260, %get3A_261, %get3A_262] : memref<400x8x48xf32, #tpu.memory_space<vmem>>, vector<400x1x48xf32>
    %get3A_264 = vector.shape_cast %get3A_263 : vector<400x1x48xf32> to vector<400x48xf32>
    %dot_general3A_265 = arith.constant dense<0.000000e+00> : vector<400x48xf32>
    %dot_general3A_266 = tpu.matmul %get3A_264, %convert_element_type3A_99, %dot_general3A_265 {dimension_numbers = #tpu.dot_dimension_numbers<[1], [0], [0], [1], [0, 0, 1, 1], [], []>, transpose_lhs_hint = false} : vector<400x48xf32>, vector<48x48xf32>, vector<400x48xf32> -> vector<400x48xf32>
    %swap3A_267 = arith.constant 7 : index
    %swap3A_268 = arith.constant 0 : index
    %swap3A_269 = arith.constant 16 : index
    %swap3A_270 = vector.load %arg3[%swap3A_267, %swap3A_268, %swap3A_269] : memref<8x400x64xf32, #tpu.memory_space<vmem>>, vector<1x400x48xf32>
    %swap3A_271 = vector.shape_cast %swap3A_270 : vector<1x400x48xf32> to vector<400x48xf32>
    %swap3A_272 = vector.shape_cast %dot_general3A_266 : vector<400x48xf32> to vector<1x400x48xf32>
    tpu.vector_store %arg3[%swap3A_267, %swap3A_268, %swap3A_269], %swap3A_272 {strides = array<i32>} : memref<8x400x64xf32, #tpu.memory_space<vmem>>, vector<1x400x48xf32>,
    return
  }
  func.func @transform_0(%arg0: i32) -> (i32, i32) {
    %c0_i32 = arith.constant 0 : i32
    %c0_i32_0 = arith.constant 0 : i32
    return %arg0, %c0_i32 : i32, i32
  }
  func.func @transform_1(%arg0: i32) -> (i32, i32, i32) {
    %c0_i32 = arith.constant 0 : i32
    %c0_i32_0 = arith.constant 0 : i32
    %c0_i32_1 = arith.constant 0 : i32
    return %arg0, %c0_i32, %c0_i32_0 : i32, i32, i32
  }
  func.func @transform_2(%arg0: i32) -> (i32, i32, i32) {
    %c0_i32 = arith.constant 0 : i32
    %c0_i32_0 = arith.constant 0 : i32
    %c0_i32_1 = arith.constant 0 : i32
    return %c0_i32, %arg0, %c0_i32_0 : i32, i32, i32
  }
}

module attributes {stable_mosaic.version = 14 : i64} {
  func.func @_out_body(%arg0: i32, %arg1: memref<8x400x64xf32, #tpu.memory_space<vmem>>, %arg2: memref<400x128xf32, #tpu.memory_space<vmem>>, %arg3: memref<400x384xf32, #tpu.memory_space<vmem>>) attributes {dimension_semantics = [#tpu.dimension_semantics<arbitrary>], iteration_bounds = array<i64: 25>, scalar_prefetch = 0 : i64, scratch_operands = 0 : i64, tpu.core_type = #tpu.core_type<tc>, window_params = [{transform_indices = @transform_0, window_bounds = array<i64: 8, 400, 64>}, {transform_indices = @transform_1, window_bounds = array<i64: 400, 128>}, {transform_indices = @transform_2, window_bounds = array<i64: 400, 384>}]} {
    %iota3A = tpu.iota {dimensions = array<i32: 0>} : vector<48x48xi32>
    %iota3A_0 = tpu.iota {dimensions = array<i32: 1>} : vector<48x48xi32>
    %jit3A = arith.constant 16 : i32
    %div3A = vector.broadcast %jit3A : i32 to vector<48x48xi32>
    %div3A_1 = arith.divsi %iota3A, %div3A : vector<48x48xi32>
    %sign3A = arith.constant 0 : i32
    %sign3A_2 = vector.broadcast %sign3A : i32 to vector<48x48xi32>
    %sign3A_3 = arith.cmpi sgt, %iota3A, %sign3A_2 : vector<48x48xi32>
    %sign3A_4 = arith.extui %sign3A_3 : vector<48x48xi1> to vector<48x48xi32>
    %sign3A_5 = arith.constant 0 : i32
    %sign3A_6 = vector.broadcast %sign3A_5 : i32 to vector<48x48xi32>
    %sign3A_7 = arith.cmpi slt, %iota3A, %sign3A_6 : vector<48x48xi32>
    %sign3A_8 = arith.extui %sign3A_7 : vector<48x48xi1> to vector<48x48xi32>
    %sign3A_9 = arith.subi %sign3A_4, %sign3A_8 : vector<48x48xi32>
    %sign3A_10 = arith.constant 0 : i32
    %sign3A_11 = arith.cmpi sgt, %jit3A, %sign3A_10 : i32
    %sign3A_12 = arith.extui %sign3A_11 : i1 to i32
    %sign3A_13 = arith.constant 0 : i32
    %sign3A_14 = arith.cmpi slt, %jit3A, %sign3A_13 : i32
    %sign3A_15 = arith.extui %sign3A_14 : i1 to i32
    %sign3A_16 = arith.subi %sign3A_12, %sign3A_15 : i32
    %ne3A = vector.broadcast %sign3A_16 : i32 to vector<48x48xi32>
    %ne3A_17 = arith.cmpi ne, %sign3A_9, %ne3A : vector<48x48xi32>
    %rem3A = vector.broadcast %jit3A : i32 to vector<48x48xi32>
    %rem3A_18 = arith.remsi %iota3A, %rem3A : vector<48x48xi32>
    %ne3A_19 = arith.constant 0 : i32
    %ne3A_20 = vector.broadcast %ne3A_19 : i32 to vector<48x48xi32>
    %ne3A_21 = arith.cmpi ne, %rem3A_18, %ne3A_20 : vector<48x48xi32>
    %and3A = arith.andi %ne3A_17, %ne3A_21 : vector<48x48xi1>
    %sub3A = arith.constant 1 : i32
    %sub3A_22 = vector.broadcast %sub3A : i32 to vector<48x48xi32>
    %sub3A_23 = arith.subi %div3A_1, %sub3A_22 : vector<48x48xi32>
    %select_n3A = arith.select %and3A, %sub3A_23, %div3A_1 : vector<48x48xi1>, vector<48x48xi32>
    %jit3A_24 = arith.constant 3 : i32
    %eq3A = arith.constant 0 : i32
    %eq3A_25 = arith.cmpi eq, %jit3A_24, %eq3A : i32
    %jit3A_26 = arith.constant 1 : i32
    %select_n3A_27 = arith.select %eq3A_25, %jit3A_26, %jit3A_24 : i32
    %rem3A_28 = vector.broadcast %select_n3A_27 : i32 to vector<48x48xi32>
    %rem3A_29 = arith.remsi %iota3A_0, %rem3A_28 : vector<48x48xi32>
    %ne3A_30 = arith.constant 0 : i32
    %ne3A_31 = vector.broadcast %ne3A_30 : i32 to vector<48x48xi32>
    %ne3A_32 = arith.cmpi ne, %rem3A_29, %ne3A_31 : vector<48x48xi32>
    %lt3A = arith.constant 0 : i32
    %lt3A_33 = vector.broadcast %lt3A : i32 to vector<48x48xi32>
    %lt3A_34 = arith.cmpi slt, %rem3A_29, %lt3A_33 : vector<48x48xi32>
    %lt3A_35 = arith.constant 0 : i32
    %lt3A_36 = arith.cmpi slt, %select_n3A_27, %lt3A_35 : i32
    %ne3A_37 = vector.broadcast %lt3A_36 : i1 to vector<48x48xi1>
    %ne3A_38 = vector.broadcast %ne3A_37 : vector<48x48xi1> to vector<48x48xi1>
    %ne3A_39 = arith.xori %lt3A_34, %ne3A_38 : vector<48x48xi1>
    %and3A_40 = arith.andi %ne3A_39, %ne3A_32 : vector<48x48xi1>
    %add3A = vector.broadcast %select_n3A_27 : i32 to vector<48x48xi32>
    %add3A_41 = arith.addi %rem3A_29, %add3A : vector<48x48xi32>
    %select_n3A_42 = arith.select %and3A_40, %add3A_41, %rem3A_29 : vector<48x48xi1>, vector<48x48xi32>
    %eq3A_43 = arith.cmpi eq, %select_n3A, %select_n3A_42 : vector<48x48xi32>
    %jit3A_44 = arith.constant 16 : i32
    %eq3A_45 = arith.constant 0 : i32
    %eq3A_46 = arith.cmpi eq, %jit3A_44, %eq3A_45 : i32
    %jit3A_47 = arith.constant 1 : i32
    %select_n3A_48 = arith.select %eq3A_46, %jit3A_47, %jit3A_44 : i32
    %rem3A_49 = vector.broadcast %select_n3A_48 : i32 to vector<48x48xi32>
    %rem3A_50 = arith.remsi %iota3A, %rem3A_49 : vector<48x48xi32>
    %ne3A_51 = arith.constant 0 : i32
    %ne3A_52 = vector.broadcast %ne3A_51 : i32 to vector<48x48xi32>
    %ne3A_53 = arith.cmpi ne, %rem3A_50, %ne3A_52 : vector<48x48xi32>
    %lt3A_54 = arith.constant 0 : i32
    %lt3A_55 = vector.broadcast %lt3A_54 : i32 to vector<48x48xi32>
    %lt3A_56 = arith.cmpi slt, %rem3A_50, %lt3A_55 : vector<48x48xi32>
    %lt3A_57 = arith.constant 0 : i32
    %lt3A_58 = arith.cmpi slt, %select_n3A_48, %lt3A_57 : i32
    %ne3A_59 = vector.broadcast %lt3A_58 : i1 to vector<48x48xi1>
    %ne3A_60 = vector.broadcast %ne3A_59 : vector<48x48xi1> to vector<48x48xi1>
    %ne3A_61 = arith.xori %lt3A_56, %ne3A_60 : vector<48x48xi1>
    %and3A_62 = arith.andi %ne3A_61, %ne3A_53 : vector<48x48xi1>
    %add3A_63 = vector.broadcast %select_n3A_48 : i32 to vector<48x48xi32>
    %add3A_64 = arith.addi %rem3A_50, %add3A_63 : vector<48x48xi32>
    %select_n3A_65 = arith.select %and3A_62, %add3A_64, %rem3A_50 : vector<48x48xi1>, vector<48x48xi32>
    %jit3A_66 = arith.constant 3 : i32
    %div3A_67 = vector.broadcast %jit3A_66 : i32 to vector<48x48xi32>
    %div3A_68 = arith.divsi %iota3A_0, %div3A_67 : vector<48x48xi32>
    %sign3A_69 = arith.constant 0 : i32
    %sign3A_70 = vector.broadcast %sign3A_69 : i32 to vector<48x48xi32>
    %sign3A_71 = arith.cmpi sgt, %iota3A_0, %sign3A_70 : vector<48x48xi32>
    %sign3A_72 = arith.extui %sign3A_71 : vector<48x48xi1> to vector<48x48xi32>
    %sign3A_73 = arith.constant 0 : i32
    %sign3A_74 = vector.broadcast %sign3A_73 : i32 to vector<48x48xi32>
    %sign3A_75 = arith.cmpi slt, %iota3A_0, %sign3A_74 : vector<48x48xi32>
    %sign3A_76 = arith.extui %sign3A_75 : vector<48x48xi1> to vector<48x48xi32>
    %sign3A_77 = arith.subi %sign3A_72, %sign3A_76 : vector<48x48xi32>
    %sign3A_78 = arith.constant 0 : i32
    %sign3A_79 = arith.cmpi sgt, %jit3A_66, %sign3A_78 : i32
    %sign3A_80 = arith.extui %sign3A_79 : i1 to i32
    %sign3A_81 = arith.constant 0 : i32
    %sign3A_82 = arith.cmpi slt, %jit3A_66, %sign3A_81 : i32
    %sign3A_83 = arith.extui %sign3A_82 : i1 to i32
    %sign3A_84 = arith.subi %sign3A_80, %sign3A_83 : i32
    %ne3A_85 = vector.broadcast %sign3A_84 : i32 to vector<48x48xi32>
    %ne3A_86 = arith.cmpi ne, %sign3A_77, %ne3A_85 : vector<48x48xi32>
    %rem3A_87 = vector.broadcast %jit3A_66 : i32 to vector<48x48xi32>
    %rem3A_88 = arith.remsi %iota3A_0, %rem3A_87 : vector<48x48xi32>
    %ne3A_89 = arith.constant 0 : i32
    %ne3A_90 = vector.broadcast %ne3A_89 : i32 to vector<48x48xi32>
    %ne3A_91 = arith.cmpi ne, %rem3A_88, %ne3A_90 : vector<48x48xi32>
    %and3A_92 = arith.andi %ne3A_86, %ne3A_91 : vector<48x48xi1>
    %sub3A_93 = arith.constant 1 : i32
    %sub3A_94 = vector.broadcast %sub3A_93 : i32 to vector<48x48xi32>
    %sub3A_95 = arith.subi %div3A_68, %sub3A_94 : vector<48x48xi32>
    %select_n3A_96 = arith.select %and3A_92, %sub3A_95, %div3A_68 : vector<48x48xi1>, vector<48x48xi32>
    %eq3A_97 = arith.cmpi eq, %select_n3A_65, %select_n3A_96 : vector<48x48xi32>
    %and3A_98 = arith.andi %eq3A_43, %eq3A_97 : vector<48x48xi1>
    %convert_element_type3A = arith.extui %and3A_98 : vector<48x48xi1> to vector<48x48xi32>
    %convert_element_type3A_99 = arith.sitofp %convert_element_type3A : vector<48x48xi32> to vector<48x48xf32>
    %get3A = arith.constant 0 : index
    %get3A_100 = arith.constant 0 : index
    %get3A_101 = arith.constant 0 : index
    %get3A_102 = vector.load %arg1[%get3A, %get3A_100, %get3A_101] : memref<8x400x64xf32, #tpu.memory_space<vmem>>, vector<1x400x16xf32>
    %get3A_103 = vector.shape_cast %get3A_102 : vector<1x400x16xf32> to vector<400x16xf32>
    %swap3A = arith.constant 0 : index
    %swap3A_104 = arith.constant 0 : index
    %swap3A_105 = vector.load %arg2[%swap3A, %swap3A_104] : memref<400x128xf32, #tpu.memory_space<vmem>>, vector<400x16xf32>
    tpu.vector_store %arg2[%swap3A, %swap3A_104], %get3A_103 {strides = array<i32>} : memref<400x128xf32, #tpu.memory_space<vmem>>, vector<400x16xf32>,
    %get3A_106 = arith.constant 0 : index
    %get3A_107 = arith.constant 0 : index
    %get3A_108 = arith.constant 16 : index
    %get3A_109 = vector.load %arg1[%get3A_106, %get3A_107, %get3A_108] : memref<8x400x64xf32, #tpu.memory_space<vmem>>, vector<1x400x48xf32>
    %get3A_110 = vector.shape_cast %get3A_109 : vector<1x400x48xf32> to vector<400x48xf32>
    %dot_general3A = arith.constant dense<0.000000e+00> : vector<400x48xf32>
    %dot_general3A_111 = tpu.matmul %get3A_110, %convert_element_type3A_99, %dot_general3A {dimension_numbers = #tpu.dot_dimension_numbers<[1], [0], [0], [1], [0, 0, 1, 1], [], []>, transpose_lhs_hint = false} : vector<400x48xf32>, vector<48x48xf32>, vector<400x48xf32> -> vector<400x48xf32>
    %swap3A_112 = arith.constant 0 : index
    %swap3A_113 = arith.constant 0 : index
    %swap3A_114 = vector.load %arg3[%swap3A_112, %swap3A_113] : memref<400x384xf32, #tpu.memory_space<vmem>>, vector<400x48xf32>
    tpu.vector_store %arg3[%swap3A_112, %swap3A_113], %dot_general3A_111 {strides = array<i32>} : memref<400x384xf32, #tpu.memory_space<vmem>>, vector<400x48xf32>,
    %get3A_115 = arith.constant 1 : index
    %get3A_116 = arith.constant 0 : index
    %get3A_117 = arith.constant 0 : index
    %get3A_118 = vector.load %arg1[%get3A_115, %get3A_116, %get3A_117] : memref<8x400x64xf32, #tpu.memory_space<vmem>>, vector<1x400x16xf32>
    %get3A_119 = vector.shape_cast %get3A_118 : vector<1x400x16xf32> to vector<400x16xf32>
    %swap3A_120 = arith.constant 0 : index
    %swap3A_121 = arith.constant 16 : index
    %swap3A_122 = vector.load %arg2[%swap3A_120, %swap3A_121] : memref<400x128xf32, #tpu.memory_space<vmem>>, vector<400x16xf32>
    tpu.vector_store %arg2[%swap3A_120, %swap3A_121], %get3A_119 {strides = array<i32>} : memref<400x128xf32, #tpu.memory_space<vmem>>, vector<400x16xf32>,
    %get3A_123 = arith.constant 1 : index
    %get3A_124 = arith.constant 0 : index
    %get3A_125 = arith.constant 16 : index
    %get3A_126 = vector.load %arg1[%get3A_123, %get3A_124, %get3A_125] : memref<8x400x64xf32, #tpu.memory_space<vmem>>, vector<1x400x48xf32>
    %get3A_127 = vector.shape_cast %get3A_126 : vector<1x400x48xf32> to vector<400x48xf32>
    %dot_general3A_128 = arith.constant dense<0.000000e+00> : vector<400x48xf32>
    %dot_general3A_129 = tpu.matmul %get3A_127, %convert_element_type3A_99, %dot_general3A_128 {dimension_numbers = #tpu.dot_dimension_numbers<[1], [0], [0], [1], [0, 0, 1, 1], [], []>, transpose_lhs_hint = false} : vector<400x48xf32>, vector<48x48xf32>, vector<400x48xf32> -> vector<400x48xf32>
    %swap3A_130 = arith.constant 0 : index
    %swap3A_131 = arith.constant 48 : index
    %swap3A_132 = vector.load %arg3[%swap3A_130, %swap3A_131] : memref<400x384xf32, #tpu.memory_space<vmem>>, vector<400x48xf32>
    tpu.vector_store %arg3[%swap3A_130, %swap3A_131], %dot_general3A_129 {strides = array<i32>} : memref<400x384xf32, #tpu.memory_space<vmem>>, vector<400x48xf32>,
    %get3A_133 = arith.constant 2 : index
    %get3A_134 = arith.constant 0 : index
    %get3A_135 = arith.constant 0 : index
    %get3A_136 = vector.load %arg1[%get3A_133, %get3A_134, %get3A_135] : memref<8x400x64xf32, #tpu.memory_space<vmem>>, vector<1x400x16xf32>
    %get3A_137 = vector.shape_cast %get3A_136 : vector<1x400x16xf32> to vector<400x16xf32>
    %swap3A_138 = arith.constant 0 : index
    %swap3A_139 = arith.constant 32 : index
    %swap3A_140 = vector.load %arg2[%swap3A_138, %swap3A_139] : memref<400x128xf32, #tpu.memory_space<vmem>>, vector<400x16xf32>
    tpu.vector_store %arg2[%swap3A_138, %swap3A_139], %get3A_137 {strides = array<i32>} : memref<400x128xf32, #tpu.memory_space<vmem>>, vector<400x16xf32>,
    %get3A_141 = arith.constant 2 : index
    %get3A_142 = arith.constant 0 : index
    %get3A_143 = arith.constant 16 : index
    %get3A_144 = vector.load %arg1[%get3A_141, %get3A_142, %get3A_143] : memref<8x400x64xf32, #tpu.memory_space<vmem>>, vector<1x400x48xf32>
    %get3A_145 = vector.shape_cast %get3A_144 : vector<1x400x48xf32> to vector<400x48xf32>
    %dot_general3A_146 = arith.constant dense<0.000000e+00> : vector<400x48xf32>
    %dot_general3A_147 = tpu.matmul %get3A_145, %convert_element_type3A_99, %dot_general3A_146 {dimension_numbers = #tpu.dot_dimension_numbers<[1], [0], [0], [1], [0, 0, 1, 1], [], []>, transpose_lhs_hint = false} : vector<400x48xf32>, vector<48x48xf32>, vector<400x48xf32> -> vector<400x48xf32>
    %swap3A_148 = arith.constant 0 : index
    %swap3A_149 = arith.constant 96 : index
    %swap3A_150 = vector.load %arg3[%swap3A_148, %swap3A_149] : memref<400x384xf32, #tpu.memory_space<vmem>>, vector<400x48xf32>
    tpu.vector_store %arg3[%swap3A_148, %swap3A_149], %dot_general3A_147 {strides = array<i32>} : memref<400x384xf32, #tpu.memory_space<vmem>>, vector<400x48xf32>,
    %get3A_151 = arith.constant 3 : index
    %get3A_152 = arith.constant 0 : index
    %get3A_153 = arith.constant 0 : index
    %get3A_154 = vector.load %arg1[%get3A_151, %get3A_152, %get3A_153] : memref<8x400x64xf32, #tpu.memory_space<vmem>>, vector<1x400x16xf32>
    %get3A_155 = vector.shape_cast %get3A_154 : vector<1x400x16xf32> to vector<400x16xf32>
    %swap3A_156 = arith.constant 0 : index
    %swap3A_157 = arith.constant 48 : index
    %swap3A_158 = vector.load %arg2[%swap3A_156, %swap3A_157] : memref<400x128xf32, #tpu.memory_space<vmem>>, vector<400x16xf32>
    tpu.vector_store %arg2[%swap3A_156, %swap3A_157], %get3A_155 {strides = array<i32>} : memref<400x128xf32, #tpu.memory_space<vmem>>, vector<400x16xf32>,
    %get3A_159 = arith.constant 3 : index
    %get3A_160 = arith.constant 0 : index
    %get3A_161 = arith.constant 16 : index
    %get3A_162 = vector.load %arg1[%get3A_159, %get3A_160, %get3A_161] : memref<8x400x64xf32, #tpu.memory_space<vmem>>, vector<1x400x48xf32>
    %get3A_163 = vector.shape_cast %get3A_162 : vector<1x400x48xf32> to vector<400x48xf32>
    %dot_general3A_164 = arith.constant dense<0.000000e+00> : vector<400x48xf32>
    %dot_general3A_165 = tpu.matmul %get3A_163, %convert_element_type3A_99, %dot_general3A_164 {dimension_numbers = #tpu.dot_dimension_numbers<[1], [0], [0], [1], [0, 0, 1, 1], [], []>, transpose_lhs_hint = false} : vector<400x48xf32>, vector<48x48xf32>, vector<400x48xf32> -> vector<400x48xf32>
    %swap3A_166 = arith.constant 0 : index
    %swap3A_167 = arith.constant 144 : index
    %swap3A_168 = vector.load %arg3[%swap3A_166, %swap3A_167] : memref<400x384xf32, #tpu.memory_space<vmem>>, vector<400x48xf32>
    tpu.vector_store %arg3[%swap3A_166, %swap3A_167], %dot_general3A_165 {strides = array<i32>} : memref<400x384xf32, #tpu.memory_space<vmem>>, vector<400x48xf32>,
    %get3A_169 = arith.constant 4 : index
    %get3A_170 = arith.constant 0 : index
    %get3A_171 = arith.constant 0 : index
    %get3A_172 = vector.load %arg1[%get3A_169, %get3A_170, %get3A_171] : memref<8x400x64xf32, #tpu.memory_space<vmem>>, vector<1x400x16xf32>
    %get3A_173 = vector.shape_cast %get3A_172 : vector<1x400x16xf32> to vector<400x16xf32>
    %swap3A_174 = arith.constant 0 : index
    %swap3A_175 = arith.constant 64 : index
    %swap3A_176 = vector.load %arg2[%swap3A_174, %swap3A_175] : memref<400x128xf32, #tpu.memory_space<vmem>>, vector<400x16xf32>
    tpu.vector_store %arg2[%swap3A_174, %swap3A_175], %get3A_173 {strides = array<i32>} : memref<400x128xf32, #tpu.memory_space<vmem>>, vector<400x16xf32>,
    %get3A_177 = arith.constant 4 : index
    %get3A_178 = arith.constant 0 : index
    %get3A_179 = arith.constant 16 : index
    %get3A_180 = vector.load %arg1[%get3A_177, %get3A_178, %get3A_179] : memref<8x400x64xf32, #tpu.memory_space<vmem>>, vector<1x400x48xf32>
    %get3A_181 = vector.shape_cast %get3A_180 : vector<1x400x48xf32> to vector<400x48xf32>
    %dot_general3A_182 = arith.constant dense<0.000000e+00> : vector<400x48xf32>
    %dot_general3A_183 = tpu.matmul %get3A_181, %convert_element_type3A_99, %dot_general3A_182 {dimension_numbers = #tpu.dot_dimension_numbers<[1], [0], [0], [1], [0, 0, 1, 1], [], []>, transpose_lhs_hint = false} : vector<400x48xf32>, vector<48x48xf32>, vector<400x48xf32> -> vector<400x48xf32>
    %swap3A_184 = arith.constant 0 : index
    %swap3A_185 = arith.constant 192 : index
    %swap3A_186 = vector.load %arg3[%swap3A_184, %swap3A_185] : memref<400x384xf32, #tpu.memory_space<vmem>>, vector<400x48xf32>
    tpu.vector_store %arg3[%swap3A_184, %swap3A_185], %dot_general3A_183 {strides = array<i32>} : memref<400x384xf32, #tpu.memory_space<vmem>>, vector<400x48xf32>,
    %get3A_187 = arith.constant 5 : index
    %get3A_188 = arith.constant 0 : index
    %get3A_189 = arith.constant 0 : index
    %get3A_190 = vector.load %arg1[%get3A_187, %get3A_188, %get3A_189] : memref<8x400x64xf32, #tpu.memory_space<vmem>>, vector<1x400x16xf32>
    %get3A_191 = vector.shape_cast %get3A_190 : vector<1x400x16xf32> to vector<400x16xf32>
    %swap3A_192 = arith.constant 0 : index
    %swap3A_193 = arith.constant 80 : index
    %swap3A_194 = vector.load %arg2[%swap3A_192, %swap3A_193] : memref<400x128xf32, #tpu.memory_space<vmem>>, vector<400x16xf32>
    tpu.vector_store %arg2[%swap3A_192, %swap3A_193], %get3A_191 {strides = array<i32>} : memref<400x128xf32, #tpu.memory_space<vmem>>, vector<400x16xf32>,
    %get3A_195 = arith.constant 5 : index
    %get3A_196 = arith.constant 0 : index
    %get3A_197 = arith.constant 16 : index
    %get3A_198 = vector.load %arg1[%get3A_195, %get3A_196, %get3A_197] : memref<8x400x64xf32, #tpu.memory_space<vmem>>, vector<1x400x48xf32>
    %get3A_199 = vector.shape_cast %get3A_198 : vector<1x400x48xf32> to vector<400x48xf32>
    %dot_general3A_200 = arith.constant dense<0.000000e+00> : vector<400x48xf32>
    %dot_general3A_201 = tpu.matmul %get3A_199, %convert_element_type3A_99, %dot_general3A_200 {dimension_numbers = #tpu.dot_dimension_numbers<[1], [0], [0], [1], [0, 0, 1, 1], [], []>, transpose_lhs_hint = false} : vector<400x48xf32>, vector<48x48xf32>, vector<400x48xf32> -> vector<400x48xf32>
    %swap3A_202 = arith.constant 0 : index
    %swap3A_203 = arith.constant 240 : index
    %swap3A_204 = vector.load %arg3[%swap3A_202, %swap3A_203] : memref<400x384xf32, #tpu.memory_space<vmem>>, vector<400x48xf32>
    tpu.vector_store %arg3[%swap3A_202, %swap3A_203], %dot_general3A_201 {strides = array<i32>} : memref<400x384xf32, #tpu.memory_space<vmem>>, vector<400x48xf32>,
    %get3A_205 = arith.constant 6 : index
    %get3A_206 = arith.constant 0 : index
    %get3A_207 = arith.constant 0 : index
    %get3A_208 = vector.load %arg1[%get3A_205, %get3A_206, %get3A_207] : memref<8x400x64xf32, #tpu.memory_space<vmem>>, vector<1x400x16xf32>
    %get3A_209 = vector.shape_cast %get3A_208 : vector<1x400x16xf32> to vector<400x16xf32>
    %swap3A_210 = arith.constant 0 : index
    %swap3A_211 = arith.constant 96 : index
    %swap3A_212 = vector.load %arg2[%swap3A_210, %swap3A_211] : memref<400x128xf32, #tpu.memory_space<vmem>>, vector<400x16xf32>
    tpu.vector_store %arg2[%swap3A_210, %swap3A_211], %get3A_209 {strides = array<i32>} : memref<400x128xf32, #tpu.memory_space<vmem>>, vector<400x16xf32>,
    %get3A_213 = arith.constant 6 : index
    %get3A_214 = arith.constant 0 : index
    %get3A_215 = arith.constant 16 : index
    %get3A_216 = vector.load %arg1[%get3A_213, %get3A_214, %get3A_215] : memref<8x400x64xf32, #tpu.memory_space<vmem>>, vector<1x400x48xf32>
    %get3A_217 = vector.shape_cast %get3A_216 : vector<1x400x48xf32> to vector<400x48xf32>
    %dot_general3A_218 = arith.constant dense<0.000000e+00> : vector<400x48xf32>
    %dot_general3A_219 = tpu.matmul %get3A_217, %convert_element_type3A_99, %dot_general3A_218 {dimension_numbers = #tpu.dot_dimension_numbers<[1], [0], [0], [1], [0, 0, 1, 1], [], []>, transpose_lhs_hint = false} : vector<400x48xf32>, vector<48x48xf32>, vector<400x48xf32> -> vector<400x48xf32>
    %swap3A_220 = arith.constant 0 : index
    %swap3A_221 = arith.constant 288 : index
    %swap3A_222 = vector.load %arg3[%swap3A_220, %swap3A_221] : memref<400x384xf32, #tpu.memory_space<vmem>>, vector<400x48xf32>
    tpu.vector_store %arg3[%swap3A_220, %swap3A_221], %dot_general3A_219 {strides = array<i32>} : memref<400x384xf32, #tpu.memory_space<vmem>>, vector<400x48xf32>,
    %get3A_223 = arith.constant 7 : index
    %get3A_224 = arith.constant 0 : index
    %get3A_225 = arith.constant 0 : index
    %get3A_226 = vector.load %arg1[%get3A_223, %get3A_224, %get3A_225] : memref<8x400x64xf32, #tpu.memory_space<vmem>>, vector<1x400x16xf32>
    %get3A_227 = vector.shape_cast %get3A_226 : vector<1x400x16xf32> to vector<400x16xf32>
    %swap3A_228 = arith.constant 0 : index
    %swap3A_229 = arith.constant 112 : index
    %swap3A_230 = vector.load %arg2[%swap3A_228, %swap3A_229] : memref<400x128xf32, #tpu.memory_space<vmem>>, vector<400x16xf32>
    tpu.vector_store %arg2[%swap3A_228, %swap3A_229], %get3A_227 {strides = array<i32>} : memref<400x128xf32, #tpu.memory_space<vmem>>, vector<400x16xf32>,
    %get3A_231 = arith.constant 7 : index
    %get3A_232 = arith.constant 0 : index
    %get3A_233 = arith.constant 16 : index
    %get3A_234 = vector.load %arg1[%get3A_231, %get3A_232, %get3A_233] : memref<8x400x64xf32, #tpu.memory_space<vmem>>, vector<1x400x48xf32>
    %get3A_235 = vector.shape_cast %get3A_234 : vector<1x400x48xf32> to vector<400x48xf32>
    %dot_general3A_236 = arith.constant dense<0.000000e+00> : vector<400x48xf32>
    %dot_general3A_237 = tpu.matmul %get3A_235, %convert_element_type3A_99, %dot_general3A_236 {dimension_numbers = #tpu.dot_dimension_numbers<[1], [0], [0], [1], [0, 0, 1, 1], [], []>, transpose_lhs_hint = false} : vector<400x48xf32>, vector<48x48xf32>, vector<400x48xf32> -> vector<400x48xf32>
    %swap3A_238 = arith.constant 0 : index
    %swap3A_239 = arith.constant 336 : index
    %swap3A_240 = vector.load %arg3[%swap3A_238, %swap3A_239] : memref<400x384xf32, #tpu.memory_space<vmem>>, vector<400x48xf32>
    tpu.vector_store %arg3[%swap3A_238, %swap3A_239], %dot_general3A_237 {strides = array<i32>} : memref<400x384xf32, #tpu.memory_space<vmem>>, vector<400x48xf32>,
    return
  }
  func.func @transform_0(%arg0: i32) -> (i32, i32, i32) {
    %c0_i32 = arith.constant 0 : i32
    %c0_i32_0 = arith.constant 0 : i32
    %c0_i32_1 = arith.constant 0 : i32
    return %c0_i32, %arg0, %c0_i32_0 : i32, i32, i32
  }
  func.func @transform_1(%arg0: i32) -> (i32, i32) {
    %c0_i32 = arith.constant 0 : i32
    %c0_i32_0 = arith.constant 0 : i32
    return %arg0, %c0_i32 : i32, i32
  }
  func.func @transform_2(%arg0: i32) -> (i32, i32) {
    %c0_i32 = arith.constant 0 : i32
    %c0_i32_0 = arith.constant 0 : i32
    return %arg0, %c0_i32 : i32, i32
  }
}

</mosaic_0001>

<sc_bundles>
// kernel: kernel.10.cloned.1.call-start
scs
__scs_entry_jumppad:
0x0: {  	(pc) =	sbr.rel $0x88, $3  }
0x1: {  	(tag) =	ssettag $0x0;
	lr =	simm.s32 $0x1  }
0x2: {  	[smem:$0x3F9B] =	sst lr;
	_ =	strace $0xD0000000  }
0x3: {  	_ = 	snop  }
0x4: {  	_ = 	snop  }
0x5: {  	_ = 	snop  }
0x6: {  	_ = 	snop  }
0x7: {  	_ = 	snop  }
__scs_overlays_trampoline_lowered:
0x8: {  	[smem:$0x3FAA] =	sst s0  }
0x9: {  	[smem:$0x3FAB] =	sst s1  }
0xa: {  	[smem:$0x3FAC] =	sst s2  }
0xb: {  	[smem:$0x3FAD] =	sst s3  }
0xc: {  	[smem:$0x3FAE] =	sst s4  }
0xd: {  	[smem:$0x3FAF] =	sst s5  }
0xe: {  	[smem:$0x3FB0] =	sst s6  }
0xf: {  	[smem:$0x3FB1] =	sst s7  }
0x10: {  	[smem:$0x3FB2] =	sst s8  }
0x11: {  	[smem:$0x3FB3] =	sst s9;
	s0 =	simm.s32 @!p0 $0x0  }
0x12: {  	s1 =	sld [smem:$0x3F99];
	s0 =	simm.s32 @p0 $0x1  }
0x13: {  	[smem:$0x3FB4] =	sst s0;
	s0 =	simm.s32 @!p1 $0x0  }
0x14: {  	s2 =	sld [smem:$0x3F98];
	s0 =	simm.s32 @p1 $0x1  }
0x15: {  	[smem:$0x3FB5] =	sst s0;
	s0 =	simm.s32 @!p2 $0x0  }
0x16: {  	s3 =	sld [smem:$0x3FDB];
	s0 =	simm.s32 @p2 $0x1  }
0x17: {  	s4 =	simm.s32 $0x1BF5;
	[smem:$0x3FB7] =	sst s0  }
0x18: {  	s0 =	sld [smem:$0x3F9A];
	_ =	swait.ge [sflag:s4], $0x0  }
0x19: {  	s7 =	sld [smem:$0x3F9B]  }
0x1a: {  	s8 =	sadd.s32 $0xFFFFE003, lr  }
0x1b: {  	s9 =	sadd.s32 $0xFFFFFEF7, lr;
	s5 =	simm.s32 $0xFFFFFFFF;
	p2 =	slt.u32 s8, $0xFFFFF086  }
0x1c: {  	p1 =	slt.u32 s9, $0xF7A;
	s5 =	simm.s32 @!p2 $0x0  }
0x1d: {  	s5 =	simm.s32 @p1 $0x1;
	p0 =	seq.s32 s7, s2  }
0x1e: {  	s7 =	smul.u32 @!p0 $0xF7A, s2;
	p2 =	seq.s32 @!p0 s5, $0x0  }
0x1f: {  	s9 =	smul.u32 $0xF7A, s1;
	s8 =	simm.s32 @!p0 $0x1BF5;
	p2 =	por !p2, p0  }
0x20: {  	[sflag:s8] =	ssyncset.s32 @!p0 $0xFFFFF086;
	s6 =	sadd.s32 @!p0 s3, s7;
	s7 =	simm.s32 @!p0 $0x108  }
0x21: {  	s3 =	sadd.s32 s3, s9;
	s6 =	sadd.s32 @!p0 $0x88, s6;
	s7 =	simm.s32 @p2 $0x1082  }
0x22: {  	[simem:s7], [sflag:s8] =	dma.local @!p0 [hbm:s6], $0xF7A  }
0x23: {  	s9 =	sor.u32 $0xD0000000, s2;
	s6 =	simm.s32 $0x108;
	_ =	swait.ge @!p0 [sflag:s8], $0x0  }
0x24: {  	s3 =	sadd.s32 $0x88, s3;
	s6 =	simm.s32 @!p1 $0x1082;
	[sflag:s4] =	ssyncset.s32 $0xFFFFF086  }
0x25: {  	[simem:s6], [sflag:s4] =	dma.local [hbm:s3], $0xF7A  }
0x26: {  	[smem:$0x3F9B] =	sst s1;
	(tag) =	ssettag s2;
	_ =	strace s9  }
0x27: {  	s1 =	sld [smem:$0x3FAB]  }
0x28: {  	s2 =	sld [smem:$0x3FAC]  }
0x29: {  	s4 =	sld [smem:$0x3FAE]  }
0x2a: {  	p0 =	seq.s32 s5, $0x0;
	s5 =	sld [smem:$0x3FAF]  }
0x2b: {  	s6 =	sld [smem:$0x3FB0]  }
0x2c: {  	s7 =	sld [smem:$0x3FB1]  }
0x2d: {  	s3 =	simm.s32 $0x108;
	s8 =	sld [smem:$0x3FB2]  }
0x2e: {  	s3 =	simm.s32 @!p0 $0x1082;
	s9 =	sld [smem:$0x3FB3]  }
0x2f: {  	lr =	sadd.s32 s0, s3;
	s0 =	sld [smem:$0x3FAA]  }
0x30: {  	s3 =	sld [smem:$0x3FAD]  }
0x31: {  	[smem:$0x3FB6] =	sst s10  }
0x32: {  	s10 =	sld [smem:$0x3FB4];
	_ =	sdelay $0x3  }
0x33: {  	p0 =	seq.s32 s10, $0x1;
	s10 =	sld [smem:$0x3FB6];
	_ =	sdelay $0x3  }
0x34: {  	[smem:$0x3FB6] =	sst s10  }
0x35: {  	s10 =	sld [smem:$0x3FB5];
	_ =	sdelay $0x3  }
0x36: {  	p1 =	seq.s32 s10, $0x1;
	s10 =	sld [smem:$0x3FB6];
	_ =	sdelay $0x3  }
0x37: {  	[smem:$0x3FB6] =	sst s10  }
0x38: {  	s10 =	sld [smem:$0x3FB7]  }
0x39: {  	_ = 	snop;
	(pc) =	sbr.ind lr, $3  }
0x3a: {  	_ = 	snop  }
0x3b: {  	_ = 	snop  }
0x3c: {  	p2 =	seq.s32 s10, $0x1;
	s10 =	sld [smem:$0x3FB6]  }
0x3d: {  	_ =	shalt  }
0x3e: {  	_ =	shalt  }
0x3f: {  	_ =	shalt  }
0x40: {  	_ =	shalt  }
0x41: {  	_ =	shalt  }
0x42: {  	_ =	shalt  }
0x43: {  	_ =	shalt  }
0x44: {  	_ =	shalt  }
0x45: {  	_ =	shalt  }
0x46: {  	_ =	shalt  }
0x47: {  	_ =	shalt  }
0x48: {  	_ =	shalt  }
0x49: {  	_ =	shalt  }
0x4a: {  	_ =	shalt  }
0x4b: {  	_ =	shalt  }
0x4c: {  	_ =	shalt  }
0x4d: {  	_ =	shalt  }
0x4e: {  	_ =	shalt  }
0x4f: {  	_ =	shalt  }
0x50: {  	_ =	shalt  }
0x51: {  	_ =	shalt  }
0x52: {  	_ =	shalt  }
0x53: {  	_ =	shalt  }
0x54: {  	_ =	shalt  }
0x55: {  	_ =	shalt  }
0x56: {  	_ =	shalt  }
0x57: {  	_ =	shalt  }
0x58: {  	_ =	shalt  }
0x59: {  	_ =	shalt  }
0x5a: {  	_ =	shalt  }
0x5b: {  	_ =	shalt  }
0x5c: {  	_ =	shalt  }
0x5d: {  	_ =	shalt  }
0x5e: {  	_ =	shalt  }
0x5f: {  	_ =	shalt  }
0x60: {  	_ =	shalt  }
0x61: {  	_ =	shalt  }
0x62: {  	_ =	shalt  }
0x63: {  	_ =	shalt  }
0x64: {  	_ =	shalt  }
0x65: {  	_ =	shalt  }
0x66: {  	_ =	shalt  }
0x67: {  	_ =	shalt  }
0x68: {  	_ =	shalt  }
0x69: {  	_ =	shalt  }
0x6a: {  	_ =	shalt  }
0x6b: {  	_ =	shalt  }
0x6c: {  	_ =	shalt  }
0x6d: {  	_ =	shalt  }
0x6e: {  	_ =	shalt  }
0x6f: {  	_ =	shalt  }
0x70: {  	_ =	shalt  }
0x71: {  	_ =	shalt  }
0x72: {  	_ =	shalt  }
0x73: {  	_ =	shalt  }
0x74: {  	_ =	shalt  }
0x75: {  	_ =	shalt  }
0x76: {  	_ =	shalt  }
0x77: {  	_ =	shalt  }
0x78: {  	_ =	shalt  }
0x79: {  	_ =	shalt  }
0x7a: {  	_ =	shalt  }
0x7b: {  	_ =	shalt  }
0x7c: {  	_ =	shalt  }
0x7d: {  	_ =	shalt  }
0x7e: {  	_ =	shalt  }
0x7f: {  	_ =	shalt  }
0x80: {  	_ =	shalt  }
0x81: {  	_ =	shalt  }
0x82: {  	_ =	shalt  }
0x83: {  	_ =	shalt  }
0x84: {  	_ =	shalt  }
0x85: {  	_ =	shalt  }
0x86: {  	_ =	shalt  }
0x87: {  	_ =	shalt  }
.Lfunc_end0:
.L_simem_size_0:
called_computation.2_lowered:
.L_overlay_start_0:
0x88: {  	s2 =	sld [smem:$0x3FD9]  }
0x89: {  	s3 =	sld [smem:$0x3FFE];
	_ =	sdelay $0x1  }
0x8a: {  	s1 =	srdreg.scid  }
0x8b: {  	s0 =	sand.u32 $0x1, s1  }
0x8c: {  	s14 =	sshll.u32 s0, $0xA;
	s2 =	sadd.s32 s3, s2  }
0x8d: {  	s2 =	sadd.s32 s2, s14  }
0x8e: {  	[smem:$0x3FC2] =	sst s2  }
0x8f: {  	_ = 	snop  }
0x90: {  	s2 =	sld [smem:$0x3FD0];
	_ =	sdelay $0x2  }
0x91: {  	s15 =	simm.s32 $0xA;
	s4 =	simm.s32 $0x10  }
0x92: {  	[smem:s4], [sflag:s15] =	dma.local [hbm:s2], $0x1  }
0x93: {  	_ =	swait.eq [sflag:s15], $0x1  }
0x94: {  	[sflag:s15] =	ssyncset.done $0x0  }
0x95: {  	[sflag:s15] =	ssyncadd.s32 $0xFFFFFFFF  }
0x96: {  	s16 =	sld [smem:$0x11];
	(tm) =	ssettm $0x1  }
0x97: {  	s17 =	sld [smem:$0x3FFB];
	_ =	sdelay $0x3  }
0x98: {  	_ =	strace s17  }
0x99: {  	s3 =	sld [smem:$0x3FFC];
	_ =	sdelay $0x3  }
0x9a: {  	_ =	strace s3  }
0x9b: {  	s3 =	sld [smem:$0x3FFD];
	_ =	sdelay $0x3  }
0x9c: {  	_ =	strace s3  }
0x9d: {  	_ =	strace $0x8FFFFFFF  }
0x9e: {  	s18 =	sld [smem:$0x3FDB];
	_ =	sdelay $0x1  }
0x9f: {  	s19 =	simm.s32 $_scs_section_size  }
0xa0: {  	s5 =	simm.s32 $_size__tile_overlayer_lowered;
	s6 =	simm.s32 $_tile_overlayer_lowered  }
0xa1: {  	s22 =	simm.s32 $0x1BFF;
	s21 =	sshll.u32 s6, $0x1;
	s3 =	sadd.s32 s19, s18  }
0xa2: {  	s7 =	simm.s32 $0x0;
	s20 =	sshll.u32 s5, $0x1;
	s5 =	sadd.s32 s21, s3  }
0xa3: {  	[timem:s7], [sflag:s22] =	dma.local [hbm:s5], s20  }
0xa4: {  	_ =	swait.ge [sflag:s22], s20  }
0xa5: {  	s4 =	ssub.s32 $0x0, s20;
	[sflag:s22] =	ssyncset.done $0x0  }
0xa6: {  	[sflag:s22] =	ssyncadd.s32 s4;
	_ =	sdelay $0x1  }
0xa7: {  	s23 =	simm.s32 $0x1B8B  }
0xa8: {  	_ =	swait.ge [sflag:s23], $0x1  }
0xa9: {  	[sflag:s23] =	ssyncset.done $0x0  }
0xaa: {  	s25 =	simm.s32 $0x1B8E;
	s24 =	sld [smem:$0x3FFE];
	[sflag:s23] =	ssyncadd.s32 $0xFFFFFFFF  }
0xab: {  	s26 =	simm.s32 $execute0_lowered;
	[smem:$0x3FD2] =	sst s25  }
0xac: {  	s5 =	sshll.u32 s26, $0x1;
	_ =	strace $0x8000004C;
	[dreg:$0x1] =	wrdreg $0xFFFFFFFF  }
0xad: {  	s28 =	simm.s32 $_size_execute0_lowered;
	s3 =	sadd.s32 s3, s5;
	[dreg:$0x0] =	wrdreg $0x0  }
0xae: {  	s5 =	sshll.u32 s28, $0x1;
	[dreg:$0x2] =	wrdreg s3  }
0xaf: {  	[dreg:$0x3] =	wrdreg s5  }
0xb0: {  	[dreg:$0x4] =	wrdreg $0xC0  }
0xb1: {  	_ =	task [dreg:s7], $0x5FFFF  }
0xb2: {  	[dreg:$0x1] =	wrdreg $0xFFFFFFFF  }
0xb3: {  	[dreg:$0x0] =	wrdreg $0x60  }
0xb4: {  	[dreg:$0x2] =	wrdreg s24  }
0xb5: {  	[dreg:$0x3] =	wrdreg s16  }
0xb6: {  	[dreg:$0x4] =	wrdreg $0x0  }
0xb7: {  	[dreg:$0x5] =	wrdreg $0x9  }
0xb8: {  	_ =	task.clear_ibuf [dreg:s7], $0x6FFFF;
	_ =	strace $0x9000004C  }
0xb9: {  	s29 =	simm.s32 $0x9;
	_ =	strace $0x8000004E  }
0xba: {  	_ =	swait.ge [sflag:s29], $0x1  }
0xbb: {  	[sflag:s29] =	ssyncadd.s32 $0xFFFFFFFF  }
0xbc: {  	_ =	strace $0x9000004E  }
0xbd: {  	_ =	sfence  }
0xbe: {  	s30 =	sld [smem:$0x0];
	_ =	sdelay $0x2  }
0xbf: {  	s31 =	sshll.u32 s1, $0xD;
	s1 =	sshrl.u32 s1, $0x2  }
0xc0: {  	s3 =	sand.u32 $0x4000, s31;
	s1 =	sadd.s32 s1, s30  }
0xc1: {  	s0 =	sor.u32 s3, s0;
	s1 =	sshll.u32 s1, $0x11  }
0xc2: {  	s0 =	sor.u32 s1, s0  }
0xc3: {  	s0 =	sadd.s32 $0x8F2B, s0  }
0xc4: {  	[sflag:s0] =	ssyncadd.remote.s32 $0x1  }
0xc5: {  	_ =	sfence.sel $0xFFFF  }
0xc6: {  	[dreg:$0x0] =	wrdreg $0xFFFFFFFF;
	(pc) =	sbr.abs _section_cstart, $3  }
0xc7: {  	[dreg:$0x1] =	wrdreg $0xFFFFFFFF  }
0xc8: {  	_ =	task.clear_ibuf [dreg:s7], $0x2FFFF;
	_ =	strace $0x9FFFFFFF  }
0xc9: {  	(tm) =	ssettm $0x7FFFFFFF  }
tec
execute0_lowered:
.L_overlay_start_1:
0x0: {  	(tag) =	ssettag $0x1  }
0x1: {  	s0 =	rddreg [dreg:$0x0]  }
0x2: {  	s2 =	rddreg [dreg:$0x1]  }
0x3: {  	s3 =	rddreg [dreg:$0x2]  }
0x4: {  	s4 =	simm.s32 $0x0;
	s12 =	stileid.u32;
	s8 =	srdreg.scid  }
0x5: {  	s30 =	simm.s32 $0x50;
	s31 =	simm.s32 $0xEA60;
	s1 =	smul.u32 $0x4E2, s12  }
0x6: {  	s28 =	simm.s32 $0x100;
	[smem:$0x7FF] =	sst s4;
	s13 =	smul.u32 $0x9C40, s12  }
0x7: {  	s8 =	sand.u32 $0x1, s8;
	s29 =	smul.u32 $0x271000, s12;
	_ =	strace $0x8000004D  }
0x8: {  	s10 =	ssub.s32 $0x2, s8;
	s8 =	sshll.u32 s8, $0x2;
	[dreg:$0x4] =	wrdreg s13  }
0x9: {  	s5 =	smul.u32 $0x2710, s12;
	s6 =	sadd.s32 $0xB400, s0;
	[dreg:$0x11] =	wrdreg s8  }
0xa: {  	s7 =	sadd.s32 $0x9CF400, s0;
	s21 =	sadd.s32 s13, s3;
	[dreg:$0x12] =	wrdreg s29  }
0xb: {  	s25 =	smul.u32 $0x4E20, s12;
	s19 =	sadd.s32 $0x1F40, s13;
	[dreg:$0xa] =	wrdreg s21  }
0xc: {  	s12 =	simm.s32 $0xFF00;
	s20 =	sadd.s32 $0x3E80, s13;
	[dreg:$0x8] =	wrdreg s19  }
0xd: {  	s1 =	sadd.s32 s1, s0;
	s23 =	sadd.s32 $0x5DC0, s13;
	[dreg:$0x9] =	wrdreg s20  }
0xe: {  	s9 =	sshrl.u32 s5, $0x3;
	s24 =	sadd.s32 $0x7D00, s13;
	[dreg:$0xd] =	wrdreg s23  }
0xf: {  	s9 =	sadd.s32 s9, s0;
	s0 =	sadd.s32 $0xA7800, s0;
	[dreg:$0xe] =	wrdreg s24  }
0x10: {  	s11 =	sshrl.u32 s10, $0x1;
	s1 =	sadd.s32 $0x6400, s1;
	[dreg:$0x5] =	wrdreg s0  }
0x11: {  	s13 =	simm.s32 $0x11D00;
	s22 =	sadd.s32 s20, s3;
	[dreg:$0x6] =	wrdreg s1  }
0x12: {  	s17 =	ssub.s32 s10, s11;
	s26 =	sadd.s32 s24, s3;
	[dreg:$0xc] =	wrdreg s22  }
0x13: {  	s10 =	simm.s32 $0x11300;
	s18 =	sadd.s32 $0x1400, s9;
	[dreg:$0x10] =	wrdreg s26  }
0x14: {  	s11 =	simm.s32 $0x12700;
	s1 =	sadd.s32 s19, s3;
	[dreg:$0x7] =	wrdreg s18  }
0x15: {  	s24 =	simm.s32 $0x1;
	s9 =	sadd.s32 s23, s3;
	[dreg:$0xb] =	wrdreg s1  }
0x16: {  	s0 =	smax.u32 s17, $0x1;
	s17 =	simm.s32 $0x12C00;
	[dreg:$0xf] =	wrdreg s9  }
0x17: {  	s23 =	simm.s32 $0x3;
	s1 =	sadd.s32 s2, s25;
	[dreg:$0x14] =	wrdreg s0  }
0x18: {  	v0 =	vimm.f32 $0.0e+00;
	s0 =	simm.s32 $0xEB00;
	s25 =	simm.s32 $0x20;
	s18 =	simm.s32 $0x2  }
0x19: {  	v1 =	vimm.s32 $0x0;
	v2 =	vimm.s32 $0x1;
	v3 =	vimm.s32 $0x2;
	s9 =	simm.s32 $0x0;
	[dreg:$0x13] =	wrdreg s1;
	s1 =	simm.s32 $0xEAB0  }
.LBB2_1:
0x1a: {  	[dreg:$0x15] =	wrdreg s9  }
0x1b: {  	s8 =	rddreg [dreg:$0x6];
	s22 =	simm.s32 $0x9C40;
	s26 =	simm.s32 $0x7  }
0x1c: {  	[tilespmem:s22], [sflag:$0x7] =	stream.linear.gather [hbm4b:s8+s4], $0x2710, $0x38;
	[tilespmem:$0x1A040] =	vst v63  }
0x1d: {  	_ =	swait.ge [sflag:s26], $0x2710  }
0x1e: {  	[sflag:s26] =	ssyncset.done $0x0  }
0x1f: {  	s14 =	simm.s32 $0xC350;
	s29 =	rddreg [dreg:$0x7];
	[sflag:s26] =	ssyncadd.s32 $0xFFFFD8F0  }
0x20: {  	[tilespmem:s14], [sflag:$0x7] =	stream.linear.gather [hbm4b:s29+s4], $0x2710, $0x38;
	[tilespmem:$0x1A040] =	vst v63  }
0x21: {  	_ =	swait.ge [sflag:s26], $0x2710  }
0x22: {  	[sflag:s26] =	ssyncset.done $0x0  }
0x23: {  	s9 =	simm.s32 $0x100;
	s8 =	simm.s32 $0x0;
	[sflag:s26] =	ssyncadd.s32 $0xFFFFD8F0  }
.LBB2_2:
0x24: {  	p0 =	sne.s32 s9, $0x7C00;
	[tilespmem:s8+$0x18130] =	vst v0;
	s14 =	smov.u32 s9;
	s9 =	sadd.s32 $0x100, s9  }
.Ltmp0:
0x25: {  	[tilespmem:s8+$0x18120] =	vst v0;
	(pc) =	sbr.rel @p0 .LBB2_2-.Ltmp0, $3  }
0x26: {  	[tilespmem:s8+$0x18100] =	vst v0  }
0x27: {  	[tilespmem:s8+$0x18110] =	vst v0;
	_ =	sdelay $0x1  }
0x28: {  	s8 =	sshra.s32 s14, $0x2  }
0x29: {  	[tilespmem:s8+$0x18130] =	vst v0  }
0x2a: {  	[tilespmem:s8+$0x18120] =	vst v0  }
0x2b: {  	[tilespmem:s8+$0x18100] =	vst v0  }
0x2c: {  	[tilespmem:s8+$0x18110] =	vst v0;
	s20 =	rddreg [dreg:$0xa];
	s14 =	simm.s32 $0x18100;
	s9 =	simm.s32 $0x7  }
0x2d: {  	[spmem:s20] =	stream.linear.scatter [tilespmem:s14], [sflag:$0x7], $0x1F40, $0x38;
	[tilespmem:$0x1A040] =	vst v63  }
0x2e: {  	_ =	swait.ge [sflag:s9], $0x1F40  }
0x2f: {  	[sflag:s9] =	ssyncset.done $0x0  }
0x30: {  	s21 =	rddreg [dreg:$0xb];
	[sflag:s9] =	ssyncadd.s32 $0xFFFFE0C0  }
0x31: {  	[spmem:s21] =	stream.linear.scatter [tilespmem:s14], [sflag:$0x7], $0x1F40, $0x38;
	[tilespmem:$0x1A040] =	vst v63  }
0x32: {  	_ =	swait.ge [sflag:s9], $0x1F40  }
0x33: {  	[sflag:s9] =	ssyncset.done $0x0  }
0x34: {  	s22 =	rddreg [dreg:$0xc];
	[sflag:s9] =	ssyncadd.s32 $0xFFFFE0C0  }
0x35: {  	[spmem:s22] =	stream.linear.scatter [tilespmem:s14], [sflag:$0x7], $0x1F40, $0x38;
	[tilespmem:$0x1A040] =	vst v63  }
0x36: {  	_ =	swait.ge [sflag:s9], $0x1F40  }
0x37: {  	[sflag:s9] =	ssyncset.done $0x0  }
0x38: {  	s26 =	rddreg [dreg:$0xf];
	[sflag:s9] =	ssyncadd.s32 $0xFFFFE0C0  }
0x39: {  	[spmem:s26] =	stream.linear.scatter [tilespmem:s14], [sflag:$0x7], $0x1F40, $0x38;
	[tilespmem:$0x1A040] =	vst v63  }
0x3a: {  	_ =	swait.ge [sflag:s9], $0x1F40  }
0x3b: {  	[sflag:s9] =	ssyncset.done $0x0  }
0x3c: {  	s29 =	rddreg [dreg:$0x10];
	[sflag:s9] =	ssyncadd.s32 $0xFFFFE0C0  }
0x3d: {  	[spmem:s29] =	stream.linear.scatter [tilespmem:s14], [sflag:$0x7], $0x1F40, $0x38;
	[tilespmem:$0x1A040] =	vst v63  }
0x3e: {  	_ =	swait.ge [sflag:s9], $0x1F40  }
0x3f: {  	[sflag:s9] =	ssyncset.done $0x0  }
0x40: {  	[sflag:s9] =	ssyncadd.s32 $0xFFFFE0C0  }
0x41: {  	s9 =	simm.s32 $0x0;
	[bflag:$0x0] =	sbarrier.arrive $0xFFFF  }
.LBB2_4:
0x42: {  	v4 =	vld [tilespmem:$0xC350]  }
0x43: {  	v5 =	vld [tilespmem:$0xC360];
	s8 =	rddreg [dreg:$0x11]  }
0x44: {  	v6 =	vld [tilespmem:$0xC370];
	s22 =	sadd.s32 s8, s9  }
0x45: {  	v7 =	vld [tilespmem:$0xC380];
	s8 =	smul.u32 $0x2710, s22  }
0x46: {  	v8 =	vld [tilespmem:$0xC390]  }
0x47: {  	v4 =	vadd.s32 s8, v4  }
0x48: {  	[tilespmem:$0xEA60] =	vst v4;
	v4 =	vadd.s32 s8, v5  }
0x49: {  	[tilespmem:$0xEA70] =	vst v4;
	v4 =	vadd.s32 s8, v6  }
0x4a: {  	s26 =	rddreg [dreg:$0x12];
	s19 =	sshll.u32 s22, $0x5;
	[tilespmem:$0xEA80] =	vst v4;
	v4 =	vadd.s32 s8, v7  }
0x4b: {  	[dreg:$0x16] =	wrdreg s9;
	s9 =	sadd.s32 s26, s19;
	[tilespmem:$0xEA90] =	vst v4;
	v4 =	vadd.s32 s8, v8  }
0x4c: {  	s9 =	sshrl.u32 s9, $0x3;
	[tilespmem:$0xEAA0] =	vst v4  }
0x4d: {  	[tilespmem:s0], [sflag:$0x1] =	stream.indirect.gather [hbm4b:s6+s30], $0x40, s31, s30, $0xb8;
	[tilespmem:$0x1A040] =	vst v63  }
0x4e: {  	s29 =	rddreg [dreg:$0x13];
	s9 =	sadd.s32 s7, s9  }
0x4f: {  	[tilespmem:s10], [sflag:$0x1] =	stream.strided.gather [hbm4b:s9+s25], $0xA00, s28, s25, $0x38;
	[tilespmem:$0x1A040] =	vst v63  }
0x50: {  	s14 =	simm.s32 $0x0;
	s20 =	simm.s32 $0x0;
	[dreg:$0x17] =	wrdreg s22  }
0x51: {  	v4 =	vmov s8;
	[tilespmem:s11], [sflag:$0x1] =	stream.linear.gather [hbm4b:s29+s14], $0x500, $0x38;
	[tilespmem:$0x1A040] =	vst v63  }
.LBB2_5:
0x52: {  	p0 =	seq.s32 s20, $0x0  }
0x53: {  	s8 =	simm.s32 @!p0 $0x4  }
0x54: {  	_ =	swait.ge @!p0 [sflag:s8], $0x1400  }
0x55: {  	[sflag:s8] =	ssyncset.done @!p0 $0x0  }
0x56: {  	[sflag:s8] =	ssyncadd.s32 @!p0 $0xFFFFEC00  }
0x57: {  	_ =	swait.ge [sflag:s24], $0x1400  }
0x58: {  	[sflag:s24] =	ssyncset.done $0x0  }
0x59: {  	[sflag:s24] =	ssyncadd.s32 $0xFFFFEC00  }
0x5a: {  	_ =	swait.ge [sflag:s24], $0xA00  }
0x5b: {  	[sflag:s24] =	ssyncset.done $0x0  }
0x5c: {  	[sflag:s24] =	ssyncadd.s32 $0xFFFFF600  }
0x5d: {  	_ =	swait.ge [sflag:s24], $0x500  }
0x5e: {  	s29 =	smul.u32 $0x140, s20;
	[sflag:s24] =	ssyncset.done $0x0  }
0x5f: {  	[sflag:s24] =	ssyncadd.s32 $0xFFFFFB00  }
0x60: {  	v5 =	vld [tilespmem:s29+$0xC3A0];
	_ =	sdelay $0x4  }
0x61: {  	v5 =	vadd.s32 v4, v5  }
0x62: {  	[tilespmem:$0xEAB0] =	vst v5  }
0x63: {  	v5 =	vld [tilespmem:s29+$0xC3B0];
	_ =	sdelay $0x4  }
0x64: {  	v5 =	vadd.s32 v4, v5  }
0x65: {  	[tilespmem:$0xEAC0] =	vst v5  }
0x66: {  	v5 =	vld [tilespmem:s29+$0xC3C0];
	_ =	sdelay $0x4  }
0x67: {  	v5 =	vadd.s32 v4, v5  }
0x68: {  	[tilespmem:$0xEAD0] =	vst v5  }
0x69: {  	v5 =	vld [tilespmem:s29+$0xC3D0];
	_ =	sdelay $0x4  }
0x6a: {  	v5 =	vadd.s32 v4, v5  }
0x6b: {  	[tilespmem:$0xEAE0] =	vst v5  }
0x6c: {  	v5 =	vld [tilespmem:s29+$0xC3E0];
	_ =	sdelay $0x1  }
0x6d: {  	s16 =	sadd.s32 s5, s29  }
0x6e: {  	s15 =	sadd.s32 $0x50, s16  }
0x6f: {  	s9 =	sshll.u32 s15, $0x8  }
0x70: {  	s9 =	sadd.s32 s19, s9;
	v5 =	vadd.s32 v4, v5  }
0x71: {  	s9 =	sshrl.u32 s9, $0x3;
	[tilespmem:$0xEAF0] =	vst v5  }
0x72: {  	[tilespmem:s12], [sflag:$0x2] =	stream.indirect.gather [hbm4b:s6+s30], $0x40, s1, s30, $0xb8;
	[tilespmem:$0x1A040] =	vst v63  }
0x73: {  	s8 =	sshll.u32 s15, $0x1;
	s9 =	sadd.s32 s7, s9  }
0x74: {  	[tilespmem:s13], [sflag:$0x2] =	stream.strided.gather [hbm4b:s9+s25], $0xA00, s28, s25, $0x38;
	[tilespmem:$0x1A040] =	vst v63  }
0x75: {  	s21 =	simm.s32 $0x12720;
	s8 =	sadd.s32 s2, s8  }
0x76: {  	[tilespmem:s17], [sflag:$0x2] =	stream.linear.gather [hbm4b:s8+s4], $0x500, $0x38;
	[tilespmem:$0x1A040] =	vst v63  }
0x77: {  	s14 =	simm.s32 $0xEB80;
	v5 =	vld [tilespmem:s21+$0x10]  }
0x78: {  	v6 =	vld [tilespmem:s14+$0x50]  }
0x79: {  	v7 =	vld [tilespmem:s14+$0x60]  }
0x7a: {  	v8 =	vld [tilespmem:s21+$0xFFFFFFF0]  }
0x7b: {  	s22 =	simm.s32 $0x11340;
	v10 =	vld [tilespmem:s21+$0x0]  }
0x7c: {  	v11 =	vld [tilespmem:s22+$0x20]  }
0x7d: {  	v14 =	vld [tilespmem:s14+$0x40]  }
0x7e: {  	v15 =	vld [tilespmem:s22+$0x30]  }
0x7f: {  	v18 =	vld [tilespmem:s21+$0xFFFFFFE0]  }
0x80: {  	v21 =	vld [tilespmem:s14+$0xFFFFFFA0]  }
0x81: {  	v36 =	vld [tilespmem:s14+$0xFFFFFF80]  }
0x82: {  	s26 =	simm.s32 $0x12760;
	v38 =	vld [tilespmem:s22+$0xFFFFFFD0];
	v12 =	vperm.xlane v5, v1;
	v13 =	vperm.xlane v5, v2  }
0x83: {  	v56 =	vld [tilespmem:s26+$0xFFFFFFE0];
	v5 =	vperm.xlane v5, v3;
	v24 =	vperm.xlane v8, v1  }
0x84: {  	v26 =	vld [tilespmem:s14+$0xFFFFFFD0];
	v25 =	vperm.xlane v8, v2;
	v8 =	vperm.xlane v8, v3  }
0x85: {  	v28 =	vld [tilespmem:s14+$0xFFFFFFE0];
	v27 =	vperm.xlane v10, v1;
	v29 =	vmul.f32 v11, v14  }
0x86: {  	v20 =	vld [tilespmem:s14+$0x10];
	v30 =	vperm.xlane v18, v1;
	v31 =	vperm.xlane v18, v2  }
0x87: {  	v32 =	vld [tilespmem:s14+$0xFFFFFFB0];
	v18 =	vperm.xlane v18, v3;
	v14 =	vmul.f32 v15, v14  }
0x88: {  	v34 =	vld [tilespmem:s14+$0xFFFFFFF0];
	v62 =	vmul.f32 v38, v36;
	v58 =	vperm.xlane v56, v1  }
0x89: {  	v16 =	vmul.f32 v6, v12;
	v17 =	vmul.f32 v7, v13  }
0x8a: {  	v9 =	vld [tilespmem:s14+$0x70];
	v33 =	vmul.f32 v21, v31;
	v35 =	vmul.f32 v26, v24  }
0x8b: {  	v12 =	vmul.f32 v14, v12;
	v37 =	vmul.f32 v28, v25  }
0x8c: {  	v13 =	vmul.f32 v14, v13;
	v59 =	vmul.f32 v20, v27  }
0x8d: {  	v22 =	vld [tilespmem:s14+$0x20];
	v39 =	vmul.f32 v32, v18;
	v60 =	vmul.f32 v34, v8  }
0x8e: {  	v49 =	vld [tilespmem:s26+$0x0];
	v6 =	vmul.f32 v6, v11;
	v7 =	vmul.f32 v7, v11  }
0x8f: {  	v41 =	vld [tilespmem:s22+$0xFFFFFFF0];
	v11 =	vmul.f32 v9, v11;
	v31 =	vmul.f32 v62, v31  }
0x90: {  	v19 =	vld [tilespmem:s14+$0xFFFFFF90];
	v16 =	vadd.f32 v17, v16;
	v17 =	vmul.f32 v9, v5;
	v35 =	vadd.f32 v37, v35  }
0x91: {  	v23 =	vld [tilespmem:s14+$0x30];
	v5 =	vmul.f32 v14, v5;
	v37 =	vmul.f32 v62, v18  }
0x92: {  	s9 =	simm.s32 $0xEC80;
	v40 =	vld [tilespmem:s14+$0xFFFFFFC0];
	v16 =	vadd.f32 v17, v16;
	v17 =	vperm.xlane v10, v2;
	v35 =	vadd.f32 v60, v35  }
0x93: {  	v54 =	vadd.f32 v7, v13;
	v18 =	vld [tilespmem:s9+$0xFFFFFF90];
	v13 =	vperm.xlane v49, v2;
	v10 =	vperm.xlane v10, v3  }
0x94: {  	v14 =	vmul.f32 v22, v17;
	v63 =	vmul.f32 v35, v41;
	v35 =	vld [tilespmem:s22+$0xFFFFFFE0]  }
0x95: {  	v16 =	vmul.f32 v16, v15;
	v15 =	vmul.f32 v19, v30  }
0x96: {  	v42 =	vld [tilespmem:s22+$0x10];
	v57 =	vadd.f32 v11, v5;
	v61 =	vmul.f32 v23, v10;
	v14 =	vadd.f32 v14, v59  }
0x97: {  	v11 =	vperm.xlane v49, v3;
	v30 =	vmul.f32 v62, v30;
	v15 =	vadd.f32 v33, v15  }
0x98: {  	v62 =	vmul.f32 v18, v58;
	v59 =	vld [tilespmem:s26+$0x10];
	v9 =	vadd.f32 v61, v14;
	v14 =	vmul.f32 v41, v40  }
0x99: {  	v15 =	vadd.f32 v39, v15;
	v39 =	vld [tilespmem:s14+$0x0];
	v40 =	vmul.f32 v35, v40;
	v60 =	vmul.f32 v26, v35  }
0x9a: {  	v44 =	vld [tilespmem:s9+$0x50];
	v28 =	vmul.f32 v28, v35;
	v26 =	vperm.xlane v56, v3  }
0x9b: {  	v45 =	vld [tilespmem:s9+$0x60];
	v38 =	vmul.f32 v15, v38;
	v46 =	vmul.f32 v9, v42  }
0x9c: {  	s15 =	simm.s32 $0x113C0;
	v15 =	vld [tilespmem:s22+$0xFFFFFFC0];
	v24 =	vmul.f32 v14, v24;
	v25 =	vmul.f32 v14, v25  }
0x9d: {  	v52 =	vld [tilespmem:s15+$0x20];
	v47 =	vmul.f32 v14, v8;
	v50 =	vperm.xlane v59, v1  }
0x9e: {  	v8 =	vld [tilespmem:s26+$0xFFFFFFF0];
	s26 =	simm.s32 $0x13180;
	v51 =	vperm.xlane v59, v2;
	v43 =	vmul.f32 v42, v39  }
0x9f: {  	v53 =	vld [tilespmem:s9+$0x40];
	[tilespmem:s26+$0x60] =	vst v54;
	v54 =	vmul.f32 v34, v35;
	v42 =	vperm.xlane v59, v3  }
0xa0: {  	v55 =	vld [tilespmem:s15+$0x30];
	v27 =	vmul.f32 v43, v27;
	v48 =	vmul.f32 v43, v17  }
0xa1: {  	v16 =	vadd.f32 v16, v29;
	v41 =	vld [tilespmem:s22+$0x0];
	v36 =	vmul.f32 v15, v36;
	v9 =	vmul.f32 v43, v10  }
0xa2: {  	v40 =	vadd.f32 v63, v40;
	v43 =	vld [tilespmem:s9+$0x70];
	v10 =	vmul.f32 v19, v15;
	v21 =	vmul.f32 v21, v15  }
0xa3: {  	[tilespmem:s26+$0x40] =	vst v16;
	v16 =	vld [tilespmem:s9+$0xFFFFFFF0];
	v29 =	vmul.f32 v32, v15;
	v32 =	vadd.f32 v6, v12;
	v6 =	vmul.f32 v44, v50  }
0xa4: {  	v24 =	vadd.f32 v60, v24;
	v15 =	vmul.f32 v45, v51;
	v17 =	vperm.xlane v8, v1;
	v19 =	vld [tilespmem:s9+$0xFFFFFFA0]  }
0xa5: {  	v12 =	vperm.xlane v8, v2;
	v14 =	vperm.xlane v8, v3;
	v8 =	vld [tilespmem:s9+$0xFFFFFFE0];
	v30 =	vadd.f32 v10, v30  }
0xa6: {  	v10 =	vmul.f32 v52, v53;
	v31 =	vadd.f32 v21, v31;
	v53 =	vmul.f32 v55, v53;
	v21 =	vld [tilespmem:s9+$0xFFFFFFB0]  }
0xa7: {  	v59 =	vperm.xlane v56, v2;
	v6 =	vadd.f32 v15, v6;
	[tilespmem:s26+$0x50] =	vst v32;
	v32 =	vld [tilespmem:s9+$0xFFFFFF80];
	v7 =	vmul.f32 v43, v42  }
0xa8: {  	v39 =	vmul.f32 v41, v39;
	v33 =	vmul.f32 v53, v51;
	v51 =	vadd.f32 v28, v25;
	v25 =	vld [tilespmem:s9+$0xFFFFFFC0]  }
0xa9: {  	v45 =	vmul.f32 v45, v52;
	v15 =	vperm.xlane v49, v1;
	v5 =	vadd.f32 v7, v6;
	v7 =	vld [tilespmem:s9+$0xFFFFFFD0]  }
0xaa: {  	[tilespmem:s26+$0x70] =	vst v57;
	v36 =	vadd.f32 v38, v36;
	v57 =	vmul.f32 v16, v14;
	v63 =	vmul.f32 v19, v59;
	v6 =	vld [tilespmem:s9+$0x20]  }
0xab: {  	v37 =	vadd.f32 v29, v37;
	v29 =	vmul.f32 v53, v50;
	v61 =	vmul.f32 v5, v55;
	v5 =	vld [tilespmem:s9+$0x10]  }
0xac: {  	v28 =	vmul.f32 v53, v42;
	[tilespmem:s26+$0xFFFFFF80] =	vst v36;
	v36 =	vmul.f32 v23, v41;
	v62 =	vadd.f32 v63, v62;
	v63 =	vld [tilespmem:s15+$0xFFFFFFD0]  }
0xad: {  	v60 =	vmul.f32 v8, v12;
	v56 =	vmul.f32 v21, v26;
	v49 =	vadd.f32 v61, v10;
	v10 =	vld [tilespmem:s9+$0x30]  }
0xae: {  	[tilespmem:s26+$0xFFFFFFA0] =	vst v31;
	v31 =	vld [tilespmem:s15+$0xFFFFFFF0];
	v42 =	vmul.f32 v44, v52;
	v38 =	vmul.f32 v7, v17  }
0xaf: {  	[tilespmem:s26+$0xFFFFFFC0] =	vst v40;
	v43 =	vmul.f32 v43, v52;
	v35 =	vadd.f32 v56, v62;
	v62 =	vmul.f32 v22, v41  }
0xb0: {  	[tilespmem:s26+$0xFFFFFF90] =	vst v30;
	v23 =	vld [tilespmem:s15+$0x10];
	v55 =	vmul.f32 v6, v13;
	v61 =	vmul.f32 v5, v15;
	v30 =	vadd.f32 v60, v38  }
0xb1: {  	[tilespmem:s26+$0xFFFFFFD0] =	vst v24;
	v44 =	vmul.f32 v63, v32;
	v60 =	vmul.f32 v20, v41;
	v20 =	vld [tilespmem:s9+$0x0]  }
0xb2: {  	[tilespmem:s26+$0xFFFFFFB0] =	vst v37;
	v34 =	vadd.f32 v55, v61;
	v61 =	vmul.f32 v10, v11;
	v22 =	vadd.f32 v57, v30  }
0xb3: {  	s21 =	simm.s32 $0x13280;
	[tilespmem:s26+$0xFFFFFFE0] =	vst v51;
	v38 =	vmul.f32 v35, v63;
	v35 =	vmul.f32 v31, v25;
	v30 =	vadd.f32 v46, v39  }
0xb4: {  	v24 =	vld [tilespmem:s15+$0xFFFFFFE0];
	[tilespmem:s21+$0x40] =	vst v49;
	v63 =	vadd.f32 v61, v34;
	v34 =	vmul.f32 v22, v31;
	v31 =	vadd.f32 v54, v47  }
0xb5: {  	v37 =	vld [tilespmem:s15+$0xFFFFFFC0];
	v40 =	vmul.f32 v44, v58;
	v39 =	vmul.f32 v44, v59;
	[tilespmem:s26+$0x0] =	vst v30;
	v30 =	vadd.f32 v60, v27  }
0xb6: {  	s14 =	simm.s32 $0x127A0;
	s22 =	simm.s32 $0x4;
	v22 =	vld [tilespmem:s15+$0x0];
	v27 =	vadd.f32 v62, v48;
	v41 =	vmul.f32 v23, v20;
	v23 =	vmul.f32 v63, v23;
	[tilespmem:s26+$0xFFFFFFF0] =	vst v31  }
.LBB2_6:
0xb7: {  	v46 =	vld [tilespmem:s14+$0x10];
	s22 =	sadd.s32 $0x4, s22;
	v26 =	vmul.f32 v44, v26;
	v44 =	vmul.f32 v35, v17;
	s9 =	sadd.s32 $0x100, s9;
	[tilespmem:s26+$0x10] =	vst v30;
	v9 =	vadd.f32 v36, v9  }
0xb8: {  	v47 =	vmul.f32 v35, v12;
	v30 =	vmul.f32 v35, v14;
	v12 =	vadd.f32 v42, v29;
	v36 =	vld [tilespmem:s9+$0x50];
	p1 =	slt.u32 s22, $0x4C;
	[tilespmem:s26+$0x20] =	vst v27  }
0xb9: {  	v31 =	vmul.f32 v41, v15;
	v27 =	vmul.f32 v41, v13;
	v13 =	vadd.f32 v45, v33;
	v35 =	vld [tilespmem:s9+$0x60];
	[tilespmem:s26+$0x30] =	vst v9;
	s26 =	smov.u32 s21  }
0xba: {  	v15 =	vmul.f32 v37, v32;
	v9 =	vmul.f32 v41, v11;
	v11 =	vadd.f32 v43, v28;
	v14 =	vld [tilespmem:s14+$0xFFFFFFF0];
	[tilespmem:s21+$0x50] =	vst v12  }
0xbb: {  	v17 =	vmul.f32 v19, v37;
	v12 =	vmul.f32 v18, v37;
	v41 =	vld [tilespmem:s9+$0x70];
	[tilespmem:s21+$0x60] =	vst v13  }
0xbc: {  	s15 =	sadd.s32 $0x80, s15;
	v13 =	vadd.f32 v38, v15;
	v28 =	vld [tilespmem:s14+$0x0];
	v29 =	vperm.xlane v46, v1;
	v32 =	vperm.xlane v46, v2;
	[tilespmem:s21+$0x70] =	vst v11  }
0xbd: {  	v15 =	vmul.f32 v21, v37;
	v38 =	vperm.xlane v46, v3;
	v11 =	vadd.f32 v12, v40;
	v43 =	vld [tilespmem:s15+$0x20]  }
0xbe: {  	v21 =	vld [tilespmem:s9+$0x40];
	v18 =	vmul.f32 v36, v29;
	v19 =	vmul.f32 v35, v32;
	[tilespmem:s21+$0xFFFFFF80] =	vst v13;
	v13 =	vadd.f32 v17, v39  }
0xbf: {  	v17 =	vperm.xlane v14, v1;
	v12 =	vperm.xlane v14, v2;
	v33 =	vld [tilespmem:s15+$0x30];
	[tilespmem:s21+$0xFFFFFF90] =	vst v11;
	v11 =	vadd.f32 v15, v26  }
0xc0: {  	v14 =	vperm.xlane v14, v3;
	v26 =	vld [tilespmem:s14+$0xFFFFFFE0];
	v37 =	vadd.f32 v19, v18;
	v39 =	vmul.f32 v41, v38;
	[tilespmem:s21+$0xFFFFFFA0] =	vst v13  }
0xc1: {  	v18 =	vld [tilespmem:s9+$0xFFFFFF90];
	v15 =	vperm.xlane v28, v1;
	v13 =	vperm.xlane v28, v2;
	[tilespmem:s21+$0xFFFFFFB0] =	vst v11  }
0xc2: {  	v25 =	vmul.f32 v24, v25;
	v11 =	vperm.xlane v28, v3;
	v19 =	vld [tilespmem:s9+$0xFFFFFFA0];
	v28 =	vadd.f32 v39, v37  }
0xc3: {  	v37 =	vmul.f32 v7, v24;
	v39 =	vmul.f32 v8, v24;
	v7 =	vld [tilespmem:s9+$0xFFFFFFD0]  }
0xc4: {  	v25 =	vadd.f32 v34, v25;
	v40 =	vmul.f32 v43, v21;
	v8 =	vld [tilespmem:s9+$0xFFFFFFE0];
	v28 =	vmul.f32 v28, v33  }
0xc5: {  	v37 =	vadd.f32 v37, v44;
	v46 =	vperm.xlane v26, v1;
	v48 =	vperm.xlane v26, v2;
	v34 =	vld [tilespmem:s9+$0x10]  }
0xc6: {  	v44 =	vmul.f32 v33, v21;
	v26 =	vperm.xlane v26, v3;
	v42 =	vld [tilespmem:s9+$0x20];
	v28 =	vadd.f32 v28, v40;
	[tilespmem:s21+$0xFFFFFFC0] =	vst v25  }
0xc7: {  	s21 =	sadd.s32 $0x100, s21;
	v21 =	vld [tilespmem:s9+$0xFFFFFFB0];
	v25 =	vmul.f32 v18, v46;
	v33 =	vmul.f32 v19, v48;
	[tilespmem:s26+$0xFFFFFFD0] =	vst v37;
	v37 =	vadd.f32 v39, v47  }
0xc8: {  	v29 =	vmul.f32 v44, v29;
	v39 =	vld [tilespmem:s9+$0xFFFFFFF0];
	v40 =	vmul.f32 v7, v17;
	[tilespmem:s21+$0x40] =	vst v28  }
0xc9: {  	v45 =	vadd.f32 v33, v25;
	v25 =	vmul.f32 v8, v12;
	v47 =	vld [tilespmem:s9+$0x30];
	v33 =	vmul.f32 v44, v32;
	[tilespmem:s26+$0xFFFFFFE0] =	vst v37  }
0xca: {  	v28 =	vmul.f32 v44, v38;
	v32 =	vld [tilespmem:s9+$0xFFFFFF80];
	v37 =	vmul.f32 v34, v15  }
0xcb: {  	v49 =	vmul.f32 v16, v24;
	v38 =	vld [tilespmem:s15+$0xFFFFFFD0];
	v40 =	vadd.f32 v25, v40;
	v44 =	vmul.f32 v42, v13  }
0xcc: {  	v50 =	vmul.f32 v22, v20;
	v56 =	vmul.f32 v21, v26;
	v25 =	vld [tilespmem:s9+$0xFFFFFFC0]  }
0xcd: {  	v53 =	vmul.f32 v5, v22;
	v5 =	vmovc v34;
	v51 =	vld [tilespmem:s15+$0xFFFFFFF0];
	v24 =	vmul.f32 v39, v14;
	v52 =	vadd.f32 v44, v37  }
0xce: {  	v54 =	vmul.f32 v6, v22;
	v6 =	vmovc v42;
	v34 =	vadd.f32 v56, v45;
	v20 =	vld [tilespmem:s9+$0x0];
	v45 =	vmul.f32 v47, v11  }
0xcf: {  	v42 =	vmul.f32 v36, v43;
	v36 =	vmul.f32 v10, v22;
	v16 =	vmovc v39;
	v40 =	vadd.f32 v24, v40;
	v55 =	vld [tilespmem:s15+$0x10]  }
.Ltmp1:
0xd0: {  	v10 =	vmovc v47;
	v37 =	vld [tilespmem:s15+$0xFFFFFFC0];
	v44 =	vmul.f32 v38, v32;
	v38 =	vmul.f32 v34, v38;
	v52 =	vadd.f32 v45, v52;
	(pc) =	sbr.rel @p1 .LBB2_6-.Ltmp1, $4  }
0xd1: {  	v23 =	vadd.f32 v23, v50;
	v45 =	vmul.f32 v35, v43;
	v43 =	vmul.f32 v41, v43;
	v24 =	vld [tilespmem:s15+$0xFFFFFFE0]  }
0xd2: {  	v47 =	vadd.f32 v49, v30;
	v35 =	vmul.f32 v51, v25;
	v34 =	vmul.f32 v40, v51;
	v22 =	vld [tilespmem:s15+$0x0]  }
0xd3: {  	v30 =	vadd.f32 v53, v31;
	v40 =	vmul.f32 v44, v46;
	v39 =	vmul.f32 v44, v48;
	[tilespmem:s26+$0x0] =	vst v23  }
0xd4: {  	v27 =	vadd.f32 v54, v27;
	s14 =	sadd.s32 $0x40, s14;
	v41 =	vmul.f32 v55, v20;
	v23 =	vmul.f32 v52, v55;
	[tilespmem:s26+$0xFFFFFFF0] =	vst v47  }
0xd5: {  	[tilespmem:s26+$0x10] =	vst v30;
	v9 =	vadd.f32 v36, v9  }
0xd6: {  	v29 =	vadd.f32 v42, v29;
	[tilespmem:s26+$0x20] =	vst v27  }
0xd7: {  	v28 =	vadd.f32 v43, v28;
	v18 =	vmul.f32 v18, v37;
	[tilespmem:s26+$0x30] =	vst v9  }
0xd8: {  	v27 =	vadd.f32 v45, v33;
	v9 =	vmul.f32 v37, v32;
	[tilespmem:s21+$0x50] =	vst v29  }
0xd9: {  	v17 =	vmul.f32 v35, v17;
	v7 =	vmul.f32 v7, v24;
	[tilespmem:s21+$0x70] =	vst v28;
	v18 =	vadd.f32 v18, v40  }
0xda: {  	v19 =	vmul.f32 v19, v37;
	[tilespmem:s21+$0x60] =	vst v27;
	v9 =	vadd.f32 v38, v9  }
0xdb: {  	v12 =	vmul.f32 v35, v12;
	v8 =	vmul.f32 v8, v24;
	v7 =	vadd.f32 v7, v17;
	[tilespmem:s21+$0xFFFFFF90] =	vst v18  }
0xdc: {  	v26 =	vmul.f32 v44, v26;
	[tilespmem:s21+$0xFFFFFF80] =	vst v9;
	v9 =	vadd.f32 v19, v39;
	v19 =	vmul.f32 v24, v25  }
0xdd: {  	v21 =	vmul.f32 v21, v37;
	v14 =	vmul.f32 v35, v14;
	v8 =	vadd.f32 v8, v12;
	[tilespmem:s21+$0xFFFFFFD0] =	vst v7  }
0xde: {  	v13 =	vmul.f32 v41, v13;
	v6 =	vmul.f32 v6, v22;
	[tilespmem:s21+$0xFFFFFFA0] =	vst v9;
	v9 =	vadd.f32 v34, v19  }
0xdf: {  	v5 =	vmul.f32 v5, v22;
	v17 =	vmul.f32 v22, v20;
	v18 =	vadd.f32 v21, v26;
	[tilespmem:s21+$0xFFFFFFE0] =	vst v8  }
0xe0: {  	v12 =	vmul.f32 v41, v15;
	v6 =	vadd.f32 v6, v13;
	[tilespmem:s21+$0xFFFFFFC0] =	vst v9;
	v9 =	vmul.f32 v16, v24  }
0xe1: {  	v10 =	vmul.f32 v10, v22;
	v7 =	vadd.f32 v23, v17;
	[tilespmem:s21+$0xFFFFFFB0] =	vst v18  }
0xe2: {  	v5 =	vadd.f32 v5, v12;
	[tilespmem:s21+$0x20] =	vst v6;
	v8 =	vadd.f32 v9, v14;
	v9 =	vmul.f32 v41, v11  }
0xe3: {  	s8 =	smul.u32 $0x500, s20;
	[tilespmem:s21+$0x0] =	vst v7  }
0xe4: {  	[tilespmem:s21+$0x10] =	vst v5;
	v5 =	vadd.f32 v10, v9  }
0xe5: {  	s9 =	sshra.s32 s8, $0x2;
	[tilespmem:s21+$0xFFFFFFF0] =	vst v8  }
0xe6: {  	s14 =	simm.s32 $0x13100;
	s8 =	sadd.s32 $0x9C40, s9;
	[tilespmem:s21+$0x30] =	vst v5  }
0xe7: {  	[spmem:s3] =	stream.indirect.scatter.add.f32 [tilespmem:s14], [sflag:$0x3], $0x40, s8, s30, $0xb8;
	[tilespmem:$0x1A040] =	vst v63  }
0xe8: {  	s8 =	simm.s32 @!p0 $0x5  }
0xe9: {  	_ =	swait.ge @!p0 [sflag:s8], $0x1400  }
0xea: {  	[sflag:s8] =	ssyncset.done @!p0 $0x0  }
0xeb: {  	[sflag:s8] =	ssyncadd.s32 @!p0 $0xFFFFEC00  }
0xec: {  	_ =	swait.ge [sflag:s18], $0x1400  }
0xed: {  	[sflag:s18] =	ssyncset.done $0x0  }
0xee: {  	[sflag:s18] =	ssyncadd.s32 $0xFFFFEC00  }
0xef: {  	_ =	swait.ge [sflag:s18], $0xA00  }
0xf0: {  	[sflag:s18] =	ssyncset.done $0x0  }
0xf1: {  	[sflag:s18] =	ssyncadd.s32 $0xFFFFF600  }
0xf2: {  	_ =	swait.ge [sflag:s18], $0x500  }
0xf3: {  	[sflag:s18] =	ssyncset.done $0x0  }
0xf4: {  	[sflag:s18] =	ssyncadd.s32 $0xFFFFFB00  }
0xf5: {  	v5 =	vld [tilespmem:s29+$0xC3F0];
	_ =	sdelay $0x4  }
0xf6: {  	v5 =	vadd.s32 v4, v5  }
0xf7: {  	[tilespmem:$0xEA60] =	vst v5  }
0xf8: {  	v5 =	vld [tilespmem:s29+$0xC400];
	_ =	sdelay $0x4  }
0xf9: {  	v5 =	vadd.s32 v4, v5  }
0xfa: {  	[tilespmem:$0xEA70] =	vst v5  }
0xfb: {  	v5 =	vld [tilespmem:s29+$0xC410];
	_ =	sdelay $0x4  }
0xfc: {  	v5 =	vadd.s32 v4, v5  }
0xfd: {  	[tilespmem:$0xEA80] =	vst v5  }
0xfe: {  	v5 =	vld [tilespmem:s29+$0xC420];
	_ =	sdelay $0x4  }
0xff: {  	v5 =	vadd.s32 v4, v5  }
0x100: {  	[tilespmem:$0xEA90] =	vst v5  }
0x101: {  	v5 =	vld [tilespmem:s29+$0xC430];
	_ =	sdelay $0x2  }
0x102: {  	s22 =	sadd.s32 $0xA0, s16  }
0x103: {  	s26 =	sshll.u32 s22, $0x8  }
0x104: {  	s14 =	sadd.s32 s19, s26;
	v5 =	vadd.s32 v4, v5  }
0x105: {  	s14 =	sshrl.u32 s14, $0x3;
	[tilespmem:$0xEAA0] =	vst v5  }
0x106: {  	[tilespmem:s0], [sflag:$0x1] =	stream.indirect.gather [hbm4b:s6+s30], $0x40, s31, s30, $0xb8;
	[tilespmem:$0x1A040] =	vst v63  }
0x107: {  	s14 =	sadd.s32 s7, s14;
	s8 =	sshll.u32 s22, $0x1  }
0x108: {  	[tilespmem:s10], [sflag:$0x1] =	stream.strided.gather [hbm4b:s14+s25], $0xA00, s28, s25, $0x38;
	[tilespmem:$0x1A040] =	vst v63  }
0x109: {  	s8 =	sadd.s32 s2, s8  }
0x10a: {  	[tilespmem:s11], [sflag:$0x1] =	stream.linear.gather [hbm4b:s8+s4], $0x500, $0x38;
	[tilespmem:$0x1A040] =	vst v63  }
0x10b: {  	s8 =	simm.s32 $0x12C20  }
0x10c: {  	s15 =	simm.s32 $0xFF80;
	v5 =	vld [tilespmem:s8+$0x10]  }
0x10d: {  	v6 =	vld [tilespmem:s15+$0x50]  }
0x10e: {  	v7 =	vld [tilespmem:s15+$0x60]  }
0x10f: {  	v8 =	vld [tilespmem:s8+$0xFFFFFFF0]  }
0x110: {  	s21 =	simm.s32 $0x11D40;
	v10 =	vld [tilespmem:s8+$0x0]  }
0x111: {  	v11 =	vld [tilespmem:s21+$0x20]  }
0x112: {  	v14 =	vld [tilespmem:s15+$0x40]  }
0x113: {  	v15 =	vld [tilespmem:s21+$0x30]  }
0x114: {  	v18 =	vld [tilespmem:s8+$0xFFFFFFE0]  }
0x115: {  	v21 =	vld [tilespmem:s15+$0xFFFFFFA0]  }
0x116: {  	v53 =	vld [tilespmem:s15+$0xFFFFFF80];
	v12 =	vperm.xlane v5, v1  }
0x117: {  	v55 =	vld [tilespmem:s21+$0xFFFFFFD0];
	v13 =	vperm.xlane v5, v2;
	v5 =	vperm.xlane v5, v3  }
0x118: {  	v26 =	vld [tilespmem:s15+$0xFFFFFFD0];
	v24 =	vperm.xlane v8, v1;
	v25 =	vperm.xlane v8, v2  }
0x119: {  	v28 =	vld [tilespmem:s15+$0xFFFFFFE0];
	v8 =	vperm.xlane v8, v3;
	v27 =	vperm.xlane v10, v1  }
0x11a: {  	v20 =	vld [tilespmem:s15+$0x10];
	v29 =	vmul.f32 v11, v14;
	v30 =	vperm.xlane v18, v1  }
0x11b: {  	v32 =	vld [tilespmem:s15+$0xFFFFFFB0];
	v31 =	vperm.xlane v18, v2;
	v18 =	vperm.xlane v18, v3  }
0x11c: {  	v34 =	vld [tilespmem:s15+$0xFFFFFFF0];
	v14 =	vmul.f32 v15, v14;
	v62 =	vmul.f32 v55, v53  }
0x11d: {  	v16 =	vmul.f32 v6, v12;
	v17 =	vmul.f32 v7, v13  }
0x11e: {  	v9 =	vld [tilespmem:s15+$0x70];
	v51 =	vmul.f32 v21, v31;
	v52 =	vmul.f32 v26, v24  }
0x11f: {  	v12 =	vmul.f32 v14, v12;
	v54 =	vmul.f32 v28, v25  }
0x120: {  	s22 =	simm.s32 $0x12C60;
	v19 =	vld [tilespmem:s15+$0xFFFFFF90];
	v13 =	vmul.f32 v14, v13;
	v56 =	vmul.f32 v20, v27  }
0x121: {  	v49 =	vld [tilespmem:s22+$0x0];
	v57 =	vmul.f32 v32, v18;
	v59 =	vmul.f32 v34, v8  }
0x122: {  	v22 =	vld [tilespmem:s15+$0x20];
	v6 =	vmul.f32 v6, v11;
	v7 =	vmul.f32 v7, v11  }
0x123: {  	v23 =	vld [tilespmem:s15+$0x30];
	v11 =	vmul.f32 v9, v11;
	v31 =	vmul.f32 v62, v31  }
0x124: {  	v40 =	vld [tilespmem:s15+$0xFFFFFFC0];
	v16 =	vadd.f32 v17, v16;
	v17 =	vmul.f32 v9, v5;
	v35 =	vadd.f32 v54, v52  }
0x125: {  	v58 =	vld [tilespmem:s21+$0xFFFFFFF0];
	v37 =	vmul.f32 v62, v18;
	v5 =	vmul.f32 v14, v5;
	v54 =	vadd.f32 v7, v13  }
0x126: {  	v13 =	vperm.xlane v49, v2;
	v16 =	vadd.f32 v17, v16;
	v35 =	vadd.f32 v59, v35;
	v59 =	vld [tilespmem:s22+$0x10]  }
0x127: {  	v39 =	vld [tilespmem:s15+$0x0];
	v17 =	vperm.xlane v10, v2;
	v10 =	vperm.xlane v10, v3  }
0x128: {  	v61 =	vld [tilespmem:s21+$0x10];
	v16 =	vmul.f32 v16, v15;
	v15 =	vmul.f32 v19, v30  }
0x129: {  	v41 =	vld [tilespmem:s21+$0x0];
	s15 =	simm.s32 $0x10080;
	v14 =	vmul.f32 v22, v17;
	v60 =	vmul.f32 v23, v10  }
0x12a: {  	v43 =	vld [tilespmem:s15+$0x70];
	v63 =	vmul.f32 v35, v58;
	v30 =	vmul.f32 v62, v30  }
0x12b: {  	s26 =	simm.s32 $0x11DC0;
	v35 =	vld [tilespmem:s21+$0xFFFFFFE0];
	v15 =	vadd.f32 v51, v15;
	v14 =	vadd.f32 v14, v56;
	v50 =	vperm.xlane v59, v1  }
0x12c: {  	v52 =	vld [tilespmem:s26+$0x20];
	v51 =	vperm.xlane v59, v2;
	v42 =	vperm.xlane v59, v3  }
0x12d: {  	v15 =	vadd.f32 v57, v15;
	v9 =	vadd.f32 v60, v14;
	v14 =	vmul.f32 v58, v40  }
0x12e: {  	v58 =	vmul.f32 v61, v39;
	v57 =	vadd.f32 v11, v5;
	v11 =	vperm.xlane v49, v3  }
0x12f: {  	v39 =	vmul.f32 v41, v39;
	v7 =	vmul.f32 v43, v42  }
0x130: {  	v40 =	vmul.f32 v35, v40;
	v60 =	vmul.f32 v26, v35  }
0x131: {  	v56 =	vld [tilespmem:s22+$0xFFFFFFE0];
	v28 =	vmul.f32 v28, v35;
	v43 =	vmul.f32 v43, v52  }
0x132: {  	v38 =	vmul.f32 v15, v55;
	v15 =	vld [tilespmem:s21+$0xFFFFFFC0];
	v46 =	vmul.f32 v9, v61  }
0x133: {  	v44 =	vld [tilespmem:s15+$0x50];
	v24 =	vmul.f32 v14, v24;
	v25 =	vmul.f32 v14, v25  }
0x134: {  	v45 =	vld [tilespmem:s15+$0x60];
	v47 =	vmul.f32 v14, v8;
	v27 =	vmul.f32 v58, v27  }
0x135: {  	v48 =	vmul.f32 v58, v17;
	v8 =	vld [tilespmem:s22+$0xFFFFFFF0];
	v9 =	vmul.f32 v58, v10  }
0x136: {  	v18 =	vld [tilespmem:s15+$0xFFFFFF90];
	v16 =	vadd.f32 v16, v29;
	v58 =	vperm.xlane v56, v1;
	v59 =	vperm.xlane v56, v2  }
0x137: {  	v55 =	vld [tilespmem:s26+$0x30];
	s21 =	simm.s32 $0x14580;
	v26 =	vperm.xlane v56, v3;
	v36 =	vmul.f32 v15, v53  }
0x138: {  	[tilespmem:s21+$0x40] =	vst v16;
	v16 =	vld [tilespmem:s15+$0xFFFFFFF0];
	v10 =	vmul.f32 v19, v15;
	v21 =	vmul.f32 v21, v15  }
0x139: {  	v29 =	vmul.f32 v32, v15;
	v32 =	vadd.f32 v6, v12;
	v53 =	vld [tilespmem:s15+$0x40];
	v6 =	vmul.f32 v44, v50  }
0x13a: {  	v15 =	vmul.f32 v45, v51;
	v17 =	vperm.xlane v8, v1;
	v19 =	vld [tilespmem:s15+$0xFFFFFFA0]  }
0x13b: {  	v12 =	vperm.xlane v8, v2;
	v14 =	vperm.xlane v8, v3;
	v8 =	vld [tilespmem:s15+$0xFFFFFFE0]  }
0x13c: {  	[tilespmem:s21+$0x60] =	vst v54;
	v54 =	vmul.f32 v34, v35;
	v6 =	vadd.f32 v15, v6;
	v31 =	vadd.f32 v21, v31;
	v21 =	vld [tilespmem:s15+$0xFFFFFFB0]  }
0x13d: {  	v40 =	vadd.f32 v63, v40;
	v62 =	vmul.f32 v18, v58;
	v45 =	vmul.f32 v45, v52;
	[tilespmem:s21+$0x50] =	vst v32;
	v32 =	vld [tilespmem:s15+$0xFFFFFF80]  }
0x13e: {  	v15 =	vperm.xlane v49, v1;
	v36 =	vadd.f32 v38, v36;
	v5 =	vadd.f32 v7, v6;
	v7 =	vld [tilespmem:s15+$0xFFFFFFD0]  }
0x13f: {  	[tilespmem:s21+$0x70] =	vst v57;
	v30 =	vadd.f32 v10, v30;
	v57 =	vmul.f32 v16, v14;
	v6 =	vld [tilespmem:s15+$0x20];
	v10 =	vmul.f32 v52, v53  }
0x140: {  	v24 =	vadd.f32 v60, v24;
	[tilespmem:s21+$0xFFFFFFA0] =	vst v31;
	v31 =	vld [tilespmem:s26+$0xFFFFFFF0];
	v53 =	vmul.f32 v55, v53;
	v63 =	vmul.f32 v19, v59  }
0x141: {  	v37 =	vadd.f32 v29, v37;
	[tilespmem:s21+$0xFFFFFF80] =	vst v36;
	v36 =	vmul.f32 v23, v41;
	v61 =	vmul.f32 v5, v55;
	v5 =	vld [tilespmem:s15+$0x10]  }
0x142: {  	v60 =	vmul.f32 v8, v12;
	v29 =	vmul.f32 v53, v50;
	v62 =	vadd.f32 v63, v62;
	v63 =	vld [tilespmem:s26+$0xFFFFFFD0]  }
0x143: {  	v33 =	vmul.f32 v53, v51;
	v56 =	vmul.f32 v21, v26;
	v49 =	vadd.f32 v61, v10;
	v10 =	vld [tilespmem:s15+$0x30]  }
0x144: {  	v51 =	vadd.f32 v28, v25;
	v28 =	vmul.f32 v53, v42;
	v25 =	vld [tilespmem:s15+$0xFFFFFFC0];
	v38 =	vmul.f32 v7, v17  }
0x145: {  	[tilespmem:s21+$0xFFFFFFC0] =	vst v40;
	v42 =	vmul.f32 v44, v52;
	v55 =	vmul.f32 v6, v13;
	v35 =	vadd.f32 v56, v62  }
0x146: {  	[tilespmem:s21+$0xFFFFFF90] =	vst v30;
	v23 =	vld [tilespmem:s26+$0x10];
	v62 =	vmul.f32 v22, v41;
	v61 =	vmul.f32 v5, v15;
	v30 =	vadd.f32 v60, v38  }
0x147: {  	[tilespmem:s21+$0xFFFFFFD0] =	vst v24;
	v60 =	vmul.f32 v20, v41;
	v20 =	vld [tilespmem:s15+$0x0];
	v38 =	vmul.f32 v35, v63  }
0x148: {  	[tilespmem:s21+$0xFFFFFFB0] =	vst v37;
	v34 =	vadd.f32 v55, v61;
	v61 =	vmul.f32 v10, v11;
	v22 =	vadd.f32 v57, v30  }
0x149: {  	s22 =	simm.s32 $0x14680;
	[tilespmem:s21+$0xFFFFFFE0] =	vst v51;
	v44 =	vmul.f32 v63, v32;
	v35 =	vmul.f32 v31, v25;
	v30 =	vadd.f32 v46, v39  }
0x14a: {  	v24 =	vld [tilespmem:s26+$0xFFFFFFE0];
	[tilespmem:s22+$0x40] =	vst v49;
	v63 =	vadd.f32 v61, v34;
	v34 =	vmul.f32 v22, v31;
	v31 =	vadd.f32 v54, v47  }
0x14b: {  	v37 =	vld [tilespmem:s26+$0xFFFFFFC0];
	v40 =	vmul.f32 v44, v58;
	v39 =	vmul.f32 v44, v59;
	[tilespmem:s21+$0x0] =	vst v30;
	v30 =	vadd.f32 v60, v27  }
0x14c: {  	s14 =	simm.s32 $0x4;
	s8 =	simm.s32 $0x12CA0;
	v22 =	vld [tilespmem:s26+$0x0];
	v27 =	vadd.f32 v62, v48;
	v41 =	vmul.f32 v23, v20;
	v23 =	vmul.f32 v63, v23;
	[tilespmem:s21+$0xFFFFFFF0] =	vst v31  }
.LBB2_8:
0x14d: {  	v46 =	vld [tilespmem:s8+$0x10];
	s14 =	sadd.s32 $0x4, s14;
	v26 =	vmul.f32 v44, v26;
	v44 =	vmul.f32 v35, v17;
	s15 =	sadd.s32 $0x100, s15;
	[tilespmem:s21+$0x10] =	vst v30;
	v9 =	vadd.f32 v36, v9  }
0x14e: {  	v47 =	vmul.f32 v35, v12;
	v30 =	vmul.f32 v35, v14;
	v12 =	vadd.f32 v42, v29;
	v36 =	vld [tilespmem:s15+$0x50];
	p1 =	slt.u32 s14, $0x4C;
	[tilespmem:s21+$0x20] =	vst v27  }
0x14f: {  	v31 =	vmul.f32 v41, v15;
	v27 =	vmul.f32 v41, v13;
	v13 =	vadd.f32 v45, v33;
	v35 =	vld [tilespmem:s15+$0x60];
	[tilespmem:s21+$0x30] =	vst v9;
	s21 =	smov.u32 s22  }
0x150: {  	v15 =	vmul.f32 v37, v32;
	v9 =	vmul.f32 v41, v11;
	v11 =	vadd.f32 v43, v28;
	v14 =	vld [tilespmem:s8+$0xFFFFFFF0];
	[tilespmem:s22+$0x50] =	vst v12  }
0x151: {  	v17 =	vmul.f32 v19, v37;
	v12 =	vmul.f32 v18, v37;
	v41 =	vld [tilespmem:s15+$0x70];
	[tilespmem:s22+$0x60] =	vst v13  }
0x152: {  	s26 =	sadd.s32 $0x80, s26;
	v13 =	vadd.f32 v38, v15;
	v28 =	vld [tilespmem:s8+$0x0];
	v29 =	vperm.xlane v46, v1;
	v32 =	vperm.xlane v46, v2;
	[tilespmem:s22+$0x70] =	vst v11  }
0x153: {  	v15 =	vmul.f32 v21, v37;
	v38 =	vperm.xlane v46, v3;
	v11 =	vadd.f32 v12, v40;
	v43 =	vld [tilespmem:s26+$0x20]  }
0x154: {  	v21 =	vld [tilespmem:s15+$0x40];
	v18 =	vmul.f32 v36, v29;
	v19 =	vmul.f32 v35, v32;
	[tilespmem:s22+$0xFFFFFF80] =	vst v13;
	v13 =	vadd.f32 v17, v39  }
0x155: {  	v17 =	vperm.xlane v14, v1;
	v12 =	vperm.xlane v14, v2;
	v33 =	vld [tilespmem:s26+$0x30];
	[tilespmem:s22+$0xFFFFFF90] =	vst v11;
	v11 =	vadd.f32 v15, v26  }
0x156: {  	v14 =	vperm.xlane v14, v3;
	v26 =	vld [tilespmem:s8+$0xFFFFFFE0];
	v37 =	vadd.f32 v19, v18;
	v39 =	vmul.f32 v41, v38;
	[tilespmem:s22+$0xFFFFFFA0] =	vst v13  }
0x157: {  	v18 =	vld [tilespmem:s15+$0xFFFFFF90];
	v15 =	vperm.xlane v28, v1;
	v13 =	vperm.xlane v28, v2;
	[tilespmem:s22+$0xFFFFFFB0] =	vst v11  }
0x158: {  	v25 =	vmul.f32 v24, v25;
	v11 =	vperm.xlane v28, v3;
	v19 =	vld [tilespmem:s15+$0xFFFFFFA0];
	v28 =	vadd.f32 v39, v37  }
0x159: {  	v37 =	vmul.f32 v7, v24;
	v39 =	vmul.f32 v8, v24;
	v7 =	vld [tilespmem:s15+$0xFFFFFFD0]  }
0x15a: {  	v25 =	vadd.f32 v34, v25;
	v40 =	vmul.f32 v43, v21;
	v8 =	vld [tilespmem:s15+$0xFFFFFFE0];
	v28 =	vmul.f32 v28, v33  }
0x15b: {  	v37 =	vadd.f32 v37, v44;
	v46 =	vperm.xlane v26, v1;
	v48 =	vperm.xlane v26, v2;
	v34 =	vld [tilespmem:s15+$0x10]  }
0x15c: {  	v44 =	vmul.f32 v33, v21;
	v26 =	vperm.xlane v26, v3;
	v42 =	vld [tilespmem:s15+$0x20];
	v28 =	vadd.f32 v28, v40;
	[tilespmem:s22+$0xFFFFFFC0] =	vst v25  }
0x15d: {  	s22 =	sadd.s32 $0x100, s22;
	v21 =	vld [tilespmem:s15+$0xFFFFFFB0];
	v25 =	vmul.f32 v18, v46;
	v33 =	vmul.f32 v19, v48;
	[tilespmem:s21+$0xFFFFFFD0] =	vst v37;
	v37 =	vadd.f32 v39, v47  }
0x15e: {  	v29 =	vmul.f32 v44, v29;
	v39 =	vld [tilespmem:s15+$0xFFFFFFF0];
	v40 =	vmul.f32 v7, v17;
	[tilespmem:s22+$0x40] =	vst v28  }
0x15f: {  	v45 =	vadd.f32 v33, v25;
	v25 =	vmul.f32 v8, v12;
	v47 =	vld [tilespmem:s15+$0x30];
	v33 =	vmul.f32 v44, v32;
	[tilespmem:s21+$0xFFFFFFE0] =	vst v37  }
0x160: {  	v28 =	vmul.f32 v44, v38;
	v32 =	vld [tilespmem:s15+$0xFFFFFF80];
	v37 =	vmul.f32 v34, v15  }
0x161: {  	v49 =	vmul.f32 v16, v24;
	v38 =	vld [tilespmem:s26+$0xFFFFFFD0];
	v40 =	vadd.f32 v25, v40;
	v44 =	vmul.f32 v42, v13  }
0x162: {  	v50 =	vmul.f32 v22, v20;
	v56 =	vmul.f32 v21, v26;
	v25 =	vld [tilespmem:s15+$0xFFFFFFC0]  }
0x163: {  	v53 =	vmul.f32 v5, v22;
	v5 =	vmovc v34;
	v51 =	vld [tilespmem:s26+$0xFFFFFFF0];
	v24 =	vmul.f32 v39, v14;
	v52 =	vadd.f32 v44, v37  }
0x164: {  	v54 =	vmul.f32 v6, v22;
	v6 =	vmovc v42;
	v34 =	vadd.f32 v56, v45;
	v20 =	vld [tilespmem:s15+$0x0];
	v45 =	vmul.f32 v47, v11  }
0x165: {  	v42 =	vmul.f32 v36, v43;
	v36 =	vmul.f32 v10, v22;
	v16 =	vmovc v39;
	v40 =	vadd.f32 v24, v40;
	v55 =	vld [tilespmem:s26+$0x10]  }
.Ltmp2:
0x166: {  	v10 =	vmovc v47;
	v37 =	vld [tilespmem:s26+$0xFFFFFFC0];
	v44 =	vmul.f32 v38, v32;
	v38 =	vmul.f32 v34, v38;
	v52 =	vadd.f32 v45, v52;
	(pc) =	sbr.rel @p1 .LBB2_8-.Ltmp2, $4  }
0x167: {  	v23 =	vadd.f32 v23, v50;
	v45 =	vmul.f32 v35, v43;
	v43 =	vmul.f32 v41, v43;
	v24 =	vld [tilespmem:s26+$0xFFFFFFE0]  }
0x168: {  	v47 =	vadd.f32 v49, v30;
	v35 =	vmul.f32 v51, v25;
	v34 =	vmul.f32 v40, v51;
	v22 =	vld [tilespmem:s26+$0x0]  }
0x169: {  	v30 =	vadd.f32 v53, v31;
	v40 =	vmul.f32 v44, v46;
	v39 =	vmul.f32 v44, v48;
	[tilespmem:s21+$0x0] =	vst v23  }
0x16a: {  	v27 =	vadd.f32 v54, v27;
	s8 =	sadd.s32 $0x40, s8;
	v41 =	vmul.f32 v55, v20;
	v23 =	vmul.f32 v52, v55;
	[tilespmem:s21+$0xFFFFFFF0] =	vst v47  }
0x16b: {  	[tilespmem:s21+$0x10] =	vst v30;
	v9 =	vadd.f32 v36, v9  }
0x16c: {  	v29 =	vadd.f32 v42, v29;
	[tilespmem:s21+$0x20] =	vst v27  }
0x16d: {  	v28 =	vadd.f32 v43, v28;
	v18 =	vmul.f32 v18, v37;
	[tilespmem:s21+$0x30] =	vst v9  }
0x16e: {  	v27 =	vadd.f32 v45, v33;
	v9 =	vmul.f32 v37, v32;
	[tilespmem:s22+$0x50] =	vst v29  }
0x16f: {  	v17 =	vmul.f32 v35, v17;
	v7 =	vmul.f32 v7, v24;
	[tilespmem:s22+$0x70] =	vst v28;
	v18 =	vadd.f32 v18, v40  }
0x170: {  	v19 =	vmul.f32 v19, v37;
	[tilespmem:s22+$0x60] =	vst v27;
	v9 =	vadd.f32 v38, v9  }
0x171: {  	v12 =	vmul.f32 v35, v12;
	v8 =	vmul.f32 v8, v24;
	v7 =	vadd.f32 v7, v17;
	[tilespmem:s22+$0xFFFFFF90] =	vst v18  }
0x172: {  	v26 =	vmul.f32 v44, v26;
	[tilespmem:s22+$0xFFFFFF80] =	vst v9;
	v9 =	vadd.f32 v19, v39;
	v19 =	vmul.f32 v24, v25  }
0x173: {  	v21 =	vmul.f32 v21, v37;
	v14 =	vmul.f32 v35, v14;
	v8 =	vadd.f32 v8, v12;
	[tilespmem:s22+$0xFFFFFFD0] =	vst v7  }
0x174: {  	v13 =	vmul.f32 v41, v13;
	v6 =	vmul.f32 v6, v22;
	[tilespmem:s22+$0xFFFFFFA0] =	vst v9;
	v9 =	vadd.f32 v34, v19  }
0x175: {  	v5 =	vmul.f32 v5, v22;
	v17 =	vmul.f32 v22, v20;
	v18 =	vadd.f32 v21, v26;
	[tilespmem:s22+$0xFFFFFFE0] =	vst v8  }
0x176: {  	v12 =	vmul.f32 v41, v15;
	v6 =	vadd.f32 v6, v13;
	[tilespmem:s22+$0xFFFFFFC0] =	vst v9;
	v9 =	vmul.f32 v16, v24  }
0x177: {  	v10 =	vmul.f32 v10, v22;
	v7 =	vadd.f32 v23, v17;
	[tilespmem:s22+$0xFFFFFFB0] =	vst v18  }
0x178: {  	v5 =	vadd.f32 v5, v12;
	[tilespmem:s22+$0x20] =	vst v6;
	v8 =	vadd.f32 v9, v14;
	v9 =	vmul.f32 v41, v11  }
0x179: {  	[tilespmem:s22+$0x0] =	vst v7  }
0x17a: {  	[tilespmem:s22+$0x10] =	vst v5;
	v5 =	vadd.f32 v10, v9  }
0x17b: {  	[tilespmem:s22+$0xFFFFFFF0] =	vst v8  }
0x17c: {  	s8 =	sadd.s32 $0x9C90, s9;
	s14 =	simm.s32 $0x14500;
	[tilespmem:s22+$0x30] =	vst v5  }
0x17d: {  	[spmem:s3] =	stream.indirect.scatter.add.f32 [tilespmem:s14], [sflag:$0x4], $0x40, s8, s30, $0xb8;
	[tilespmem:$0x1A040] =	vst v63  }
0x17e: {  	s8 =	simm.s32 @!p0 $0x6  }
0x17f: {  	_ =	swait.ge @!p0 [sflag:s8], $0x1400  }
0x180: {  	[sflag:s8] =	ssyncset.done @!p0 $0x0  }
0x181: {  	[sflag:s8] =	ssyncadd.s32 @!p0 $0xFFFFEC00  }
0x182: {  	_ =	swait.ge [sflag:s24], $0x1400  }
0x183: {  	[sflag:s24] =	ssyncset.done $0x0  }
0x184: {  	[sflag:s24] =	ssyncadd.s32 $0xFFFFEC00  }
0x185: {  	_ =	swait.ge [sflag:s24], $0xA00  }
0x186: {  	[sflag:s24] =	ssyncset.done $0x0  }
0x187: {  	[sflag:s24] =	ssyncadd.s32 $0xFFFFF600  }
0x188: {  	_ =	swait.ge [sflag:s24], $0x500  }
0x189: {  	[sflag:s24] =	ssyncset.done $0x0  }
0x18a: {  	[sflag:s24] =	ssyncadd.s32 $0xFFFFFB00  }
0x18b: {  	v5 =	vld [tilespmem:s29+$0xC440];
	_ =	sdelay $0x4  }
0x18c: {  	v5 =	vadd.s32 v4, v5  }
0x18d: {  	[tilespmem:$0xEAB0] =	vst v5  }
0x18e: {  	v5 =	vld [tilespmem:s29+$0xC450];
	_ =	sdelay $0x4  }
0x18f: {  	v5 =	vadd.s32 v4, v5  }
0x190: {  	[tilespmem:$0xEAC0] =	vst v5  }
0x191: {  	v5 =	vld [tilespmem:s29+$0xC460];
	_ =	sdelay $0x4  }
0x192: {  	v5 =	vadd.s32 v4, v5  }
0x193: {  	[tilespmem:$0xEAD0] =	vst v5  }
0x194: {  	v5 =	vld [tilespmem:s29+$0xC470];
	_ =	sdelay $0x4  }
0x195: {  	v5 =	vadd.s32 v4, v5  }
0x196: {  	[tilespmem:$0xEAE0] =	vst v5  }
0x197: {  	v5 =	vld [tilespmem:s29+$0xC480];
	_ =	sdelay $0x2  }
0x198: {  	s22 =	sadd.s32 $0xF0, s16  }
0x199: {  	s26 =	sshll.u32 s22, $0x8  }
0x19a: {  	s14 =	sadd.s32 s19, s26;
	v5 =	vadd.s32 v4, v5  }
0x19b: {  	s14 =	sshrl.u32 s14, $0x3;
	[tilespmem:$0xEAF0] =	vst v5  }
0x19c: {  	[tilespmem:s12], [sflag:$0x2] =	stream.indirect.gather [hbm4b:s6+s30], $0x40, s1, s30, $0xb8;
	[tilespmem:$0x1A040] =	vst v63  }
0x19d: {  	s14 =	sadd.s32 s7, s14;
	s8 =	sshll.u32 s22, $0x1  }
0x19e: {  	[tilespmem:s13], [sflag:$0x2] =	stream.strided.gather [hbm4b:s14+s25], $0xA00, s28, s25, $0x38;
	[tilespmem:$0x1A040] =	vst v63  }
0x19f: {  	s8 =	sadd.s32 s2, s8  }
0x1a0: {  	[tilespmem:s17], [sflag:$0x2] =	stream.linear.gather [hbm4b:s8+s4], $0x500, $0x38;
	[tilespmem:$0x1A040] =	vst v63  }
0x1a1: {  	s8 =	simm.s32 $0x12720  }
0x1a2: {  	s15 =	simm.s32 $0xEB80;
	v5 =	vld [tilespmem:s8+$0x10]  }
0x1a3: {  	v6 =	vld [tilespmem:s15+$0x50]  }
0x1a4: {  	v7 =	vld [tilespmem:s15+$0x60]  }
0x1a5: {  	v8 =	vld [tilespmem:s8+$0xFFFFFFF0]  }
0x1a6: {  	s21 =	simm.s32 $0x11340;
	v10 =	vld [tilespmem:s8+$0x0]  }
0x1a7: {  	v11 =	vld [tilespmem:s21+$0x20]  }
0x1a8: {  	v14 =	vld [tilespmem:s15+$0x40]  }
0x1a9: {  	v15 =	vld [tilespmem:s21+$0x30]  }
0x1aa: {  	v18 =	vld [tilespmem:s8+$0xFFFFFFE0]  }
0x1ab: {  	v21 =	vld [tilespmem:s15+$0xFFFFFFA0]  }
0x1ac: {  	v53 =	vld [tilespmem:s15+$0xFFFFFF80];
	v12 =	vperm.xlane v5, v1  }
0x1ad: {  	v55 =	vld [tilespmem:s21+$0xFFFFFFD0];
	v13 =	vperm.xlane v5, v2;
	v5 =	vperm.xlane v5, v3  }
0x1ae: {  	v26 =	vld [tilespmem:s15+$0xFFFFFFD0];
	v24 =	vperm.xlane v8, v1;
	v25 =	vperm.xlane v8, v2  }
0x1af: {  	v28 =	vld [tilespmem:s15+$0xFFFFFFE0];
	v8 =	vperm.xlane v8, v3;
	v27 =	vperm.xlane v10, v1  }
0x1b0: {  	v20 =	vld [tilespmem:s15+$0x10];
	v29 =	vmul.f32 v11, v14;
	v30 =	vperm.xlane v18, v1  }
0x1b1: {  	v32 =	vld [tilespmem:s15+$0xFFFFFFB0];
	v31 =	vperm.xlane v18, v2;
	v18 =	vperm.xlane v18, v3  }
0x1b2: {  	v34 =	vld [tilespmem:s15+$0xFFFFFFF0];
	v14 =	vmul.f32 v15, v14;
	v62 =	vmul.f32 v55, v53  }
0x1b3: {  	v16 =	vmul.f32 v6, v12;
	v17 =	vmul.f32 v7, v13  }
0x1b4: {  	v9 =	vld [tilespmem:s15+$0x70];
	v51 =	vmul.f32 v21, v31;
	v52 =	vmul.f32 v26, v24  }
0x1b5: {  	v12 =	vmul.f32 v14, v12;
	v54 =	vmul.f32 v28, v25  }
0x1b6: {  	s22 =	simm.s32 $0x12760;
	v19 =	vld [tilespmem:s15+$0xFFFFFF90];
	v13 =	vmul.f32 v14, v13;
	v56 =	vmul.f32 v20, v27  }
0x1b7: {  	v49 =	vld [tilespmem:s22+$0x0];
	v57 =	vmul.f32 v32, v18;
	v59 =	vmul.f32 v34, v8  }
0x1b8: {  	v22 =	vld [tilespmem:s15+$0x20];
	v6 =	vmul.f32 v6, v11;
	v7 =	vmul.f32 v7, v11  }
0x1b9: {  	v23 =	vld [tilespmem:s15+$0x30];
	v11 =	vmul.f32 v9, v11;
	v31 =	vmul.f32 v62, v31  }
0x1ba: {  	v40 =	vld [tilespmem:s15+$0xFFFFFFC0];
	v16 =	vadd.f32 v17, v16;
	v17 =	vmul.f32 v9, v5;
	v35 =	vadd.f32 v54, v52  }
0x1bb: {  	v58 =	vld [tilespmem:s21+$0xFFFFFFF0];
	v37 =	vmul.f32 v62, v18;
	v5 =	vmul.f32 v14, v5;
	v54 =	vadd.f32 v7, v13  }
0x1bc: {  	v13 =	vperm.xlane v49, v2;
	v16 =	vadd.f32 v17, v16;
	v35 =	vadd.f32 v59, v35;
	v59 =	vld [tilespmem:s22+$0x10]  }
0x1bd: {  	v39 =	vld [tilespmem:s15+$0x0];
	v17 =	vperm.xlane v10, v2;
	v10 =	vperm.xlane v10, v3  }
0x1be: {  	v61 =	vld [tilespmem:s21+$0x10];
	v16 =	vmul.f32 v16, v15;
	v15 =	vmul.f32 v19, v30  }
0x1bf: {  	v41 =	vld [tilespmem:s21+$0x0];
	s15 =	simm.s32 $0xEC80;
	v14 =	vmul.f32 v22, v17;
	v60 =	vmul.f32 v23, v10  }
0x1c0: {  	v43 =	vld [tilespmem:s15+$0x70];
	v63 =	vmul.f32 v35, v58;
	v30 =	vmul.f32 v62, v30  }
0x1c1: {  	s26 =	simm.s32 $0x113C0;
	v35 =	vld [tilespmem:s21+$0xFFFFFFE0];
	v15 =	vadd.f32 v51, v15;
	v14 =	vadd.f32 v14, v56;
	v50 =	vperm.xlane v59, v1  }
0x1c2: {  	v52 =	vld [tilespmem:s26+$0x20];
	v51 =	vperm.xlane v59, v2;
	v42 =	vperm.xlane v59, v3  }
0x1c3: {  	v15 =	vadd.f32 v57, v15;
	v9 =	vadd.f32 v60, v14;
	v14 =	vmul.f32 v58, v40  }
0x1c4: {  	v58 =	vmul.f32 v61, v39;
	v57 =	vadd.f32 v11, v5;
	v11 =	vperm.xlane v49, v3  }
0x1c5: {  	v39 =	vmul.f32 v41, v39;
	v7 =	vmul.f32 v43, v42  }
0x1c6: {  	v40 =	vmul.f32 v35, v40;
	v60 =	vmul.f32 v26, v35  }
0x1c7: {  	v56 =	vld [tilespmem:s22+$0xFFFFFFE0];
	v28 =	vmul.f32 v28, v35;
	v43 =	vmul.f32 v43, v52  }
0x1c8: {  	v38 =	vmul.f32 v15, v55;
	v15 =	vld [tilespmem:s21+$0xFFFFFFC0];
	v46 =	vmul.f32 v9, v61  }
0x1c9: {  	v44 =	vld [tilespmem:s15+$0x50];
	v24 =	vmul.f32 v14, v24;
	v25 =	vmul.f32 v14, v25  }
0x1ca: {  	v45 =	vld [tilespmem:s15+$0x60];
	v47 =	vmul.f32 v14, v8;
	v27 =	vmul.f32 v58, v27  }
0x1cb: {  	v48 =	vmul.f32 v58, v17;
	v8 =	vld [tilespmem:s22+$0xFFFFFFF0];
	v9 =	vmul.f32 v58, v10  }
0x1cc: {  	v18 =	vld [tilespmem:s15+$0xFFFFFF90];
	v16 =	vadd.f32 v16, v29;
	v58 =	vperm.xlane v56, v1;
	v59 =	vperm.xlane v56, v2  }
0x1cd: {  	v55 =	vld [tilespmem:s26+$0x30];
	s21 =	simm.s32 $0x15980;
	v26 =	vperm.xlane v56, v3;
	v36 =	vmul.f32 v15, v53  }
0x1ce: {  	[tilespmem:s21+$0x40] =	vst v16;
	v16 =	vld [tilespmem:s15+$0xFFFFFFF0];
	v10 =	vmul.f32 v19, v15;
	v21 =	vmul.f32 v21, v15  }
0x1cf: {  	v29 =	vmul.f32 v32, v15;
	v32 =	vadd.f32 v6, v12;
	v53 =	vld [tilespmem:s15+$0x40];
	v6 =	vmul.f32 v44, v50  }
0x1d0: {  	v15 =	vmul.f32 v45, v51;
	v17 =	vperm.xlane v8, v1;
	v19 =	vld [tilespmem:s15+$0xFFFFFFA0]  }
0x1d1: {  	v12 =	vperm.xlane v8, v2;
	v14 =	vperm.xlane v8, v3;
	v8 =	vld [tilespmem:s15+$0xFFFFFFE0]  }
0x1d2: {  	[tilespmem:s21+$0x60] =	vst v54;
	v54 =	vmul.f32 v34, v35;
	v6 =	vadd.f32 v15, v6;
	v31 =	vadd.f32 v21, v31;
	v21 =	vld [tilespmem:s15+$0xFFFFFFB0]  }
0x1d3: {  	v40 =	vadd.f32 v63, v40;
	v62 =	vmul.f32 v18, v58;
	v45 =	vmul.f32 v45, v52;
	[tilespmem:s21+$0x50] =	vst v32;
	v32 =	vld [tilespmem:s15+$0xFFFFFF80]  }
0x1d4: {  	v15 =	vperm.xlane v49, v1;
	v36 =	vadd.f32 v38, v36;
	v5 =	vadd.f32 v7, v6;
	v7 =	vld [tilespmem:s15+$0xFFFFFFD0]  }
0x1d5: {  	[tilespmem:s21+$0x70] =	vst v57;
	v30 =	vadd.f32 v10, v30;
	v57 =	vmul.f32 v16, v14;
	v6 =	vld [tilespmem:s15+$0x20];
	v10 =	vmul.f32 v52, v53  }
0x1d6: {  	v24 =	vadd.f32 v60, v24;
	[tilespmem:s21+$0xFFFFFFA0] =	vst v31;
	v31 =	vld [tilespmem:s26+$0xFFFFFFF0];
	v53 =	vmul.f32 v55, v53;
	v63 =	vmul.f32 v19, v59  }
0x1d7: {  	v37 =	vadd.f32 v29, v37;
	[tilespmem:s21+$0xFFFFFF80] =	vst v36;
	v36 =	vmul.f32 v23, v41;
	v61 =	vmul.f32 v5, v55;
	v5 =	vld [tilespmem:s15+$0x10]  }
0x1d8: {  	v60 =	vmul.f32 v8, v12;
	v29 =	vmul.f32 v53, v50;
	v62 =	vadd.f32 v63, v62;
	v63 =	vld [tilespmem:s26+$0xFFFFFFD0]  }
0x1d9: {  	v33 =	vmul.f32 v53, v51;
	v56 =	vmul.f32 v21, v26;
	v49 =	vadd.f32 v61, v10;
	v10 =	vld [tilespmem:s15+$0x30]  }
0x1da: {  	v51 =	vadd.f32 v28, v25;
	v28 =	vmul.f32 v53, v42;
	v25 =	vld [tilespmem:s15+$0xFFFFFFC0];
	v38 =	vmul.f32 v7, v17  }
0x1db: {  	[tilespmem:s21+$0xFFFFFFC0] =	vst v40;
	v42 =	vmul.f32 v44, v52;
	v55 =	vmul.f32 v6, v13;
	v35 =	vadd.f32 v56, v62  }
0x1dc: {  	[tilespmem:s21+$0xFFFFFF90] =	vst v30;
	v23 =	vld [tilespmem:s26+$0x10];
	v62 =	vmul.f32 v22, v41;
	v61 =	vmul.f32 v5, v15;
	v30 =	vadd.f32 v60, v38  }
0x1dd: {  	[tilespmem:s21+$0xFFFFFFD0] =	vst v24;
	v60 =	vmul.f32 v20, v41;
	v20 =	vld [tilespmem:s15+$0x0];
	v38 =	vmul.f32 v35, v63  }
0x1de: {  	[tilespmem:s21+$0xFFFFFFB0] =	vst v37;
	v34 =	vadd.f32 v55, v61;
	v61 =	vmul.f32 v10, v11;
	v22 =	vadd.f32 v57, v30  }
0x1df: {  	s22 =	simm.s32 $0x15A80;
	[tilespmem:s21+$0xFFFFFFE0] =	vst v51;
	v44 =	vmul.f32 v63, v32;
	v35 =	vmul.f32 v31, v25;
	v30 =	vadd.f32 v46, v39  }
0x1e0: {  	v24 =	vld [tilespmem:s26+$0xFFFFFFE0];
	[tilespmem:s22+$0x40] =	vst v49;
	v63 =	vadd.f32 v61, v34;
	v34 =	vmul.f32 v22, v31;
	v31 =	vadd.f32 v54, v47  }
0x1e1: {  	v37 =	vld [tilespmem:s26+$0xFFFFFFC0];
	v40 =	vmul.f32 v44, v58;
	v39 =	vmul.f32 v44, v59;
	[tilespmem:s21+$0x0] =	vst v30;
	v30 =	vadd.f32 v60, v27  }
0x1e2: {  	s14 =	simm.s32 $0x4;
	s8 =	simm.s32 $0x127A0;
	v22 =	vld [tilespmem:s26+$0x0];
	v27 =	vadd.f32 v62, v48;
	v41 =	vmul.f32 v23, v20;
	v23 =	vmul.f32 v63, v23;
	[tilespmem:s21+$0xFFFFFFF0] =	vst v31  }
.LBB2_10:
0x1e3: {  	v46 =	vld [tilespmem:s8+$0x10];
	s14 =	sadd.s32 $0x4, s14;
	v26 =	vmul.f32 v44, v26;
	v44 =	vmul.f32 v35, v17;
	s15 =	sadd.s32 $0x100, s15;
	[tilespmem:s21+$0x10] =	vst v30;
	v9 =	vadd.f32 v36, v9  }
0x1e4: {  	v47 =	vmul.f32 v35, v12;
	v30 =	vmul.f32 v35, v14;
	v12 =	vadd.f32 v42, v29;
	v36 =	vld [tilespmem:s15+$0x50];
	p0 =	slt.u32 s14, $0x4C;
	[tilespmem:s21+$0x20] =	vst v27  }
0x1e5: {  	v31 =	vmul.f32 v41, v15;
	v27 =	vmul.f32 v41, v13;
	v13 =	vadd.f32 v45, v33;
	v35 =	vld [tilespmem:s15+$0x60];
	[tilespmem:s21+$0x30] =	vst v9;
	s21 =	smov.u32 s22  }
0x1e6: {  	v15 =	vmul.f32 v37, v32;
	v9 =	vmul.f32 v41, v11;
	v11 =	vadd.f32 v43, v28;
	v14 =	vld [tilespmem:s8+$0xFFFFFFF0];
	[tilespmem:s22+$0x50] =	vst v12  }
0x1e7: {  	v17 =	vmul.f32 v19, v37;
	v12 =	vmul.f32 v18, v37;
	v41 =	vld [tilespmem:s15+$0x70];
	[tilespmem:s22+$0x60] =	vst v13  }
0x1e8: {  	s26 =	sadd.s32 $0x80, s26;
	v13 =	vadd.f32 v38, v15;
	v28 =	vld [tilespmem:s8+$0x0];
	v29 =	vperm.xlane v46, v1;
	v32 =	vperm.xlane v46, v2;
	[tilespmem:s22+$0x70] =	vst v11  }
0x1e9: {  	v15 =	vmul.f32 v21, v37;
	v38 =	vperm.xlane v46, v3;
	v11 =	vadd.f32 v12, v40;
	v43 =	vld [tilespmem:s26+$0x20]  }
0x1ea: {  	v21 =	vld [tilespmem:s15+$0x40];
	v18 =	vmul.f32 v36, v29;
	v19 =	vmul.f32 v35, v32;
	[tilespmem:s22+$0xFFFFFF80] =	vst v13;
	v13 =	vadd.f32 v17, v39  }
0x1eb: {  	v17 =	vperm.xlane v14, v1;
	v12 =	vperm.xlane v14, v2;
	v33 =	vld [tilespmem:s26+$0x30];
	[tilespmem:s22+$0xFFFFFF90] =	vst v11;
	v11 =	vadd.f32 v15, v26  }
0x1ec: {  	v14 =	vperm.xlane v14, v3;
	v26 =	vld [tilespmem:s8+$0xFFFFFFE0];
	v37 =	vadd.f32 v19, v18;
	v39 =	vmul.f32 v41, v38;
	[tilespmem:s22+$0xFFFFFFA0] =	vst v13  }
0x1ed: {  	v18 =	vld [tilespmem:s15+$0xFFFFFF90];
	v15 =	vperm.xlane v28, v1;
	v13 =	vperm.xlane v28, v2;
	[tilespmem:s22+$0xFFFFFFB0] =	vst v11  }
0x1ee: {  	v25 =	vmul.f32 v24, v25;
	v11 =	vperm.xlane v28, v3;
	v19 =	vld [tilespmem:s15+$0xFFFFFFA0];
	v28 =	vadd.f32 v39, v37  }
0x1ef: {  	v37 =	vmul.f32 v7, v24;
	v39 =	vmul.f32 v8, v24;
	v7 =	vld [tilespmem:s15+$0xFFFFFFD0]  }
0x1f0: {  	v25 =	vadd.f32 v34, v25;
	v40 =	vmul.f32 v43, v21;
	v8 =	vld [tilespmem:s15+$0xFFFFFFE0];
	v28 =	vmul.f32 v28, v33  }
0x1f1: {  	v37 =	vadd.f32 v37, v44;
	v46 =	vperm.xlane v26, v1;
	v48 =	vperm.xlane v26, v2;
	v34 =	vld [tilespmem:s15+$0x10]  }
0x1f2: {  	v44 =	vmul.f32 v33, v21;
	v26 =	vperm.xlane v26, v3;
	v42 =	vld [tilespmem:s15+$0x20];
	v28 =	vadd.f32 v28, v40;
	[tilespmem:s22+$0xFFFFFFC0] =	vst v25  }
0x1f3: {  	s22 =	sadd.s32 $0x100, s22;
	v21 =	vld [tilespmem:s15+$0xFFFFFFB0];
	v25 =	vmul.f32 v18, v46;
	v33 =	vmul.f32 v19, v48;
	[tilespmem:s21+$0xFFFFFFD0] =	vst v37;
	v37 =	vadd.f32 v39, v47  }
0x1f4: {  	v29 =	vmul.f32 v44, v29;
	v39 =	vld [tilespmem:s15+$0xFFFFFFF0];
	v40 =	vmul.f32 v7, v17;
	[tilespmem:s22+$0x40] =	vst v28  }
0x1f5: {  	v45 =	vadd.f32 v33, v25;
	v25 =	vmul.f32 v8, v12;
	v47 =	vld [tilespmem:s15+$0x30];
	v33 =	vmul.f32 v44, v32;
	[tilespmem:s21+$0xFFFFFFE0] =	vst v37  }
0x1f6: {  	v28 =	vmul.f32 v44, v38;
	v32 =	vld [tilespmem:s15+$0xFFFFFF80];
	v37 =	vmul.f32 v34, v15  }
0x1f7: {  	v49 =	vmul.f32 v16, v24;
	v38 =	vld [tilespmem:s26+$0xFFFFFFD0];
	v40 =	vadd.f32 v25, v40;
	v44 =	vmul.f32 v42, v13  }
0x1f8: {  	v50 =	vmul.f32 v22, v20;
	v56 =	vmul.f32 v21, v26;
	v25 =	vld [tilespmem:s15+$0xFFFFFFC0]  }
0x1f9: {  	v53 =	vmul.f32 v5, v22;
	v5 =	vmovc v34;
	v51 =	vld [tilespmem:s26+$0xFFFFFFF0];
	v24 =	vmul.f32 v39, v14;
	v52 =	vadd.f32 v44, v37  }
0x1fa: {  	v54 =	vmul.f32 v6, v22;
	v6 =	vmovc v42;
	v34 =	vadd.f32 v56, v45;
	v20 =	vld [tilespmem:s15+$0x0];
	v45 =	vmul.f32 v47, v11  }
0x1fb: {  	v42 =	vmul.f32 v36, v43;
	v36 =	vmul.f32 v10, v22;
	v16 =	vmovc v39;
	v40 =	vadd.f32 v24, v40;
	v55 =	vld [tilespmem:s26+$0x10]  }
.Ltmp3:
0x1fc: {  	v10 =	vmovc v47;
	v37 =	vld [tilespmem:s26+$0xFFFFFFC0];
	v44 =	vmul.f32 v38, v32;
	v38 =	vmul.f32 v34, v38;
	v52 =	vadd.f32 v45, v52;
	(pc) =	sbr.rel @p0 .LBB2_10-.Ltmp3, $4  }
0x1fd: {  	v23 =	vadd.f32 v23, v50;
	v45 =	vmul.f32 v35, v43;
	v43 =	vmul.f32 v41, v43;
	v24 =	vld [tilespmem:s26+$0xFFFFFFE0]  }
0x1fe: {  	v47 =	vadd.f32 v49, v30;
	v35 =	vmul.f32 v51, v25;
	v34 =	vmul.f32 v40, v51;
	v22 =	vld [tilespmem:s26+$0x0]  }
0x1ff: {  	v30 =	vadd.f32 v53, v31;
	v40 =	vmul.f32 v44, v46;
	v39 =	vmul.f32 v44, v48;
	[tilespmem:s21+$0x0] =	vst v23  }
0x200: {  	v27 =	vadd.f32 v54, v27;
	s8 =	sadd.s32 $0x40, s8;
	v41 =	vmul.f32 v55, v20;
	v23 =	vmul.f32 v52, v55;
	[tilespmem:s21+$0xFFFFFFF0] =	vst v47  }
0x201: {  	[tilespmem:s21+$0x10] =	vst v30;
	v9 =	vadd.f32 v36, v9  }
0x202: {  	v29 =	vadd.f32 v42, v29;
	[tilespmem:s21+$0x20] =	vst v27  }
0x203: {  	v28 =	vadd.f32 v43, v28;
	v18 =	vmul.f32 v18, v37;
	[tilespmem:s21+$0x30] =	vst v9  }
0x204: {  	v27 =	vadd.f32 v45, v33;
	v9 =	vmul.f32 v37, v32;
	[tilespmem:s22+$0x50] =	vst v29  }
0x205: {  	v17 =	vmul.f32 v35, v17;
	v7 =	vmul.f32 v7, v24;
	[tilespmem:s22+$0x70] =	vst v28;
	v18 =	vadd.f32 v18, v40  }
0x206: {  	v19 =	vmul.f32 v19, v37;
	[tilespmem:s22+$0x60] =	vst v27;
	v9 =	vadd.f32 v38, v9  }
0x207: {  	v12 =	vmul.f32 v35, v12;
	v8 =	vmul.f32 v8, v24;
	v7 =	vadd.f32 v7, v17;
	[tilespmem:s22+$0xFFFFFF90] =	vst v18  }
0x208: {  	v26 =	vmul.f32 v44, v26;
	[tilespmem:s22+$0xFFFFFF80] =	vst v9;
	v9 =	vadd.f32 v19, v39;
	v19 =	vmul.f32 v24, v25  }
0x209: {  	v21 =	vmul.f32 v21, v37;
	v14 =	vmul.f32 v35, v14;
	v8 =	vadd.f32 v8, v12;
	[tilespmem:s22+$0xFFFFFFD0] =	vst v7  }
0x20a: {  	v13 =	vmul.f32 v41, v13;
	v6 =	vmul.f32 v6, v22;
	[tilespmem:s22+$0xFFFFFFA0] =	vst v9;
	v9 =	vadd.f32 v34, v19  }
0x20b: {  	v5 =	vmul.f32 v5, v22;
	v17 =	vmul.f32 v22, v20;
	v18 =	vadd.f32 v21, v26;
	[tilespmem:s22+$0xFFFFFFE0] =	vst v8  }
0x20c: {  	v12 =	vmul.f32 v41, v15;
	v6 =	vadd.f32 v6, v13;
	[tilespmem:s22+$0xFFFFFFC0] =	vst v9;
	v9 =	vmul.f32 v16, v24  }
0x20d: {  	v10 =	vmul.f32 v10, v22;
	v7 =	vadd.f32 v23, v17;
	[tilespmem:s22+$0xFFFFFFB0] =	vst v18  }
0x20e: {  	v5 =	vadd.f32 v5, v12;
	[tilespmem:s22+$0x20] =	vst v6;
	v8 =	vadd.f32 v9, v14;
	v9 =	vmul.f32 v41, v11  }
0x20f: {  	[tilespmem:s22+$0x0] =	vst v7  }
0x210: {  	[tilespmem:s22+$0x10] =	vst v5;
	v5 =	vadd.f32 v10, v9  }
0x211: {  	[tilespmem:s22+$0xFFFFFFF0] =	vst v8  }
0x212: {  	s8 =	sadd.s32 $0x9CE0, s9;
	s14 =	simm.s32 $0x15900;
	[tilespmem:s22+$0x30] =	vst v5  }
0x213: {  	[spmem:s3] =	stream.indirect.scatter.add.f32 [tilespmem:s14], [sflag:$0x5], $0x40, s8, s30, $0xb8;
	[tilespmem:$0x1A040] =	vst v63  }
0x214: {  	_ =	swait.ge [sflag:s23], $0x1400  }
0x215: {  	[sflag:s23] =	ssyncset.done $0x0  }
0x216: {  	[sflag:s23] =	ssyncadd.s32 $0xFFFFEC00  }
0x217: {  	_ =	swait.ge [sflag:s18], $0x1400  }
0x218: {  	[sflag:s18] =	ssyncset.done $0x0  }
0x219: {  	[sflag:s18] =	ssyncadd.s32 $0xFFFFEC00  }
0x21a: {  	_ =	swait.ge [sflag:s18], $0xA00  }
0x21b: {  	[sflag:s18] =	ssyncset.done $0x0  }
0x21c: {  	[sflag:s18] =	ssyncadd.s32 $0xFFFFF600  }
0x21d: {  	_ =	swait.ge [sflag:s18], $0x500  }
0x21e: {  	[sflag:s18] =	ssyncset.done $0x0  }
0x21f: {  	[sflag:s18] =	ssyncadd.s32 $0xFFFFFB00  }
0x220: {  	v5 =	vld [tilespmem:s29+$0xC490];
	_ =	sdelay $0x4  }
0x221: {  	v5 =	vadd.s32 v4, v5  }
0x222: {  	[tilespmem:$0xEA60] =	vst v5  }
0x223: {  	v5 =	vld [tilespmem:s29+$0xC4A0];
	_ =	sdelay $0x4  }
0x224: {  	v5 =	vadd.s32 v4, v5  }
0x225: {  	[tilespmem:$0xEA70] =	vst v5  }
0x226: {  	v5 =	vld [tilespmem:s29+$0xC4B0];
	_ =	sdelay $0x4  }
0x227: {  	v5 =	vadd.s32 v4, v5  }
0x228: {  	[tilespmem:$0xEA80] =	vst v5  }
0x229: {  	v5 =	vld [tilespmem:s29+$0xC4C0];
	_ =	sdelay $0x4  }
0x22a: {  	v5 =	vadd.s32 v4, v5  }
0x22b: {  	[tilespmem:$0xEA90] =	vst v5  }
0x22c: {  	v5 =	vld [tilespmem:s29+$0xC4D0];
	_ =	sdelay $0x2  }
0x22d: {  	s16 =	sadd.s32 $0x140, s16  }
0x22e: {  	s21 =	sshll.u32 s16, $0x8  }
0x22f: {  	s14 =	sadd.s32 s19, s21;
	v5 =	vadd.s32 v4, v5  }
0x230: {  	s14 =	sshrl.u32 s14, $0x3;
	[tilespmem:$0xEAA0] =	vst v5  }
0x231: {  	[tilespmem:s0], [sflag:$0x1] =	stream.indirect.gather [hbm4b:s6+s30], $0x40, s31, s30, $0xb8;
	[tilespmem:$0x1A040] =	vst v63  }
0x232: {  	s8 =	sshll.u32 s16, $0x1;
	s14 =	sadd.s32 s7, s14  }
0x233: {  	[tilespmem:s10], [sflag:$0x1] =	stream.strided.gather [hbm4b:s14+s25], $0xA00, s28, s25, $0x38;
	[tilespmem:$0x1A040] =	vst v63  }
0x234: {  	s22 =	simm.s32 $0x12C20;
	s8 =	sadd.s32 s2, s8  }
0x235: {  	[tilespmem:s11], [sflag:$0x1] =	stream.linear.gather [hbm4b:s8+s4], $0x500, $0x38;
	[tilespmem:$0x1A040] =	vst v63  }
0x236: {  	s15 =	simm.s32 $0xFF80;
	v5 =	vld [tilespmem:s22+$0x10]  }
0x237: {  	v6 =	vld [tilespmem:s15+$0x50]  }
0x238: {  	v7 =	vld [tilespmem:s15+$0x60]  }
0x239: {  	v8 =	vld [tilespmem:s22+$0xFFFFFFF0]  }
0x23a: {  	s26 =	simm.s32 $0x11D40;
	v10 =	vld [tilespmem:s22+$0x0]  }
0x23b: {  	v11 =	vld [tilespmem:s26+$0x20]  }
0x23c: {  	v14 =	vld [tilespmem:s15+$0x40]  }
0x23d: {  	v15 =	vld [tilespmem:s26+$0x30]  }
0x23e: {  	v18 =	vld [tilespmem:s22+$0xFFFFFFE0]  }
0x23f: {  	v21 =	vld [tilespmem:s15+$0xFFFFFFA0]  }
0x240: {  	v53 =	vld [tilespmem:s15+$0xFFFFFF80];
	v12 =	vperm.xlane v5, v1  }
0x241: {  	v55 =	vld [tilespmem:s26+$0xFFFFFFD0];
	v13 =	vperm.xlane v5, v2;
	v5 =	vperm.xlane v5, v3  }
0x242: {  	v26 =	vld [tilespmem:s15+$0xFFFFFFD0];
	v24 =	vperm.xlane v8, v1;
	v25 =	vperm.xlane v8, v2  }
0x243: {  	v28 =	vld [tilespmem:s15+$0xFFFFFFE0];
	v8 =	vperm.xlane v8, v3;
	v27 =	vperm.xlane v10, v1  }
0x244: {  	v20 =	vld [tilespmem:s15+$0x10];
	v29 =	vmul.f32 v11, v14;
	v30 =	vperm.xlane v18, v1  }
0x245: {  	v32 =	vld [tilespmem:s15+$0xFFFFFFB0];
	v31 =	vperm.xlane v18, v2;
	v18 =	vperm.xlane v18, v3  }
0x246: {  	v34 =	vld [tilespmem:s15+$0xFFFFFFF0];
	v14 =	vmul.f32 v15, v14;
	v62 =	vmul.f32 v55, v53  }
0x247: {  	v16 =	vmul.f32 v6, v12;
	v17 =	vmul.f32 v7, v13  }
0x248: {  	v9 =	vld [tilespmem:s15+$0x70];
	v51 =	vmul.f32 v21, v31;
	v52 =	vmul.f32 v26, v24  }
0x249: {  	v12 =	vmul.f32 v14, v12;
	v54 =	vmul.f32 v28, v25  }
0x24a: {  	s29 =	simm.s32 $0x12C60;
	v19 =	vld [tilespmem:s15+$0xFFFFFF90];
	v13 =	vmul.f32 v14, v13;
	v56 =	vmul.f32 v20, v27  }
0x24b: {  	v49 =	vld [tilespmem:s29+$0x0];
	v57 =	vmul.f32 v32, v18;
	v59 =	vmul.f32 v34, v8  }
0x24c: {  	v22 =	vld [tilespmem:s15+$0x20];
	v6 =	vmul.f32 v6, v11;
	v7 =	vmul.f32 v7, v11  }
0x24d: {  	v23 =	vld [tilespmem:s15+$0x30];
	v11 =	vmul.f32 v9, v11;
	v31 =	vmul.f32 v62, v31  }
0x24e: {  	v40 =	vld [tilespmem:s15+$0xFFFFFFC0];
	v16 =	vadd.f32 v17, v16;
	v17 =	vmul.f32 v9, v5;
	v35 =	vadd.f32 v54, v52  }
0x24f: {  	v58 =	vld [tilespmem:s26+$0xFFFFFFF0];
	v37 =	vmul.f32 v62, v18;
	v5 =	vmul.f32 v14, v5;
	v54 =	vadd.f32 v7, v13  }
0x250: {  	v13 =	vperm.xlane v49, v2;
	v16 =	vadd.f32 v17, v16;
	v35 =	vadd.f32 v59, v35;
	v59 =	vld [tilespmem:s29+$0x10]  }
0x251: {  	v39 =	vld [tilespmem:s15+$0x0];
	v17 =	vperm.xlane v10, v2;
	v10 =	vperm.xlane v10, v3  }
0x252: {  	v61 =	vld [tilespmem:s26+$0x10];
	v16 =	vmul.f32 v16, v15;
	v15 =	vmul.f32 v19, v30  }
0x253: {  	v41 =	vld [tilespmem:s26+$0x0];
	s15 =	simm.s32 $0x10080;
	v14 =	vmul.f32 v22, v17;
	v60 =	vmul.f32 v23, v10  }
0x254: {  	v43 =	vld [tilespmem:s15+$0x70];
	v63 =	vmul.f32 v35, v58;
	v30 =	vmul.f32 v62, v30  }
0x255: {  	v35 =	vld [tilespmem:s26+$0xFFFFFFE0];
	v15 =	vadd.f32 v51, v15;
	v14 =	vadd.f32 v14, v56;
	v50 =	vperm.xlane v59, v1  }
0x256: {  	s16 =	simm.s32 $0x11DC0;
	v51 =	vperm.xlane v59, v2;
	v42 =	vperm.xlane v59, v3  }
0x257: {  	v52 =	vld [tilespmem:s16+$0x20];
	v15 =	vadd.f32 v57, v15;
	v9 =	vadd.f32 v60, v14;
	v14 =	vmul.f32 v58, v40  }
0x258: {  	v58 =	vmul.f32 v61, v39;
	v57 =	vadd.f32 v11, v5;
	v11 =	vperm.xlane v49, v3  }
0x259: {  	v39 =	vmul.f32 v41, v39;
	v7 =	vmul.f32 v43, v42  }
0x25a: {  	s21 =	simm.s32 $0x16D80;
	v40 =	vmul.f32 v35, v40;
	v60 =	vmul.f32 v26, v35  }
0x25b: {  	[tilespmem:s21+$0x60] =	vst v54;
	v56 =	vld [tilespmem:s29+$0xFFFFFFE0];
	v28 =	vmul.f32 v28, v35;
	v54 =	vmul.f32 v34, v35  }
0x25c: {  	v43 =	vmul.f32 v43, v52;
	v38 =	vmul.f32 v15, v55;
	v15 =	vld [tilespmem:s26+$0xFFFFFFC0]  }
0x25d: {  	v44 =	vld [tilespmem:s15+$0x50];
	v46 =	vmul.f32 v9, v61;
	v24 =	vmul.f32 v14, v24  }
0x25e: {  	v45 =	vld [tilespmem:s15+$0x60];
	v25 =	vmul.f32 v14, v25;
	v47 =	vmul.f32 v14, v8  }
0x25f: {  	v16 =	vadd.f32 v16, v29;
	v27 =	vmul.f32 v58, v27;
	v48 =	vmul.f32 v58, v17;
	v8 =	vld [tilespmem:s29+$0xFFFFFFF0]  }
0x260: {  	v18 =	vld [tilespmem:s15+$0xFFFFFF90];
	v9 =	vmul.f32 v58, v10;
	v58 =	vperm.xlane v56, v1  }
0x261: {  	[tilespmem:s21+$0x40] =	vst v16;
	v16 =	vld [tilespmem:s15+$0xFFFFFFF0];
	v59 =	vperm.xlane v56, v2;
	v36 =	vmul.f32 v15, v53  }
0x262: {  	v55 =	vld [tilespmem:s16+$0x30];
	v10 =	vmul.f32 v19, v15;
	v21 =	vmul.f32 v21, v15  }
0x263: {  	v29 =	vmul.f32 v32, v15;
	v32 =	vadd.f32 v6, v12;
	v53 =	vld [tilespmem:s15+$0x40];
	v6 =	vmul.f32 v44, v50  }
0x264: {  	v15 =	vmul.f32 v45, v51;
	v17 =	vperm.xlane v8, v1;
	v19 =	vld [tilespmem:s15+$0xFFFFFFA0]  }
0x265: {  	v12 =	vperm.xlane v8, v2;
	v14 =	vperm.xlane v8, v3;
	v8 =	vld [tilespmem:s15+$0xFFFFFFE0]  }
0x266: {  	v26 =	vperm.xlane v56, v3;
	v6 =	vadd.f32 v15, v6;
	v31 =	vadd.f32 v21, v31;
	v21 =	vld [tilespmem:s15+$0xFFFFFFB0]  }
0x267: {  	v40 =	vadd.f32 v63, v40;
	v62 =	vmul.f32 v18, v58;
	v45 =	vmul.f32 v45, v52;
	[tilespmem:s21+$0x50] =	vst v32;
	v32 =	vld [tilespmem:s15+$0xFFFFFF80]  }
0x268: {  	v15 =	vperm.xlane v49, v1;
	v36 =	vadd.f32 v38, v36;
	v5 =	vadd.f32 v7, v6;
	v7 =	vld [tilespmem:s15+$0xFFFFFFD0]  }
0x269: {  	[tilespmem:s21+$0x70] =	vst v57;
	v30 =	vadd.f32 v10, v30;
	v57 =	vmul.f32 v16, v14;
	v6 =	vld [tilespmem:s15+$0x20];
	v10 =	vmul.f32 v52, v53  }
0x26a: {  	v24 =	vadd.f32 v60, v24;
	[tilespmem:s21+$0xFFFFFFA0] =	vst v31;
	v31 =	vld [tilespmem:s16+$0xFFFFFFF0];
	v53 =	vmul.f32 v55, v53;
	v63 =	vmul.f32 v19, v59  }
0x26b: {  	v37 =	vadd.f32 v29, v37;
	[tilespmem:s21+$0xFFFFFF80] =	vst v36;
	v36 =	vmul.f32 v23, v41;
	v61 =	vmul.f32 v5, v55;
	v5 =	vld [tilespmem:s15+$0x10]  }
0x26c: {  	v60 =	vmul.f32 v8, v12;
	v29 =	vmul.f32 v53, v50;
	v62 =	vadd.f32 v63, v62;
	v63 =	vld [tilespmem:s16+$0xFFFFFFD0]  }
0x26d: {  	v33 =	vmul.f32 v53, v51;
	v56 =	vmul.f32 v21, v26;
	v49 =	vadd.f32 v61, v10;
	v10 =	vld [tilespmem:s15+$0x30]  }
0x26e: {  	v51 =	vadd.f32 v28, v25;
	v28 =	vmul.f32 v53, v42;
	v25 =	vld [tilespmem:s15+$0xFFFFFFC0];
	v38 =	vmul.f32 v7, v17  }
0x26f: {  	[tilespmem:s21+$0xFFFFFFC0] =	vst v40;
	v42 =	vmul.f32 v44, v52;
	v55 =	vmul.f32 v6, v13;
	v35 =	vadd.f32 v56, v62  }
0x270: {  	[tilespmem:s21+$0xFFFFFF90] =	vst v30;
	v23 =	vld [tilespmem:s16+$0x10];
	v62 =	vmul.f32 v22, v41;
	v61 =	vmul.f32 v5, v15;
	v30 =	vadd.f32 v60, v38  }
0x271: {  	[tilespmem:s21+$0xFFFFFFD0] =	vst v24;
	v60 =	vmul.f32 v20, v41;
	v20 =	vld [tilespmem:s15+$0x0];
	v38 =	vmul.f32 v35, v63  }
0x272: {  	[tilespmem:s21+$0xFFFFFFB0] =	vst v37;
	v34 =	vadd.f32 v55, v61;
	v61 =	vmul.f32 v10, v11;
	v22 =	vadd.f32 v57, v30  }
0x273: {  	s22 =	simm.s32 $0x16E80;
	[tilespmem:s21+$0xFFFFFFE0] =	vst v51;
	v44 =	vmul.f32 v63, v32;
	v35 =	vmul.f32 v31, v25;
	v30 =	vadd.f32 v46, v39  }
0x274: {  	v24 =	vld [tilespmem:s16+$0xFFFFFFE0];
	[tilespmem:s22+$0x40] =	vst v49;
	v63 =	vadd.f32 v61, v34;
	v34 =	vmul.f32 v22, v31;
	v31 =	vadd.f32 v54, v47  }
0x275: {  	v37 =	vld [tilespmem:s16+$0xFFFFFFC0];
	v40 =	vmul.f32 v44, v58;
	v39 =	vmul.f32 v44, v59;
	[tilespmem:s21+$0x0] =	vst v30;
	v30 =	vadd.f32 v60, v27  }
0x276: {  	s14 =	simm.s32 $0x4;
	s8 =	simm.s32 $0x12CA0;
	v22 =	vld [tilespmem:s16+$0x0];
	v27 =	vadd.f32 v62, v48;
	v41 =	vmul.f32 v23, v20;
	v23 =	vmul.f32 v63, v23;
	[tilespmem:s21+$0xFFFFFFF0] =	vst v31  }
.LBB2_12:
0x277: {  	v46 =	vld [tilespmem:s8+$0x10];
	s14 =	sadd.s32 $0x4, s14;
	v26 =	vmul.f32 v44, v26;
	v44 =	vmul.f32 v35, v17;
	s15 =	sadd.s32 $0x100, s15;
	[tilespmem:s21+$0x10] =	vst v30;
	v9 =	vadd.f32 v36, v9  }
0x278: {  	v47 =	vmul.f32 v35, v12;
	v30 =	vmul.f32 v35, v14;
	v12 =	vadd.f32 v42, v29;
	v36 =	vld [tilespmem:s15+$0x50];
	p0 =	slt.u32 s14, $0x4C;
	[tilespmem:s21+$0x20] =	vst v27  }
0x279: {  	v31 =	vmul.f32 v41, v15;
	v27 =	vmul.f32 v41, v13;
	v13 =	vadd.f32 v45, v33;
	v35 =	vld [tilespmem:s15+$0x60];
	[tilespmem:s21+$0x30] =	vst v9;
	s21 =	smov.u32 s22  }
0x27a: {  	v15 =	vmul.f32 v37, v32;
	v9 =	vmul.f32 v41, v11;
	v11 =	vadd.f32 v43, v28;
	v14 =	vld [tilespmem:s8+$0xFFFFFFF0];
	[tilespmem:s22+$0x50] =	vst v12  }
0x27b: {  	v17 =	vmul.f32 v19, v37;
	v12 =	vmul.f32 v18, v37;
	v41 =	vld [tilespmem:s15+$0x70];
	[tilespmem:s22+$0x60] =	vst v13  }
0x27c: {  	s16 =	sadd.s32 $0x80, s16;
	v13 =	vadd.f32 v38, v15;
	v28 =	vld [tilespmem:s8+$0x0];
	v29 =	vperm.xlane v46, v1;
	v32 =	vperm.xlane v46, v2;
	[tilespmem:s22+$0x70] =	vst v11  }
0x27d: {  	v15 =	vmul.f32 v21, v37;
	v38 =	vperm.xlane v46, v3;
	v11 =	vadd.f32 v12, v40;
	v43 =	vld [tilespmem:s16+$0x20]  }
0x27e: {  	v21 =	vld [tilespmem:s15+$0x40];
	v18 =	vmul.f32 v36, v29;
	v19 =	vmul.f32 v35, v32;
	[tilespmem:s22+$0xFFFFFF80] =	vst v13;
	v13 =	vadd.f32 v17, v39  }
0x27f: {  	v17 =	vperm.xlane v14, v1;
	v12 =	vperm.xlane v14, v2;
	v33 =	vld [tilespmem:s16+$0x30];
	[tilespmem:s22+$0xFFFFFF90] =	vst v11;
	v11 =	vadd.f32 v15, v26  }
0x280: {  	v14 =	vperm.xlane v14, v3;
	v26 =	vld [tilespmem:s8+$0xFFFFFFE0];
	v37 =	vadd.f32 v19, v18;
	v39 =	vmul.f32 v41, v38;
	[tilespmem:s22+$0xFFFFFFA0] =	vst v13  }
0x281: {  	v18 =	vld [tilespmem:s15+$0xFFFFFF90];
	v15 =	vperm.xlane v28, v1;
	v13 =	vperm.xlane v28, v2;
	[tilespmem:s22+$0xFFFFFFB0] =	vst v11  }
0x282: {  	v25 =	vmul.f32 v24, v25;
	v11 =	vperm.xlane v28, v3;
	v19 =	vld [tilespmem:s15+$0xFFFFFFA0];
	v28 =	vadd.f32 v39, v37  }
0x283: {  	v37 =	vmul.f32 v7, v24;
	v39 =	vmul.f32 v8, v24;
	v7 =	vld [tilespmem:s15+$0xFFFFFFD0]  }
0x284: {  	v25 =	vadd.f32 v34, v25;
	v40 =	vmul.f32 v43, v21;
	v8 =	vld [tilespmem:s15+$0xFFFFFFE0];
	v28 =	vmul.f32 v28, v33  }
0x285: {  	v37 =	vadd.f32 v37, v44;
	v46 =	vperm.xlane v26, v1;
	v48 =	vperm.xlane v26, v2;
	v34 =	vld [tilespmem:s15+$0x10]  }
0x286: {  	v44 =	vmul.f32 v33, v21;
	v26 =	vperm.xlane v26, v3;
	v42 =	vld [tilespmem:s15+$0x20];
	v28 =	vadd.f32 v28, v40;
	[tilespmem:s22+$0xFFFFFFC0] =	vst v25  }
0x287: {  	s22 =	sadd.s32 $0x100, s22;
	v21 =	vld [tilespmem:s15+$0xFFFFFFB0];
	v25 =	vmul.f32 v18, v46;
	v33 =	vmul.f32 v19, v48;
	[tilespmem:s21+$0xFFFFFFD0] =	vst v37;
	v37 =	vadd.f32 v39, v47  }
0x288: {  	v29 =	vmul.f32 v44, v29;
	v39 =	vld [tilespmem:s15+$0xFFFFFFF0];
	v40 =	vmul.f32 v7, v17;
	[tilespmem:s22+$0x40] =	vst v28  }
0x289: {  	v45 =	vadd.f32 v33, v25;
	v25 =	vmul.f32 v8, v12;
	v47 =	vld [tilespmem:s15+$0x30];
	v33 =	vmul.f32 v44, v32;
	[tilespmem:s21+$0xFFFFFFE0] =	vst v37  }
0x28a: {  	v28 =	vmul.f32 v44, v38;
	v32 =	vld [tilespmem:s15+$0xFFFFFF80];
	v37 =	vmul.f32 v34, v15  }
0x28b: {  	v49 =	vmul.f32 v16, v24;
	v38 =	vld [tilespmem:s16+$0xFFFFFFD0];
	v40 =	vadd.f32 v25, v40;
	v44 =	vmul.f32 v42, v13  }
0x28c: {  	v50 =	vmul.f32 v22, v20;
	v56 =	vmul.f32 v21, v26;
	v25 =	vld [tilespmem:s15+$0xFFFFFFC0]  }
0x28d: {  	v53 =	vmul.f32 v5, v22;
	v5 =	vmovc v34;
	v51 =	vld [tilespmem:s16+$0xFFFFFFF0];
	v24 =	vmul.f32 v39, v14;
	v52 =	vadd.f32 v44, v37  }
0x28e: {  	v54 =	vmul.f32 v6, v22;
	v6 =	vmovc v42;
	v34 =	vadd.f32 v56, v45;
	v20 =	vld [tilespmem:s15+$0x0];
	v45 =	vmul.f32 v47, v11  }
0x28f: {  	v42 =	vmul.f32 v36, v43;
	v36 =	vmul.f32 v10, v22;
	v16 =	vmovc v39;
	v40 =	vadd.f32 v24, v40;
	v55 =	vld [tilespmem:s16+$0x10]  }
.Ltmp4:
0x290: {  	v10 =	vmovc v47;
	v37 =	vld [tilespmem:s16+$0xFFFFFFC0];
	v44 =	vmul.f32 v38, v32;
	v38 =	vmul.f32 v34, v38;
	v52 =	vadd.f32 v45, v52;
	(pc) =	sbr.rel @p0 .LBB2_12-.Ltmp4, $4  }
0x291: {  	v23 =	vadd.f32 v23, v50;
	v45 =	vmul.f32 v35, v43;
	v43 =	vmul.f32 v41, v43;
	v24 =	vld [tilespmem:s16+$0xFFFFFFE0]  }
0x292: {  	v47 =	vadd.f32 v49, v30;
	v35 =	vmul.f32 v51, v25;
	v34 =	vmul.f32 v40, v51;
	v22 =	vld [tilespmem:s16+$0x0]  }
0x293: {  	v30 =	vadd.f32 v53, v31;
	v40 =	vmul.f32 v44, v46;
	v39 =	vmul.f32 v44, v48;
	[tilespmem:s21+$0x0] =	vst v23  }
0x294: {  	v27 =	vadd.f32 v54, v27;
	s8 =	sadd.s32 $0x40, s8;
	v41 =	vmul.f32 v55, v20;
	v23 =	vmul.f32 v52, v55;
	[tilespmem:s21+$0xFFFFFFF0] =	vst v47  }
0x295: {  	[tilespmem:s21+$0x10] =	vst v30;
	v9 =	vadd.f32 v36, v9  }
0x296: {  	v29 =	vadd.f32 v42, v29;
	[tilespmem:s21+$0x20] =	vst v27  }
0x297: {  	v53 =	vadd.f32 v45, v33;
	v54 =	vmul.f32 v37, v32;
	[tilespmem:s21+$0x30] =	vst v9  }
0x298: {  	v28 =	vadd.f32 v43, v28;
	v18 =	vmul.f32 v18, v37;
	[tilespmem:s22+$0x50] =	vst v29  }
0x299: {  	v19 =	vmul.f32 v19, v37;
	[tilespmem:s22+$0x60] =	vst v53;
	v9 =	vadd.f32 v38, v54  }
0x29a: {  	v26 =	vmul.f32 v44, v26;
	v21 =	vmul.f32 v21, v37;
	[tilespmem:s22+$0x70] =	vst v28;
	v18 =	vadd.f32 v18, v40  }
0x29b: {  	v56 =	vmul.f32 v24, v25;
	v55 =	vadd.f32 v19, v39;
	[tilespmem:s22+$0xFFFFFF80] =	vst v9  }
0x29c: {  	v17 =	vmul.f32 v35, v17;
	v7 =	vmul.f32 v7, v24;
	v57 =	vadd.f32 v21, v26;
	[tilespmem:s22+$0xFFFFFF90] =	vst v18  }
0x29d: {  	v12 =	vmul.f32 v35, v12;
	v8 =	vmul.f32 v8, v24;
	v58 =	vadd.f32 v34, v56;
	[tilespmem:s22+$0xFFFFFFA0] =	vst v55  }
0x29e: {  	v14 =	vmul.f32 v35, v14;
	v60 =	vmul.f32 v16, v24;
	v7 =	vadd.f32 v7, v17;
	[tilespmem:s22+$0xFFFFFFB0] =	vst v57  }
0x29f: {  	v61 =	vmul.f32 v41, v15;
	v5 =	vmul.f32 v5, v22;
	v8 =	vadd.f32 v8, v12;
	[tilespmem:s22+$0xFFFFFFC0] =	vst v58  }
0x2a0: {  	v13 =	vmul.f32 v41, v13;
	v6 =	vmul.f32 v6, v22;
	v62 =	vadd.f32 v60, v14;
	[tilespmem:s22+$0xFFFFFFD0] =	vst v7  }
0x2a1: {  	s20 =	sadd.s32 $0x1, s20;
	v59 =	vmul.f32 v22, v20;
	v5 =	vadd.f32 v5, v61;
	[tilespmem:s22+$0xFFFFFFE0] =	vst v8  }
0x2a2: {  	v63 =	vmul.f32 v41, v11;
	p0 =	sne.s32 s20, $0x1F;
	v10 =	vmul.f32 v10, v22;
	v6 =	vadd.f32 v6, v13;
	[tilespmem:s22+$0xFFFFFFF0] =	vst v62  }
.Ltmp5:
0x2a3: {  	v7 =	vadd.f32 v23, v59;
	[tilespmem:s22+$0x10] =	vst v5;
	(pc) =	sbr.rel @p0 .LBB2_5-.Ltmp5, $4  }
0x2a4: {  	v5 =	vadd.f32 v10, v63;
	[tilespmem:s22+$0x20] =	vst v6  }
0x2a5: {  	[tilespmem:s22+$0x0] =	vst v7  }
0x2a6: {  	s8 =	sadd.s32 $0x9D30, s9;
	s29 =	simm.s32 $0x16D00;
	[tilespmem:s22+$0x30] =	vst v5  }
0x2a7: {  	[spmem:s3] =	stream.indirect.scatter.add.f32 [tilespmem:s29], [sflag:$0x6], $0x40, s8, s30, $0xb8;
	[tilespmem:$0x1A040] =	vst v63  }
0x2a8: {  	s8 =	simm.s32 $0x4  }
0x2a9: {  	_ =	swait.ge [sflag:s8], $0x1400  }
0x2aa: {  	[sflag:s8] =	ssyncset.done $0x0  }
0x2ab: {  	[sflag:s8] =	ssyncadd.s32 $0xFFFFEC00  }
0x2ac: {  	_ =	swait.ge [sflag:s24], $0x1400  }
0x2ad: {  	[sflag:s24] =	ssyncset.done $0x0  }
0x2ae: {  	[sflag:s24] =	ssyncadd.s32 $0xFFFFEC00  }
0x2af: {  	_ =	swait.ge [sflag:s24], $0xA00  }
0x2b0: {  	[sflag:s24] =	ssyncset.done $0x0  }
0x2b1: {  	[sflag:s24] =	ssyncadd.s32 $0xFFFFF600  }
0x2b2: {  	_ =	swait.ge [sflag:s24], $0x500  }
0x2b3: {  	[sflag:s24] =	ssyncset.done $0x0  }
0x2b4: {  	s9 =	simm.s32 $0x12720;
	[sflag:s24] =	ssyncadd.s32 $0xFFFFFB00  }
0x2b5: {  	s14 =	simm.s32 $0xEB80;
	v4 =	vld [tilespmem:s9+$0x10]  }
0x2b6: {  	v5 =	vld [tilespmem:s14+$0x50]  }
0x2b7: {  	v6 =	vld [tilespmem:s14+$0x60]  }
0x2b8: {  	v7 =	vld [tilespmem:s9+$0xFFFFFFF0]  }
0x2b9: {  	s26 =	simm.s32 $0x11340;
	v9 =	vld [tilespmem:s9+$0x0]  }
0x2ba: {  	v10 =	vld [tilespmem:s26+$0x20]  }
0x2bb: {  	v13 =	vld [tilespmem:s14+$0x40]  }
0x2bc: {  	v14 =	vld [tilespmem:s26+$0x30]  }
0x2bd: {  	v17 =	vld [tilespmem:s9+$0xFFFFFFE0]  }
0x2be: {  	v20 =	vld [tilespmem:s14+$0xFFFFFFA0]  }
0x2bf: {  	v35 =	vld [tilespmem:s14+$0xFFFFFF80];
	v11 =	vperm.xlane v4, v1  }
0x2c0: {  	s29 =	simm.s32 $0x12760;
	v37 =	vld [tilespmem:s26+$0xFFFFFFD0];
	v12 =	vperm.xlane v4, v2;
	v4 =	vperm.xlane v4, v3  }
0x2c1: {  	v55 =	vld [tilespmem:s29+$0xFFFFFFE0];
	v23 =	vperm.xlane v7, v1;
	v24 =	vperm.xlane v7, v2  }
0x2c2: {  	v25 =	vld [tilespmem:s14+$0xFFFFFFD0];
	v7 =	vperm.xlane v7, v3;
	v26 =	vperm.xlane v9, v1  }
0x2c3: {  	v27 =	vld [tilespmem:s14+$0xFFFFFFE0];
	v28 =	vmul.f32 v10, v13;
	v29 =	vperm.xlane v17, v1  }
0x2c4: {  	v19 =	vld [tilespmem:s14+$0x10];
	v30 =	vperm.xlane v17, v2;
	v17 =	vperm.xlane v17, v3  }
0x2c5: {  	v31 =	vld [tilespmem:s14+$0xFFFFFFB0];
	v13 =	vmul.f32 v14, v13;
	v62 =	vmul.f32 v37, v35  }
0x2c6: {  	v33 =	vld [tilespmem:s14+$0xFFFFFFF0];
	v57 =	vperm.xlane v55, v1;
	v58 =	vperm.xlane v55, v2  }
0x2c7: {  	v15 =	vmul.f32 v5, v11;
	v16 =	vmul.f32 v6, v12  }
0x2c8: {  	v8 =	vld [tilespmem:s14+$0x70];
	v32 =	vmul.f32 v20, v30;
	v34 =	vmul.f32 v25, v23  }
0x2c9: {  	v11 =	vmul.f32 v13, v11;
	v36 =	vmul.f32 v27, v24  }
0x2ca: {  	v12 =	vmul.f32 v13, v12;
	v59 =	vmul.f32 v19, v26  }
0x2cb: {  	v21 =	vld [tilespmem:s14+$0x20];
	v38 =	vmul.f32 v31, v17;
	v60 =	vmul.f32 v33, v7  }
0x2cc: {  	v48 =	vld [tilespmem:s29+$0x0];
	v5 =	vmul.f32 v5, v10;
	v6 =	vmul.f32 v6, v10  }
0x2cd: {  	v40 =	vld [tilespmem:s26+$0xFFFFFFF0];
	v10 =	vmul.f32 v8, v10;
	v30 =	vmul.f32 v62, v30  }
0x2ce: {  	v18 =	vld [tilespmem:s14+$0xFFFFFF90];
	v15 =	vadd.f32 v16, v15;
	v16 =	vmul.f32 v8, v4;
	v34 =	vadd.f32 v36, v34  }
0x2cf: {  	v22 =	vld [tilespmem:s14+$0x30];
	v4 =	vmul.f32 v13, v4;
	v36 =	vmul.f32 v62, v17  }
0x2d0: {  	v39 =	vld [tilespmem:s14+$0xFFFFFFC0];
	s9 =	simm.s32 $0xEC80;
	v15 =	vadd.f32 v16, v15;
	v16 =	vperm.xlane v9, v2;
	v34 =	vadd.f32 v60, v34  }
0x2d1: {  	v53 =	vadd.f32 v6, v12;
	v17 =	vld [tilespmem:s9+$0xFFFFFF90];
	v12 =	vperm.xlane v48, v2;
	v9 =	vperm.xlane v9, v3  }
0x2d2: {  	v13 =	vmul.f32 v21, v16;
	v63 =	vmul.f32 v34, v40;
	v34 =	vld [tilespmem:s26+$0xFFFFFFE0]  }
0x2d3: {  	v15 =	vmul.f32 v15, v14;
	v14 =	vmul.f32 v18, v29  }
0x2d4: {  	v56 =	vadd.f32 v10, v4;
	v61 =	vmul.f32 v22, v9;
	v13 =	vadd.f32 v13, v59  }
0x2d5: {  	v41 =	vld [tilespmem:s26+$0x10];
	v10 =	vperm.xlane v48, v3;
	v29 =	vmul.f32 v62, v29;
	v14 =	vadd.f32 v32, v14  }
0x2d6: {  	v62 =	vmul.f32 v17, v57;
	v59 =	vld [tilespmem:s29+$0x10];
	v8 =	vadd.f32 v61, v13;
	v13 =	vmul.f32 v40, v39  }
0x2d7: {  	s15 =	simm.s32 $0x113C0;
	v14 =	vadd.f32 v38, v14;
	v38 =	vld [tilespmem:s14+$0x0];
	v39 =	vmul.f32 v34, v39;
	v60 =	vmul.f32 v25, v34  }
0x2d8: {  	s16 =	simm.s32 $0x13180;
	v51 =	vld [tilespmem:s15+$0x20];
	v27 =	vmul.f32 v27, v34;
	v25 =	vperm.xlane v55, v3  }
0x2d9: {  	v54 =	vld [tilespmem:s15+$0x30];
	[tilespmem:s16+$0x60] =	vst v53;
	v53 =	vmul.f32 v33, v34;
	v37 =	vmul.f32 v14, v37  }
0x2da: {  	v14 =	vld [tilespmem:s26+$0xFFFFFFC0];
	v45 =	vmul.f32 v8, v41;
	v23 =	vmul.f32 v13, v23  }
0x2db: {  	v43 =	vld [tilespmem:s9+$0x50];
	v24 =	vmul.f32 v13, v24;
	v46 =	vmul.f32 v13, v7  }
0x2dc: {  	v44 =	vld [tilespmem:s9+$0x60];
	v49 =	vperm.xlane v59, v1;
	v42 =	vmul.f32 v41, v38  }
0x2dd: {  	v7 =	vld [tilespmem:s29+$0xFFFFFFF0];
	v50 =	vperm.xlane v59, v2;
	v41 =	vperm.xlane v59, v3  }
0x2de: {  	v52 =	vld [tilespmem:s9+$0x40];
	v26 =	vmul.f32 v42, v26;
	v47 =	vmul.f32 v42, v16  }
0x2df: {  	v15 =	vadd.f32 v15, v28;
	v40 =	vld [tilespmem:s26+$0x0];
	v35 =	vmul.f32 v14, v35;
	v8 =	vmul.f32 v42, v9  }
0x2e0: {  	v42 =	vld [tilespmem:s9+$0x70];
	v9 =	vmul.f32 v18, v14;
	v20 =	vmul.f32 v20, v14  }
0x2e1: {  	[tilespmem:s16+$0x40] =	vst v15;
	v15 =	vld [tilespmem:s9+$0xFFFFFFF0];
	v28 =	vmul.f32 v31, v14;
	v31 =	vadd.f32 v5, v11;
	v5 =	vmul.f32 v43, v49  }
0x2e2: {  	v39 =	vadd.f32 v63, v39;
	v14 =	vmul.f32 v44, v50;
	v16 =	vperm.xlane v7, v1;
	v18 =	vld [tilespmem:s9+$0xFFFFFFA0]  }
0x2e3: {  	v11 =	vperm.xlane v7, v2;
	v13 =	vperm.xlane v7, v3;
	v7 =	vld [tilespmem:s9+$0xFFFFFFE0];
	v29 =	vadd.f32 v9, v29  }
0x2e4: {  	v9 =	vmul.f32 v51, v52;
	v30 =	vadd.f32 v20, v30;
	v52 =	vmul.f32 v54, v52;
	v20 =	vld [tilespmem:s9+$0xFFFFFFB0]  }
0x2e5: {  	v38 =	vmul.f32 v40, v38;
	v5 =	vadd.f32 v14, v5;
	[tilespmem:s16+$0x50] =	vst v31;
	v31 =	vld [tilespmem:s9+$0xFFFFFF80];
	v6 =	vmul.f32 v42, v41  }
0x2e6: {  	v44 =	vmul.f32 v44, v51;
	v32 =	vmul.f32 v52, v50;
	v50 =	vadd.f32 v27, v24;
	v24 =	vld [tilespmem:s9+$0xFFFFFFC0]  }
0x2e7: {  	v14 =	vperm.xlane v48, v1;
	v35 =	vadd.f32 v37, v35;
	v4 =	vadd.f32 v6, v5;
	v6 =	vld [tilespmem:s9+$0xFFFFFFD0]  }
0x2e8: {  	v36 =	vadd.f32 v28, v36;
	v28 =	vmul.f32 v52, v49;
	v63 =	vmul.f32 v18, v58;
	v5 =	vld [tilespmem:s9+$0x20]  }
0x2e9: {  	v23 =	vadd.f32 v60, v23;
	v27 =	vmul.f32 v52, v41;
	v61 =	vmul.f32 v4, v54;
	v4 =	vld [tilespmem:s9+$0x10]  }
0x2ea: {  	[tilespmem:s16+$0xFFFFFF80] =	vst v35;
	v35 =	vmul.f32 v22, v40;
	v60 =	vmul.f32 v7, v11;
	v62 =	vadd.f32 v63, v62;
	v63 =	vld [tilespmem:s15+$0xFFFFFFD0]  }
0x2eb: {  	[tilespmem:s16+$0x70] =	vst v56;
	v41 =	vmul.f32 v43, v51;
	v56 =	vmul.f32 v20, v25;
	v48 =	vadd.f32 v61, v9;
	v9 =	vld [tilespmem:s9+$0x30]  }
0x2ec: {  	[tilespmem:s16+$0xFFFFFFA0] =	vst v30;
	v30 =	vld [tilespmem:s15+$0xFFFFFFF0];
	v42 =	vmul.f32 v42, v51;
	v59 =	vmul.f32 v6, v16  }
0x2ed: {  	[tilespmem:s16+$0xFFFFFFC0] =	vst v39;
	v34 =	vadd.f32 v56, v62;
	v62 =	vmul.f32 v21, v40;
	v55 =	vmul.f32 v5, v12  }
0x2ee: {  	[tilespmem:s16+$0xFFFFFF90] =	vst v29;
	v22 =	vld [tilespmem:s15+$0x10];
	v61 =	vmul.f32 v4, v14;
	v29 =	vadd.f32 v60, v59;
	v59 =	vmul.f32 v15, v13  }
0x2ef: {  	[tilespmem:s16+$0xFFFFFFD0] =	vst v23;
	v37 =	vmul.f32 v34, v63;
	v60 =	vmul.f32 v19, v40;
	v19 =	vld [tilespmem:s9+$0x0]  }
0x2f0: {  	[tilespmem:s16+$0xFFFFFFB0] =	vst v36;
	v33 =	vadd.f32 v55, v61;
	v61 =	vmul.f32 v9, v10;
	v21 =	vadd.f32 v59, v29  }
0x2f1: {  	s19 =	simm.s32 $0x13280;
	[tilespmem:s16+$0xFFFFFFE0] =	vst v50;
	v43 =	vmul.f32 v63, v31;
	v34 =	vmul.f32 v30, v24;
	v29 =	vadd.f32 v45, v38  }
0x2f2: {  	v23 =	vld [tilespmem:s15+$0xFFFFFFE0];
	[tilespmem:s19+$0x40] =	vst v48;
	v63 =	vadd.f32 v61, v33;
	v33 =	vmul.f32 v21, v30;
	v30 =	vadd.f32 v53, v46  }
0x2f3: {  	v36 =	vld [tilespmem:s15+$0xFFFFFFC0];
	v39 =	vmul.f32 v43, v57;
	v38 =	vmul.f32 v43, v58;
	[tilespmem:s16+$0x0] =	vst v29;
	v29 =	vadd.f32 v60, v26  }
0x2f4: {  	s8 =	simm.s32 $0x127A0;
	s14 =	simm.s32 $0x4;
	v21 =	vld [tilespmem:s15+$0x0];
	v26 =	vadd.f32 v62, v47;
	v40 =	vmul.f32 v22, v19;
	v22 =	vmul.f32 v63, v22;
	[tilespmem:s16+$0xFFFFFFF0] =	vst v30  }
.LBB2_15:
0x2f5: {  	v45 =	vld [tilespmem:s8+$0x10];
	s14 =	sadd.s32 $0x4, s14;
	v25 =	vmul.f32 v43, v25;
	v43 =	vmul.f32 v34, v16;
	s9 =	sadd.s32 $0x100, s9;
	[tilespmem:s16+$0x10] =	vst v29;
	v8 =	vadd.f32 v35, v8  }
0x2f6: {  	v46 =	vmul.f32 v34, v11;
	v29 =	vmul.f32 v34, v13;
	v11 =	vadd.f32 v41, v28;
	v35 =	vld [tilespmem:s9+$0x50];
	p0 =	slt.u32 s14, $0x4C;
	[tilespmem:s16+$0x20] =	vst v26  }
0x2f7: {  	v30 =	vmul.f32 v40, v14;
	v26 =	vmul.f32 v40, v12;
	v12 =	vadd.f32 v44, v32;
	v34 =	vld [tilespmem:s9+$0x60];
	[tilespmem:s16+$0x30] =	vst v8;
	s16 =	smov.u32 s19  }
0x2f8: {  	v14 =	vmul.f32 v36, v31;
	v8 =	vmul.f32 v40, v10;
	v10 =	vadd.f32 v42, v27;
	v13 =	vld [tilespmem:s8+$0xFFFFFFF0];
	[tilespmem:s19+$0x50] =	vst v11  }
0x2f9: {  	v16 =	vmul.f32 v18, v36;
	v11 =	vmul.f32 v17, v36;
	v40 =	vld [tilespmem:s9+$0x70];
	[tilespmem:s19+$0x60] =	vst v12  }
0x2fa: {  	s15 =	sadd.s32 $0x80, s15;
	v12 =	vadd.f32 v37, v14;
	v27 =	vld [tilespmem:s8+$0x0];
	v28 =	vperm.xlane v45, v1;
	v31 =	vperm.xlane v45, v2;
	[tilespmem:s19+$0x70] =	vst v10  }
0x2fb: {  	v14 =	vmul.f32 v20, v36;
	v37 =	vperm.xlane v45, v3;
	v10 =	vadd.f32 v11, v39;
	v42 =	vld [tilespmem:s15+$0x20]  }
0x2fc: {  	v20 =	vld [tilespmem:s9+$0x40];
	v17 =	vmul.f32 v35, v28;
	v18 =	vmul.f32 v34, v31;
	[tilespmem:s19+$0xFFFFFF80] =	vst v12;
	v12 =	vadd.f32 v16, v38  }
0x2fd: {  	v16 =	vperm.xlane v13, v1;
	v11 =	vperm.xlane v13, v2;
	v32 =	vld [tilespmem:s15+$0x30];
	[tilespmem:s19+$0xFFFFFF90] =	vst v10;
	v10 =	vadd.f32 v14, v25  }
0x2fe: {  	v13 =	vperm.xlane v13, v3;
	v25 =	vld [tilespmem:s8+$0xFFFFFFE0];
	v36 =	vadd.f32 v18, v17;
	v38 =	vmul.f32 v40, v37;
	[tilespmem:s19+$0xFFFFFFA0] =	vst v12  }
0x2ff: {  	v17 =	vld [tilespmem:s9+$0xFFFFFF90];
	v14 =	vperm.xlane v27, v1;
	v12 =	vperm.xlane v27, v2;
	[tilespmem:s19+$0xFFFFFFB0] =	vst v10  }
0x300: {  	v24 =	vmul.f32 v23, v24;
	v10 =	vperm.xlane v27, v3;
	v18 =	vld [tilespmem:s9+$0xFFFFFFA0];
	v27 =	vadd.f32 v38, v36  }
0x301: {  	v36 =	vmul.f32 v6, v23;
	v38 =	vmul.f32 v7, v23;
	v6 =	vld [tilespmem:s9+$0xFFFFFFD0]  }
0x302: {  	v24 =	vadd.f32 v33, v24;
	v39 =	vmul.f32 v42, v20;
	v7 =	vld [tilespmem:s9+$0xFFFFFFE0];
	v27 =	vmul.f32 v27, v32  }
0x303: {  	v36 =	vadd.f32 v36, v43;
	v45 =	vperm.xlane v25, v1;
	v47 =	vperm.xlane v25, v2;
	v33 =	vld [tilespmem:s9+$0x10]  }
0x304: {  	v43 =	vmul.f32 v32, v20;
	v25 =	vperm.xlane v25, v3;
	v41 =	vld [tilespmem:s9+$0x20];
	v27 =	vadd.f32 v27, v39;
	[tilespmem:s19+$0xFFFFFFC0] =	vst v24  }
0x305: {  	s19 =	sadd.s32 $0x100, s19;
	v20 =	vld [tilespmem:s9+$0xFFFFFFB0];
	v24 =	vmul.f32 v17, v45;
	v32 =	vmul.f32 v18, v47;
	[tilespmem:s16+$0xFFFFFFD0] =	vst v36;
	v36 =	vadd.f32 v38, v46  }
0x306: {  	v28 =	vmul.f32 v43, v28;
	v38 =	vld [tilespmem:s9+$0xFFFFFFF0];
	v39 =	vmul.f32 v6, v16;
	[tilespmem:s19+$0x40] =	vst v27  }
0x307: {  	v44 =	vadd.f32 v32, v24;
	v24 =	vmul.f32 v7, v11;
	v46 =	vld [tilespmem:s9+$0x30];
	v32 =	vmul.f32 v43, v31;
	[tilespmem:s16+$0xFFFFFFE0] =	vst v36  }
0x308: {  	v27 =	vmul.f32 v43, v37;
	v31 =	vld [tilespmem:s9+$0xFFFFFF80];
	v36 =	vmul.f32 v33, v14  }
0x309: {  	v48 =	vmul.f32 v15, v23;
	v37 =	vld [tilespmem:s15+$0xFFFFFFD0];
	v39 =	vadd.f32 v24, v39;
	v43 =	vmul.f32 v41, v12  }
0x30a: {  	v49 =	vmul.f32 v21, v19;
	v55 =	vmul.f32 v20, v25;
	v24 =	vld [tilespmem:s9+$0xFFFFFFC0]  }
0x30b: {  	v52 =	vmul.f32 v4, v21;
	v4 =	vmovc v33;
	v50 =	vld [tilespmem:s15+$0xFFFFFFF0];
	v23 =	vmul.f32 v38, v13;
	v51 =	vadd.f32 v43, v36  }
0x30c: {  	v53 =	vmul.f32 v5, v21;
	v5 =	vmovc v41;
	v33 =	vadd.f32 v55, v44;
	v19 =	vld [tilespmem:s9+$0x0];
	v44 =	vmul.f32 v46, v10  }
0x30d: {  	v41 =	vmul.f32 v35, v42;
	v35 =	vmul.f32 v9, v21;
	v15 =	vmovc v38;
	v39 =	vadd.f32 v23, v39;
	v54 =	vld [tilespmem:s15+$0x10]  }
.Ltmp6:
0x30e: {  	v9 =	vmovc v46;
	v36 =	vld [tilespmem:s15+$0xFFFFFFC0];
	v43 =	vmul.f32 v37, v31;
	v37 =	vmul.f32 v33, v37;
	v51 =	vadd.f32 v44, v51;
	(pc) =	sbr.rel @p0 .LBB2_15-.Ltmp6, $4  }
0x30f: {  	v22 =	vadd.f32 v22, v49;
	v44 =	vmul.f32 v34, v42;
	v42 =	vmul.f32 v40, v42;
	v23 =	vld [tilespmem:s15+$0xFFFFFFE0]  }
0x310: {  	v46 =	vadd.f32 v48, v29;
	v34 =	vmul.f32 v50, v24;
	v33 =	vmul.f32 v39, v50;
	v21 =	vld [tilespmem:s15+$0x0]  }
0x311: {  	v29 =	vadd.f32 v52, v30;
	v39 =	vmul.f32 v43, v45;
	v38 =	vmul.f32 v43, v47;
	[tilespmem:s16+$0x0] =	vst v22  }
0x312: {  	v26 =	vadd.f32 v53, v26;
	s8 =	sadd.s32 $0x40, s8;
	v40 =	vmul.f32 v54, v19;
	v22 =	vmul.f32 v51, v54;
	[tilespmem:s16+$0xFFFFFFF0] =	vst v46  }
0x313: {  	[tilespmem:s16+$0x10] =	vst v29;
	v8 =	vadd.f32 v35, v8  }
0x314: {  	v28 =	vadd.f32 v41, v28;
	[tilespmem:s16+$0x20] =	vst v26  }
0x315: {  	v52 =	vadd.f32 v44, v32;
	v53 =	vmul.f32 v36, v31;
	[tilespmem:s16+$0x30] =	vst v8  }
0x316: {  	v27 =	vadd.f32 v42, v27;
	v17 =	vmul.f32 v17, v36;
	[tilespmem:s19+$0x50] =	vst v28  }
0x317: {  	v18 =	vmul.f32 v18, v36;
	[tilespmem:s19+$0x60] =	vst v52;
	v8 =	vadd.f32 v37, v53  }
0x318: {  	v25 =	vmul.f32 v43, v25;
	v20 =	vmul.f32 v20, v36;
	[tilespmem:s19+$0x70] =	vst v27;
	v17 =	vadd.f32 v17, v39  }
0x319: {  	v55 =	vmul.f32 v23, v24;
	v54 =	vadd.f32 v18, v38;
	[tilespmem:s19+$0xFFFFFF80] =	vst v8  }
0x31a: {  	v16 =	vmul.f32 v34, v16;
	v6 =	vmul.f32 v6, v23;
	v56 =	vadd.f32 v20, v25;
	[tilespmem:s19+$0xFFFFFF90] =	vst v17  }
0x31b: {  	v11 =	vmul.f32 v34, v11;
	v7 =	vmul.f32 v7, v23;
	v57 =	vadd.f32 v33, v55;
	[tilespmem:s19+$0xFFFFFFA0] =	vst v54  }
0x31c: {  	v13 =	vmul.f32 v34, v13;
	v59 =	vmul.f32 v15, v23;
	v6 =	vadd.f32 v6, v16;
	[tilespmem:s19+$0xFFFFFFB0] =	vst v56  }
0x31d: {  	v58 =	vmul.f32 v21, v19;
	v7 =	vadd.f32 v7, v11;
	[tilespmem:s19+$0xFFFFFFC0] =	vst v57  }
0x31e: {  	v60 =	vmul.f32 v40, v14;
	v4 =	vmul.f32 v4, v21;
	v62 =	vadd.f32 v59, v13;
	[tilespmem:s19+$0xFFFFFFD0] =	vst v6  }
0x31f: {  	v12 =	vmul.f32 v40, v12;
	v5 =	vmul.f32 v5, v21;
	v61 =	vadd.f32 v22, v58;
	[tilespmem:s19+$0xFFFFFFE0] =	vst v7  }
0x320: {  	v63 =	vmul.f32 v40, v10;
	v9 =	vmul.f32 v9, v21;
	v4 =	vadd.f32 v4, v60;
	[tilespmem:s19+$0xFFFFFFF0] =	vst v62  }
0x321: {  	v5 =	vadd.f32 v5, v12;
	[tilespmem:s19+$0x0] =	vst v61  }
0x322: {  	[tilespmem:s19+$0x10] =	vst v4;
	v4 =	vadd.f32 v9, v63  }
0x323: {  	[tilespmem:s19+$0x20] =	vst v5  }
0x324: {  	s8 =	simm.s32 $0x13100;
	s9 =	simm.s32 $0xC300;
	s14 =	simm.s32 $0x5;
	[tilespmem:s19+$0x30] =	vst v4  }
0x325: {  	[spmem:s3] =	stream.indirect.scatter.add.f32 [tilespmem:s8], [sflag:$0x3], $0x40, s9, s30, $0xb8;
	[tilespmem:$0x1A040] =	vst v63  }
0x326: {  	_ =	swait.ge [sflag:s14], $0x1400  }
0x327: {  	[sflag:s14] =	ssyncset.done $0x0  }
0x328: {  	s15 =	simm.s32 $0x6;
	[sflag:s14] =	ssyncadd.s32 $0xFFFFEC00  }
0x329: {  	_ =	swait.ge [sflag:s15], $0x1400  }
0x32a: {  	[sflag:s15] =	ssyncset.done $0x0  }
0x32b: {  	[sflag:s15] =	ssyncadd.s32 $0xFFFFEC00  }
0x32c: {  	_ =	swait.ge [sflag:s23], $0x1400  }
0x32d: {  	s16 =	rddreg [dreg:$0x17];
	[sflag:s23] =	ssyncset.done $0x0  }
0x32e: {  	s8 =	smul.u32 $0x9C400, s16;
	[sflag:s23] =	ssyncadd.s32 $0xFFFFEC00  }
0x32f: {  	s26 =	simm.s32 $0x7;
	s19 =	rddreg [dreg:$0x4];
	[bflag:$0x0] =	sbarrier.arrive $0xFFFF  }
0x330: {  	s14 =	stileid.u32;
	s9 =	sadd.s32 s19, s8;
	s16 =	rddreg [dreg:$0x5]  }
0x331: {  	s14 =	sshll.u32 s14, $0x6;
	s19 =	rddreg [dreg:$0xa];
	s9 =	sshrl.u32 s9, $0x3  }
0x332: {  	s14 =	sor.u32 $0x1C07, s14;
	s15 =	sshrl.u32 s19, $0x3;
	s9 =	sadd.s32 s16, s9  }
0x333: {  	[hbm:s9], [sflag:s14] =	dma.local [spmem:s15], $0x3E8  }
0x334: {  	_ =	swait.ge [sflag:s26], $0x3E8  }
0x335: {  	s20 =	rddreg [dreg:$0x8]  }
0x336: {  	s9 =	sadd.s32 s20, s8  }
0x337: {  	[sflag:s26] =	ssyncset.done $0x0;
	s20 =	rddreg [dreg:$0xb];
	s9 =	sshrl.u32 s9, $0x3  }
0x338: {  	[sflag:s26] =	ssyncadd.s32 $0xFFFFFC18;
	s21 =	sshrl.u32 s20, $0x3;
	s9 =	sadd.s32 s16, s9  }
0x339: {  	[hbm:s9], [sflag:s14] =	dma.local [spmem:s21], $0x3E8  }
0x33a: {  	_ =	swait.ge [sflag:s26], $0x3E8  }
0x33b: {  	s22 =	rddreg [dreg:$0x9]  }
0x33c: {  	s9 =	sadd.s32 s22, s8  }
0x33d: {  	[sflag:s26] =	ssyncset.done $0x0;
	s21 =	rddreg [dreg:$0xc];
	s9 =	sshrl.u32 s9, $0x3  }
0x33e: {  	[sflag:s26] =	ssyncadd.s32 $0xFFFFFC18;
	s29 =	sshrl.u32 s21, $0x3;
	s9 =	sadd.s32 s16, s9  }
0x33f: {  	[hbm:s9], [sflag:s14] =	dma.local [spmem:s29], $0x3E8  }
0x340: {  	_ =	swait.ge [sflag:s26], $0x3E8  }
0x341: {  	s22 =	rddreg [dreg:$0xd]  }
0x342: {  	s9 =	sadd.s32 s22, s8  }
0x343: {  	[sflag:s26] =	ssyncset.done $0x0;
	s22 =	rddreg [dreg:$0xf];
	s9 =	sshrl.u32 s9, $0x3  }
0x344: {  	[sflag:s26] =	ssyncadd.s32 $0xFFFFFC18;
	s29 =	sshrl.u32 s22, $0x3;
	s9 =	sadd.s32 s16, s9  }
0x345: {  	[hbm:s9], [sflag:s14] =	dma.local [spmem:s29], $0x3E8  }
0x346: {  	_ =	swait.ge [sflag:s26], $0x3E8  }
0x347: {  	s15 =	rddreg [dreg:$0xe]  }
0x348: {  	s8 =	sadd.s32 s15, s8  }
0x349: {  	[sflag:s26] =	ssyncset.done $0x0;
	s15 =	rddreg [dreg:$0x10];
	s8 =	sshrl.u32 s8, $0x3  }
0x34a: {  	[sflag:s26] =	ssyncadd.s32 $0xFFFFFC18;
	s29 =	sshrl.u32 s15, $0x3;
	s8 =	sadd.s32 s16, s8  }
0x34b: {  	[hbm:s8], [sflag:s14] =	dma.local [spmem:s29], $0x3E8  }
0x34c: {  	_ =	swait.ge [sflag:s26], $0x3E8  }
0x34d: {  	[sflag:s26] =	ssyncset.done $0x0  }
0x34e: {  	[sflag:s26] =	ssyncadd.s32 $0xFFFFFC18  }
0x34f: {  	s16 =	simm.s32 $0x18100;
	[bflag:$0x0] =	sbarrier.arrive $0xFFFF  }
0x350: {  	[spmem:s19] =	stream.linear.scatter [tilespmem:s16], [sflag:$0x7], $0x1F40, $0x38;
	[tilespmem:$0x1A040] =	vst v63  }
0x351: {  	_ =	swait.ge [sflag:s26], $0x1F40  }
0x352: {  	[sflag:s26] =	ssyncset.done $0x0  }
0x353: {  	[sflag:s26] =	ssyncadd.s32 $0xFFFFE0C0  }
0x354: {  	[spmem:s20] =	stream.linear.scatter [tilespmem:s16], [sflag:$0x7], $0x1F40, $0x38;
	[tilespmem:$0x1A040] =	vst v63  }
0x355: {  	_ =	swait.ge [sflag:s26], $0x1F40  }
0x356: {  	[sflag:s26] =	ssyncset.done $0x0  }
0x357: {  	[sflag:s26] =	ssyncadd.s32 $0xFFFFE0C0  }
0x358: {  	[spmem:s21] =	stream.linear.scatter [tilespmem:s16], [sflag:$0x7], $0x1F40, $0x38;
	[tilespmem:$0x1A040] =	vst v63  }
0x359: {  	_ =	swait.ge [sflag:s26], $0x1F40  }
0x35a: {  	[sflag:s26] =	ssyncset.done $0x0  }
0x35b: {  	[sflag:s26] =	ssyncadd.s32 $0xFFFFE0C0  }
0x35c: {  	[spmem:s22] =	stream.linear.scatter [tilespmem:s16], [sflag:$0x7], $0x1F40, $0x38;
	[tilespmem:$0x1A040] =	vst v63  }
0x35d: {  	_ =	swait.ge [sflag:s26], $0x1F40  }
0x35e: {  	[sflag:s26] =	ssyncset.done $0x0  }
0x35f: {  	[sflag:s26] =	ssyncadd.s32 $0xFFFFE0C0  }
0x360: {  	[spmem:s15] =	stream.linear.scatter [tilespmem:s16], [sflag:$0x7], $0x1F40, $0x38;
	[tilespmem:$0x1A040] =	vst v63  }
0x361: {  	_ =	swait.ge [sflag:s26], $0x1F40  }
0x362: {  	s29 =	rddreg [dreg:$0x16]  }
0x363: {  	s9 =	sadd.s32 $0x1, s29  }
0x364: {  	p0 =	sne.s32 s9, $0x4  }
.Ltmp7:
0x365: {  	_ = 	snop;
	(pc) =	sbr.rel @p0 .LBB2_4-.Ltmp7, $3  }
0x366: {  	[sflag:s26] =	ssyncset.done $0x0  }
0x367: {  	[sflag:s26] =	ssyncadd.s32 $0xFFFFE0C0  }
0x368: {  	[bflag:$0x0] =	sbarrier.arrive $0xFFFF;
	_ =	sdelay $0x1  }
0x369: {  	s9 =	rddreg [dreg:$0x15]  }
0x36a: {  	s8 =	rddreg [dreg:$0x14];
	s9 =	sadd.s32 $0x1, s9  }
0x36b: {  	p0 =	sne.s32 s9, s8  }
.Ltmp8:
0x36c: {  	_ = 	snop;
	(pc) =	sbr.rel @p0 .LBB2_1-.Ltmp8, $1  }
0x36d: {  	_ =	sdelay $0x3  }
0x36e: {  	_ =	sfence.sel $0x180000  }
0x36f: {  	[bflag:$0x0] =	sbarrier.arrive $0xFFFF  }
0x370: {  	_ =	strace $0x9000004D  }
0x371: {  	s0 =	stileid.u32;
	[bflag:$0x2] =	sbarrier.arrive $0xFFFF  }
0x372: {  	p0 =	sne.s32 s0, $0x0;
	s0 =	rddreg [dreg:$0x3]  }
0x373: {  	s0 =	sadd.s32 @!p0 $0x100000, s0  }
0x374: {  	[sflag:s0] =	ssyncadd.tile.s32 @!p0 $0x1;
	_ =	shalt  }
.Lfunc_end2:
_tile_overlayer_lowered:
.L_overlay_start_2:
0x375: {  	(tag) =	ssettag $0x2  }
0x376: {  	s0 =	rddreg [dreg:$0x0];
	s2 =	stileid.u32  }
0x377: {  	s1 =	rddreg [dreg:$0x1];
	p0 =	sne.s32 s2, $0x0  }
0x378: {  	s3 =	rddreg [dreg:$0x2];
	[bflag:$0x3] =	sbarrier.arrive $0xFFFF;
	s2 =	simm.s32 @!p0 $0x1C07  }
0x379: {  	[timem:s3], [sflag:s2] =	dma.local @!p0 [hbm:s0], s1  }
0x37a: {  	s0 =	simm.s32 @!p0 $0x7  }
0x37b: {  	_ =	swait.ge @!p0 [sflag:s0], s1  }
0x37c: {  	s1 =	ssub.s32 @!p0 $0x0, s1;
	[sflag:s0] =	ssyncset.done @!p0 $0x0  }
0x37d: {  	[sflag:s0] =	ssyncadd.s32 @!p0 s1  }
0x37e: {  	[bflag:$0x3] =	sbarrier.arrive $0xFFFF  }
0x37f: {  	_ =	shalt  }

// kernel: kernel.7.cloned.1.call-start
scs
__scs_entry_jumppad:
0x0: {  	(pc) =	sbr.rel $0x88, $3  }
0x1: {  	(tag) =	ssettag $0x0;
	lr =	simm.s32 $0x1  }
0x2: {  	[smem:$0x3F9B] =	sst lr;
	_ =	strace $0xD0000000  }
0x3: {  	_ = 	snop  }
0x4: {  	_ = 	snop  }
0x5: {  	_ = 	snop  }
0x6: {  	_ = 	snop  }
0x7: {  	_ = 	snop  }
__scs_overlays_trampoline_lowered:
0x8: {  	[smem:$0x3FAA] =	sst s0  }
0x9: {  	[smem:$0x3FAB] =	sst s1  }
0xa: {  	[smem:$0x3FAC] =	sst s2  }
0xb: {  	[smem:$0x3FAD] =	sst s3  }
0xc: {  	[smem:$0x3FAE] =	sst s4  }
0xd: {  	[smem:$0x3FAF] =	sst s5  }
0xe: {  	[smem:$0x3FB0] =	sst s6  }
0xf: {  	[smem:$0x3FB1] =	sst s7  }
0x10: {  	[smem:$0x3FB2] =	sst s8  }
0x11: {  	[smem:$0x3FB3] =	sst s9;
	s0 =	simm.s32 @!p0 $0x0  }
0x12: {  	s1 =	sld [smem:$0x3F99];
	s0 =	simm.s32 @p0 $0x1  }
0x13: {  	[smem:$0x3FB4] =	sst s0;
	s0 =	simm.s32 @!p1 $0x0  }
0x14: {  	s2 =	sld [smem:$0x3F98];
	s0 =	simm.s32 @p1 $0x1  }
0x15: {  	[smem:$0x3FB5] =	sst s0;
	s0 =	simm.s32 @!p2 $0x0  }
0x16: {  	s3 =	sld [smem:$0x3FDB];
	s0 =	simm.s32 @p2 $0x1  }
0x17: {  	s4 =	simm.s32 $0x1BF5;
	[smem:$0x3FB7] =	sst s0  }
0x18: {  	s0 =	sld [smem:$0x3F9A];
	_ =	swait.ge [sflag:s4], $0x0  }
0x19: {  	s7 =	sld [smem:$0x3F9B]  }
0x1a: {  	s8 =	sadd.s32 $0xFFFFE003, lr  }
0x1b: {  	s9 =	sadd.s32 $0xFFFFFEF7, lr;
	s5 =	simm.s32 $0xFFFFFFFF;
	p2 =	slt.u32 s8, $0xFFFFF086  }
0x1c: {  	p1 =	slt.u32 s9, $0xF7A;
	s5 =	simm.s32 @!p2 $0x0  }
0x1d: {  	s5 =	simm.s32 @p1 $0x1;
	p0 =	seq.s32 s7, s2  }
0x1e: {  	s7 =	smul.u32 @!p0 $0xF7A, s2;
	p2 =	seq.s32 @!p0 s5, $0x0  }
0x1f: {  	s9 =	smul.u32 $0xF7A, s1;
	s8 =	simm.s32 @!p0 $0x1BF5;
	p2 =	por !p2, p0  }
0x20: {  	[sflag:s8] =	ssyncset.s32 @!p0 $0xFFFFF086;
	s6 =	sadd.s32 @!p0 s3, s7;
	s7 =	simm.s32 @!p0 $0x108  }
0x21: {  	s3 =	sadd.s32 s3, s9;
	s6 =	sadd.s32 @!p0 $0x88, s6;
	s7 =	simm.s32 @p2 $0x1082  }
0x22: {  	[simem:s7], [sflag:s8] =	dma.local @!p0 [hbm:s6], $0xF7A  }
0x23: {  	s9 =	sor.u32 $0xD0000000, s2;
	s6 =	simm.s32 $0x108;
	_ =	swait.ge @!p0 [sflag:s8], $0x0  }
0x24: {  	s3 =	sadd.s32 $0x88, s3;
	s6 =	simm.s32 @!p1 $0x1082;
	[sflag:s4] =	ssyncset.s32 $0xFFFFF086  }
0x25: {  	[simem:s6], [sflag:s4] =	dma.local [hbm:s3], $0xF7A  }
0x26: {  	[smem:$0x3F9B] =	sst s1;
	(tag) =	ssettag s2;
	_ =	strace s9  }
0x27: {  	s1 =	sld [smem:$0x3FAB]  }
0x28: {  	s2 =	sld [smem:$0x3FAC]  }
0x29: {  	s4 =	sld [smem:$0x3FAE]  }
0x2a: {  	p0 =	seq.s32 s5, $0x0;
	s5 =	sld [smem:$0x3FAF]  }
0x2b: {  	s6 =	sld [smem:$0x3FB0]  }
0x2c: {  	s7 =	sld [smem:$0x3FB1]  }
0x2d: {  	s3 =	simm.s32 $0x108;
	s8 =	sld [smem:$0x3FB2]  }
0x2e: {  	s3 =	simm.s32 @!p0 $0x1082;
	s9 =	sld [smem:$0x3FB3]  }
0x2f: {  	lr =	sadd.s32 s0, s3;
	s0 =	sld [smem:$0x3FAA]  }
0x30: {  	s3 =	sld [smem:$0x3FAD]  }
0x31: {  	[smem:$0x3FB6] =	sst s10  }
0x32: {  	s10 =	sld [smem:$0x3FB4];
	_ =	sdelay $0x3  }
0x33: {  	p0 =	seq.s32 s10, $0x1;
	s10 =	sld [smem:$0x3FB6];
	_ =	sdelay $0x3  }
0x34: {  	[smem:$0x3FB6] =	sst s10  }
0x35: {  	s10 =	sld [smem:$0x3FB5];
	_ =	sdelay $0x3  }
0x36: {  	p1 =	seq.s32 s10, $0x1;
	s10 =	sld [smem:$0x3FB6];
	_ =	sdelay $0x3  }
0x37: {  	[smem:$0x3FB6] =	sst s10  }
0x38: {  	s10 =	sld [smem:$0x3FB7]  }
0x39: {  	_ = 	snop;
	(pc) =	sbr.ind lr, $3  }
0x3a: {  	_ = 	snop  }
0x3b: {  	_ = 	snop  }
0x3c: {  	p2 =	seq.s32 s10, $0x1;
	s10 =	sld [smem:$0x3FB6]  }
0x3d: {  	_ =	shalt  }
0x3e: {  	_ =	shalt  }
0x3f: {  	_ =	shalt  }
0x40: {  	_ =	shalt  }
0x41: {  	_ =	shalt  }
0x42: {  	_ =	shalt  }
0x43: {  	_ =	shalt  }
0x44: {  	_ =	shalt  }
0x45: {  	_ =	shalt  }
0x46: {  	_ =	shalt  }
0x47: {  	_ =	shalt  }
0x48: {  	_ =	shalt  }
0x49: {  	_ =	shalt  }
0x4a: {  	_ =	shalt  }
0x4b: {  	_ =	shalt  }
0x4c: {  	_ =	shalt  }
0x4d: {  	_ =	shalt  }
0x4e: {  	_ =	shalt  }
0x4f: {  	_ =	shalt  }
0x50: {  	_ =	shalt  }
0x51: {  	_ =	shalt  }
0x52: {  	_ =	shalt  }
0x53: {  	_ =	shalt  }
0x54: {  	_ =	shalt  }
0x55: {  	_ =	shalt  }
0x56: {  	_ =	shalt  }
0x57: {  	_ =	shalt  }
0x58: {  	_ =	shalt  }
0x59: {  	_ =	shalt  }
0x5a: {  	_ =	shalt  }
0x5b: {  	_ =	shalt  }
0x5c: {  	_ =	shalt  }
0x5d: {  	_ =	shalt  }
0x5e: {  	_ =	shalt  }
0x5f: {  	_ =	shalt  }
0x60: {  	_ =	shalt  }
0x61: {  	_ =	shalt  }
0x62: {  	_ =	shalt  }
0x63: {  	_ =	shalt  }
0x64: {  	_ =	shalt  }
0x65: {  	_ =	shalt  }
0x66: {  	_ =	shalt  }
0x67: {  	_ =	shalt  }
0x68: {  	_ =	shalt  }
0x69: {  	_ =	shalt  }
0x6a: {  	_ =	shalt  }
0x6b: {  	_ =	shalt  }
0x6c: {  	_ =	shalt  }
0x6d: {  	_ =	shalt  }
0x6e: {  	_ =	shalt  }
0x6f: {  	_ =	shalt  }
0x70: {  	_ =	shalt  }
0x71: {  	_ =	shalt  }
0x72: {  	_ =	shalt  }
0x73: {  	_ =	shalt  }
0x74: {  	_ =	shalt  }
0x75: {  	_ =	shalt  }
0x76: {  	_ =	shalt  }
0x77: {  	_ =	shalt  }
0x78: {  	_ =	shalt  }
0x79: {  	_ =	shalt  }
0x7a: {  	_ =	shalt  }
0x7b: {  	_ =	shalt  }
0x7c: {  	_ =	shalt  }
0x7d: {  	_ =	shalt  }
0x7e: {  	_ =	shalt  }
0x7f: {  	_ =	shalt  }
0x80: {  	_ =	shalt  }
0x81: {  	_ =	shalt  }
0x82: {  	_ =	shalt  }
0x83: {  	_ =	shalt  }
0x84: {  	_ =	shalt  }
0x85: {  	_ =	shalt  }
0x86: {  	_ =	shalt  }
0x87: {  	_ =	shalt  }
.Lfunc_end0:
.L_simem_size_0:
called_computation.1_lowered:
.L_overlay_start_0:
0x88: {  	s2 =	sld [smem:$0x3FD9]  }
0x89: {  	s3 =	sld [smem:$0x3FFE];
	_ =	sdelay $0x1  }
0x8a: {  	s1 =	srdreg.scid  }
0x8b: {  	s0 =	sand.u32 $0x1, s1  }
0x8c: {  	s14 =	sshll.u32 s0, $0xA;
	s2 =	sadd.s32 s3, s2  }
0x8d: {  	s2 =	sadd.s32 s2, s14  }
0x8e: {  	[smem:$0x3FC2] =	sst s2  }
0x8f: {  	_ = 	snop  }
0x90: {  	s2 =	sld [smem:$0x3FD0];
	_ =	sdelay $0x2  }
0x91: {  	s15 =	simm.s32 $0xA;
	s4 =	simm.s32 $0x10  }
0x92: {  	[smem:s4], [sflag:s15] =	dma.local [hbm:s2], $0x1  }
0x93: {  	_ =	swait.eq [sflag:s15], $0x1  }
0x94: {  	[sflag:s15] =	ssyncset.done $0x0  }
0x95: {  	s16 =	sld [smem:$0x10];
	[sflag:s15] =	ssyncadd.s32 $0xFFFFFFFF  }
0x96: {  	s17 =	sld [smem:$0x11];
	(tm) =	ssettm $0x1  }
0x97: {  	s18 =	sld [smem:$0x3FFB];
	_ =	sdelay $0x3  }
0x98: {  	_ =	strace s18  }
0x99: {  	s4 =	sld [smem:$0x3FFC];
	_ =	sdelay $0x3  }
0x9a: {  	_ =	strace s4  }
0x9b: {  	s4 =	sld [smem:$0x3FFD];
	_ =	sdelay $0x3  }
0x9c: {  	_ =	strace s4  }
0x9d: {  	_ =	strace $0x8FFFFFFF  }
0x9e: {  	s19 =	sld [smem:$0x3FDB];
	_ =	sdelay $0x1  }
0x9f: {  	s5 =	simm.s32 $_scs_section_size  }
0xa0: {  	s6 =	simm.s32 $_size__tile_overlayer_lowered;
	s7 =	simm.s32 $_tile_overlayer_lowered  }
0xa1: {  	s22 =	simm.s32 $0x1BFF;
	s21 =	sshll.u32 s7, $0x1;
	s4 =	sadd.s32 s5, s19  }
0xa2: {  	s8 =	simm.s32 $0x0;
	s20 =	sshll.u32 s6, $0x1;
	s6 =	sadd.s32 s21, s4  }
0xa3: {  	[timem:s8], [sflag:s22] =	dma.local [hbm:s6], s20  }
0xa4: {  	_ =	swait.ge [sflag:s22], s20  }
0xa5: {  	s5 =	ssub.s32 $0x0, s20;
	[sflag:s22] =	ssyncset.done $0x0  }
0xa6: {  	[sflag:s22] =	ssyncadd.s32 s5;
	_ =	sdelay $0x1  }
0xa7: {  	s23 =	simm.s32 $0x1B8B  }
0xa8: {  	_ =	swait.ge [sflag:s23], $0x1  }
0xa9: {  	[sflag:s23] =	ssyncset.done $0x0  }
0xaa: {  	s25 =	simm.s32 $0x1B8E;
	s24 =	sld [smem:$0x3FFE];
	[sflag:s23] =	ssyncadd.s32 $0xFFFFFFFF  }
0xab: {  	s26 =	simm.s32 $execute0_lowered;
	[smem:$0x3FD2] =	sst s25  }
0xac: {  	s6 =	sshll.u32 s26, $0x1;
	_ =	strace $0x80000046;
	[dreg:$0x1] =	wrdreg $0xFFFFFFFF  }
0xad: {  	s28 =	simm.s32 $_size_execute0_lowered;
	s4 =	sadd.s32 s4, s6;
	[dreg:$0x0] =	wrdreg $0x0  }
0xae: {  	s6 =	sshll.u32 s28, $0x1;
	[dreg:$0x2] =	wrdreg s4  }
0xaf: {  	[dreg:$0x3] =	wrdreg s6  }
0xb0: {  	[dreg:$0x4] =	wrdreg $0xC0  }
0xb1: {  	_ =	task [dreg:s8], $0x5FFFF  }
0xb2: {  	[dreg:$0x1] =	wrdreg $0xFFFFFFFF  }
0xb3: {  	[dreg:$0x0] =	wrdreg $0x60  }
0xb4: {  	[dreg:$0x2] =	wrdreg s16  }
0xb5: {  	[dreg:$0x3] =	wrdreg s24  }
0xb6: {  	[dreg:$0x4] =	wrdreg s17  }
0xb7: {  	[dreg:$0x5] =	wrdreg $0x9  }
0xb8: {  	_ =	task.clear_ibuf [dreg:s8], $0x6FFFF;
	_ =	strace $0x90000046  }
0xb9: {  	s29 =	simm.s32 $0x9;
	_ =	strace $0x80000048  }
0xba: {  	_ =	swait.ge [sflag:s29], $0x1  }
0xbb: {  	[sflag:s29] =	ssyncadd.s32 $0xFFFFFFFF  }
0xbc: {  	_ =	strace $0x90000048  }
0xbd: {  	_ =	sfence  }
0xbe: {  	s30 =	sld [smem:$0x0];
	_ =	sdelay $0x2  }
0xbf: {  	s31 =	sshll.u32 s1, $0xD;
	s1 =	sshrl.u32 s1, $0x2  }
0xc0: {  	s3 =	sand.u32 $0x4000, s31;
	s1 =	sadd.s32 s1, s30  }
0xc1: {  	s0 =	sor.u32 s3, s0;
	s1 =	sshll.u32 s1, $0x11  }
0xc2: {  	s0 =	sor.u32 s1, s0  }
0xc3: {  	s0 =	sadd.s32 $0x8F2B, s0  }
0xc4: {  	[sflag:s0] =	ssyncadd.remote.s32 $0x1  }
0xc5: {  	_ =	sfence.sel $0xFFFF  }
0xc6: {  	[dreg:$0x0] =	wrdreg $0xFFFFFFFF;
	(pc) =	sbr.abs _section_cstart, $3  }
0xc7: {  	[dreg:$0x1] =	wrdreg $0xFFFFFFFF  }
0xc8: {  	_ =	task.clear_ibuf [dreg:s8], $0x2FFFF;
	_ =	strace $0x9FFFFFFF  }
0xc9: {  	(tm) =	ssettm $0x7FFFFFFF  }
tec
execute0_lowered:
.L_overlay_start_1:
0x0: {  	(tag) =	ssettag $0x1  }
0x1: {  	s1 =	rddreg [dreg:$0x0]  }
0x2: {  	s2 =	srdreg.scid;
	s6 =	rddreg [dreg:$0x1]  }
0x3: {  	s0 =	stileid.u32;
	s3 =	rddreg [dreg:$0x2];
	s4 =	simm.s32 $0x0  }
0x4: {  	s11 =	simm.s32 $0x1388;
	s12 =	simm.s32 $0x28;
	s13 =	simm.s32 $0x2710  }
0x5: {  	s14 =	simm.s32 $0x2C10;
	s15 =	simm.s32 $0x1;
	s16 =	simm.s32 $0x2990  }
0x6: {  	s17 =	simm.s32 $0x2E90;
	s18 =	simm.s32 $0x3110;
	s19 =	simm.s32 $0x2  }
0x7: {  	s20 =	simm.s32 $0x3390;
	s7 =	sand.u32 $0x1, s2;
	s31 =	sshll.u32 s0, $0x1  }
0x8: {  	s21 =	simm.s32 $0x3;
	s22 =	simm.s32 $0x4;
	s8 =	sor.u32 s7, s31  }
0x9: {  	s23 =	simm.s32 $0x0;
	s2 =	rddreg [dreg:$0x3];
	s5 =	smul.u32 $0x1388, s8  }
0xa: {  	[smem:$0x7FF] =	sst s4;
	s7 =	ssub.s32 $0x2, s7;
	s8 =	smul.u32 $0x13880, s8  }
0xb: {  	_ =	strace $0x80000047;
	s10 =	sshrl.u32 s7, $0x1;
	s9 =	sshrl.u32 s5, $0x3  }
0xc: {  	s10 =	ssub.s32 s7, s10;
	s8 =	sshrl.u32 s8, $0x3;
	s9 =	sadd.s32 s9, s6  }
0xd: {  	s8 =	sadd.s32 s3, s8;
	s6 =	sadd.s32 $0x6400, s9;
	s7 =	sadd.s32 $0x1400, s9  }
0xe: {  	s8 =	sadd.s32 $0x26C0, s8;
	s9 =	smax.u32 s10, $0x1;
	s10 =	simm.s32 $0x5  }
.LBB2_1:
0xf: {  	[tilespmem:s4], [sflag:$0x5] =	stream.linear.gather [hbm4b:s6+s4], $0x1388, $0x38;
	[tilespmem:$0x3610] =	vst v63  }
0x10: {  	_ =	swait.ge [sflag:s10], $0x1388  }
0x11: {  	[sflag:s10] =	ssyncset.done $0x0  }
0x12: {  	[sflag:s10] =	ssyncadd.s32 $0xFFFFEC78  }
0x13: {  	[tilespmem:s11], [sflag:$0x5] =	stream.linear.gather [hbm4b:s7+s4], $0x1388, $0x38;
	[tilespmem:$0x3610] =	vst v63  }
0x14: {  	_ =	swait.ge [sflag:s10], $0x1388  }
0x15: {  	[sflag:s10] =	ssyncset.done $0x0  }
0x16: {  	[sflag:s10] =	ssyncadd.s32 $0xFFFFEC78  }
0x17: {  	[tilespmem:s13], [sflag:$0x1] =	stream.indirect.gather [hbm4b:s1+s12], $0x10, s4, s12, $0xb8;
	[tilespmem:$0x3610] =	vst v63  }
0x18: {  	s24 =	simm.s32 $0x0  }
0x19: {  	[tilespmem:s14], [sflag:$0x1] =	stream.indirect.gather [hbm4b:s1+s12], $0x10, s11, s12, $0xb8;
	[tilespmem:$0x3610] =	vst v63  }
.LBB2_2:
0x1a: {  	_ =	swait.ge [sflag:s15], $0x280  }
0x1b: {  	[sflag:s15] =	ssyncset.done $0x0  }
0x1c: {  	[sflag:s15] =	ssyncadd.s32 $0xFFFFFD80  }
0x1d: {  	s26 =	smul.u32 $0x50, s24;
	_ =	swait.ge [sflag:s15], $0x280  }
0x1e: {  	[sflag:s15] =	ssyncset.done $0x0  }
0x1f: {  	s25 =	sadd.s32 $0x28, s26;
	[sflag:s15] =	ssyncadd.s32 $0xFFFFFD80  }
0x20: {  	[tilespmem:s16], [sflag:$0x2] =	stream.indirect.gather [hbm4b:s1+s12], $0x10, s25, s12, $0xb8;
	[tilespmem:$0x3610] =	vst v63  }
0x21: {  	p0 =	seq.s32 s24, $0x0;
	s28 =	sadd.s32 $0x13B0, s26  }
0x22: {  	[tilespmem:s17], [sflag:$0x2] =	stream.indirect.gather [hbm4b:s1+s12], $0x10, s28, s12, $0xb8;
	[tilespmem:$0x3610] =	vst v63  }
0x23: {  	s28 =	simm.s32 @!p0 $0x3  }
0x24: {  	_ =	swait.ge @!p0 [sflag:s28], $0x280  }
0x25: {  	[sflag:s28] =	ssyncset.done @!p0 $0x0  }
0x26: {  	s31 =	simm.s32 $0x2C30;
	[sflag:s28] =	ssyncadd.s32 @!p0 $0xFFFFFD80  }
0x27: {  	s29 =	simm.s32 $0x2730;
	v5 =	vld [tilespmem:s31+$0x10]  }
0x28: {  	v6 =	vld [tilespmem:s29+$0x10]  }
0x29: {  	v2 =	vld [tilespmem:s29+$0xFFFFFFE0]  }
0x2a: {  	v0 =	vld [tilespmem:s31+$0xFFFFFFF0]  }
0x2b: {  	v4 =	vld [tilespmem:s29+$0xFFFFFFF0]  }
0x2c: {  	v1 =	vld [tilespmem:s31+$0x0]  }
0x2d: {  	v3 =	vld [tilespmem:s29+$0x0];
	v6 =	vsub.f32 v5, v6  }
0x2e: {  	s30 =	simm.s32 $0x0;
	s28 =	simm.s32 $0x3130;
	v5 =	vld [tilespmem:s31+$0xFFFFFFE0];
	s31 =	simm.s32 $0x2C70  }
.LBB2_3:
0x2f: {  	v7 =	vld [tilespmem:s31+$0x10];
	[tilespmem:s28+$0x10] =	vst v6;
	s29 =	sadd.s32 $0x40, s29  }
0x30: {  	s30 =	sadd.s32 $0x4, s30;
	v6 =	vld [tilespmem:s29+$0x10];
	v4 =	vsub.f32 v0, v4  }
0x31: {  	p1 =	slt.u32 s30, $0x24;
	v8 =	vld [tilespmem:s29+$0xFFFFFFE0]  }
.Ltmp0:
0x32: {  	v0 =	vld [tilespmem:s31+$0xFFFFFFF0];
	[tilespmem:s28+$0xFFFFFFF0] =	vst v4;
	v3 =	vsub.f32 v1, v3;
	(pc) =	sbr.rel @p1 .LBB2_3-.Ltmp0, $4  }
0x33: {  	v4 =	vld [tilespmem:s29+$0xFFFFFFF0];
	v9 =	vsub.f32 v5, v2  }
0x34: {  	v1 =	vld [tilespmem:s31+$0x0];
	[tilespmem:s28+$0x0] =	vst v3  }
0x35: {  	v3 =	vld [tilespmem:s29+$0x0];
	v6 =	vsub.f32 v7, v6;
	[tilespmem:s28+$0xFFFFFFE0] =	vst v9  }
0x36: {  	s28 =	sadd.s32 $0x40, s28;
	v5 =	vld [tilespmem:s31+$0xFFFFFFE0];
	s31 =	sadd.s32 $0x40, s31;
	v2 =	vmov v8  }
0x37: {  	_ =	sdelay $0x1  }
0x38: {  	v0 =	vsub.f32 v0, v4  }
0x39: {  	[tilespmem:s28+$0x10] =	vst v6;
	v1 =	vsub.f32 v1, v3  }
0x3a: {  	s29 =	sadd.s32 s5, s26;
	[tilespmem:s28+$0xFFFFFFF0] =	vst v0;
	v0 =	vsub.f32 v5, v2  }
0x3b: {  	s29 =	sshll.u32 s29, $0x1;
	[tilespmem:s28+$0x0] =	vst v1  }
0x3c: {  	[tilespmem:s28+$0xFFFFFFE0] =	vst v0;
	s28 =	sadd.s32 s3, s29  }
0x3d: {  	[hbm4b:s28+s4] =	stream.linear.scatter [tilespmem:s18], [sflag:$0x3], $0x280, $0x38;
	[tilespmem:$0x3610] =	vst v63  }
0x3e: {  	_ =	swait.ge [sflag:s19], $0x280  }
0x3f: {  	[sflag:s19] =	ssyncset.done $0x0  }
0x40: {  	[sflag:s19] =	ssyncadd.s32 $0xFFFFFD80  }
0x41: {  	_ =	swait.ge [sflag:s19], $0x280  }
0x42: {  	[sflag:s19] =	ssyncset.done $0x0  }
0x43: {  	s28 =	sadd.s32 $0x50, s26;
	[sflag:s19] =	ssyncadd.s32 $0xFFFFFD80  }
0x44: {  	[tilespmem:s13], [sflag:$0x1] =	stream.indirect.gather [hbm4b:s1+s12], $0x10, s28, s12, $0xb8;
	[tilespmem:$0x3610] =	vst v63  }
0x45: {  	s31 =	sadd.s32 $0x13D8, s26;
	s26 =	simm.s32 @!p0 $0x4  }
0x46: {  	[tilespmem:s14], [sflag:$0x1] =	stream.indirect.gather [hbm4b:s1+s12], $0x10, s31, s12, $0xb8;
	[tilespmem:$0x3610] =	vst v63  }
0x47: {  	_ =	swait.ge @!p0 [sflag:s26], $0x280  }
0x48: {  	[sflag:s26] =	ssyncset.done @!p0 $0x0  }
0x49: {  	s30 =	simm.s32 $0x2EB0;
	[sflag:s26] =	ssyncadd.s32 @!p0 $0xFFFFFD80  }
0x4a: {  	s28 =	simm.s32 $0x29B0;
	v5 =	vld [tilespmem:s30+$0x10]  }
0x4b: {  	v6 =	vld [tilespmem:s28+$0x10]  }
0x4c: {  	v2 =	vld [tilespmem:s28+$0xFFFFFFE0]  }
0x4d: {  	v0 =	vld [tilespmem:s30+$0xFFFFFFF0]  }
0x4e: {  	v4 =	vld [tilespmem:s28+$0xFFFFFFF0]  }
0x4f: {  	v1 =	vld [tilespmem:s30+$0x0]  }
0x50: {  	v3 =	vld [tilespmem:s28+$0x0];
	v6 =	vsub.f32 v5, v6  }
0x51: {  	s29 =	simm.s32 $0x0;
	s26 =	simm.s32 $0x33B0;
	v5 =	vld [tilespmem:s30+$0xFFFFFFE0];
	s30 =	simm.s32 $0x2EF0  }
.LBB2_5:
0x52: {  	v7 =	vld [tilespmem:s30+$0x10];
	[tilespmem:s26+$0x10] =	vst v6;
	s28 =	sadd.s32 $0x40, s28  }
0x53: {  	s29 =	sadd.s32 $0x4, s29;
	v6 =	vld [tilespmem:s28+$0x10];
	v4 =	vsub.f32 v0, v4  }
0x54: {  	p0 =	slt.u32 s29, $0x24;
	v8 =	vld [tilespmem:s28+$0xFFFFFFE0]  }
.Ltmp1:
0x55: {  	v0 =	vld [tilespmem:s30+$0xFFFFFFF0];
	[tilespmem:s26+$0xFFFFFFF0] =	vst v4;
	v3 =	vsub.f32 v1, v3;
	(pc) =	sbr.rel @p0 .LBB2_5-.Ltmp1, $4  }
0x56: {  	v4 =	vld [tilespmem:s28+$0xFFFFFFF0];
	v9 =	vsub.f32 v5, v2  }
0x57: {  	v1 =	vld [tilespmem:s30+$0x0];
	[tilespmem:s26+$0x0] =	vst v3  }
0x58: {  	v3 =	vld [tilespmem:s28+$0x0];
	v6 =	vsub.f32 v7, v6;
	[tilespmem:s26+$0xFFFFFFE0] =	vst v9  }
0x59: {  	s26 =	sadd.s32 $0x40, s26;
	v5 =	vld [tilespmem:s30+$0xFFFFFFE0];
	s30 =	sadd.s32 $0x40, s30;
	v2 =	vmov v8  }
0x5a: {  	_ = 	snop  }
0x5b: {  	s24 =	sadd.s32 $0x1, s24  }
0x5c: {  	v0 =	vsub.f32 v0, v4;
	p0 =	sne.s32 s24, $0x3E  }
.Ltmp2:
0x5d: {  	[tilespmem:s26+$0x10] =	vst v6;
	s25 =	sadd.s32 s5, s25;
	v1 =	vsub.f32 v1, v3;
	(pc) =	sbr.rel @p0 .LBB2_2-.Ltmp2, $4  }
0x5e: {  	s25 =	sshll.u32 s25, $0x1;
	[tilespmem:s26+$0xFFFFFFF0] =	vst v0;
	v63 =	vsub.f32 v5, v2  }
0x5f: {  	s25 =	sand.u32 $0x1FFFFFF0, s25;
	[tilespmem:s26+$0x0] =	vst v1  }
0x60: {  	s25 =	sadd.s32 s3, s25;
	[tilespmem:s26+$0xFFFFFFE0] =	vst v63  }
0x61: {  	[hbm4b:s25+s4] =	stream.linear.scatter [tilespmem:s20], [sflag:$0x4], $0x280, $0x38;
	[tilespmem:$0x3610] =	vst v63  }
0x62: {  	_ =	swait.ge [sflag:s15], $0x280  }
0x63: {  	[sflag:s15] =	ssyncset.done $0x0  }
0x64: {  	[sflag:s15] =	ssyncadd.s32 $0xFFFFFD80  }
0x65: {  	_ =	swait.ge [sflag:s15], $0x280  }
0x66: {  	[sflag:s15] =	ssyncset.done $0x0  }
0x67: {  	[sflag:s15] =	ssyncadd.s32 $0xFFFFFD80  }
0x68: {  	_ =	swait.ge [sflag:s21], $0x280  }
0x69: {  	[sflag:s21] =	ssyncset.done $0x0  }
0x6a: {  	s28 =	simm.s32 $0x2C30;
	[sflag:s21] =	ssyncadd.s32 $0xFFFFFD80  }
0x6b: {  	s24 =	simm.s32 $0x2730;
	v5 =	vld [tilespmem:s28+$0x10]  }
0x6c: {  	v6 =	vld [tilespmem:s24+$0x10]  }
0x6d: {  	v2 =	vld [tilespmem:s24+$0xFFFFFFE0]  }
0x6e: {  	v0 =	vld [tilespmem:s28+$0xFFFFFFF0]  }
0x6f: {  	v4 =	vld [tilespmem:s24+$0xFFFFFFF0]  }
0x70: {  	v1 =	vld [tilespmem:s28+$0x0]  }
0x71: {  	v3 =	vld [tilespmem:s24+$0x0];
	v6 =	vsub.f32 v5, v6  }
0x72: {  	s25 =	simm.s32 $0x3130;
	s26 =	simm.s32 $0x0;
	v5 =	vld [tilespmem:s28+$0xFFFFFFE0];
	s28 =	simm.s32 $0x2C70  }
.LBB2_8:
0x73: {  	v7 =	vld [tilespmem:s28+$0x10];
	[tilespmem:s25+$0x10] =	vst v6;
	s24 =	sadd.s32 $0x40, s24  }
0x74: {  	s26 =	sadd.s32 $0x4, s26;
	v6 =	vld [tilespmem:s24+$0x10];
	v4 =	vsub.f32 v0, v4  }
0x75: {  	p0 =	slt.u32 s26, $0x24;
	v8 =	vld [tilespmem:s24+$0xFFFFFFE0]  }
.Ltmp3:
0x76: {  	v0 =	vld [tilespmem:s28+$0xFFFFFFF0];
	[tilespmem:s25+$0xFFFFFFF0] =	vst v4;
	v3 =	vsub.f32 v1, v3;
	(pc) =	sbr.rel @p0 .LBB2_8-.Ltmp3, $4  }
0x77: {  	v4 =	vld [tilespmem:s24+$0xFFFFFFF0];
	v9 =	vsub.f32 v5, v2  }
0x78: {  	v1 =	vld [tilespmem:s28+$0x0];
	[tilespmem:s25+$0x0] =	vst v3  }
0x79: {  	v3 =	vld [tilespmem:s24+$0x0];
	v6 =	vsub.f32 v7, v6;
	[tilespmem:s25+$0xFFFFFFE0] =	vst v9  }
0x7a: {  	s25 =	sadd.s32 $0x40, s25;
	v5 =	vld [tilespmem:s28+$0xFFFFFFE0];
	s28 =	sadd.s32 $0x40, s28;
	v2 =	vmov v8  }
0x7b: {  	_ =	sdelay $0x1  }
0x7c: {  	v0 =	vsub.f32 v0, v4  }
0x7d: {  	[tilespmem:s25+$0x10] =	vst v6;
	v1 =	vsub.f32 v1, v3  }
0x7e: {  	[tilespmem:s25+$0xFFFFFFF0] =	vst v0;
	v63 =	vsub.f32 v5, v2  }
0x7f: {  	[tilespmem:s25+$0x0] =	vst v1  }
0x80: {  	s23 =	sadd.s32 $0x1, s23;
	[tilespmem:s25+$0xFFFFFFE0] =	vst v63  }
0x81: {  	[hbm4b:s8+s4] =	stream.linear.scatter [tilespmem:s18], [sflag:$0x3], $0x280, $0x38;
	[tilespmem:$0x3610] =	vst v63  }
0x82: {  	p0 =	sne.s32 s23, s9;
	_ =	swait.ge [sflag:s22], $0x280  }
.Ltmp4:
0x83: {  	[sflag:s22] =	ssyncset.done $0x0;
	(pc) =	sbr.rel @p0 .LBB2_1-.Ltmp4, $4  }
0x84: {  	[sflag:s22] =	ssyncadd.s32 $0xFFFFFD80  }
0x85: {  	_ =	swait.ge [sflag:s21], $0x280  }
0x86: {  	[sflag:s21] =	ssyncset.done $0x0  }
0x87: {  	[sflag:s21] =	ssyncadd.s32 $0xFFFFFD80  }
0x88: {  	_ =	sfence.sel $0x180000  }
0x89: {  	[bflag:$0x0] =	sbarrier.arrive $0xFFFF  }
0x8a: {  	p0 =	sne.s32 s0, $0x0;
	_ =	strace $0x90000047  }
0x8b: {  	s0 =	sadd.s32 @!p0 $0x100000, s2;
	[bflag:$0x2] =	sbarrier.arrive $0xFFFF  }
0x8c: {  	[sflag:s0] =	ssyncadd.tile.s32 @!p0 $0x1;
	_ =	shalt  }
.Lfunc_end2:
_tile_overlayer_lowered:
.L_overlay_start_2:
0x8d: {  	(tag) =	ssettag $0x2  }
0x8e: {  	s0 =	rddreg [dreg:$0x0];
	s2 =	stileid.u32  }
0x8f: {  	s1 =	rddreg [dreg:$0x1];
	p0 =	sne.s32 s2, $0x0  }
0x90: {  	s3 =	rddreg [dreg:$0x2];
	[bflag:$0x3] =	sbarrier.arrive $0xFFFF;
	s2 =	simm.s32 @!p0 $0x1C05  }
0x91: {  	[timem:s3], [sflag:s2] =	dma.local @!p0 [hbm:s0], s1  }
0x92: {  	s0 =	simm.s32 @!p0 $0x5  }
0x93: {  	_ =	swait.ge @!p0 [sflag:s0], s1  }
0x94: {  	s1 =	ssub.s32 @!p0 $0x0, s1;
	[sflag:s0] =	ssyncset.done @!p0 $0x0  }
0x95: {  	[sflag:s0] =	ssyncadd.s32 @!p0 s1  }
0x96: {  	[bflag:$0x3] =	sbarrier.arrive $0xFFFF  }
0x97: {  	_ =	shalt  }

// kernel: sparse-core-data-format-call.cloned.1.call-start
scs
called_computation_lowered:
.L_overlay_start_0:
0x0: {  	s1 =	sld [smem:$0x3FD9]  }
0x1: {  	s2 =	sld [smem:$0x3FFE];
	_ =	sdelay $0x1  }
0x2: {  	s3 =	srdreg.scid  }
0x3: {  	s0 =	sand.u32 $0x1, s3  }
0x4: {  	s17 =	sshll.u32 s0, $0xA;
	s1 =	sadd.s32 s2, s1  }
0x5: {  	s1 =	sadd.s32 s1, s17  }
0x6: {  	[smem:$0x3FC2] =	sst s1  }
0x7: {  	_ = 	snop  }
0x8: {  	(tm) =	ssettm $0x1  }
0x9: {  	s18 =	sld [smem:$0x3FFB];
	_ =	sdelay $0x3  }
0xa: {  	_ =	strace s18  }
0xb: {  	s1 =	sld [smem:$0x3FFC];
	_ =	sdelay $0x3  }
0xc: {  	_ =	strace s1  }
0xd: {  	s1 =	sld [smem:$0x3FFD];
	_ =	sdelay $0x3  }
0xe: {  	_ =	strace s1  }
0xf: {  	_ =	strace $0x8FFFFFFF  }
0x10: {  	s19 =	sld [smem:$0x3FDB];
	_ =	sdelay $0x1  }
0x11: {  	s20 =	simm.s32 $_scs_section_size  }
0x12: {  	s4 =	simm.s32 $_size__tile_overlayer_lowered;
	s5 =	simm.s32 $_tile_overlayer_lowered  }
0x13: {  	s23 =	simm.s32 $0x1BFF;
	s22 =	sshll.u32 s5, $0x1;
	s1 =	sadd.s32 s20, s19  }
0x14: {  	s6 =	simm.s32 $0x0;
	s21 =	sshll.u32 s4, $0x1;
	s4 =	sadd.s32 s22, s1  }
0x15: {  	[timem:s6], [sflag:s23] =	dma.local [hbm:s4], s21  }
0x16: {  	_ =	swait.ge [sflag:s23], s21  }
0x17: {  	s2 =	ssub.s32 $0x0, s21;
	[sflag:s23] =	ssyncset.done $0x0  }
0x18: {  	[sflag:s23] =	ssyncadd.s32 s2;
	_ =	sdelay $0x1  }
0x19: {  	s24 =	simm.s32 $0x1B8B  }
0x1a: {  	_ =	swait.ge [sflag:s24], $0x1  }
0x1b: {  	[sflag:s24] =	ssyncset.done $0x0  }
0x1c: {  	s26 =	simm.s32 $0x1B8E;
	s25 =	sld [smem:$0x3FFE];
	[sflag:s24] =	ssyncadd.s32 $0xFFFFFFFF  }
0x1d: {  	s27 =	simm.s32 $execute0_lowered;
	[smem:$0x3FD2] =	sst s26  }
0x1e: {  	s4 =	sshll.u32 s27, $0x1;
	_ =	strace $0x80000049;
	[dreg:$0x1] =	wrdreg $0xFFFFFFFF  }
0x1f: {  	s28 =	simm.s32 $_size_execute0_lowered;
	s1 =	sadd.s32 s1, s4;
	[dreg:$0x0] =	wrdreg $0x0  }
0x20: {  	s4 =	sshll.u32 s28, $0x1;
	[dreg:$0x2] =	wrdreg s1  }
0x21: {  	[dreg:$0x3] =	wrdreg s4  }
0x22: {  	[dreg:$0x4] =	wrdreg $0xC0  }
0x23: {  	_ =	task [dreg:s6], $0x5FFFF  }
0x24: {  	[dreg:$0x1] =	wrdreg $0xFFFFFFFF  }
0x25: {  	[dreg:$0x0] =	wrdreg $0x60  }
0x26: {  	[dreg:$0x2] =	wrdreg s25  }
0x27: {  	[dreg:$0x3] =	wrdreg $0x9  }
0x28: {  	_ =	task.clear_ibuf [dreg:s6], $0x4FFFF;
	_ =	strace $0x90000049  }
0x29: {  	s29 =	simm.s32 $0x9;
	_ =	strace $0x8000004B  }
0x2a: {  	_ =	swait.ge [sflag:s29], $0x1  }
0x2b: {  	[sflag:s29] =	ssyncadd.s32 $0xFFFFFFFF  }
0x2c: {  	_ =	strace $0x9000004B  }
0x2d: {  	_ =	sfence  }
0x2e: {  	s30 =	sld [smem:$0x0];
	_ =	sdelay $0x2  }
0x2f: {  	s31 =	sshll.u32 s3, $0xD;
	s3 =	sshrl.u32 s3, $0x2  }
0x30: {  	s2 =	sand.u32 $0x4000, s31;
	s1 =	sadd.s32 s3, s30  }
0x31: {  	s0 =	sor.u32 s2, s0;
	s1 =	sshll.u32 s1, $0x11  }
0x32: {  	s0 =	sor.u32 s1, s0  }
0x33: {  	s0 =	sadd.s32 $0x8F2B, s0  }
0x34: {  	[sflag:s0] =	ssyncadd.remote.s32 $0x1  }
0x35: {  	_ =	sfence.sel $0xFFFF  }
0x36: {  	[dreg:$0x0] =	wrdreg $0xFFFFFFFF;
	(pc) =	sbr.abs _section_cstart, $3  }
0x37: {  	[dreg:$0x1] =	wrdreg $0xFFFFFFFF  }
0x38: {  	_ =	task.clear_ibuf [dreg:s6], $0x2FFFF;
	_ =	strace $0x9FFFFFFF  }
0x39: {  	(tm) =	ssettm $0x7FFFFFFF  }
tec
execute0_lowered:
.L_overlay_start_1:
0x0: {  	(tag) =	ssettag $0x1  }
0x1: {  	s0 =	srdreg.scid  }
0x2: {  	s1 =	sshll.u32 s0, $0x4  }
0x3: {  	s4 =	rddreg [dreg:$0x0];
	s0 =	stileid.u32;
	s1 =	sand.u32 $0x10, s1  }
0x4: {  	s7 =	simm.s32 $0x1;
	s8 =	simm.s32 $0x2;
	s2 =	sor.u32 s0, s1  }
0x5: {  	s9 =	simm.s32 $0x0;
	s12 =	simm.s32 $0x0;
	s2 =	sshll.u32 s2, $0x3  }
0x6: {  	s11 =	simm.s32 $0x0;
	s3 =	sadd.s32 $0x4ED400, s4;
	s6 =	ssub.s32 $0x4E20, s2  }
.Ltmp0:
0x7: {  	s4 =	sadd.s32 $0x9CF400, s4;
	s5 =	sand.u32 $0xF8, s6;
	(pc) =	sbr.rel .LBB1_1-.Ltmp0, $4  }
0x8: {  	s1 =	rddreg [dreg:$0x1];
	_ =	strace $0x8000004A;
	p0 =	sne.s32 s5, $0x0  }
0x9: {  	s6 =	sshrl.u32 s6, $0x8;
	s5 =	simm.s32 $0x1;
	s7 =	simm.s32 @!p0 $0x0  }
0xa: {  	s10 =	smov.u32 s2;
	[sflag:s5] =	ssyncpa.u1 $0x0;
	s6 =	sadd.s32 s7, s6  }
0xb: {  	[sflag:s8] =	ssyncpa.u1 $0x0;
	s8 =	simm.s32 $0x0;
	s7 =	sadd.s32 $0x1, s6  }
.LBB1_9:
0xc: {  	s14 =	sadd.s32 $0x100, s10  }
0xd: {  	p1 =	sgt.s32 s14, $0x4E1F  }
0xe: {  	s14 =	smov.u32 @p1 s2;
	p1 =	sne.s32 s11, s7  }
.Ltmp1:
0xf: {  	p0 =	slt.u32 s11, $0x2;
	(pc) =	sbr.rel @!p1 .LBB1_10-.Ltmp1, $4  }
0x10: {  	s13 =	simm.s32 @!p0 $0x2  }
0x11: {  	s15 =	sadd.s32 $0x1, s11;
	_ =	swait.ge @!p0 [sflag:s13], $0x4000  }
0x12: {  	s12 =	smov.u32 s10;
	s9 =	sadd.s32 $0x4000, s9;
	[sflag:s13] =	ssyncset.done @!p0 $0x0  }
0x13: {  	s11 =	smov.u32 s15;
	s10 =	smov.u32 s14;
	[sflag:s13] =	ssyncadd.s32 @!p0 $0xFFFFC000  }
.LBB1_1:
0x14: {  	p0 =	sge.u32 s11, s6  }
0x15: {  	s13 =	sxor.u32 @!p0 $0xFFFFFFFF, s11  }
0x16: {  	s31 =	sadd.s32 $0xFFFFFFFF, s11;
	s14 =	sshll.u32 @!p0 s10, $0x8;
	s13 =	sshll.u32 @!p0 s13, $0xE  }
0x17: {  	s15 =	simm.s32 @!p0 $0x0;
	s14 =	sadd.s32 @!p0 s3, s14;
	s13 =	sand.u32 @!p0 $0x4000, s13  }
0x18: {  	[tilespmem:s13], [sflag:$0x1] =	stream.linear.gather @!p0 [hbm4b:s14+s15], $0x4000, $0x38;
	[tilespmem:$0x10000] =	vst v63  }
0x19: {  	p0 =	sge.u32 s31, s6  }
.Ltmp2:
0x1a: {  	_ = 	snop;
	(pc) =	sbr.rel @p0 .LBB1_9-.Ltmp2, $1  }
0x1b: {  	_ =	sdelay $0x3  }
0x1c: {  	s13 =	sshll.u32 s9, $0x2;
	_ =	swait.ge [sflag:s5], $0x4000;
	s14 =	sshll.u32 s11, $0xE  }
0x1d: {  	s16 =	simm.s32 $0x0;
	s17 =	simm.s32 $0x0;
	s15 =	sand.u32 $0x10000, s13  }
0x1e: {  	[sflag:s5] =	ssyncset.done $0x0;
	s31 =	sand.u32 $0x4000, s14;
	s14 =	sshrl.u32 s15, $0x2  }
0x1f: {  	[sflag:s5] =	ssyncadd.s32 $0xFFFFC000;
	s13 =	sor.u32 $0x8000, s31;
	s15 =	sor.u32 $0x8000, s14  }
.LBB1_3:
0x20: {  	s18 =	sshra.s32 s16, $0x2  }
0x21: {  	v0 =	vmov s18;
	_ =	sdelay $0x3  }
0x22: {  	p1 =	por $0x1, $0x1;
	s18 =	simm.s32 $0x0  }
.LBB1_4:
0x23: {  	_ = 	snop  }
0x24: {  	s19 =	sshll.u32 s18, $0xA  }
0x25: {  	s19 =	sand.u32 $0x3FFFFC00, s19  }
0x26: {  	s19 =	sadd.s32 s19, s14  }
0x27: {  	v5 =	vld.idx.msk [tilespmem:v0+s19+$0x70 ss:$0x1], $0xffff  }
0x28: {  	v6 =	vld.idx.msk [tilespmem:v0+s19+$0x10 ss:$0x1], $0xffff  }
0x29: {  	v7 =	vld.idx.msk [tilespmem:v0+s19+$0x20 ss:$0x1], $0xffff  }
0x2a: {  	s31 =	sshll.u32 s18, $0x7;
	v1 =	vld.idx.msk [tilespmem:v0+s19+$0x30 ss:$0x1], $0xffff  }
0x2b: {  	s18 =	sand.u32 $0x3FFFFF80, s31;
	v2 =	vld.idx.msk [tilespmem:v0+s19+$0x40 ss:$0x1], $0xffff  }
0x2c: {  	s18 =	sadd.s32 s18, s15;
	v3 =	vld.idx.msk [tilespmem:v0+s19+$0x50 ss:$0x1], $0xffff  }
0x2d: {  	v4 =	vld.idx.msk [tilespmem:v0+s19+$0x60 ss:$0x1], $0xffff;
	[tilespmem:v0+s18+$0x70 ss:$0x1] =	vst.idx.msk $0xffff, v5  }
0x2e: {  	v5 =	vld.idx.msk [tilespmem:v0+s19+$0x0 ss:$0x1], $0xffff;
	[tilespmem:v0+s18+$0x10 ss:$0x1] =	vst.idx.msk $0xffff, v6;
	s19 =	sadd.s32 $0x80, s19  }
0x2f: {  	p0 =	por p1, p1;
	s20 =	simm.s32 $0x6;
	[tilespmem:v0+s18+$0x20 ss:$0x1] =	vst.idx.msk $0xffff, v7;
	v6 =	vld.idx.msk [tilespmem:v0+s19+$0x70 ss:$0x1], $0xffff  }
.LBB1_5:
0x30: {  	p1 =	sne.s32 s20, $0x1;
	v7 =	vld.idx.msk [tilespmem:v0+s19+$0x10 ss:$0x1], $0xffff;
	[tilespmem:v0+s18+$0x30 ss:$0x1] =	vst.idx.msk $0xffff, v1  }
0x31: {  	v8 =	vld.idx.msk [tilespmem:v0+s19+$0x20 ss:$0x1], $0xffff;
	[tilespmem:v0+s18+$0x40 ss:$0x1] =	vst.idx.msk $0xffff, v2  }
0x32: {  	v1 =	vld.idx.msk [tilespmem:v0+s19+$0x30 ss:$0x1], $0xffff;
	[tilespmem:v0+s18+$0x50 ss:$0x1] =	vst.idx.msk $0xffff, v3  }
.Ltmp3:
0x33: {  	v2 =	vld.idx.msk [tilespmem:v0+s19+$0x40 ss:$0x1], $0xffff;
	[tilespmem:v0+s18+$0x60 ss:$0x1] =	vst.idx.msk $0xffff, v4;
	(pc) =	sbr.rel @p1 .LBB1_5-.Ltmp3, $4  }
0x34: {  	v3 =	vld.idx.msk [tilespmem:v0+s19+$0x50 ss:$0x1], $0xffff;
	[tilespmem:v0+s18+$0x0 ss:$0x1] =	vst.idx.msk $0xffff, v5;
	s18 =	sadd.s32 $0x100, s18  }
0x35: {  	v4 =	vld.idx.msk [tilespmem:v0+s19+$0x60 ss:$0x1], $0xffff;
	[tilespmem:v0+s18+$0x70 ss:$0x1] =	vst.idx.msk $0xffff, v6  }
0x36: {  	v5 =	vld.idx.msk [tilespmem:v0+s19+$0x0 ss:$0x1], $0xffff;
	[tilespmem:v0+s18+$0x10 ss:$0x1] =	vst.idx.msk $0xffff, v7;
	s19 =	sadd.s32 $0x80, s19  }
0x37: {  	s20 =	sadd.s32 $0xFFFFFFFF, s20;
	v6 =	vld.idx.msk [tilespmem:v0+s19+$0x70 ss:$0x1], $0xffff;
	[tilespmem:v0+s18+$0x20 ss:$0x1] =	vst.idx.msk $0xffff, v8  }
0x38: {  	_ =	sdelay $0x3  }
0x39: {  	[tilespmem:v0+s18+$0x30 ss:$0x1] =	vst.idx.msk $0xffff, v1  }
0x3a: {  	v1 =	vld.idx.msk [tilespmem:v0+s19+$0x10 ss:$0x1], $0xffff;
	[tilespmem:v0+s18+$0x40 ss:$0x1] =	vst.idx.msk $0xffff, v2  }
0x3b: {  	v2 =	vld.idx.msk [tilespmem:v0+s19+$0x20 ss:$0x1], $0xffff;
	[tilespmem:v0+s18+$0x50 ss:$0x1] =	vst.idx.msk $0xffff, v3  }
0x3c: {  	v61 =	vld.idx.msk [tilespmem:v0+s19+$0x40 ss:$0x1], $0xffff;
	[tilespmem:v0+s18+$0x60 ss:$0x1] =	vst.idx.msk $0xffff, v4  }
0x3d: {  	s31 =	sadd.s32 $0x100, s18;
	v62 =	vld.idx.msk [tilespmem:v0+s19+$0x50 ss:$0x1], $0xffff;
	[tilespmem:v0+s18+$0x0 ss:$0x1] =	vst.idx.msk $0xffff, v5  }
0x3e: {  	v63 =	vld.idx.msk [tilespmem:v0+s19+$0x60 ss:$0x1], $0xffff;
	[tilespmem:v0+s31+$0x70 ss:$0x1] =	vst.idx.msk $0xffff, v6  }
0x3f: {  	v3 =	vld.idx.msk [tilespmem:v0+s19+$0x30 ss:$0x1], $0xffff;
	[tilespmem:v0+s31+$0x10 ss:$0x1] =	vst.idx.msk $0xffff, v1  }
0x40: {  	v1 =	vld.idx.msk [tilespmem:v0+s19+$0x0 ss:$0x1], $0xffff;
	[tilespmem:v0+s31+$0x20 ss:$0x1] =	vst.idx.msk $0xffff, v2  }
.Ltmp4:
0x41: {  	[tilespmem:v0+s31+$0x40 ss:$0x1] =	vst.idx.msk $0xffff, v61;
	(pc) =	sbr.rel @p0 .LBB1_4-.Ltmp4, $4  }
0x42: {  	[tilespmem:v0+s31+$0x50 ss:$0x1] =	vst.idx.msk $0xffff, v62  }
0x43: {  	[tilespmem:v0+s31+$0x60 ss:$0x1] =	vst.idx.msk $0xffff, v63  }
0x44: {  	[tilespmem:v0+s31+$0x30 ss:$0x1] =	vst.idx.msk $0xffff, v3  }
0x45: {  	p1 =	por $0x0, $0x0;
	s18 =	simm.s32 $0x1;
	[tilespmem:v0+s31+$0x0 ss:$0x1] =	vst.idx.msk $0xffff, v1  }
0x46: {  	s17 =	sadd.s32 $0x1, s17  }
0x47: {  	p0 =	sne.s32 s17, $0x8  }
.Ltmp5:
0x48: {  	_ = 	snop;
	(pc) =	sbr.rel @p0 .LBB1_3-.Ltmp5, $2  }
0x49: {  	_ =	sdelay $0x2  }
0x4a: {  	s16 =	sadd.s32 $0x2000, s16  }
.Ltmp6:
0x4b: {  	(pc) =	sbr.rel .LBB1_9-.Ltmp6, $4  }
0x4c: {  	_ = 	snop  }
0x4d: {  	s12 =	sshll.u32 s12, $0x8  }
0x4e: {  	s12 =	sadd.s32 s4, s12  }
0x4f: {  	[hbm4b:s12+s8] =	stream.linear.scatter [tilespmem:s13], [sflag:$0x2], $0x4000, $0x38;
	[tilespmem:$0x10000] =	vst v63  }
.LBB1_10:
0x50: {  	_ =	sfence.sel $0x180000  }
0x51: {  	s2 =	simm.s32 $0x1;
	[bflag:$0x0] =	sbarrier.arrive $0xFFFF  }
0x52: {  	s31 =	simm.s32 $0x2;
	[sflag:s2] =	ssyncpa.u1 $0x1  }
0x53: {  	[sflag:s31] =	ssyncpa.u1 $0x1  }
0x54: {  	p0 =	sne.s32 s0, $0x0;
	_ =	strace $0x9000004A  }
0x55: {  	s0 =	sadd.s32 @!p0 $0x100000, s1;
	[bflag:$0x2] =	sbarrier.arrive $0xFFFF  }
0x56: {  	[sflag:s0] =	ssyncadd.tile.s32 @!p0 $0x1;
	_ =	shalt  }
.Lfunc_end1:
_tile_overlayer_lowered:
.L_overlay_start_2:
0x57: {  	(tag) =	ssettag $0x2  }
0x58: {  	s0 =	rddreg [dreg:$0x0];
	s2 =	stileid.u32  }
0x59: {  	s1 =	rddreg [dreg:$0x1];
	p0 =	sne.s32 s2, $0x0  }
0x5a: {  	s3 =	rddreg [dreg:$0x2];
	[bflag:$0x3] =	sbarrier.arrive $0xFFFF;
	s2 =	simm.s32 @!p0 $0x1C01  }
0x5b: {  	[timem:s3], [sflag:s2] =	dma.local @!p0 [hbm:s0], s1  }
0x5c: {  	s0 =	simm.s32 @!p0 $0x1  }
0x5d: {  	_ =	swait.ge @!p0 [sflag:s0], s1  }
0x5e: {  	s1 =	ssub.s32 @!p0 $0x0, s1;
	[sflag:s0] =	ssyncset.done @!p0 $0x0  }
0x5f: {  	[sflag:s0] =	ssyncadd.s32 @!p0 s1  }
0x60: {  	[bflag:$0x3] =	sbarrier.arrive $0xFFFF  }
0x61: {  	_ =	shalt  }

</sc_bundles>
